<compile_context>
chip_gen: v7x
topology: tpu7x:2x2x1
jax: 0.10.2.dev20260603
libtpu: 0.0.44.dev20260713+nightly
codegen_flags: <defaults>
</compile_context>

<pallas_src>
import functools

import jax
import jax.numpy as jnp
from jax import lax
from jax.experimental import pallas as pl
from jax.experimental.pallas import tpu as pltpu
from jax.experimental.pallas import tpu_sc as plsc

N = 10000
E = 320000
D = 128

NC = 2
NS = 16
CHUNK = 128
CPT0 = 97
CPT1 = 61
EPAD = NS * (CPT0 + CPT1) * CHUNK
NRCHUNK = N // CHUNK
TAILR = N - NRCHUNK * CHUNK



def _mm_body(x_ref, wt_ref, b_ref, o_ref):
    o_ref[...] = (
        jnp.dot(x_ref[...], wt_ref[...], preferred_element_type=jnp.float32)
        + b_ref[...]
    )


def _support(x, wt, b2):
    return pl.pallas_call(
        _mm_body,
        grid=(10,),
        in_specs=[
            pl.BlockSpec((N // 10, D), lambda i: (i, 0)),
            pl.BlockSpec((D, D), lambda i: (0, 0)),
            pl.BlockSpec((1, D), lambda i: (0, 0)),
        ],
        out_specs=pl.BlockSpec((N // 10, D), lambda i: (i, 0)),
        out_shape=jax.ShapeDtypeStruct((N, D), jnp.float32),
    )(x, wt, b2)



def _add_body(p_ref, o_ref):
    o_ref[...] = p_ref[0] + p_ref[1]


def _reduce(p):
    return pl.pallas_call(
        _add_body,
        grid=(10,),
        in_specs=[pl.BlockSpec((2, N // 10, D), lambda i: (0, i, 0))],
        out_specs=pl.BlockSpec((N // 10, D), lambda i: (i, 0)),
        out_shape=jax.ShapeDtypeStruct((N, D), jnp.float32),
    )(p)



def _bcast_lane(v, i):
    idx = jnp.full((16, 1), i, jnp.int32)
    dn = lax.GatherDimensionNumbers(
        offset_dims=(), collapsed_slice_dims=(0,), start_index_map=(0,)
    )
    return lax.gather(v, idx, dn, (1,),
                      mode=lax.GatherScatterMode.PROMISE_IN_BOUNDS)


_mesh = plsc.VectorSubcoreMesh(core_axis_name="c", subcore_axis_name="s")


@functools.partial(
    pl.kernel,
    out_type=jax.ShapeDtypeStruct((2, N, D), jnp.float32),
    mesh=_mesh,
    compiler_params=pltpu.CompilerParams(use_tc_tiling_on_sc=False),
    scratch_types=[
        pltpu.VMEM((3, CHUNK), jnp.int32),
        pltpu.VMEM((CHUNK, D), jnp.float32),
        pltpu.VMEM_SHARED((N, D), jnp.float32),
        pltpu.SemaphoreType.DMA,
    ],
)
def _spmm(sup_hbm, meta_hbm, out_hbm, meta_v, buf, acc_sh, sem):
    c = lax.axis_index("c")
    s = lax.axis_index("s")
    tbase = jnp.where(c == 0, s * CPT0, NS * CPT0 + s * CPT1)
    ncht = jnp.where(c == 0, CPT0, CPT1)

    zero16 = jnp.zeros((16,), jnp.float32)

    def _zrow(r, carry):
        for f in range(D // 16):
            buf[r, pl.ds(f * 16, 16)] = zero16
        return carry

    lax.fori_loop(0, CHUNK, _zrow, 0)

    nblk_mine = NRCHUNK // NS + jnp.where(s < NRCHUNK - (NRCHUNK // NS) * NS,
                                          1, 0)

    def _zchunk(k, carry):
        off = (s + k * NS) * CHUNK
        pltpu.sync_copy(buf, acc_sh.at[pl.ds(off, CHUNK)])
        return carry

    lax.fori_loop(0, nblk_mine, _zchunk, 0)

    @pl.when(s == 0)
    def _():
        pltpu.sync_copy(buf.at[pl.ds(0, TAILR)],
                        acc_sh.at[pl.ds(NRCHUNK * CHUNK, TAILR)])

    plsc.subcore_barrier()

    def _chunk(k, carry):
        pltpu.sync_copy(meta_hbm.at[tbase + k], meta_v)
        pltpu.sync_copy(sup_hbm.at[meta_v.at[0]], buf)

        def _scale(g, inner):
            iv = meta_v[2, pl.ds(g * 16, 16)]
            vv = lax.bitcast_convert_type(iv, jnp.float32)
            for i in range(16):
                bc = _bcast_lane(vv, i)
                r = g * 16 + i
                for f in range(D // 16):
                    buf[r, pl.ds(f * 16, 16)] = (
                        buf[r, pl.ds(f * 16, 16)] * bc
                    )
            return inner

        lax.fori_loop(0, CHUNK // 16, _scale, 0)

        pltpu.async_copy(buf, acc_sh.at[meta_v.at[1]], sem, add=True)
        pltpu.make_async_copy(buf, acc_sh.at[meta_v.at[1]], sem).wait()
        return carry

    lax.fori_loop(0, ncht, _chunk, 0)

    plsc.subcore_barrier()

    def _fchunk(k, carry):
        off = (s + k * NS) * CHUNK
        pltpu.sync_copy(acc_sh.at[pl.ds(off, CHUNK)], buf)
        pltpu.sync_copy(buf, out_hbm.at[c, pl.ds(off, CHUNK)])
        return carry

    lax.fori_loop(0, nblk_mine, _fchunk, 0)

    @pl.when(s == 0)
    def _():
        pltpu.sync_copy(acc_sh.at[pl.ds(NRCHUNK * CHUNK, TAILR)],
                        buf.at[pl.ds(0, TAILR)])
        pltpu.sync_copy(buf.at[pl.ds(0, TAILR)],
                        out_hbm.at[c, pl.ds(NRCHUNK * CHUNK, TAILR)])



def kernel(input, edge_index, edge_values, W, b):
    ei = edge_index.astype(jnp.int32)
    pad = EPAD - E
    col = jnp.concatenate([ei[1], jnp.zeros((pad,), jnp.int32)])
    row = jnp.concatenate([ei[0], jnp.zeros((pad,), jnp.int32)])
    vals = jnp.concatenate([edge_values, jnp.zeros((pad,), jnp.float32)])
    vbits = lax.bitcast_convert_type(vals, jnp.int32)
    nch = NS * (CPT0 + CPT1)
    meta = jnp.stack(
        [col.reshape(nch, CHUNK),
         row.reshape(nch, CHUNK),
         vbits.reshape(nch, CHUNK)],
        axis=1,
    )

    sup = _support(input, W.T, b.reshape(1, D))

    p = _spmm(sup, meta)
    return _reduce(p)

# --- scband reference (transcript-rebuilt; emitter-appended) ---
"""Pipeline reference for scband-graph-convolution-4243427689158 (READ-ONLY COPY).

The authoritative reference and input builder live on the scoring server;
editing this copy changes nothing except your own understanding.
"""

import jax, jax.numpy as jnp
import numpy as np
import math

N_NODES = 10000
N_EDGES = 320000
D_IN = 128
D_OUT = 128


def setup_inputs(seed: int = 0) -> dict:
    key = jax.random.key(seed)
    k1, k2, k3, k4, k5 = jax.random.split(key, 5)
    x = jax.random.normal(k1, (N_NODES, D_IN), dtype=jnp.float32)
    # COO representation of the sparse adjacency matrix `adj` ([N, N] sparse):
    # row (dst) = edge_index[0], col (src) = edge_index[1]
    edge_index = jax.random.randint(k2, (2, N_EDGES), 0, N_NODES).astype(jnp.int64)
    edge_values = jax.random.uniform(k3, (N_EDGES,), dtype=jnp.float32)
    # nn.Linear params with the module's custom uniform init (stdv = 1/sqrt(in_features))
    stdv = 1.0 / math.sqrt(D_IN)
    W = jax.random.uniform(k4, (D_OUT, D_IN), minval=-stdv, maxval=stdv, dtype=jnp.float32)
    b = jax.random.uniform(k5, (D_OUT,), minval=-stdv, maxval=stdv, dtype=jnp.float32)
    return {"input": x, "edge_index": edge_index, "edge_values": edge_values, "W": W, "b": b}


def reference(input, edge_index, edge_values, W, b):
    # support = self.W(input)  (nn.Linear: x @ W.T + b)
    support = input @ W.T + b
    # output = torch.spmm(adj, support): out[i] = sum_e adj_val[e] * support[col[e]] for row[e] == i
    row = edge_index[0]
    col = edge_index[1]
    msgs = edge_values[:, None] * jnp.take(support, col, axis=0)
    output = jax.ops.segment_sum(msgs, row, num_segments=N_NODES)
    return output

if __name__ == "__main__":
    import jax
    _d = setup_inputs()
    print(jax.jit(kernel)(*tuple(_d.values())))

</pallas_src>

<mosaic_0001>
#map = affine_map<(d0, d1) -> (0, 0)>
#map1 = affine_map<(d0, d1) -> (0, 0, 0)>
module attributes {stable_mosaic.version = 14 : i64} {
  func.func @_spmm(%arg0: i32, %arg1: i32, %arg2: memref<10000x128xf32, #tpu.memory_space<hbm>>, %arg3: memref<2528x3x128xi32, #tpu.memory_space<hbm>>, %arg4: memref<2x10000x128xf32, #tpu.memory_space<hbm>>, %arg5: memref<3x128xi32, #tpu.memory_space<vmem>>, %arg6: memref<128x128xf32, #tpu.memory_space<vmem>>, %arg7: memref<10000x128xf32, #tpu.memory_space<vmem_shared>>, %arg8: memref<!tpu.dma_semaphore, #tpu.memory_space<semaphore_mem>>) attributes {dimension_semantics = [#tpu.dimension_semantics<core_parallel>, #tpu.dimension_semantics<subcore_parallel>], iteration_bounds = array<i64: 2, 16>, scalar_prefetch = 0 : i64, scratch_operands = 4 : i64, tpu.core_type = #tpu.core_type<sc_vector_subcore>, window_params = [{transform_indices = #map}, {transform_indices = #map1}, {transform_indices = #map1}]} {
    %eq3A = arith.constant 0 : i32
    %eq3A_0 = arith.cmpi eq, %arg0, %eq3A : i32
    %mul3A = arith.constant 97 : i32
    %mul3A_1 = arith.muli %arg1, %mul3A : i32
    %mul3A_2 = arith.constant 61 : i32
    %mul3A_3 = arith.muli %arg1, %mul3A_2 : i32
    %add3A = arith.constant 1552 : i32
    %add3A_4 = arith.addi %add3A, %mul3A_3 : i32
    %select_n3A = arith.select %eq3A_0, %mul3A_1, %add3A_4 : i32
    %eq3A_5 = arith.constant 0 : i32
    %eq3A_6 = arith.cmpi eq, %arg0, %eq3A_5 : i32
    %jit3A = arith.constant 97 : i32
    %jit3A_7 = arith.constant 61 : i32
    %select_n3A_8 = arith.select %eq3A_6, %jit3A, %jit3A_7 : i32
    %broadcast_in_dim3A = arith.constant 0.000000e+00 : f32
    %broadcast_in_dim3A_9 = vector.broadcast %broadcast_in_dim3A : f32 to vector<16xf32>
    %scan3A = arith.constant 0 : i32
    %scan3A_10 = arith.constant 0 : i32
    %scan3A_11 = arith.constant 128 : i32
    %scan3A_12 = arith.addi %scan3A_10, %scan3A_11 : i32
    %scan3A_13 = arith.constant 1 : i32
    scf.for %scan3A_59 = %scan3A_10 to %scan3A_12 step %scan3A_13  : i32 {
      %swap3A = arith.index_cast %scan3A_59 : i32 to index
      %swap3A_60 = arith.constant 0 : index
      %swap3A_61 = tpu.vector_load %arg6[%swap3A, %swap3A_60] {strides = array<i32>} : memref<128x128xf32, #tpu.memory_space<vmem>>, vector<1x16xf32>,
      %swap3A_62 = vector.shape_cast %swap3A_61 : vector<1x16xf32> to vector<16xf32>
      %swap3A_63 = vector.shape_cast %broadcast_in_dim3A_9 : vector<16xf32> to vector<1x16xf32>
      tpu.vector_store %arg6[%swap3A, %swap3A_60], %swap3A_63 {strides = array<i32>} : memref<128x128xf32, #tpu.memory_space<vmem>>, vector<1x16xf32>,
      %swap3A_64 = arith.index_cast %scan3A_59 : i32 to index
      %swap3A_65 = arith.constant 16 : index
      %swap3A_66 = tpu.vector_load %arg6[%swap3A_64, %swap3A_65] {strides = array<i32>} : memref<128x128xf32, #tpu.memory_space<vmem>>, vector<1x16xf32>,
      %swap3A_67 = vector.shape_cast %swap3A_66 : vector<1x16xf32> to vector<16xf32>
      %swap3A_68 = vector.shape_cast %broadcast_in_dim3A_9 : vector<16xf32> to vector<1x16xf32>
      tpu.vector_store %arg6[%swap3A_64, %swap3A_65], %swap3A_68 {strides = array<i32>} : memref<128x128xf32, #tpu.memory_space<vmem>>, vector<1x16xf32>,
      %swap3A_69 = arith.index_cast %scan3A_59 : i32 to index
      %swap3A_70 = arith.constant 32 : index
      %swap3A_71 = tpu.vector_load %arg6[%swap3A_69, %swap3A_70] {strides = array<i32>} : memref<128x128xf32, #tpu.memory_space<vmem>>, vector<1x16xf32>,
      %swap3A_72 = vector.shape_cast %swap3A_71 : vector<1x16xf32> to vector<16xf32>
      %swap3A_73 = vector.shape_cast %broadcast_in_dim3A_9 : vector<16xf32> to vector<1x16xf32>
      tpu.vector_store %arg6[%swap3A_69, %swap3A_70], %swap3A_73 {strides = array<i32>} : memref<128x128xf32, #tpu.memory_space<vmem>>, vector<1x16xf32>,
      %swap3A_74 = arith.index_cast %scan3A_59 : i32 to index
      %swap3A_75 = arith.constant 48 : index
      %swap3A_76 = tpu.vector_load %arg6[%swap3A_74, %swap3A_75] {strides = array<i32>} : memref<128x128xf32, #tpu.memory_space<vmem>>, vector<1x16xf32>,
      %swap3A_77 = vector.shape_cast %swap3A_76 : vector<1x16xf32> to vector<16xf32>
      %swap3A_78 = vector.shape_cast %broadcast_in_dim3A_9 : vector<16xf32> to vector<1x16xf32>
      tpu.vector_store %arg6[%swap3A_74, %swap3A_75], %swap3A_78 {strides = array<i32>} : memref<128x128xf32, #tpu.memory_space<vmem>>, vector<1x16xf32>,
      %swap3A_79 = arith.index_cast %scan3A_59 : i32 to index
      %swap3A_80 = arith.constant 64 : index
      %swap3A_81 = tpu.vector_load %arg6[%swap3A_79, %swap3A_80] {strides = array<i32>} : memref<128x128xf32, #tpu.memory_space<vmem>>, vector<1x16xf32>,
      %swap3A_82 = vector.shape_cast %swap3A_81 : vector<1x16xf32> to vector<16xf32>
      %swap3A_83 = vector.shape_cast %broadcast_in_dim3A_9 : vector<16xf32> to vector<1x16xf32>
      tpu.vector_store %arg6[%swap3A_79, %swap3A_80], %swap3A_83 {strides = array<i32>} : memref<128x128xf32, #tpu.memory_space<vmem>>, vector<1x16xf32>,
      %swap3A_84 = arith.index_cast %scan3A_59 : i32 to index
      %swap3A_85 = arith.constant 80 : index
      %swap3A_86 = tpu.vector_load %arg6[%swap3A_84, %swap3A_85] {strides = array<i32>} : memref<128x128xf32, #tpu.memory_space<vmem>>, vector<1x16xf32>,
      %swap3A_87 = vector.shape_cast %swap3A_86 : vector<1x16xf32> to vector<16xf32>
      %swap3A_88 = vector.shape_cast %broadcast_in_dim3A_9 : vector<16xf32> to vector<1x16xf32>
      tpu.vector_store %arg6[%swap3A_84, %swap3A_85], %swap3A_88 {strides = array<i32>} : memref<128x128xf32, #tpu.memory_space<vmem>>, vector<1x16xf32>,
      %swap3A_89 = arith.index_cast %scan3A_59 : i32 to index
      %swap3A_90 = arith.constant 96 : index
      %swap3A_91 = tpu.vector_load %arg6[%swap3A_89, %swap3A_90] {strides = array<i32>} : memref<128x128xf32, #tpu.memory_space<vmem>>, vector<1x16xf32>,
      %swap3A_92 = vector.shape_cast %swap3A_91 : vector<1x16xf32> to vector<16xf32>
      %swap3A_93 = vector.shape_cast %broadcast_in_dim3A_9 : vector<16xf32> to vector<1x16xf32>
      tpu.vector_store %arg6[%swap3A_89, %swap3A_90], %swap3A_93 {strides = array<i32>} : memref<128x128xf32, #tpu.memory_space<vmem>>, vector<1x16xf32>,
      %swap3A_94 = arith.index_cast %scan3A_59 : i32 to index
      %swap3A_95 = arith.constant 112 : index
      %swap3A_96 = tpu.vector_load %arg6[%swap3A_94, %swap3A_95] {strides = array<i32>} : memref<128x128xf32, #tpu.memory_space<vmem>>, vector<1x16xf32>,
      %swap3A_97 = vector.shape_cast %swap3A_96 : vector<1x16xf32> to vector<16xf32>
      %swap3A_98 = vector.shape_cast %broadcast_in_dim3A_9 : vector<16xf32> to vector<1x16xf32>
      tpu.vector_store %arg6[%swap3A_94, %swap3A_95], %swap3A_98 {strides = array<i32>} : memref<128x128xf32, #tpu.memory_space<vmem>>, vector<1x16xf32>,
    }
    %scan3A_14 = arith.constant 128 : i32
    %lt3A = arith.constant 14 : i32
    %lt3A_15 = arith.cmpi slt, %arg1, %lt3A : i32
    %jit3A_16 = arith.constant 1 : i32
    %jit3A_17 = arith.constant 0 : i32
    %select_n3A_18 = arith.select %lt3A_15, %jit3A_16, %jit3A_17 : i32
    %add3A_19 = arith.constant 4 : i32
    %add3A_20 = arith.addi %add3A_19, %select_n3A_18 : i32
    %while3A = arith.constant 0 : i32
    %while3A_21 = arith.constant 0 : i32
    %while3A_22 = arith.subi %add3A_20, %while3A_21 : i32
    %while3A_23 = arith.addi %while3A_21, %while3A_22 : i32
    %while3A_24 = arith.constant 1 : i32
    %while3A_25 = arith.divsi %while3A_22, %while3A_24 : i32
    %while3A_26 = arith.muli %while3A_25, %while3A_24 : i32
    %while3A_27 = arith.addi %while3A_21, %while3A_26 : i32
    %while3A_28 = arith.constant 1 : i32
    scf.for %while3A_59 = %while3A_21 to %while3A_27 step %while3A_28  : i32 {
      %mul3A_60 = arith.constant 16 : i32
      %mul3A_61 = arith.muli %while3A_59, %mul3A_60 : i32
      %add3A_62 = arith.addi %arg1, %mul3A_61 : i32
      %mul3A_63 = arith.constant 128 : i32
      %mul3A_64 = arith.muli %add3A_62, %mul3A_63 : i32
      "tpu.region"() ({
        %run_scoped3A = tpu.sem_alloc : memref<!tpu.dma_semaphore, #tpu.memory_space<semaphore_mem>>
        %dma_start3A = arith.constant 0 : i32
        %dma_start3A_65 = tpu.memref_slice %arg7[%mul3A_64, %dma_start3A] : memref<10000x128xf32, #tpu.memory_space<vmem_shared>> -> memref<128x128xf32, #tpu.memory_space<vmem_shared>>
        %dma_start3A_66 = arith.constant 0 : i32
        %dma_start3A_67 = tpu.memref_slice %arg7[%mul3A_64, %dma_start3A_66] : memref<10000x128xf32, #tpu.memory_space<vmem_shared>> -> memref<128x128xf32, #tpu.memory_space<vmem_shared>>
        tpu.enqueue_dma source(%arg6 : memref<128x128xf32, #tpu.memory_space<vmem>>) target(%dma_start3A_67 : memref<128x128xf32, #tpu.memory_space<vmem_shared>>) target_semaphore(%run_scoped3A : memref<!tpu.dma_semaphore, #tpu.memory_space<semaphore_mem>>)
        %dma_wait3A = arith.constant 0 : i32
        %dma_wait3A_68 = tpu.memref_slice %arg7[%mul3A_64, %dma_wait3A] : memref<10000x128xf32, #tpu.memory_space<vmem_shared>> -> memref<128x128xf32, #tpu.memory_space<vmem_shared>>
        %dma_wait3A_69 = arith.constant 0 : i32
        %dma_wait3A_70 = tpu.memref_slice %arg7[%mul3A_64, %dma_wait3A_69] : memref<10000x128xf32, #tpu.memory_space<vmem_shared>> -> memref<128x128xf32, #tpu.memory_space<vmem_shared>>
        tpu.wait_dma2 semaphore(%run_scoped3A : memref<!tpu.dma_semaphore, #tpu.memory_space<semaphore_mem>>) src(%arg6 : memref<128x128xf32, #tpu.memory_space<vmem>>) dst(%dma_wait3A_70 : memref<128x128xf32, #tpu.memory_space<vmem_shared>>)
        tpu.yield
      }) : () -> ()
    }
    %while3A_29 = arith.constant 1 : i32
    scf.for %while3A_59 = %while3A_27 to %while3A_23 step %while3A_29  : i32 {
      %mul3A_60 = arith.constant 16 : i32
      %mul3A_61 = arith.muli %while3A_59, %mul3A_60 : i32
      %add3A_62 = arith.addi %arg1, %mul3A_61 : i32
      %mul3A_63 = arith.constant 128 : i32
      %mul3A_64 = arith.muli %add3A_62, %mul3A_63 : i32
      "tpu.region"() ({
        %run_scoped3A = tpu.sem_alloc : memref<!tpu.dma_semaphore, #tpu.memory_space<semaphore_mem>>
        %dma_start3A = arith.constant 0 : i32
        %dma_start3A_65 = tpu.memref_slice %arg7[%mul3A_64, %dma_start3A] : memref<10000x128xf32, #tpu.memory_space<vmem_shared>> -> memref<128x128xf32, #tpu.memory_space<vmem_shared>>
        %dma_start3A_66 = arith.constant 0 : i32
        %dma_start3A_67 = tpu.memref_slice %arg7[%mul3A_64, %dma_start3A_66] : memref<10000x128xf32, #tpu.memory_space<vmem_shared>> -> memref<128x128xf32, #tpu.memory_space<vmem_shared>>
        tpu.enqueue_dma source(%arg6 : memref<128x128xf32, #tpu.memory_space<vmem>>) target(%dma_start3A_67 : memref<128x128xf32, #tpu.memory_space<vmem_shared>>) target_semaphore(%run_scoped3A : memref<!tpu.dma_semaphore, #tpu.memory_space<semaphore_mem>>)
        %dma_wait3A = arith.constant 0 : i32
        %dma_wait3A_68 = tpu.memref_slice %arg7[%mul3A_64, %dma_wait3A] : memref<10000x128xf32, #tpu.memory_space<vmem_shared>> -> memref<128x128xf32, #tpu.memory_space<vmem_shared>>
        %dma_wait3A_69 = arith.constant 0 : i32
        %dma_wait3A_70 = tpu.memref_slice %arg7[%mul3A_64, %dma_wait3A_69] : memref<10000x128xf32, #tpu.memory_space<vmem_shared>> -> memref<128x128xf32, #tpu.memory_space<vmem_shared>>
        tpu.wait_dma2 semaphore(%run_scoped3A : memref<!tpu.dma_semaphore, #tpu.memory_space<semaphore_mem>>) src(%arg6 : memref<128x128xf32, #tpu.memory_space<vmem>>) dst(%dma_wait3A_70 : memref<128x128xf32, #tpu.memory_space<vmem_shared>>)
        tpu.yield
      }) : () -> ()
    }
    %eq3A_30 = arith.constant 0 : i32
    %eq3A_31 = arith.cmpi eq, %arg1, %eq3A_30 : i32
    %convert_element_type3A = arith.extui %eq3A_31 : i1 to i32
    %cond3A = arith.constant 0 : i32
    %cond3A_32 = arith.cmpi ne, %convert_element_type3A, %cond3A : i32
    scf.if %cond3A_32 {
      "tpu.region"() ({
        %run_scoped3A = tpu.sem_alloc : memref<!tpu.dma_semaphore, #tpu.memory_space<semaphore_mem>>
        %dma_start3A = arith.constant 0 : i32
        %dma_start3A_59 = arith.constant 0 : i32
        %dma_start3A_60 = tpu.memref_slice %arg6[%dma_start3A, %dma_start3A_59] : memref<128x128xf32, #tpu.memory_space<vmem>> -> memref<16x128xf32, #tpu.memory_space<vmem>>
        %dma_start3A_61 = arith.constant 9984 : i32
        %dma_start3A_62 = arith.constant 0 : i32
        %dma_start3A_63 = tpu.memref_slice %arg7[%dma_start3A_61, %dma_start3A_62] : memref<10000x128xf32, #tpu.memory_space<vmem_shared>> -> memref<16x128xf32, #tpu.memory_space<vmem_shared>>
        %dma_start3A_64 = arith.constant 9984 : i32
        %dma_start3A_65 = arith.constant 0 : i32
        %dma_start3A_66 = tpu.memref_slice %arg7[%dma_start3A_64, %dma_start3A_65] : memref<10000x128xf32, #tpu.memory_space<vmem_shared>> -> memref<16x128xf32, #tpu.memory_space<vmem_shared>>
        %dma_start3A_67 = arith.constant 0 : i32
        %dma_start3A_68 = arith.constant 0 : i32
        %dma_start3A_69 = tpu.memref_slice %arg6[%dma_start3A_67, %dma_start3A_68] : memref<128x128xf32, #tpu.memory_space<vmem>> -> memref<16x128xf32, #tpu.memory_space<vmem>>
        tpu.enqueue_dma source(%dma_start3A_69 : memref<16x128xf32, #tpu.memory_space<vmem>>) target(%dma_start3A_66 : memref<16x128xf32, #tpu.memory_space<vmem_shared>>) target_semaphore(%run_scoped3A : memref<!tpu.dma_semaphore, #tpu.memory_space<semaphore_mem>>)
        %dma_wait3A = arith.constant 0 : i32
        %dma_wait3A_70 = arith.constant 0 : i32
        %dma_wait3A_71 = tpu.memref_slice %arg6[%dma_wait3A, %dma_wait3A_70] : memref<128x128xf32, #tpu.memory_space<vmem>> -> memref<16x128xf32, #tpu.memory_space<vmem>>
        %dma_wait3A_72 = arith.constant 9984 : i32
        %dma_wait3A_73 = arith.constant 0 : i32
        %dma_wait3A_74 = tpu.memref_slice %arg7[%dma_wait3A_72, %dma_wait3A_73] : memref<10000x128xf32, #tpu.memory_space<vmem_shared>> -> memref<16x128xf32, #tpu.memory_space<vmem_shared>>
        %dma_wait3A_75 = arith.constant 9984 : i32
        %dma_wait3A_76 = arith.constant 0 : i32
        %dma_wait3A_77 = tpu.memref_slice %arg7[%dma_wait3A_75, %dma_wait3A_76] : memref<10000x128xf32, #tpu.memory_space<vmem_shared>> -> memref<16x128xf32, #tpu.memory_space<vmem_shared>>
        %dma_wait3A_78 = arith.constant 0 : i32
        %dma_wait3A_79 = arith.constant 0 : i32
        %dma_wait3A_80 = tpu.memref_slice %arg6[%dma_wait3A_78, %dma_wait3A_79] : memref<128x128xf32, #tpu.memory_space<vmem>> -> memref<16x128xf32, #tpu.memory_space<vmem>>
        tpu.wait_dma2 semaphore(%run_scoped3A : memref<!tpu.dma_semaphore, #tpu.memory_space<semaphore_mem>>) src(%dma_wait3A_80 : memref<16x128xf32, #tpu.memory_space<vmem>>) dst(%dma_wait3A_77 : memref<16x128xf32, #tpu.memory_space<vmem_shared>>)
        tpu.yield
      }) : () -> ()
    } else {
    }
    %barrier3A = arith.constant 0 : index
    tpu.barrier barrier_id(%barrier3A)
    %while3A_33 = arith.constant 0 : i32
    %while3A_34 = arith.constant 0 : i32
    %while3A_35 = arith.subi %select_n3A_8, %while3A_34 : i32
    %while3A_36 = arith.addi %while3A_34, %while3A_35 : i32
    %while3A_37 = arith.constant 1 : i32
    %while3A_38 = arith.divsi %while3A_35, %while3A_37 : i32
    %while3A_39 = arith.muli %while3A_38, %while3A_37 : i32
    %while3A_40 = arith.addi %while3A_34, %while3A_39 : i32
    %while3A_41 = arith.constant 1 : i32
    scf.for %while3A_59 = %while3A_34 to %while3A_40 step %while3A_41  : i32 {
      %add3A_60 = arith.addi %select_n3A, %while3A_59 : i32
      "tpu.region"() ({
        %run_scoped3A_79 = tpu.sem_alloc : memref<!tpu.dma_semaphore, #tpu.memory_space<semaphore_mem>>
        %dma_start3A_80 = arith.constant 0 : i32
        %dma_start3A_81 = arith.constant 0 : i32
        %dma_start3A_82 = tpu.memref_slice %arg3[%add3A_60, %dma_start3A_80, %dma_start3A_81] : memref<2528x3x128xi32, #tpu.memory_space<hbm>> -> memref<1x3x128xi32, #tpu.memory_space<hbm>>
        %dma_start3A_83 = tpu.memref_squeeze %dma_start3A_82 : memref<1x3x128xi32, #tpu.memory_space<hbm>> -> memref<3x128xi32, #tpu.memory_space<hbm>>
        %dma_start3A_84 = arith.constant 0 : i32
        %dma_start3A_85 = arith.constant 0 : i32
        %dma_start3A_86 = tpu.memref_slice %arg3[%add3A_60, %dma_start3A_84, %dma_start3A_85] : memref<2528x3x128xi32, #tpu.memory_space<hbm>> -> memref<1x3x128xi32, #tpu.memory_space<hbm>>
        %dma_start3A_87 = tpu.memref_squeeze %dma_start3A_86 : memref<1x3x128xi32, #tpu.memory_space<hbm>> -> memref<3x128xi32, #tpu.memory_space<hbm>>
        tpu.enqueue_dma source(%dma_start3A_87 : memref<3x128xi32, #tpu.memory_space<hbm>>) target(%arg5 : memref<3x128xi32, #tpu.memory_space<vmem>>) target_semaphore(%run_scoped3A_79 : memref<!tpu.dma_semaphore, #tpu.memory_space<semaphore_mem>>)
        %dma_wait3A_88 = arith.constant 0 : i32
        %dma_wait3A_89 = arith.constant 0 : i32
        %dma_wait3A_90 = tpu.memref_slice %arg3[%add3A_60, %dma_wait3A_88, %dma_wait3A_89] : memref<2528x3x128xi32, #tpu.memory_space<hbm>> -> memref<1x3x128xi32, #tpu.memory_space<hbm>>
        %dma_wait3A_91 = tpu.memref_squeeze %dma_wait3A_90 : memref<1x3x128xi32, #tpu.memory_space<hbm>> -> memref<3x128xi32, #tpu.memory_space<hbm>>
        %dma_wait3A_92 = arith.constant 0 : i32
        %dma_wait3A_93 = arith.constant 0 : i32
        %dma_wait3A_94 = tpu.memref_slice %arg3[%add3A_60, %dma_wait3A_92, %dma_wait3A_93] : memref<2528x3x128xi32, #tpu.memory_space<hbm>> -> memref<1x3x128xi32, #tpu.memory_space<hbm>>
        %dma_wait3A_95 = tpu.memref_squeeze %dma_wait3A_94 : memref<1x3x128xi32, #tpu.memory_space<hbm>> -> memref<3x128xi32, #tpu.memory_space<hbm>>
        tpu.wait_dma2 semaphore(%run_scoped3A_79 : memref<!tpu.dma_semaphore, #tpu.memory_space<semaphore_mem>>) src(%dma_wait3A_95 : memref<3x128xi32, #tpu.memory_space<hbm>>) dst(%arg5 : memref<3x128xi32, #tpu.memory_space<vmem>>)
        tpu.yield
      }) : () -> ()
      %run_scoped3A = arith.constant 0 : i32
      "tpu.region"() ({
        %run_scoped3A_79 = tpu.sem_alloc : memref<!tpu.dma_semaphore, #tpu.memory_space<semaphore_mem>>
        %dma_start3A_80 = arith.constant 0 : i32
        %dma_start3A_81 = tpu.memref_slice %arg5[%run_scoped3A, %dma_start3A_80] : memref<3x128xi32, #tpu.memory_space<vmem>> -> memref<1x128xi32, #tpu.memory_space<vmem>>
        %dma_start3A_82 = tpu.memref_squeeze %dma_start3A_81 : memref<1x128xi32, #tpu.memory_space<vmem>> -> memref<128xi32, #tpu.memory_space<vmem>>
        %dma_start3A_83 = arith.constant 0 : i32
        %dma_start3A_84 = arith.constant 0 : i32
        %dma_start3A_85 = tpu.memref_slice %arg2[%dma_start3A_83, %dma_start3A_84] : memref<10000x128xf32, #tpu.memory_space<hbm>> -> memref<10000x128xf32, #tpu.memory_space<hbm>>
        tpu.enqueue_indirect_dma source(%dma_start3A_85 : memref<10000x128xf32, #tpu.memory_space<hbm>>) target(%arg6 : memref<128x128xf32, #tpu.memory_space<vmem>>) offsets(%dma_start3A_82 : memref<128xi32, #tpu.memory_space<vmem>>) semaphore(%run_scoped3A_79 : memref<!tpu.dma_semaphore, #tpu.memory_space<semaphore_mem>>)
        %dma_wait3A_86 = arith.constant 0 : i32
        %dma_wait3A_87 = tpu.memref_slice %arg5[%run_scoped3A, %dma_wait3A_86] : memref<3x128xi32, #tpu.memory_space<vmem>> -> memref<1x128xi32, #tpu.memory_space<vmem>>
        %dma_wait3A_88 = tpu.memref_squeeze %dma_wait3A_87 : memref<1x128xi32, #tpu.memory_space<vmem>> -> memref<128xi32, #tpu.memory_space<vmem>>
        %dma_wait3A_89 = arith.constant 0 : i32
        %dma_wait3A_90 = arith.constant 0 : i32
        %dma_wait3A_91 = tpu.memref_slice %arg2[%dma_wait3A_89, %dma_wait3A_90] : memref<10000x128xf32, #tpu.memory_space<hbm>> -> memref<10000x128xf32, #tpu.memory_space<hbm>>
        tpu.wait_indirect_dma semaphore(%run_scoped3A_79 : memref<!tpu.dma_semaphore, #tpu.memory_space<semaphore_mem>>) src(%dma_wait3A_91 : memref<10000x128xf32, #tpu.memory_space<hbm>>) dst(%arg6 : memref<128x128xf32, #tpu.memory_space<vmem>>)
        tpu.yield
      }) : () -> ()
      %scan3A_61 = arith.constant 0 : i32
      %scan3A_62 = arith.constant 0 : i32
      %scan3A_63 = arith.constant 8 : i32
      %scan3A_64 = arith.addi %scan3A_62, %scan3A_63 : i32
      %scan3A_65 = arith.constant 1 : i32
      scf.for %scan3A_79 = %scan3A_62 to %scan3A_64 step %scan3A_65  : i32 {
        %mul3A_80 = arith.constant 16 : i32
        %mul3A_81 = arith.muli %scan3A_79, %mul3A_80 : i32
        %get3A = arith.constant 2 : i32
        %get3A_82 = arith.index_cast %get3A : i32 to index
        %get3A_83 = arith.index_cast %mul3A_81 : i32 to index
        %get3A_84 = tpu.vector_load %arg5[%get3A_82, %get3A_83] {strides = array<i32>} : memref<3x128xi32, #tpu.memory_space<vmem>>, vector<1x16xi32>,
        %get3A_85 = vector.shape_cast %get3A_84 : vector<1x16xi32> to vector<16xi32>
        %bitcast_convert_type3A = tpu.bitcast %get3A_85 : vector<16xi32> -> vector<16xf32>
        %broadcast_in_dim3A_86 = arith.constant 0 : i32
        %broadcast_in_dim3A_87 = vector.broadcast %broadcast_in_dim3A_86 : i32 to vector<16x1xi32>
        %gather3A = vector.shape_cast %broadcast_in_dim3A_87 : vector<16x1xi32> to vector<16xi32>
        %gather3A_88 = tpu.dynamic_gather %bitcast_convert_type3A[%gather3A] in [0] : vector<16xf32>, vector<16xi32> -> vector<16xf32>
        %mul3A_89 = arith.constant 16 : i32
        %mul3A_90 = arith.muli %scan3A_79, %mul3A_89 : i32
        %add3A_91 = arith.constant 0 : i32
        %add3A_92 = arith.addi %mul3A_90, %add3A_91 : i32
        %get3A_93 = arith.index_cast %add3A_92 : i32 to index
        %get3A_94 = arith.constant 0 : index
        %get3A_95 = tpu.vector_load %arg6[%get3A_93, %get3A_94] {strides = array<i32>} : memref<128x128xf32, #tpu.memory_space<vmem>>, vector<1x16xf32>,
        %get3A_96 = vector.shape_cast %get3A_95 : vector<1x16xf32> to vector<16xf32>
        %mul3A_97 = arith.mulf %get3A_96, %gather3A_88 : vector<16xf32>
        %swap3A = arith.index_cast %add3A_92 : i32 to index
        %swap3A_98 = arith.constant 0 : index
        %swap3A_99 = tpu.vector_load %arg6[%swap3A, %swap3A_98] {strides = array<i32>} : memref<128x128xf32, #tpu.memory_space<vmem>>, vector<1x16xf32>,
        %swap3A_100 = vector.shape_cast %swap3A_99 : vector<1x16xf32> to vector<16xf32>
        %swap3A_101 = vector.shape_cast %mul3A_97 : vector<16xf32> to vector<1x16xf32>
        tpu.vector_store %arg6[%swap3A, %swap3A_98], %swap3A_101 {strides = array<i32>} : memref<128x128xf32, #tpu.memory_space<vmem>>, vector<1x16xf32>,
        %get3A_102 = arith.index_cast %add3A_92 : i32 to index
        %get3A_103 = arith.constant 16 : index
        %get3A_104 = tpu.vector_load %arg6[%get3A_102, %get3A_103] {strides = array<i32>} : memref<128x128xf32, #tpu.memory_space<vmem>>, vector<1x16xf32>,
        %get3A_105 = vector.shape_cast %get3A_104 : vector<1x16xf32> to vector<16xf32>
        %mul3A_106 = arith.mulf %get3A_105, %gather3A_88 : vector<16xf32>
        %swap3A_107 = arith.index_cast %add3A_92 : i32 to index
        %swap3A_108 = arith.constant 16 : index
        %swap3A_109 = tpu.vector_load %arg6[%swap3A_107, %swap3A_108] {strides = array<i32>} : memref<128x128xf32, #tpu.memory_space<vmem>>, vector<1x16xf32>,
        %swap3A_110 = vector.shape_cast %swap3A_109 : vector<1x16xf32> to vector<16xf32>
        %swap3A_111 = vector.shape_cast %mul3A_106 : vector<16xf32> to vector<1x16xf32>
        tpu.vector_store %arg6[%swap3A_107, %swap3A_108], %swap3A_111 {strides = array<i32>} : memref<128x128xf32, #tpu.memory_space<vmem>>, vector<1x16xf32>,
        %get3A_112 = arith.index_cast %add3A_92 : i32 to index
        %get3A_113 = arith.constant 32 : index
        %get3A_114 = tpu.vector_load %arg6[%get3A_112, %get3A_113] {strides = array<i32>} : memref<128x128xf32, #tpu.memory_space<vmem>>, vector<1x16xf32>,
        %get3A_115 = vector.shape_cast %get3A_114 : vector<1x16xf32> to vector<16xf32>
        %mul3A_116 = arith.mulf %get3A_115, %gather3A_88 : vector<16xf32>
        %swap3A_117 = arith.index_cast %add3A_92 : i32 to index
        %swap3A_118 = arith.constant 32 : index
        %swap3A_119 = tpu.vector_load %arg6[%swap3A_117, %swap3A_118] {strides = array<i32>} : memref<128x128xf32, #tpu.memory_space<vmem>>, vector<1x16xf32>,
        %swap3A_120 = vector.shape_cast %swap3A_119 : vector<1x16xf32> to vector<16xf32>
        %swap3A_121 = vector.shape_cast %mul3A_116 : vector<16xf32> to vector<1x16xf32>
        tpu.vector_store %arg6[%swap3A_117, %swap3A_118], %swap3A_121 {strides = array<i32>} : memref<128x128xf32, #tpu.memory_space<vmem>>, vector<1x16xf32>,
        %get3A_122 = arith.index_cast %add3A_92 : i32 to index
        %get3A_123 = arith.constant 48 : index
        %get3A_124 = tpu.vector_load %arg6[%get3A_122, %get3A_123] {strides = array<i32>} : memref<128x128xf32, #tpu.memory_space<vmem>>, vector<1x16xf32>,
        %get3A_125 = vector.shape_cast %get3A_124 : vector<1x16xf32> to vector<16xf32>
        %mul3A_126 = arith.mulf %get3A_125, %gather3A_88 : vector<16xf32>
        %swap3A_127 = arith.index_cast %add3A_92 : i32 to index
        %swap3A_128 = arith.constant 48 : index
        %swap3A_129 = tpu.vector_load %arg6[%swap3A_127, %swap3A_128] {strides = array<i32>} : memref<128x128xf32, #tpu.memory_space<vmem>>, vector<1x16xf32>,
        %swap3A_130 = vector.shape_cast %swap3A_129 : vector<1x16xf32> to vector<16xf32>
        %swap3A_131 = vector.shape_cast %mul3A_126 : vector<16xf32> to vector<1x16xf32>
        tpu.vector_store %arg6[%swap3A_127, %swap3A_128], %swap3A_131 {strides = array<i32>} : memref<128x128xf32, #tpu.memory_space<vmem>>, vector<1x16xf32>,
        %get3A_132 = arith.index_cast %add3A_92 : i32 to index
        %get3A_133 = arith.constant 64 : index
        %get3A_134 = tpu.vector_load %arg6[%get3A_132, %get3A_133] {strides = array<i32>} : memref<128x128xf32, #tpu.memory_space<vmem>>, vector<1x16xf32>,
        %get3A_135 = vector.shape_cast %get3A_134 : vector<1x16xf32> to vector<16xf32>
        %mul3A_136 = arith.mulf %get3A_135, %gather3A_88 : vector<16xf32>
        %swap3A_137 = arith.index_cast %add3A_92 : i32 to index
        %swap3A_138 = arith.constant 64 : index
        %swap3A_139 = tpu.vector_load %arg6[%swap3A_137, %swap3A_138] {strides = array<i32>} : memref<128x128xf32, #tpu.memory_space<vmem>>, vector<1x16xf32>,
        %swap3A_140 = vector.shape_cast %swap3A_139 : vector<1x16xf32> to vector<16xf32>
        %swap3A_141 = vector.shape_cast %mul3A_136 : vector<16xf32> to vector<1x16xf32>
        tpu.vector_store %arg6[%swap3A_137, %swap3A_138], %swap3A_141 {strides = array<i32>} : memref<128x128xf32, #tpu.memory_space<vmem>>, vector<1x16xf32>,
        %get3A_142 = arith.index_cast %add3A_92 : i32 to index
        %get3A_143 = arith.constant 80 : index
        %get3A_144 = tpu.vector_load %arg6[%get3A_142, %get3A_143] {strides = array<i32>} : memref<128x128xf32, #tpu.memory_space<vmem>>, vector<1x16xf32>,
        %get3A_145 = vector.shape_cast %get3A_144 : vector<1x16xf32> to vector<16xf32>
        %mul3A_146 = arith.mulf %get3A_145, %gather3A_88 : vector<16xf32>
        %swap3A_147 = arith.index_cast %add3A_92 : i32 to index
        %swap3A_148 = arith.constant 80 : index
        %swap3A_149 = tpu.vector_load %arg6[%swap3A_147, %swap3A_148] {strides = array<i32>} : memref<128x128xf32, #tpu.memory_space<vmem>>, vector<1x16xf32>,
        %swap3A_150 = vector.shape_cast %swap3A_149 : vector<1x16xf32> to vector<16xf32>
        %swap3A_151 = vector.shape_cast %mul3A_146 : vector<16xf32> to vector<1x16xf32>
        tpu.vector_store %arg6[%swap3A_147, %swap3A_148], %swap3A_151 {strides = array<i32>} : memref<128x128xf32, #tpu.memory_space<vmem>>, vector<1x16xf32>,
        %get3A_152 = arith.index_cast %add3A_92 : i32 to index
        %get3A_153 = arith.constant 96 : index
        %get3A_154 = tpu.vector_load %arg6[%get3A_152, %get3A_153] {strides = array<i32>} : memref<128x128xf32, #tpu.memory_space<vmem>>, vector<1x16xf32>,
        %get3A_155 = vector.shape_cast %get3A_154 : vector<1x16xf32> to vector<16xf32>
        %mul3A_156 = arith.mulf %get3A_155, %gather3A_88 : vector<16xf32>
        %swap3A_157 = arith.index_cast %add3A_92 : i32 to index
        %swap3A_158 = arith.constant 96 : index
        %swap3A_159 = tpu.vector_load %arg6[%swap3A_157, %swap3A_158] {strides = array<i32>} : memref<128x128xf32, #tpu.memory_space<vmem>>, vector<1x16xf32>,
        %swap3A_160 = vector.shape_cast %swap3A_159 : vector<1x16xf32> to vector<16xf32>
        %swap3A_161 = vector.shape_cast %mul3A_156 : vector<16xf32> to vector<1x16xf32>
        tpu.vector_store %arg6[%swap3A_157, %swap3A_158], %swap3A_161 {strides = array<i32>} : memref<128x128xf32, #tpu.memory_space<vmem>>, vector<1x16xf32>,
        %get3A_162 = arith.index_cast %add3A_92 : i32 to index
        %get3A_163 = arith.constant 112 : index
        %get3A_164 = tpu.vector_load %arg6[%get3A_162, %get3A_163] {strides = array<i32>} : memref<128x128xf32, #tpu.memory_space<vmem>>, vector<1x16xf32>,
        %get3A_165 = vector.shape_cast %get3A_164 : vector<1x16xf32> to vector<16xf32>
        %mul3A_166 = arith.mulf %get3A_165, %gather3A_88 : vector<16xf32>
        %swap3A_167 = arith.index_cast %add3A_92 : i32 to index
        %swap3A_168 = arith.constant 112 : index
        %swap3A_169 = tpu.vector_load %arg6[%swap3A_167, %swap3A_168] {strides = array<i32>} : memref<128x128xf32, #tpu.memory_space<vmem>>, vector<1x16xf32>,
        %swap3A_170 = vector.shape_cast %swap3A_169 : vector<1x16xf32> to vector<16xf32>
        %swap3A_171 = vector.shape_cast %mul3A_166 : vector<16xf32> to vector<1x16xf32>
        tpu.vector_store %arg6[%swap3A_167, %swap3A_168], %swap3A_171 {strides = array<i32>} : memref<128x128xf32, #tpu.memory_space<vmem>>, vector<1x16xf32>,
        %broadcast_in_dim3A_172 = arith.constant 1 : i32
        %broadcast_in_dim3A_173 = vector.broadcast %broadcast_in_dim3A_172 : i32 to vector<16x1xi32>
        %gather3A_174 = vector.shape_cast %broadcast_in_dim3A_173 : vector<16x1xi32> to vector<16xi32>
        %gather3A_175 = tpu.dynamic_gather %bitcast_convert_type3A[%gather3A_174] in [0] : vector<16xf32>, vector<16xi32> -> vector<16xf32>
        %mul3A_176 = arith.constant 16 : i32
        %mul3A_177 = arith.muli %scan3A_79, %mul3A_176 : i32
        %add3A_178 = arith.constant 1 : i32
        %add3A_179 = arith.addi %mul3A_177, %add3A_178 : i32
        %get3A_180 = arith.index_cast %add3A_179 : i32 to index
        %get3A_181 = arith.constant 0 : index
        %get3A_182 = tpu.vector_load %arg6[%get3A_180, %get3A_181] {strides = array<i32>} : memref<128x128xf32, #tpu.memory_space<vmem>>, vector<1x16xf32>,
        %get3A_183 = vector.shape_cast %get3A_182 : vector<1x16xf32> to vector<16xf32>
        %mul3A_184 = arith.mulf %get3A_183, %gather3A_175 : vector<16xf32>
        %swap3A_185 = arith.index_cast %add3A_179 : i32 to index
        %swap3A_186 = arith.constant 0 : index
        %swap3A_187 = tpu.vector_load %arg6[%swap3A_185, %swap3A_186] {strides = array<i32>} : memref<128x128xf32, #tpu.memory_space<vmem>>, vector<1x16xf32>,
        %swap3A_188 = vector.shape_cast %swap3A_187 : vector<1x16xf32> to vector<16xf32>
        %swap3A_189 = vector.shape_cast %mul3A_184 : vector<16xf32> to vector<1x16xf32>
        tpu.vector_store %arg6[%swap3A_185, %swap3A_186], %swap3A_189 {strides = array<i32>} : memref<128x128xf32, #tpu.memory_space<vmem>>, vector<1x16xf32>,
        %get3A_190 = arith.index_cast %add3A_179 : i32 to index
        %get3A_191 = arith.constant 16 : index
        %get3A_192 = tpu.vector_load %arg6[%get3A_190, %get3A_191] {strides = array<i32>} : memref<128x128xf32, #tpu.memory_space<vmem>>, vector<1x16xf32>,
        %get3A_193 = vector.shape_cast %get3A_192 : vector<1x16xf32> to vector<16xf32>
        %mul3A_194 = arith.mulf %get3A_193, %gather3A_175 : vector<16xf32>
        %swap3A_195 = arith.index_cast %add3A_179 : i32 to index
        %swap3A_196 = arith.constant 16 : index
        %swap3A_197 = tpu.vector_load %arg6[%swap3A_195, %swap3A_196] {strides = array<i32>} : memref<128x128xf32, #tpu.memory_space<vmem>>, vector<1x16xf32>,
        %swap3A_198 = vector.shape_cast %swap3A_197 : vector<1x16xf32> to vector<16xf32>
        %swap3A_199 = vector.shape_cast %mul3A_194 : vector<16xf32> to vector<1x16xf32>
        tpu.vector_store %arg6[%swap3A_195, %swap3A_196], %swap3A_199 {strides = array<i32>} : memref<128x128xf32, #tpu.memory_space<vmem>>, vector<1x16xf32>,
        %get3A_200 = arith.index_cast %add3A_179 : i32 to index
        %get3A_201 = arith.constant 32 : index
        %get3A_202 = tpu.vector_load %arg6[%get3A_200, %get3A_201] {strides = array<i32>} : memref<128x128xf32, #tpu.memory_space<vmem>>, vector<1x16xf32>,
        %get3A_203 = vector.shape_cast %get3A_202 : vector<1x16xf32> to vector<16xf32>
        %mul3A_204 = arith.mulf %get3A_203, %gather3A_175 : vector<16xf32>
        %swap3A_205 = arith.index_cast %add3A_179 : i32 to index
        %swap3A_206 = arith.constant 32 : index
        %swap3A_207 = tpu.vector_load %arg6[%swap3A_205, %swap3A_206] {strides = array<i32>} : memref<128x128xf32, #tpu.memory_space<vmem>>, vector<1x16xf32>,
        %swap3A_208 = vector.shape_cast %swap3A_207 : vector<1x16xf32> to vector<16xf32>
        %swap3A_209 = vector.shape_cast %mul3A_204 : vector<16xf32> to vector<1x16xf32>
        tpu.vector_store %arg6[%swap3A_205, %swap3A_206], %swap3A_209 {strides = array<i32>} : memref<128x128xf32, #tpu.memory_space<vmem>>, vector<1x16xf32>,
        %get3A_210 = arith.index_cast %add3A_179 : i32 to index
        %get3A_211 = arith.constant 48 : index
        %get3A_212 = tpu.vector_load %arg6[%get3A_210, %get3A_211] {strides = array<i32>} : memref<128x128xf32, #tpu.memory_space<vmem>>, vector<1x16xf32>,
        %get3A_213 = vector.shape_cast %get3A_212 : vector<1x16xf32> to vector<16xf32>
        %mul3A_214 = arith.mulf %get3A_213, %gather3A_175 : vector<16xf32>
        %swap3A_215 = arith.index_cast %add3A_179 : i32 to index
        %swap3A_216 = arith.constant 48 : index
        %swap3A_217 = tpu.vector_load %arg6[%swap3A_215, %swap3A_216] {strides = array<i32>} : memref<128x128xf32, #tpu.memory_space<vmem>>, vector<1x16xf32>,
        %swap3A_218 = vector.shape_cast %swap3A_217 : vector<1x16xf32> to vector<16xf32>
        %swap3A_219 = vector.shape_cast %mul3A_214 : vector<16xf32> to vector<1x16xf32>
        tpu.vector_store %arg6[%swap3A_215, %swap3A_216], %swap3A_219 {strides = array<i32>} : memref<128x128xf32, #tpu.memory_space<vmem>>, vector<1x16xf32>,
        %get3A_220 = arith.index_cast %add3A_179 : i32 to index
        %get3A_221 = arith.constant 64 : index
        %get3A_222 = tpu.vector_load %arg6[%get3A_220, %get3A_221] {strides = array<i32>} : memref<128x128xf32, #tpu.memory_space<vmem>>, vector<1x16xf32>,
        %get3A_223 = vector.shape_cast %get3A_222 : vector<1x16xf32> to vector<16xf32>
        %mul3A_224 = arith.mulf %get3A_223, %gather3A_175 : vector<16xf32>
        %swap3A_225 = arith.index_cast %add3A_179 : i32 to index
        %swap3A_226 = arith.constant 64 : index
        %swap3A_227 = tpu.vector_load %arg6[%swap3A_225, %swap3A_226] {strides = array<i32>} : memref<128x128xf32, #tpu.memory_space<vmem>>, vector<1x16xf32>,
        %swap3A_228 = vector.shape_cast %swap3A_227 : vector<1x16xf32> to vector<16xf32>
        %swap3A_229 = vector.shape_cast %mul3A_224 : vector<16xf32> to vector<1x16xf32>
        tpu.vector_store %arg6[%swap3A_225, %swap3A_226], %swap3A_229 {strides = array<i32>} : memref<128x128xf32, #tpu.memory_space<vmem>>, vector<1x16xf32>,
        %get3A_230 = arith.index_cast %add3A_179 : i32 to index
        %get3A_231 = arith.constant 80 : index
        %get3A_232 = tpu.vector_load %arg6[%get3A_230, %get3A_231] {strides = array<i32>} : memref<128x128xf32, #tpu.memory_space<vmem>>, vector<1x16xf32>,
        %get3A_233 = vector.shape_cast %get3A_232 : vector<1x16xf32> to vector<16xf32>
        %mul3A_234 = arith.mulf %get3A_233, %gather3A_175 : vector<16xf32>
        %swap3A_235 = arith.index_cast %add3A_179 : i32 to index
        %swap3A_236 = arith.constant 80 : index
        %swap3A_237 = tpu.vector_load %arg6[%swap3A_235, %swap3A_236] {strides = array<i32>} : memref<128x128xf32, #tpu.memory_space<vmem>>, vector<1x16xf32>,
        %swap3A_238 = vector.shape_cast %swap3A_237 : vector<1x16xf32> to vector<16xf32>
        %swap3A_239 = vector.shape_cast %mul3A_234 : vector<16xf32> to vector<1x16xf32>
        tpu.vector_store %arg6[%swap3A_235, %swap3A_236], %swap3A_239 {strides = array<i32>} : memref<128x128xf32, #tpu.memory_space<vmem>>, vector<1x16xf32>,
        %get3A_240 = arith.index_cast %add3A_179 : i32 to index
        %get3A_241 = arith.constant 96 : index
        %get3A_242 = tpu.vector_load %arg6[%get3A_240, %get3A_241] {strides = array<i32>} : memref<128x128xf32, #tpu.memory_space<vmem>>, vector<1x16xf32>,
        %get3A_243 = vector.shape_cast %get3A_242 : vector<1x16xf32> to vector<16xf32>
        %mul3A_244 = arith.mulf %get3A_243, %gather3A_175 : vector<16xf32>
        %swap3A_245 = arith.index_cast %add3A_179 : i32 to index
        %swap3A_246 = arith.constant 96 : index
        %swap3A_247 = tpu.vector_load %arg6[%swap3A_245, %swap3A_246] {strides = array<i32>} : memref<128x128xf32, #tpu.memory_space<vmem>>, vector<1x16xf32>,
        %swap3A_248 = vector.shape_cast %swap3A_247 : vector<1x16xf32> to vector<16xf32>
        %swap3A_249 = vector.shape_cast %mul3A_244 : vector<16xf32> to vector<1x16xf32>
        tpu.vector_store %arg6[%swap3A_245, %swap3A_246], %swap3A_249 {strides = array<i32>} : memref<128x128xf32, #tpu.memory_space<vmem>>, vector<1x16xf32>,
        %get3A_250 = arith.index_cast %add3A_179 : i32 to index
        %get3A_251 = arith.constant 112 : index
        %get3A_252 = tpu.vector_load %arg6[%get3A_250, %get3A_251] {strides = array<i32>} : memref<128x128xf32, #tpu.memory_space<vmem>>, vector<1x16xf32>,
        %get3A_253 = vector.shape_cast %get3A_252 : vector<1x16xf32> to vector<16xf32>
        %mul3A_254 = arith.mulf %get3A_253, %gather3A_175 : vector<16xf32>
        %swap3A_255 = arith.index_cast %add3A_179 : i32 to index
        %swap3A_256 = arith.constant 112 : index
        %swap3A_257 = tpu.vector_load %arg6[%swap3A_255, %swap3A_256] {strides = array<i32>} : memref<128x128xf32, #tpu.memory_space<vmem>>, vector<1x16xf32>,
        %swap3A_258 = vector.shape_cast %swap3A_257 : vector<1x16xf32> to vector<16xf32>
        %swap3A_259 = vector.shape_cast %mul3A_254 : vector<16xf32> to vector<1x16xf32>
        tpu.vector_store %arg6[%swap3A_255, %swap3A_256], %swap3A_259 {strides = array<i32>} : memref<128x128xf32, #tpu.memory_space<vmem>>, vector<1x16xf32>,
        %broadcast_in_dim3A_260 = arith.constant 2 : i32
        %broadcast_in_dim3A_261 = vector.broadcast %broadcast_in_dim3A_260 : i32 to vector<16x1xi32>
        %gather3A_262 = vector.shape_cast %broadcast_in_dim3A_261 : vector<16x1xi32> to vector<16xi32>
        %gather3A_263 = tpu.dynamic_gather %bitcast_convert_type3A[%gather3A_262] in [0] : vector<16xf32>, vector<16xi32> -> vector<16xf32>
        %mul3A_264 = arith.constant 16 : i32
        %mul3A_265 = arith.muli %scan3A_79, %mul3A_264 : i32
        %add3A_266 = arith.constant 2 : i32
        %add3A_267 = arith.addi %mul3A_265, %add3A_266 : i32
        %get3A_268 = arith.index_cast %add3A_267 : i32 to index
        %get3A_269 = arith.constant 0 : index
        %get3A_270 = tpu.vector_load %arg6[%get3A_268, %get3A_269] {strides = array<i32>} : memref<128x128xf32, #tpu.memory_space<vmem>>, vector<1x16xf32>,
        %get3A_271 = vector.shape_cast %get3A_270 : vector<1x16xf32> to vector<16xf32>
        %mul3A_272 = arith.mulf %get3A_271, %gather3A_263 : vector<16xf32>
        %swap3A_273 = arith.index_cast %add3A_267 : i32 to index
        %swap3A_274 = arith.constant 0 : index
        %swap3A_275 = tpu.vector_load %arg6[%swap3A_273, %swap3A_274] {strides = array<i32>} : memref<128x128xf32, #tpu.memory_space<vmem>>, vector<1x16xf32>,
        %swap3A_276 = vector.shape_cast %swap3A_275 : vector<1x16xf32> to vector<16xf32>
        %swap3A_277 = vector.shape_cast %mul3A_272 : vector<16xf32> to vector<1x16xf32>
        tpu.vector_store %arg6[%swap3A_273, %swap3A_274], %swap3A_277 {strides = array<i32>} : memref<128x128xf32, #tpu.memory_space<vmem>>, vector<1x16xf32>,
        %get3A_278 = arith.index_cast %add3A_267 : i32 to index
        %get3A_279 = arith.constant 16 : index
        %get3A_280 = tpu.vector_load %arg6[%get3A_278, %get3A_279] {strides = array<i32>} : memref<128x128xf32, #tpu.memory_space<vmem>>, vector<1x16xf32>,
        %get3A_281 = vector.shape_cast %get3A_280 : vector<1x16xf32> to vector<16xf32>
        %mul3A_282 = arith.mulf %get3A_281, %gather3A_263 : vector<16xf32>
        %swap3A_283 = arith.index_cast %add3A_267 : i32 to index
        %swap3A_284 = arith.constant 16 : index
        %swap3A_285 = tpu.vector_load %arg6[%swap3A_283, %swap3A_284] {strides = array<i32>} : memref<128x128xf32, #tpu.memory_space<vmem>>, vector<1x16xf32>,
        %swap3A_286 = vector.shape_cast %swap3A_285 : vector<1x16xf32> to vector<16xf32>
        %swap3A_287 = vector.shape_cast %mul3A_282 : vector<16xf32> to vector<1x16xf32>
        tpu.vector_store %arg6[%swap3A_283, %swap3A_284], %swap3A_287 {strides = array<i32>} : memref<128x128xf32, #tpu.memory_space<vmem>>, vector<1x16xf32>,
        %get3A_288 = arith.index_cast %add3A_267 : i32 to index
        %get3A_289 = arith.constant 32 : index
        %get3A_290 = tpu.vector_load %arg6[%get3A_288, %get3A_289] {strides = array<i32>} : memref<128x128xf32, #tpu.memory_space<vmem>>, vector<1x16xf32>,
        %get3A_291 = vector.shape_cast %get3A_290 : vector<1x16xf32> to vector<16xf32>
        %mul3A_292 = arith.mulf %get3A_291, %gather3A_263 : vector<16xf32>
        %swap3A_293 = arith.index_cast %add3A_267 : i32 to index
        %swap3A_294 = arith.constant 32 : index
        %swap3A_295 = tpu.vector_load %arg6[%swap3A_293, %swap3A_294] {strides = array<i32>} : memref<128x128xf32, #tpu.memory_space<vmem>>, vector<1x16xf32>,
        %swap3A_296 = vector.shape_cast %swap3A_295 : vector<1x16xf32> to vector<16xf32>
        %swap3A_297 = vector.shape_cast %mul3A_292 : vector<16xf32> to vector<1x16xf32>
        tpu.vector_store %arg6[%swap3A_293, %swap3A_294], %swap3A_297 {strides = array<i32>} : memref<128x128xf32, #tpu.memory_space<vmem>>, vector<1x16xf32>,
        %get3A_298 = arith.index_cast %add3A_267 : i32 to index
        %get3A_299 = arith.constant 48 : index
        %get3A_300 = tpu.vector_load %arg6[%get3A_298, %get3A_299] {strides = array<i32>} : memref<128x128xf32, #tpu.memory_space<vmem>>, vector<1x16xf32>,
        %get3A_301 = vector.shape_cast %get3A_300 : vector<1x16xf32> to vector<16xf32>
        %mul3A_302 = arith.mulf %get3A_301, %gather3A_263 : vector<16xf32>
        %swap3A_303 = arith.index_cast %add3A_267 : i32 to index
        %swap3A_304 = arith.constant 48 : index
        %swap3A_305 = tpu.vector_load %arg6[%swap3A_303, %swap3A_304] {strides = array<i32>} : memref<128x128xf32, #tpu.memory_space<vmem>>, vector<1x16xf32>,
        %swap3A_306 = vector.shape_cast %swap3A_305 : vector<1x16xf32> to vector<16xf32>
        %swap3A_307 = vector.shape_cast %mul3A_302 : vector<16xf32> to vector<1x16xf32>
        tpu.vector_store %arg6[%swap3A_303, %swap3A_304], %swap3A_307 {strides = array<i32>} : memref<128x128xf32, #tpu.memory_space<vmem>>, vector<1x16xf32>,
        %get3A_308 = arith.index_cast %add3A_267 : i32 to index
        %get3A_309 = arith.constant 64 : index
        %get3A_310 = tpu.vector_load %arg6[%get3A_308, %get3A_309] {strides = array<i32>} : memref<128x128xf32, #tpu.memory_space<vmem>>, vector<1x16xf32>,
        %get3A_311 = vector.shape_cast %get3A_310 : vector<1x16xf32> to vector<16xf32>
        %mul3A_312 = arith.mulf %get3A_311, %gather3A_263 : vector<16xf32>
        %swap3A_313 = arith.index_cast %add3A_267 : i32 to index
        %swap3A_314 = arith.constant 64 : index
        %swap3A_315 = tpu.vector_load %arg6[%swap3A_313, %swap3A_314] {strides = array<i32>} : memref<128x128xf32, #tpu.memory_space<vmem>>, vector<1x16xf32>,
        %swap3A_316 = vector.shape_cast %swap3A_315 : vector<1x16xf32> to vector<16xf32>
        %swap3A_317 = vector.shape_cast %mul3A_312 : vector<16xf32> to vector<1x16xf32>
        tpu.vector_store %arg6[%swap3A_313, %swap3A_314], %swap3A_317 {strides = array<i32>} : memref<128x128xf32, #tpu.memory_space<vmem>>, vector<1x16xf32>,
        %get3A_318 = arith.index_cast %add3A_267 : i32 to index
        %get3A_319 = arith.constant 80 : index
        %get3A_320 = tpu.vector_load %arg6[%get3A_318, %get3A_319] {strides = array<i32>} : memref<128x128xf32, #tpu.memory_space<vmem>>, vector<1x16xf32>,
        %get3A_321 = vector.shape_cast %get3A_320 : vector<1x16xf32> to vector<16xf32>
        %mul3A_322 = arith.mulf %get3A_321, %gather3A_263 : vector<16xf32>
        %swap3A_323 = arith.index_cast %add3A_267 : i32 to index
        %swap3A_324 = arith.constant 80 : index
        %swap3A_325 = tpu.vector_load %arg6[%swap3A_323, %swap3A_324] {strides = array<i32>} : memref<128x128xf32, #tpu.memory_space<vmem>>, vector<1x16xf32>,
        %swap3A_326 = vector.shape_cast %swap3A_325 : vector<1x16xf32> to vector<16xf32>
        %swap3A_327 = vector.shape_cast %mul3A_322 : vector<16xf32> to vector<1x16xf32>
        tpu.vector_store %arg6[%swap3A_323, %swap3A_324], %swap3A_327 {strides = array<i32>} : memref<128x128xf32, #tpu.memory_space<vmem>>, vector<1x16xf32>,
        %get3A_328 = arith.index_cast %add3A_267 : i32 to index
        %get3A_329 = arith.constant 96 : index
        %get3A_330 = tpu.vector_load %arg6[%get3A_328, %get3A_329] {strides = array<i32>} : memref<128x128xf32, #tpu.memory_space<vmem>>, vector<1x16xf32>,
        %get3A_331 = vector.shape_cast %get3A_330 : vector<1x16xf32> to vector<16xf32>
        %mul3A_332 = arith.mulf %get3A_331, %gather3A_263 : vector<16xf32>
        %swap3A_333 = arith.index_cast %add3A_267 : i32 to index
        %swap3A_334 = arith.constant 96 : index
        %swap3A_335 = tpu.vector_load %arg6[%swap3A_333, %swap3A_334] {strides = array<i32>} : memref<128x128xf32, #tpu.memory_space<vmem>>, vector<1x16xf32>,
        %swap3A_336 = vector.shape_cast %swap3A_335 : vector<1x16xf32> to vector<16xf32>
        %swap3A_337 = vector.shape_cast %mul3A_332 : vector<16xf32> to vector<1x16xf32>
        tpu.vector_store %arg6[%swap3A_333, %swap3A_334], %swap3A_337 {strides = array<i32>} : memref<128x128xf32, #tpu.memory_space<vmem>>, vector<1x16xf32>,
        %get3A_338 = arith.index_cast %add3A_267 : i32 to index
        %get3A_339 = arith.constant 112 : index
        %get3A_340 = tpu.vector_load %arg6[%get3A_338, %get3A_339] {strides = array<i32>} : memref<128x128xf32, #tpu.memory_space<vmem>>, vector<1x16xf32>,
        %get3A_341 = vector.shape_cast %get3A_340 : vector<1x16xf32> to vector<16xf32>
        %mul3A_342 = arith.mulf %get3A_341, %gather3A_263 : vector<16xf32>
        %swap3A_343 = arith.index_cast %add3A_267 : i32 to index
        %swap3A_344 = arith.constant 112 : index
        %swap3A_345 = tpu.vector_load %arg6[%swap3A_343, %swap3A_344] {strides = array<i32>} : memref<128x128xf32, #tpu.memory_space<vmem>>, vector<1x16xf32>,
        %swap3A_346 = vector.shape_cast %swap3A_345 : vector<1x16xf32> to vector<16xf32>
        %swap3A_347 = vector.shape_cast %mul3A_342 : vector<16xf32> to vector<1x16xf32>
        tpu.vector_store %arg6[%swap3A_343, %swap3A_344], %swap3A_347 {strides = array<i32>} : memref<128x128xf32, #tpu.memory_space<vmem>>, vector<1x16xf32>,
        %broadcast_in_dim3A_348 = arith.constant 3 : i32
        %broadcast_in_dim3A_349 = vector.broadcast %broadcast_in_dim3A_348 : i32 to vector<16x1xi32>
        %gather3A_350 = vector.shape_cast %broadcast_in_dim3A_349 : vector<16x1xi32> to vector<16xi32>
        %gather3A_351 = tpu.dynamic_gather %bitcast_convert_type3A[%gather3A_350] in [0] : vector<16xf32>, vector<16xi32> -> vector<16xf32>
        %mul3A_352 = arith.constant 16 : i32
        %mul3A_353 = arith.muli %scan3A_79, %mul3A_352 : i32
        %add3A_354 = arith.constant 3 : i32
        %add3A_355 = arith.addi %mul3A_353, %add3A_354 : i32
        %get3A_356 = arith.index_cast %add3A_355 : i32 to index
        %get3A_357 = arith.constant 0 : index
        %get3A_358 = tpu.vector_load %arg6[%get3A_356, %get3A_357] {strides = array<i32>} : memref<128x128xf32, #tpu.memory_space<vmem>>, vector<1x16xf32>,
        %get3A_359 = vector.shape_cast %get3A_358 : vector<1x16xf32> to vector<16xf32>
        %mul3A_360 = arith.mulf %get3A_359, %gather3A_351 : vector<16xf32>
        %swap3A_361 = arith.index_cast %add3A_355 : i32 to index
        %swap3A_362 = arith.constant 0 : index
        %swap3A_363 = tpu.vector_load %arg6[%swap3A_361, %swap3A_362] {strides = array<i32>} : memref<128x128xf32, #tpu.memory_space<vmem>>, vector<1x16xf32>,
        %swap3A_364 = vector.shape_cast %swap3A_363 : vector<1x16xf32> to vector<16xf32>
        %swap3A_365 = vector.shape_cast %mul3A_360 : vector<16xf32> to vector<1x16xf32>
        tpu.vector_store %arg6[%swap3A_361, %swap3A_362], %swap3A_365 {strides = array<i32>} : memref<128x128xf32, #tpu.memory_space<vmem>>, vector<1x16xf32>,
        %get3A_366 = arith.index_cast %add3A_355 : i32 to index
        %get3A_367 = arith.constant 16 : index
        %get3A_368 = tpu.vector_load %arg6[%get3A_366, %get3A_367] {strides = array<i32>} : memref<128x128xf32, #tpu.memory_space<vmem>>, vector<1x16xf32>,
        %get3A_369 = vector.shape_cast %get3A_368 : vector<1x16xf32> to vector<16xf32>
        %mul3A_370 = arith.mulf %get3A_369, %gather3A_351 : vector<16xf32>
        %swap3A_371 = arith.index_cast %add3A_355 : i32 to index
        %swap3A_372 = arith.constant 16 : index
        %swap3A_373 = tpu.vector_load %arg6[%swap3A_371, %swap3A_372] {strides = array<i32>} : memref<128x128xf32, #tpu.memory_space<vmem>>, vector<1x16xf32>,
        %swap3A_374 = vector.shape_cast %swap3A_373 : vector<1x16xf32> to vector<16xf32>
        %swap3A_375 = vector.shape_cast %mul3A_370 : vector<16xf32> to vector<1x16xf32>
        tpu.vector_store %arg6[%swap3A_371, %swap3A_372], %swap3A_375 {strides = array<i32>} : memref<128x128xf32, #tpu.memory_space<vmem>>, vector<1x16xf32>,
        %get3A_376 = arith.index_cast %add3A_355 : i32 to index
        %get3A_377 = arith.constant 32 : index
        %get3A_378 = tpu.vector_load %arg6[%get3A_376, %get3A_377] {strides = array<i32>} : memref<128x128xf32, #tpu.memory_space<vmem>>, vector<1x16xf32>,
        %get3A_379 = vector.shape_cast %get3A_378 : vector<1x16xf32> to vector<16xf32>
        %mul3A_380 = arith.mulf %get3A_379, %gather3A_351 : vector<16xf32>
        %swap3A_381 = arith.index_cast %add3A_355 : i32 to index
        %swap3A_382 = arith.constant 32 : index
        %swap3A_383 = tpu.vector_load %arg6[%swap3A_381, %swap3A_382] {strides = array<i32>} : memref<128x128xf32, #tpu.memory_space<vmem>>, vector<1x16xf32>,
        %swap3A_384 = vector.shape_cast %swap3A_383 : vector<1x16xf32> to vector<16xf32>
        %swap3A_385 = vector.shape_cast %mul3A_380 : vector<16xf32> to vector<1x16xf32>
        tpu.vector_store %arg6[%swap3A_381, %swap3A_382], %swap3A_385 {strides = array<i32>} : memref<128x128xf32, #tpu.memory_space<vmem>>, vector<1x16xf32>,
        %get3A_386 = arith.index_cast %add3A_355 : i32 to index
        %get3A_387 = arith.constant 48 : index
        %get3A_388 = tpu.vector_load %arg6[%get3A_386, %get3A_387] {strides = array<i32>} : memref<128x128xf32, #tpu.memory_space<vmem>>, vector<1x16xf32>,
        %get3A_389 = vector.shape_cast %get3A_388 : vector<1x16xf32> to vector<16xf32>
        %mul3A_390 = arith.mulf %get3A_389, %gather3A_351 : vector<16xf32>
        %swap3A_391 = arith.index_cast %add3A_355 : i32 to index
        %swap3A_392 = arith.constant 48 : index
        %swap3A_393 = tpu.vector_load %arg6[%swap3A_391, %swap3A_392] {strides = array<i32>} : memref<128x128xf32, #tpu.memory_space<vmem>>, vector<1x16xf32>,
        %swap3A_394 = vector.shape_cast %swap3A_393 : vector<1x16xf32> to vector<16xf32>
        %swap3A_395 = vector.shape_cast %mul3A_390 : vector<16xf32> to vector<1x16xf32>
        tpu.vector_store %arg6[%swap3A_391, %swap3A_392], %swap3A_395 {strides = array<i32>} : memref<128x128xf32, #tpu.memory_space<vmem>>, vector<1x16xf32>,
        %get3A_396 = arith.index_cast %add3A_355 : i32 to index
        %get3A_397 = arith.constant 64 : index
        %get3A_398 = tpu.vector_load %arg6[%get3A_396, %get3A_397] {strides = array<i32>} : memref<128x128xf32, #tpu.memory_space<vmem>>, vector<1x16xf32>,
        %get3A_399 = vector.shape_cast %get3A_398 : vector<1x16xf32> to vector<16xf32>
        %mul3A_400 = arith.mulf %get3A_399, %gather3A_351 : vector<16xf32>
        %swap3A_401 = arith.index_cast %add3A_355 : i32 to index
        %swap3A_402 = arith.constant 64 : index
        %swap3A_403 = tpu.vector_load %arg6[%swap3A_401, %swap3A_402] {strides = array<i32>} : memref<128x128xf32, #tpu.memory_space<vmem>>, vector<1x16xf32>,
        %swap3A_404 = vector.shape_cast %swap3A_403 : vector<1x16xf32> to vector<16xf32>
        %swap3A_405 = vector.shape_cast %mul3A_400 : vector<16xf32> to vector<1x16xf32>
        tpu.vector_store %arg6[%swap3A_401, %swap3A_402], %swap3A_405 {strides = array<i32>} : memref<128x128xf32, #tpu.memory_space<vmem>>, vector<1x16xf32>,
        %get3A_406 = arith.index_cast %add3A_355 : i32 to index
        %get3A_407 = arith.constant 80 : index
        %get3A_408 = tpu.vector_load %arg6[%get3A_406, %get3A_407] {strides = array<i32>} : memref<128x128xf32, #tpu.memory_space<vmem>>, vector<1x16xf32>,
        %get3A_409 = vector.shape_cast %get3A_408 : vector<1x16xf32> to vector<16xf32>
        %mul3A_410 = arith.mulf %get3A_409, %gather3A_351 : vector<16xf32>
        %swap3A_411 = arith.index_cast %add3A_355 : i32 to index
        %swap3A_412 = arith.constant 80 : index
        %swap3A_413 = tpu.vector_load %arg6[%swap3A_411, %swap3A_412] {strides = array<i32>} : memref<128x128xf32, #tpu.memory_space<vmem>>, vector<1x16xf32>,
        %swap3A_414 = vector.shape_cast %swap3A_413 : vector<1x16xf32> to vector<16xf32>
        %swap3A_415 = vector.shape_cast %mul3A_410 : vector<16xf32> to vector<1x16xf32>
        tpu.vector_store %arg6[%swap3A_411, %swap3A_412], %swap3A_415 {strides = array<i32>} : memref<128x128xf32, #tpu.memory_space<vmem>>, vector<1x16xf32>,
        %get3A_416 = arith.index_cast %add3A_355 : i32 to index
        %get3A_417 = arith.constant 96 : index
        %get3A_418 = tpu.vector_load %arg6[%get3A_416, %get3A_417] {strides = array<i32>} : memref<128x128xf32, #tpu.memory_space<vmem>>, vector<1x16xf32>,
        %get3A_419 = vector.shape_cast %get3A_418 : vector<1x16xf32> to vector<16xf32>
        %mul3A_420 = arith.mulf %get3A_419, %gather3A_351 : vector<16xf32>
        %swap3A_421 = arith.index_cast %add3A_355 : i32 to index
        %swap3A_422 = arith.constant 96 : index
        %swap3A_423 = tpu.vector_load %arg6[%swap3A_421, %swap3A_422] {strides = array<i32>} : memref<128x128xf32, #tpu.memory_space<vmem>>, vector<1x16xf32>,
        %swap3A_424 = vector.shape_cast %swap3A_423 : vector<1x16xf32> to vector<16xf32>
        %swap3A_425 = vector.shape_cast %mul3A_420 : vector<16xf32> to vector<1x16xf32>
        tpu.vector_store %arg6[%swap3A_421, %swap3A_422], %swap3A_425 {strides = array<i32>} : memref<128x128xf32, #tpu.memory_space<vmem>>, vector<1x16xf32>,
        %get3A_426 = arith.index_cast %add3A_355 : i32 to index
        %get3A_427 = arith.constant 112 : index
        %get3A_428 = tpu.vector_load %arg6[%get3A_426, %get3A_427] {strides = array<i32>} : memref<128x128xf32, #tpu.memory_space<vmem>>, vector<1x16xf32>,
        %get3A_429 = vector.shape_cast %get3A_428 : vector<1x16xf32> to vector<16xf32>
        %mul3A_430 = arith.mulf %get3A_429, %gather3A_351 : vector<16xf32>
        %swap3A_431 = arith.index_cast %add3A_355 : i32 to index
        %swap3A_432 = arith.constant 112 : index
        %swap3A_433 = tpu.vector_load %arg6[%swap3A_431, %swap3A_432] {strides = array<i32>} : memref<128x128xf32, #tpu.memory_space<vmem>>, vector<1x16xf32>,
        %swap3A_434 = vector.shape_cast %swap3A_433 : vector<1x16xf32> to vector<16xf32>
        %swap3A_435 = vector.shape_cast %mul3A_430 : vector<16xf32> to vector<1x16xf32>
        tpu.vector_store %arg6[%swap3A_431, %swap3A_432], %swap3A_435 {strides = array<i32>} : memref<128x128xf32, #tpu.memory_space<vmem>>, vector<1x16xf32>,
        %broadcast_in_dim3A_436 = arith.constant 4 : i32
        %broadcast_in_dim3A_437 = vector.broadcast %broadcast_in_dim3A_436 : i32 to vector<16x1xi32>
        %gather3A_438 = vector.shape_cast %broadcast_in_dim3A_437 : vector<16x1xi32> to vector<16xi32>
        %gather3A_439 = tpu.dynamic_gather %bitcast_convert_type3A[%gather3A_438] in [0] : vector<16xf32>, vector<16xi32> -> vector<16xf32>
        %mul3A_440 = arith.constant 16 : i32
        %mul3A_441 = arith.muli %scan3A_79, %mul3A_440 : i32
        %add3A_442 = arith.constant 4 : i32
        %add3A_443 = arith.addi %mul3A_441, %add3A_442 : i32
        %get3A_444 = arith.index_cast %add3A_443 : i32 to index
        %get3A_445 = arith.constant 0 : index
        %get3A_446 = tpu.vector_load %arg6[%get3A_444, %get3A_445] {strides = array<i32>} : memref<128x128xf32, #tpu.memory_space<vmem>>, vector<1x16xf32>,
        %get3A_447 = vector.shape_cast %get3A_446 : vector<1x16xf32> to vector<16xf32>
        %mul3A_448 = arith.mulf %get3A_447, %gather3A_439 : vector<16xf32>
        %swap3A_449 = arith.index_cast %add3A_443 : i32 to index
        %swap3A_450 = arith.constant 0 : index
        %swap3A_451 = tpu.vector_load %arg6[%swap3A_449, %swap3A_450] {strides = array<i32>} : memref<128x128xf32, #tpu.memory_space<vmem>>, vector<1x16xf32>,
        %swap3A_452 = vector.shape_cast %swap3A_451 : vector<1x16xf32> to vector<16xf32>
        %swap3A_453 = vector.shape_cast %mul3A_448 : vector<16xf32> to vector<1x16xf32>
        tpu.vector_store %arg6[%swap3A_449, %swap3A_450], %swap3A_453 {strides = array<i32>} : memref<128x128xf32, #tpu.memory_space<vmem>>, vector<1x16xf32>,
        %get3A_454 = arith.index_cast %add3A_443 : i32 to index
        %get3A_455 = arith.constant 16 : index
        %get3A_456 = tpu.vector_load %arg6[%get3A_454, %get3A_455] {strides = array<i32>} : memref<128x128xf32, #tpu.memory_space<vmem>>, vector<1x16xf32>,
        %get3A_457 = vector.shape_cast %get3A_456 : vector<1x16xf32> to vector<16xf32>
        %mul3A_458 = arith.mulf %get3A_457, %gather3A_439 : vector<16xf32>
        %swap3A_459 = arith.index_cast %add3A_443 : i32 to index
        %swap3A_460 = arith.constant 16 : index
        %swap3A_461 = tpu.vector_load %arg6[%swap3A_459, %swap3A_460] {strides = array<i32>} : memref<128x128xf32, #tpu.memory_space<vmem>>, vector<1x16xf32>,
        %swap3A_462 = vector.shape_cast %swap3A_461 : vector<1x16xf32> to vector<16xf32>
        %swap3A_463 = vector.shape_cast %mul3A_458 : vector<16xf32> to vector<1x16xf32>
        tpu.vector_store %arg6[%swap3A_459, %swap3A_460], %swap3A_463 {strides = array<i32>} : memref<128x128xf32, #tpu.memory_space<vmem>>, vector<1x16xf32>,
        %get3A_464 = arith.index_cast %add3A_443 : i32 to index
        %get3A_465 = arith.constant 32 : index
        %get3A_466 = tpu.vector_load %arg6[%get3A_464, %get3A_465] {strides = array<i32>} : memref<128x128xf32, #tpu.memory_space<vmem>>, vector<1x16xf32>,
        %get3A_467 = vector.shape_cast %get3A_466 : vector<1x16xf32> to vector<16xf32>
        %mul3A_468 = arith.mulf %get3A_467, %gather3A_439 : vector<16xf32>
        %swap3A_469 = arith.index_cast %add3A_443 : i32 to index
        %swap3A_470 = arith.constant 32 : index
        %swap3A_471 = tpu.vector_load %arg6[%swap3A_469, %swap3A_470] {strides = array<i32>} : memref<128x128xf32, #tpu.memory_space<vmem>>, vector<1x16xf32>,
        %swap3A_472 = vector.shape_cast %swap3A_471 : vector<1x16xf32> to vector<16xf32>
        %swap3A_473 = vector.shape_cast %mul3A_468 : vector<16xf32> to vector<1x16xf32>
        tpu.vector_store %arg6[%swap3A_469, %swap3A_470], %swap3A_473 {strides = array<i32>} : memref<128x128xf32, #tpu.memory_space<vmem>>, vector<1x16xf32>,
        %get3A_474 = arith.index_cast %add3A_443 : i32 to index
        %get3A_475 = arith.constant 48 : index
        %get3A_476 = tpu.vector_load %arg6[%get3A_474, %get3A_475] {strides = array<i32>} : memref<128x128xf32, #tpu.memory_space<vmem>>, vector<1x16xf32>,
        %get3A_477 = vector.shape_cast %get3A_476 : vector<1x16xf32> to vector<16xf32>
        %mul3A_478 = arith.mulf %get3A_477, %gather3A_439 : vector<16xf32>
        %swap3A_479 = arith.index_cast %add3A_443 : i32 to index
        %swap3A_480 = arith.constant 48 : index
        %swap3A_481 = tpu.vector_load %arg6[%swap3A_479, %swap3A_480] {strides = array<i32>} : memref<128x128xf32, #tpu.memory_space<vmem>>, vector<1x16xf32>,
        %swap3A_482 = vector.shape_cast %swap3A_481 : vector<1x16xf32> to vector<16xf32>
        %swap3A_483 = vector.shape_cast %mul3A_478 : vector<16xf32> to vector<1x16xf32>
        tpu.vector_store %arg6[%swap3A_479, %swap3A_480], %swap3A_483 {strides = array<i32>} : memref<128x128xf32, #tpu.memory_space<vmem>>, vector<1x16xf32>,
        %get3A_484 = arith.index_cast %add3A_443 : i32 to index
        %get3A_485 = arith.constant 64 : index
        %get3A_486 = tpu.vector_load %arg6[%get3A_484, %get3A_485] {strides = array<i32>} : memref<128x128xf32, #tpu.memory_space<vmem>>, vector<1x16xf32>,
        %get3A_487 = vector.shape_cast %get3A_486 : vector<1x16xf32> to vector<16xf32>
        %mul3A_488 = arith.mulf %get3A_487, %gather3A_439 : vector<16xf32>
        %swap3A_489 = arith.index_cast %add3A_443 : i32 to index
        %swap3A_490 = arith.constant 64 : index
        %swap3A_491 = tpu.vector_load %arg6[%swap3A_489, %swap3A_490] {strides = array<i32>} : memref<128x128xf32, #tpu.memory_space<vmem>>, vector<1x16xf32>,
        %swap3A_492 = vector.shape_cast %swap3A_491 : vector<1x16xf32> to vector<16xf32>
        %swap3A_493 = vector.shape_cast %mul3A_488 : vector<16xf32> to vector<1x16xf32>
        tpu.vector_store %arg6[%swap3A_489, %swap3A_490], %swap3A_493 {strides = array<i32>} : memref<128x128xf32, #tpu.memory_space<vmem>>, vector<1x16xf32>,
        %get3A_494 = arith.index_cast %add3A_443 : i32 to index
        %get3A_495 = arith.constant 80 : index
        %get3A_496 = tpu.vector_load %arg6[%get3A_494, %get3A_495] {strides = array<i32>} : memref<128x128xf32, #tpu.memory_space<vmem>>, vector<1x16xf32>,
        %get3A_497 = vector.shape_cast %get3A_496 : vector<1x16xf32> to vector<16xf32>
        %mul3A_498 = arith.mulf %get3A_497, %gather3A_439 : vector<16xf32>
        %swap3A_499 = arith.index_cast %add3A_443 : i32 to index
        %swap3A_500 = arith.constant 80 : index
        %swap3A_501 = tpu.vector_load %arg6[%swap3A_499, %swap3A_500] {strides = array<i32>} : memref<128x128xf32, #tpu.memory_space<vmem>>, vector<1x16xf32>,
        %swap3A_502 = vector.shape_cast %swap3A_501 : vector<1x16xf32> to vector<16xf32>
        %swap3A_503 = vector.shape_cast %mul3A_498 : vector<16xf32> to vector<1x16xf32>
        tpu.vector_store %arg6[%swap3A_499, %swap3A_500], %swap3A_503 {strides = array<i32>} : memref<128x128xf32, #tpu.memory_space<vmem>>, vector<1x16xf32>,
        %get3A_504 = arith.index_cast %add3A_443 : i32 to index
        %get3A_505 = arith.constant 96 : index
        %get3A_506 = tpu.vector_load %arg6[%get3A_504, %get3A_505] {strides = array<i32>} : memref<128x128xf32, #tpu.memory_space<vmem>>, vector<1x16xf32>,
        %get3A_507 = vector.shape_cast %get3A_506 : vector<1x16xf32> to vector<16xf32>
        %mul3A_508 = arith.mulf %get3A_507, %gather3A_439 : vector<16xf32>
        %swap3A_509 = arith.index_cast %add3A_443 : i32 to index
        %swap3A_510 = arith.constant 96 : index
        %swap3A_511 = tpu.vector_load %arg6[%swap3A_509, %swap3A_510] {strides = array<i32>} : memref<128x128xf32, #tpu.memory_space<vmem>>, vector<1x16xf32>,
        %swap3A_512 = vector.shape_cast %swap3A_511 : vector<1x16xf32> to vector<16xf32>
        %swap3A_513 = vector.shape_cast %mul3A_508 : vector<16xf32> to vector<1x16xf32>
        tpu.vector_store %arg6[%swap3A_509, %swap3A_510], %swap3A_513 {strides = array<i32>} : memref<128x128xf32, #tpu.memory_space<vmem>>, vector<1x16xf32>,
        %get3A_514 = arith.index_cast %add3A_443 : i32 to index
        %get3A_515 = arith.constant 112 : index
        %get3A_516 = tpu.vector_load %arg6[%get3A_514, %get3A_515] {strides = array<i32>} : memref<128x128xf32, #tpu.memory_space<vmem>>, vector<1x16xf32>,
        %get3A_517 = vector.shape_cast %get3A_516 : vector<1x16xf32> to vector<16xf32>
        %mul3A_518 = arith.mulf %get3A_517, %gather3A_439 : vector<16xf32>
        %swap3A_519 = arith.index_cast %add3A_443 : i32 to index
        %swap3A_520 = arith.constant 112 : index
        %swap3A_521 = tpu.vector_load %arg6[%swap3A_519, %swap3A_520] {strides = array<i32>} : memref<128x128xf32, #tpu.memory_space<vmem>>, vector<1x16xf32>,
        %swap3A_522 = vector.shape_cast %swap3A_521 : vector<1x16xf32> to vector<16xf32>
        %swap3A_523 = vector.shape_cast %mul3A_518 : vector<16xf32> to vector<1x16xf32>
        tpu.vector_store %arg6[%swap3A_519, %swap3A_520], %swap3A_523 {strides = array<i32>} : memref<128x128xf32, #tpu.memory_space<vmem>>, vector<1x16xf32>,
        %broadcast_in_dim3A_524 = arith.constant 5 : i32
        %broadcast_in_dim3A_525 = vector.broadcast %broadcast_in_dim3A_524 : i32 to vector<16x1xi32>
        %gather3A_526 = vector.shape_cast %broadcast_in_dim3A_525 : vector<16x1xi32> to vector<16xi32>
        %gather3A_527 = tpu.dynamic_gather %bitcast_convert_type3A[%gather3A_526] in [0] : vector<16xf32>, vector<16xi32> -> vector<16xf32>
        %mul3A_528 = arith.constant 16 : i32
        %mul3A_529 = arith.muli %scan3A_79, %mul3A_528 : i32
        %add3A_530 = arith.constant 5 : i32
        %add3A_531 = arith.addi %mul3A_529, %add3A_530 : i32
        %get3A_532 = arith.index_cast %add3A_531 : i32 to index
        %get3A_533 = arith.constant 0 : index
        %get3A_534 = tpu.vector_load %arg6[%get3A_532, %get3A_533] {strides = array<i32>} : memref<128x128xf32, #tpu.memory_space<vmem>>, vector<1x16xf32>,
        %get3A_535 = vector.shape_cast %get3A_534 : vector<1x16xf32> to vector<16xf32>
        %mul3A_536 = arith.mulf %get3A_535, %gather3A_527 : vector<16xf32>
        %swap3A_537 = arith.index_cast %add3A_531 : i32 to index
        %swap3A_538 = arith.constant 0 : index
        %swap3A_539 = tpu.vector_load %arg6[%swap3A_537, %swap3A_538] {strides = array<i32>} : memref<128x128xf32, #tpu.memory_space<vmem>>, vector<1x16xf32>,
        %swap3A_540 = vector.shape_cast %swap3A_539 : vector<1x16xf32> to vector<16xf32>
        %swap3A_541 = vector.shape_cast %mul3A_536 : vector<16xf32> to vector<1x16xf32>
        tpu.vector_store %arg6[%swap3A_537, %swap3A_538], %swap3A_541 {strides = array<i32>} : memref<128x128xf32, #tpu.memory_space<vmem>>, vector<1x16xf32>,
        %get3A_542 = arith.index_cast %add3A_531 : i32 to index
        %get3A_543 = arith.constant 16 : index
        %get3A_544 = tpu.vector_load %arg6[%get3A_542, %get3A_543] {strides = array<i32>} : memref<128x128xf32, #tpu.memory_space<vmem>>, vector<1x16xf32>,
        %get3A_545 = vector.shape_cast %get3A_544 : vector<1x16xf32> to vector<16xf32>
        %mul3A_546 = arith.mulf %get3A_545, %gather3A_527 : vector<16xf32>
        %swap3A_547 = arith.index_cast %add3A_531 : i32 to index
        %swap3A_548 = arith.constant 16 : index
        %swap3A_549 = tpu.vector_load %arg6[%swap3A_547, %swap3A_548] {strides = array<i32>} : memref<128x128xf32, #tpu.memory_space<vmem>>, vector<1x16xf32>,
        %swap3A_550 = vector.shape_cast %swap3A_549 : vector<1x16xf32> to vector<16xf32>
        %swap3A_551 = vector.shape_cast %mul3A_546 : vector<16xf32> to vector<1x16xf32>
        tpu.vector_store %arg6[%swap3A_547, %swap3A_548], %swap3A_551 {strides = array<i32>} : memref<128x128xf32, #tpu.memory_space<vmem>>, vector<1x16xf32>,
        %get3A_552 = arith.index_cast %add3A_531 : i32 to index
        %get3A_553 = arith.constant 32 : index
        %get3A_554 = tpu.vector_load %arg6[%get3A_552, %get3A_553] {strides = array<i32>} : memref<128x128xf32, #tpu.memory_space<vmem>>, vector<1x16xf32>,
        %get3A_555 = vector.shape_cast %get3A_554 : vector<1x16xf32> to vector<16xf32>
        %mul3A_556 = arith.mulf %get3A_555, %gather3A_527 : vector<16xf32>
        %swap3A_557 = arith.index_cast %add3A_531 : i32 to index
        %swap3A_558 = arith.constant 32 : index
        %swap3A_559 = tpu.vector_load %arg6[%swap3A_557, %swap3A_558] {strides = array<i32>} : memref<128x128xf32, #tpu.memory_space<vmem>>, vector<1x16xf32>,
        %swap3A_560 = vector.shape_cast %swap3A_559 : vector<1x16xf32> to vector<16xf32>
        %swap3A_561 = vector.shape_cast %mul3A_556 : vector<16xf32> to vector<1x16xf32>
        tpu.vector_store %arg6[%swap3A_557, %swap3A_558], %swap3A_561 {strides = array<i32>} : memref<128x128xf32, #tpu.memory_space<vmem>>, vector<1x16xf32>,
        %get3A_562 = arith.index_cast %add3A_531 : i32 to index
        %get3A_563 = arith.constant 48 : index
        %get3A_564 = tpu.vector_load %arg6[%get3A_562, %get3A_563] {strides = array<i32>} : memref<128x128xf32, #tpu.memory_space<vmem>>, vector<1x16xf32>,
        %get3A_565 = vector.shape_cast %get3A_564 : vector<1x16xf32> to vector<16xf32>
        %mul3A_566 = arith.mulf %get3A_565, %gather3A_527 : vector<16xf32>
        %swap3A_567 = arith.index_cast %add3A_531 : i32 to index
        %swap3A_568 = arith.constant 48 : index
        %swap3A_569 = tpu.vector_load %arg6[%swap3A_567, %swap3A_568] {strides = array<i32>} : memref<128x128xf32, #tpu.memory_space<vmem>>, vector<1x16xf32>,
        %swap3A_570 = vector.shape_cast %swap3A_569 : vector<1x16xf32> to vector<16xf32>
        %swap3A_571 = vector.shape_cast %mul3A_566 : vector<16xf32> to vector<1x16xf32>
        tpu.vector_store %arg6[%swap3A_567, %swap3A_568], %swap3A_571 {strides = array<i32>} : memref<128x128xf32, #tpu.memory_space<vmem>>, vector<1x16xf32>,
        %get3A_572 = arith.index_cast %add3A_531 : i32 to index
        %get3A_573 = arith.constant 64 : index
        %get3A_574 = tpu.vector_load %arg6[%get3A_572, %get3A_573] {strides = array<i32>} : memref<128x128xf32, #tpu.memory_space<vmem>>, vector<1x16xf32>,
        %get3A_575 = vector.shape_cast %get3A_574 : vector<1x16xf32> to vector<16xf32>
        %mul3A_576 = arith.mulf %get3A_575, %gather3A_527 : vector<16xf32>
        %swap3A_577 = arith.index_cast %add3A_531 : i32 to index
        %swap3A_578 = arith.constant 64 : index
        %swap3A_579 = tpu.vector_load %arg6[%swap3A_577, %swap3A_578] {strides = array<i32>} : memref<128x128xf32, #tpu.memory_space<vmem>>, vector<1x16xf32>,
        %swap3A_580 = vector.shape_cast %swap3A_579 : vector<1x16xf32> to vector<16xf32>
        %swap3A_581 = vector.shape_cast %mul3A_576 : vector<16xf32> to vector<1x16xf32>
        tpu.vector_store %arg6[%swap3A_577, %swap3A_578], %swap3A_581 {strides = array<i32>} : memref<128x128xf32, #tpu.memory_space<vmem>>, vector<1x16xf32>,
        %get3A_582 = arith.index_cast %add3A_531 : i32 to index
        %get3A_583 = arith.constant 80 : index
        %get3A_584 = tpu.vector_load %arg6[%get3A_582, %get3A_583] {strides = array<i32>} : memref<128x128xf32, #tpu.memory_space<vmem>>, vector<1x16xf32>,
        %get3A_585 = vector.shape_cast %get3A_584 : vector<1x16xf32> to vector<16xf32>
        %mul3A_586 = arith.mulf %get3A_585, %gather3A_527 : vector<16xf32>
        %swap3A_587 = arith.index_cast %add3A_531 : i32 to index
        %swap3A_588 = arith.constant 80 : index
        %swap3A_589 = tpu.vector_load %arg6[%swap3A_587, %swap3A_588] {strides = array<i32>} : memref<128x128xf32, #tpu.memory_space<vmem>>, vector<1x16xf32>,
        %swap3A_590 = vector.shape_cast %swap3A_589 : vector<1x16xf32> to vector<16xf32>
        %swap3A_591 = vector.shape_cast %mul3A_586 : vector<16xf32> to vector<1x16xf32>
        tpu.vector_store %arg6[%swap3A_587, %swap3A_588], %swap3A_591 {strides = array<i32>} : memref<128x128xf32, #tpu.memory_space<vmem>>, vector<1x16xf32>,
        %get3A_592 = arith.index_cast %add3A_531 : i32 to index
        %get3A_593 = arith.constant 96 : index
        %get3A_594 = tpu.vector_load %arg6[%get3A_592, %get3A_593] {strides = array<i32>} : memref<128x128xf32, #tpu.memory_space<vmem>>, vector<1x16xf32>,
        %get3A_595 = vector.shape_cast %get3A_594 : vector<1x16xf32> to vector<16xf32>
        %mul3A_596 = arith.mulf %get3A_595, %gather3A_527 : vector<16xf32>
        %swap3A_597 = arith.index_cast %add3A_531 : i32 to index
        %swap3A_598 = arith.constant 96 : index
        %swap3A_599 = tpu.vector_load %arg6[%swap3A_597, %swap3A_598] {strides = array<i32>} : memref<128x128xf32, #tpu.memory_space<vmem>>, vector<1x16xf32>,
        %swap3A_600 = vector.shape_cast %swap3A_599 : vector<1x16xf32> to vector<16xf32>
        %swap3A_601 = vector.shape_cast %mul3A_596 : vector<16xf32> to vector<1x16xf32>
        tpu.vector_store %arg6[%swap3A_597, %swap3A_598], %swap3A_601 {strides = array<i32>} : memref<128x128xf32, #tpu.memory_space<vmem>>, vector<1x16xf32>,
        %get3A_602 = arith.index_cast %add3A_531 : i32 to index
        %get3A_603 = arith.constant 112 : index
        %get3A_604 = tpu.vector_load %arg6[%get3A_602, %get3A_603] {strides = array<i32>} : memref<128x128xf32, #tpu.memory_space<vmem>>, vector<1x16xf32>,
        %get3A_605 = vector.shape_cast %get3A_604 : vector<1x16xf32> to vector<16xf32>
        %mul3A_606 = arith.mulf %get3A_605, %gather3A_527 : vector<16xf32>
        %swap3A_607 = arith.index_cast %add3A_531 : i32 to index
        %swap3A_608 = arith.constant 112 : index
        %swap3A_609 = tpu.vector_load %arg6[%swap3A_607, %swap3A_608] {strides = array<i32>} : memref<128x128xf32, #tpu.memory_space<vmem>>, vector<1x16xf32>,
        %swap3A_610 = vector.shape_cast %swap3A_609 : vector<1x16xf32> to vector<16xf32>
        %swap3A_611 = vector.shape_cast %mul3A_606 : vector<16xf32> to vector<1x16xf32>
        tpu.vector_store %arg6[%swap3A_607, %swap3A_608], %swap3A_611 {strides = array<i32>} : memref<128x128xf32, #tpu.memory_space<vmem>>, vector<1x16xf32>,
        %broadcast_in_dim3A_612 = arith.constant 6 : i32
        %broadcast_in_dim3A_613 = vector.broadcast %broadcast_in_dim3A_612 : i32 to vector<16x1xi32>
        %gather3A_614 = vector.shape_cast %broadcast_in_dim3A_613 : vector<16x1xi32> to vector<16xi32>
        %gather3A_615 = tpu.dynamic_gather %bitcast_convert_type3A[%gather3A_614] in [0] : vector<16xf32>, vector<16xi32> -> vector<16xf32>
        %mul3A_616 = arith.constant 16 : i32
        %mul3A_617 = arith.muli %scan3A_79, %mul3A_616 : i32
        %add3A_618 = arith.constant 6 : i32
        %add3A_619 = arith.addi %mul3A_617, %add3A_618 : i32
        %get3A_620 = arith.index_cast %add3A_619 : i32 to index
        %get3A_621 = arith.constant 0 : index
        %get3A_622 = tpu.vector_load %arg6[%get3A_620, %get3A_621] {strides = array<i32>} : memref<128x128xf32, #tpu.memory_space<vmem>>, vector<1x16xf32>,
        %get3A_623 = vector.shape_cast %get3A_622 : vector<1x16xf32> to vector<16xf32>
        %mul3A_624 = arith.mulf %get3A_623, %gather3A_615 : vector<16xf32>
        %swap3A_625 = arith.index_cast %add3A_619 : i32 to index
        %swap3A_626 = arith.constant 0 : index
        %swap3A_627 = tpu.vector_load %arg6[%swap3A_625, %swap3A_626] {strides = array<i32>} : memref<128x128xf32, #tpu.memory_space<vmem>>, vector<1x16xf32>,
        %swap3A_628 = vector.shape_cast %swap3A_627 : vector<1x16xf32> to vector<16xf32>
        %swap3A_629 = vector.shape_cast %mul3A_624 : vector<16xf32> to vector<1x16xf32>
        tpu.vector_store %arg6[%swap3A_625, %swap3A_626], %swap3A_629 {strides = array<i32>} : memref<128x128xf32, #tpu.memory_space<vmem>>, vector<1x16xf32>,
        %get3A_630 = arith.index_cast %add3A_619 : i32 to index
        %get3A_631 = arith.constant 16 : index
        %get3A_632 = tpu.vector_load %arg6[%get3A_630, %get3A_631] {strides = array<i32>} : memref<128x128xf32, #tpu.memory_space<vmem>>, vector<1x16xf32>,
        %get3A_633 = vector.shape_cast %get3A_632 : vector<1x16xf32> to vector<16xf32>
        %mul3A_634 = arith.mulf %get3A_633, %gather3A_615 : vector<16xf32>
        %swap3A_635 = arith.index_cast %add3A_619 : i32 to index
        %swap3A_636 = arith.constant 16 : index
        %swap3A_637 = tpu.vector_load %arg6[%swap3A_635, %swap3A_636] {strides = array<i32>} : memref<128x128xf32, #tpu.memory_space<vmem>>, vector<1x16xf32>,
        %swap3A_638 = vector.shape_cast %swap3A_637 : vector<1x16xf32> to vector<16xf32>
        %swap3A_639 = vector.shape_cast %mul3A_634 : vector<16xf32> to vector<1x16xf32>
        tpu.vector_store %arg6[%swap3A_635, %swap3A_636], %swap3A_639 {strides = array<i32>} : memref<128x128xf32, #tpu.memory_space<vmem>>, vector<1x16xf32>,
        %get3A_640 = arith.index_cast %add3A_619 : i32 to index
        %get3A_641 = arith.constant 32 : index
        %get3A_642 = tpu.vector_load %arg6[%get3A_640, %get3A_641] {strides = array<i32>} : memref<128x128xf32, #tpu.memory_space<vmem>>, vector<1x16xf32>,
        %get3A_643 = vector.shape_cast %get3A_642 : vector<1x16xf32> to vector<16xf32>
        %mul3A_644 = arith.mulf %get3A_643, %gather3A_615 : vector<16xf32>
        %swap3A_645 = arith.index_cast %add3A_619 : i32 to index
        %swap3A_646 = arith.constant 32 : index
        %swap3A_647 = tpu.vector_load %arg6[%swap3A_645, %swap3A_646] {strides = array<i32>} : memref<128x128xf32, #tpu.memory_space<vmem>>, vector<1x16xf32>,
        %swap3A_648 = vector.shape_cast %swap3A_647 : vector<1x16xf32> to vector<16xf32>
        %swap3A_649 = vector.shape_cast %mul3A_644 : vector<16xf32> to vector<1x16xf32>
        tpu.vector_store %arg6[%swap3A_645, %swap3A_646], %swap3A_649 {strides = array<i32>} : memref<128x128xf32, #tpu.memory_space<vmem>>, vector<1x16xf32>,
        %get3A_650 = arith.index_cast %add3A_619 : i32 to index
        %get3A_651 = arith.constant 48 : index
        %get3A_652 = tpu.vector_load %arg6[%get3A_650, %get3A_651] {strides = array<i32>} : memref<128x128xf32, #tpu.memory_space<vmem>>, vector<1x16xf32>,
        %get3A_653 = vector.shape_cast %get3A_652 : vector<1x16xf32> to vector<16xf32>
        %mul3A_654 = arith.mulf %get3A_653, %gather3A_615 : vector<16xf32>
        %swap3A_655 = arith.index_cast %add3A_619 : i32 to index
        %swap3A_656 = arith.constant 48 : index
        %swap3A_657 = tpu.vector_load %arg6[%swap3A_655, %swap3A_656] {strides = array<i32>} : memref<128x128xf32, #tpu.memory_space<vmem>>, vector<1x16xf32>,
        %swap3A_658 = vector.shape_cast %swap3A_657 : vector<1x16xf32> to vector<16xf32>
        %swap3A_659 = vector.shape_cast %mul3A_654 : vector<16xf32> to vector<1x16xf32>
        tpu.vector_store %arg6[%swap3A_655, %swap3A_656], %swap3A_659 {strides = array<i32>} : memref<128x128xf32, #tpu.memory_space<vmem>>, vector<1x16xf32>,
        %get3A_660 = arith.index_cast %add3A_619 : i32 to index
        %get3A_661 = arith.constant 64 : index
        %get3A_662 = tpu.vector_load %arg6[%get3A_660, %get3A_661] {strides = array<i32>} : memref<128x128xf32, #tpu.memory_space<vmem>>, vector<1x16xf32>,
        %get3A_663 = vector.shape_cast %get3A_662 : vector<1x16xf32> to vector<16xf32>
        %mul3A_664 = arith.mulf %get3A_663, %gather3A_615 : vector<16xf32>
        %swap3A_665 = arith.index_cast %add3A_619 : i32 to index
        %swap3A_666 = arith.constant 64 : index
        %swap3A_667 = tpu.vector_load %arg6[%swap3A_665, %swap3A_666] {strides = array<i32>} : memref<128x128xf32, #tpu.memory_space<vmem>>, vector<1x16xf32>,
        %swap3A_668 = vector.shape_cast %swap3A_667 : vector<1x16xf32> to vector<16xf32>
        %swap3A_669 = vector.shape_cast %mul3A_664 : vector<16xf32> to vector<1x16xf32>
        tpu.vector_store %arg6[%swap3A_665, %swap3A_666], %swap3A_669 {strides = array<i32>} : memref<128x128xf32, #tpu.memory_space<vmem>>, vector<1x16xf32>,
        %get3A_670 = arith.index_cast %add3A_619 : i32 to index
        %get3A_671 = arith.constant 80 : index
        %get3A_672 = tpu.vector_load %arg6[%get3A_670, %get3A_671] {strides = array<i32>} : memref<128x128xf32, #tpu.memory_space<vmem>>, vector<1x16xf32>,
        %get3A_673 = vector.shape_cast %get3A_672 : vector<1x16xf32> to vector<16xf32>
        %mul3A_674 = arith.mulf %get3A_673, %gather3A_615 : vector<16xf32>
        %swap3A_675 = arith.index_cast %add3A_619 : i32 to index
        %swap3A_676 = arith.constant 80 : index
        %swap3A_677 = tpu.vector_load %arg6[%swap3A_675, %swap3A_676] {strides = array<i32>} : memref<128x128xf32, #tpu.memory_space<vmem>>, vector<1x16xf32>,
        %swap3A_678 = vector.shape_cast %swap3A_677 : vector<1x16xf32> to vector<16xf32>
        %swap3A_679 = vector.shape_cast %mul3A_674 : vector<16xf32> to vector<1x16xf32>
        tpu.vector_store %arg6[%swap3A_675, %swap3A_676], %swap3A_679 {strides = array<i32>} : memref<128x128xf32, #tpu.memory_space<vmem>>, vector<1x16xf32>,
        %get3A_680 = arith.index_cast %add3A_619 : i32 to index
        %get3A_681 = arith.constant 96 : index
        %get3A_682 = tpu.vector_load %arg6[%get3A_680, %get3A_681] {strides = array<i32>} : memref<128x128xf32, #tpu.memory_space<vmem>>, vector<1x16xf32>,
        %get3A_683 = vector.shape_cast %get3A_682 : vector<1x16xf32> to vector<16xf32>
        %mul3A_684 = arith.mulf %get3A_683, %gather3A_615 : vector<16xf32>
        %swap3A_685 = arith.index_cast %add3A_619 : i32 to index
        %swap3A_686 = arith.constant 96 : index
        %swap3A_687 = tpu.vector_load %arg6[%swap3A_685, %swap3A_686] {strides = array<i32>} : memref<128x128xf32, #tpu.memory_space<vmem>>, vector<1x16xf32>,
        %swap3A_688 = vector.shape_cast %swap3A_687 : vector<1x16xf32> to vector<16xf32>
        %swap3A_689 = vector.shape_cast %mul3A_684 : vector<16xf32> to vector<1x16xf32>
        tpu.vector_store %arg6[%swap3A_685, %swap3A_686], %swap3A_689 {strides = array<i32>} : memref<128x128xf32, #tpu.memory_space<vmem>>, vector<1x16xf32>,
        %get3A_690 = arith.index_cast %add3A_619 : i32 to index
        %get3A_691 = arith.constant 112 : index
        %get3A_692 = tpu.vector_load %arg6[%get3A_690, %get3A_691] {strides = array<i32>} : memref<128x128xf32, #tpu.memory_space<vmem>>, vector<1x16xf32>,
        %get3A_693 = vector.shape_cast %get3A_692 : vector<1x16xf32> to vector<16xf32>
        %mul3A_694 = arith.mulf %get3A_693, %gather3A_615 : vector<16xf32>
        %swap3A_695 = arith.index_cast %add3A_619 : i32 to index
        %swap3A_696 = arith.constant 112 : index
        %swap3A_697 = tpu.vector_load %arg6[%swap3A_695, %swap3A_696] {strides = array<i32>} : memref<128x128xf32, #tpu.memory_space<vmem>>, vector<1x16xf32>,
        %swap3A_698 = vector.shape_cast %swap3A_697 : vector<1x16xf32> to vector<16xf32>
        %swap3A_699 = vector.shape_cast %mul3A_694 : vector<16xf32> to vector<1x16xf32>
        tpu.vector_store %arg6[%swap3A_695, %swap3A_696], %swap3A_699 {strides = array<i32>} : memref<128x128xf32, #tpu.memory_space<vmem>>, vector<1x16xf32>,
        %broadcast_in_dim3A_700 = arith.constant 7 : i32
        %broadcast_in_dim3A_701 = vector.broadcast %broadcast_in_dim3A_700 : i32 to vector<16x1xi32>
        %gather3A_702 = vector.shape_cast %broadcast_in_dim3A_701 : vector<16x1xi32> to vector<16xi32>
        %gather3A_703 = tpu.dynamic_gather %bitcast_convert_type3A[%gather3A_702] in [0] : vector<16xf32>, vector<16xi32> -> vector<16xf32>
        %mul3A_704 = arith.constant 16 : i32
        %mul3A_705 = arith.muli %scan3A_79, %mul3A_704 : i32
        %add3A_706 = arith.constant 7 : i32
        %add3A_707 = arith.addi %mul3A_705, %add3A_706 : i32
        %get3A_708 = arith.index_cast %add3A_707 : i32 to index
        %get3A_709 = arith.constant 0 : index
        %get3A_710 = tpu.vector_load %arg6[%get3A_708, %get3A_709] {strides = array<i32>} : memref<128x128xf32, #tpu.memory_space<vmem>>, vector<1x16xf32>,
        %get3A_711 = vector.shape_cast %get3A_710 : vector<1x16xf32> to vector<16xf32>
        %mul3A_712 = arith.mulf %get3A_711, %gather3A_703 : vector<16xf32>
        %swap3A_713 = arith.index_cast %add3A_707 : i32 to index
        %swap3A_714 = arith.constant 0 : index
        %swap3A_715 = tpu.vector_load %arg6[%swap3A_713, %swap3A_714] {strides = array<i32>} : memref<128x128xf32, #tpu.memory_space<vmem>>, vector<1x16xf32>,
        %swap3A_716 = vector.shape_cast %swap3A_715 : vector<1x16xf32> to vector<16xf32>
        %swap3A_717 = vector.shape_cast %mul3A_712 : vector<16xf32> to vector<1x16xf32>
        tpu.vector_store %arg6[%swap3A_713, %swap3A_714], %swap3A_717 {strides = array<i32>} : memref<128x128xf32, #tpu.memory_space<vmem>>, vector<1x16xf32>,
        %get3A_718 = arith.index_cast %add3A_707 : i32 to index
        %get3A_719 = arith.constant 16 : index
        %get3A_720 = tpu.vector_load %arg6[%get3A_718, %get3A_719] {strides = array<i32>} : memref<128x128xf32, #tpu.memory_space<vmem>>, vector<1x16xf32>,
        %get3A_721 = vector.shape_cast %get3A_720 : vector<1x16xf32> to vector<16xf32>
        %mul3A_722 = arith.mulf %get3A_721, %gather3A_703 : vector<16xf32>
        %swap3A_723 = arith.index_cast %add3A_707 : i32 to index
        %swap3A_724 = arith.constant 16 : index
        %swap3A_725 = tpu.vector_load %arg6[%swap3A_723, %swap3A_724] {strides = array<i32>} : memref<128x128xf32, #tpu.memory_space<vmem>>, vector<1x16xf32>,
        %swap3A_726 = vector.shape_cast %swap3A_725 : vector<1x16xf32> to vector<16xf32>
        %swap3A_727 = vector.shape_cast %mul3A_722 : vector<16xf32> to vector<1x16xf32>
        tpu.vector_store %arg6[%swap3A_723, %swap3A_724], %swap3A_727 {strides = array<i32>} : memref<128x128xf32, #tpu.memory_space<vmem>>, vector<1x16xf32>,
        %get3A_728 = arith.index_cast %add3A_707 : i32 to index
        %get3A_729 = arith.constant 32 : index
        %get3A_730 = tpu.vector_load %arg6[%get3A_728, %get3A_729] {strides = array<i32>} : memref<128x128xf32, #tpu.memory_space<vmem>>, vector<1x16xf32>,
        %get3A_731 = vector.shape_cast %get3A_730 : vector<1x16xf32> to vector<16xf32>
        %mul3A_732 = arith.mulf %get3A_731, %gather3A_703 : vector<16xf32>
        %swap3A_733 = arith.index_cast %add3A_707 : i32 to index
        %swap3A_734 = arith.constant 32 : index
        %swap3A_735 = tpu.vector_load %arg6[%swap3A_733, %swap3A_734] {strides = array<i32>} : memref<128x128xf32, #tpu.memory_space<vmem>>, vector<1x16xf32>,
        %swap3A_736 = vector.shape_cast %swap3A_735 : vector<1x16xf32> to vector<16xf32>
        %swap3A_737 = vector.shape_cast %mul3A_732 : vector<16xf32> to vector<1x16xf32>
        tpu.vector_store %arg6[%swap3A_733, %swap3A_734], %swap3A_737 {strides = array<i32>} : memref<128x128xf32, #tpu.memory_space<vmem>>, vector<1x16xf32>,
        %get3A_738 = arith.index_cast %add3A_707 : i32 to index
        %get3A_739 = arith.constant 48 : index
        %get3A_740 = tpu.vector_load %arg6[%get3A_738, %get3A_739] {strides = array<i32>} : memref<128x128xf32, #tpu.memory_space<vmem>>, vector<1x16xf32>,
        %get3A_741 = vector.shape_cast %get3A_740 : vector<1x16xf32> to vector<16xf32>
        %mul3A_742 = arith.mulf %get3A_741, %gather3A_703 : vector<16xf32>
        %swap3A_743 = arith.index_cast %add3A_707 : i32 to index
        %swap3A_744 = arith.constant 48 : index
        %swap3A_745 = tpu.vector_load %arg6[%swap3A_743, %swap3A_744] {strides = array<i32>} : memref<128x128xf32, #tpu.memory_space<vmem>>, vector<1x16xf32>,
        %swap3A_746 = vector.shape_cast %swap3A_745 : vector<1x16xf32> to vector<16xf32>
        %swap3A_747 = vector.shape_cast %mul3A_742 : vector<16xf32> to vector<1x16xf32>
        tpu.vector_store %arg6[%swap3A_743, %swap3A_744], %swap3A_747 {strides = array<i32>} : memref<128x128xf32, #tpu.memory_space<vmem>>, vector<1x16xf32>,
        %get3A_748 = arith.index_cast %add3A_707 : i32 to index
        %get3A_749 = arith.constant 64 : index
        %get3A_750 = tpu.vector_load %arg6[%get3A_748, %get3A_749] {strides = array<i32>} : memref<128x128xf32, #tpu.memory_space<vmem>>, vector<1x16xf32>,
        %get3A_751 = vector.shape_cast %get3A_750 : vector<1x16xf32> to vector<16xf32>
        %mul3A_752 = arith.mulf %get3A_751, %gather3A_703 : vector<16xf32>
        %swap3A_753 = arith.index_cast %add3A_707 : i32 to index
        %swap3A_754 = arith.constant 64 : index
        %swap3A_755 = tpu.vector_load %arg6[%swap3A_753, %swap3A_754] {strides = array<i32>} : memref<128x128xf32, #tpu.memory_space<vmem>>, vector<1x16xf32>,
        %swap3A_756 = vector.shape_cast %swap3A_755 : vector<1x16xf32> to vector<16xf32>
        %swap3A_757 = vector.shape_cast %mul3A_752 : vector<16xf32> to vector<1x16xf32>
        tpu.vector_store %arg6[%swap3A_753, %swap3A_754], %swap3A_757 {strides = array<i32>} : memref<128x128xf32, #tpu.memory_space<vmem>>, vector<1x16xf32>,
        %get3A_758 = arith.index_cast %add3A_707 : i32 to index
        %get3A_759 = arith.constant 80 : index
        %get3A_760 = tpu.vector_load %arg6[%get3A_758, %get3A_759] {strides = array<i32>} : memref<128x128xf32, #tpu.memory_space<vmem>>, vector<1x16xf32>,
        %get3A_761 = vector.shape_cast %get3A_760 : vector<1x16xf32> to vector<16xf32>
        %mul3A_762 = arith.mulf %get3A_761, %gather3A_703 : vector<16xf32>
        %swap3A_763 = arith.index_cast %add3A_707 : i32 to index
        %swap3A_764 = arith.constant 80 : index
        %swap3A_765 = tpu.vector_load %arg6[%swap3A_763, %swap3A_764] {strides = array<i32>} : memref<128x128xf32, #tpu.memory_space<vmem>>, vector<1x16xf32>,
        %swap3A_766 = vector.shape_cast %swap3A_765 : vector<1x16xf32> to vector<16xf32>
        %swap3A_767 = vector.shape_cast %mul3A_762 : vector<16xf32> to vector<1x16xf32>
        tpu.vector_store %arg6[%swap3A_763, %swap3A_764], %swap3A_767 {strides = array<i32>} : memref<128x128xf32, #tpu.memory_space<vmem>>, vector<1x16xf32>,
        %get3A_768 = arith.index_cast %add3A_707 : i32 to index
        %get3A_769 = arith.constant 96 : index
        %get3A_770 = tpu.vector_load %arg6[%get3A_768, %get3A_769] {strides = array<i32>} : memref<128x128xf32, #tpu.memory_space<vmem>>, vector<1x16xf32>,
        %get3A_771 = vector.shape_cast %get3A_770 : vector<1x16xf32> to vector<16xf32>
        %mul3A_772 = arith.mulf %get3A_771, %gather3A_703 : vector<16xf32>
        %swap3A_773 = arith.index_cast %add3A_707 : i32 to index
        %swap3A_774 = arith.constant 96 : index
        %swap3A_775 = tpu.vector_load %arg6[%swap3A_773, %swap3A_774] {strides = array<i32>} : memref<128x128xf32, #tpu.memory_space<vmem>>, vector<1x16xf32>,
        %swap3A_776 = vector.shape_cast %swap3A_775 : vector<1x16xf32> to vector<16xf32>
        %swap3A_777 = vector.shape_cast %mul3A_772 : vector<16xf32> to vector<1x16xf32>
        tpu.vector_store %arg6[%swap3A_773, %swap3A_774], %swap3A_777 {strides = array<i32>} : memref<128x128xf32, #tpu.memory_space<vmem>>, vector<1x16xf32>,
        %get3A_778 = arith.index_cast %add3A_707 : i32 to index
        %get3A_779 = arith.constant 112 : index
        %get3A_780 = tpu.vector_load %arg6[%get3A_778, %get3A_779] {strides = array<i32>} : memref<128x128xf32, #tpu.memory_space<vmem>>, vector<1x16xf32>,
        %get3A_781 = vector.shape_cast %get3A_780 : vector<1x16xf32> to vector<16xf32>
        %mul3A_782 = arith.mulf %get3A_781, %gather3A_703 : vector<16xf32>
        %swap3A_783 = arith.index_cast %add3A_707 : i32 to index
        %swap3A_784 = arith.constant 112 : index
        %swap3A_785 = tpu.vector_load %arg6[%swap3A_783, %swap3A_784] {strides = array<i32>} : memref<128x128xf32, #tpu.memory_space<vmem>>, vector<1x16xf32>,
        %swap3A_786 = vector.shape_cast %swap3A_785 : vector<1x16xf32> to vector<16xf32>
        %swap3A_787 = vector.shape_cast %mul3A_782 : vector<16xf32> to vector<1x16xf32>
        tpu.vector_store %arg6[%swap3A_783, %swap3A_784], %swap3A_787 {strides = array<i32>} : memref<128x128xf32, #tpu.memory_space<vmem>>, vector<1x16xf32>,
        %broadcast_in_dim3A_788 = arith.constant 8 : i32
        %broadcast_in_dim3A_789 = vector.broadcast %broadcast_in_dim3A_788 : i32 to vector<16x1xi32>
        %gather3A_790 = vector.shape_cast %broadcast_in_dim3A_789 : vector<16x1xi32> to vector<16xi32>
        %gather3A_791 = tpu.dynamic_gather %bitcast_convert_type3A[%gather3A_790] in [0] : vector<16xf32>, vector<16xi32> -> vector<16xf32>
        %mul3A_792 = arith.constant 16 : i32
        %mul3A_793 = arith.muli %scan3A_79, %mul3A_792 : i32
        %add3A_794 = arith.constant 8 : i32
        %add3A_795 = arith.addi %mul3A_793, %add3A_794 : i32
        %get3A_796 = arith.index_cast %add3A_795 : i32 to index
        %get3A_797 = arith.constant 0 : index
        %get3A_798 = tpu.vector_load %arg6[%get3A_796, %get3A_797] {strides = array<i32>} : memref<128x128xf32, #tpu.memory_space<vmem>>, vector<1x16xf32>,
        %get3A_799 = vector.shape_cast %get3A_798 : vector<1x16xf32> to vector<16xf32>
        %mul3A_800 = arith.mulf %get3A_799, %gather3A_791 : vector<16xf32>
        %swap3A_801 = arith.index_cast %add3A_795 : i32 to index
        %swap3A_802 = arith.constant 0 : index
        %swap3A_803 = tpu.vector_load %arg6[%swap3A_801, %swap3A_802] {strides = array<i32>} : memref<128x128xf32, #tpu.memory_space<vmem>>, vector<1x16xf32>,
        %swap3A_804 = vector.shape_cast %swap3A_803 : vector<1x16xf32> to vector<16xf32>
        %swap3A_805 = vector.shape_cast %mul3A_800 : vector<16xf32> to vector<1x16xf32>
        tpu.vector_store %arg6[%swap3A_801, %swap3A_802], %swap3A_805 {strides = array<i32>} : memref<128x128xf32, #tpu.memory_space<vmem>>, vector<1x16xf32>,
        %get3A_806 = arith.index_cast %add3A_795 : i32 to index
        %get3A_807 = arith.constant 16 : index
        %get3A_808 = tpu.vector_load %arg6[%get3A_806, %get3A_807] {strides = array<i32>} : memref<128x128xf32, #tpu.memory_space<vmem>>, vector<1x16xf32>,
        %get3A_809 = vector.shape_cast %get3A_808 : vector<1x16xf32> to vector<16xf32>
        %mul3A_810 = arith.mulf %get3A_809, %gather3A_791 : vector<16xf32>
        %swap3A_811 = arith.index_cast %add3A_795 : i32 to index
        %swap3A_812 = arith.constant 16 : index
        %swap3A_813 = tpu.vector_load %arg6[%swap3A_811, %swap3A_812] {strides = array<i32>} : memref<128x128xf32, #tpu.memory_space<vmem>>, vector<1x16xf32>,
        %swap3A_814 = vector.shape_cast %swap3A_813 : vector<1x16xf32> to vector<16xf32>
        %swap3A_815 = vector.shape_cast %mul3A_810 : vector<16xf32> to vector<1x16xf32>
        tpu.vector_store %arg6[%swap3A_811, %swap3A_812], %swap3A_815 {strides = array<i32>} : memref<128x128xf32, #tpu.memory_space<vmem>>, vector<1x16xf32>,
        %get3A_816 = arith.index_cast %add3A_795 : i32 to index
        %get3A_817 = arith.constant 32 : index
        %get3A_818 = tpu.vector_load %arg6[%get3A_816, %get3A_817] {strides = array<i32>} : memref<128x128xf32, #tpu.memory_space<vmem>>, vector<1x16xf32>,
        %get3A_819 = vector.shape_cast %get3A_818 : vector<1x16xf32> to vector<16xf32>
        %mul3A_820 = arith.mulf %get3A_819, %gather3A_791 : vector<16xf32>
        %swap3A_821 = arith.index_cast %add3A_795 : i32 to index
        %swap3A_822 = arith.constant 32 : index
        %swap3A_823 = tpu.vector_load %arg6[%swap3A_821, %swap3A_822] {strides = array<i32>} : memref<128x128xf32, #tpu.memory_space<vmem>>, vector<1x16xf32>,
        %swap3A_824 = vector.shape_cast %swap3A_823 : vector<1x16xf32> to vector<16xf32>
        %swap3A_825 = vector.shape_cast %mul3A_820 : vector<16xf32> to vector<1x16xf32>
        tpu.vector_store %arg6[%swap3A_821, %swap3A_822], %swap3A_825 {strides = array<i32>} : memref<128x128xf32, #tpu.memory_space<vmem>>, vector<1x16xf32>,
        %get3A_826 = arith.index_cast %add3A_795 : i32 to index
        %get3A_827 = arith.constant 48 : index
        %get3A_828 = tpu.vector_load %arg6[%get3A_826, %get3A_827] {strides = array<i32>} : memref<128x128xf32, #tpu.memory_space<vmem>>, vector<1x16xf32>,
        %get3A_829 = vector.shape_cast %get3A_828 : vector<1x16xf32> to vector<16xf32>
        %mul3A_830 = arith.mulf %get3A_829, %gather3A_791 : vector<16xf32>
        %swap3A_831 = arith.index_cast %add3A_795 : i32 to index
        %swap3A_832 = arith.constant 48 : index
        %swap3A_833 = tpu.vector_load %arg6[%swap3A_831, %swap3A_832] {strides = array<i32>} : memref<128x128xf32, #tpu.memory_space<vmem>>, vector<1x16xf32>,
        %swap3A_834 = vector.shape_cast %swap3A_833 : vector<1x16xf32> to vector<16xf32>
        %swap3A_835 = vector.shape_cast %mul3A_830 : vector<16xf32> to vector<1x16xf32>
        tpu.vector_store %arg6[%swap3A_831, %swap3A_832], %swap3A_835 {strides = array<i32>} : memref<128x128xf32, #tpu.memory_space<vmem>>, vector<1x16xf32>,
        %get3A_836 = arith.index_cast %add3A_795 : i32 to index
        %get3A_837 = arith.constant 64 : index
        %get3A_838 = tpu.vector_load %arg6[%get3A_836, %get3A_837] {strides = array<i32>} : memref<128x128xf32, #tpu.memory_space<vmem>>, vector<1x16xf32>,
        %get3A_839 = vector.shape_cast %get3A_838 : vector<1x16xf32> to vector<16xf32>
        %mul3A_840 = arith.mulf %get3A_839, %gather3A_791 : vector<16xf32>
        %swap3A_841 = arith.index_cast %add3A_795 : i32 to index
        %swap3A_842 = arith.constant 64 : index
        %swap3A_843 = tpu.vector_load %arg6[%swap3A_841, %swap3A_842] {strides = array<i32>} : memref<128x128xf32, #tpu.memory_space<vmem>>, vector<1x16xf32>,
        %swap3A_844 = vector.shape_cast %swap3A_843 : vector<1x16xf32> to vector<16xf32>
        %swap3A_845 = vector.shape_cast %mul3A_840 : vector<16xf32> to vector<1x16xf32>
        tpu.vector_store %arg6[%swap3A_841, %swap3A_842], %swap3A_845 {strides = array<i32>} : memref<128x128xf32, #tpu.memory_space<vmem>>, vector<1x16xf32>,
        %get3A_846 = arith.index_cast %add3A_795 : i32 to index
        %get3A_847 = arith.constant 80 : index
        %get3A_848 = tpu.vector_load %arg6[%get3A_846, %get3A_847] {strides = array<i32>} : memref<128x128xf32, #tpu.memory_space<vmem>>, vector<1x16xf32>,
        %get3A_849 = vector.shape_cast %get3A_848 : vector<1x16xf32> to vector<16xf32>
        %mul3A_850 = arith.mulf %get3A_849, %gather3A_791 : vector<16xf32>
        %swap3A_851 = arith.index_cast %add3A_795 : i32 to index
        %swap3A_852 = arith.constant 80 : index
        %swap3A_853 = tpu.vector_load %arg6[%swap3A_851, %swap3A_852] {strides = array<i32>} : memref<128x128xf32, #tpu.memory_space<vmem>>, vector<1x16xf32>,
        %swap3A_854 = vector.shape_cast %swap3A_853 : vector<1x16xf32> to vector<16xf32>
        %swap3A_855 = vector.shape_cast %mul3A_850 : vector<16xf32> to vector<1x16xf32>
        tpu.vector_store %arg6[%swap3A_851, %swap3A_852], %swap3A_855 {strides = array<i32>} : memref<128x128xf32, #tpu.memory_space<vmem>>, vector<1x16xf32>,
        %get3A_856 = arith.index_cast %add3A_795 : i32 to index
        %get3A_857 = arith.constant 96 : index
        %get3A_858 = tpu.vector_load %arg6[%get3A_856, %get3A_857] {strides = array<i32>} : memref<128x128xf32, #tpu.memory_space<vmem>>, vector<1x16xf32>,
        %get3A_859 = vector.shape_cast %get3A_858 : vector<1x16xf32> to vector<16xf32>
        %mul3A_860 = arith.mulf %get3A_859, %gather3A_791 : vector<16xf32>
        %swap3A_861 = arith.index_cast %add3A_795 : i32 to index
        %swap3A_862 = arith.constant 96 : index
        %swap3A_863 = tpu.vector_load %arg6[%swap3A_861, %swap3A_862] {strides = array<i32>} : memref<128x128xf32, #tpu.memory_space<vmem>>, vector<1x16xf32>,
        %swap3A_864 = vector.shape_cast %swap3A_863 : vector<1x16xf32> to vector<16xf32>
        %swap3A_865 = vector.shape_cast %mul3A_860 : vector<16xf32> to vector<1x16xf32>
        tpu.vector_store %arg6[%swap3A_861, %swap3A_862], %swap3A_865 {strides = array<i32>} : memref<128x128xf32, #tpu.memory_space<vmem>>, vector<1x16xf32>,
        %get3A_866 = arith.index_cast %add3A_795 : i32 to index
        %get3A_867 = arith.constant 112 : index
        %get3A_868 = tpu.vector_load %arg6[%get3A_866, %get3A_867] {strides = array<i32>} : memref<128x128xf32, #tpu.memory_space<vmem>>, vector<1x16xf32>,
        %get3A_869 = vector.shape_cast %get3A_868 : vector<1x16xf32> to vector<16xf32>
        %mul3A_870 = arith.mulf %get3A_869, %gather3A_791 : vector<16xf32>
        %swap3A_871 = arith.index_cast %add3A_795 : i32 to index
        %swap3A_872 = arith.constant 112 : index
        %swap3A_873 = tpu.vector_load %arg6[%swap3A_871, %swap3A_872] {strides = array<i32>} : memref<128x128xf32, #tpu.memory_space<vmem>>, vector<1x16xf32>,
        %swap3A_874 = vector.shape_cast %swap3A_873 : vector<1x16xf32> to vector<16xf32>
        %swap3A_875 = vector.shape_cast %mul3A_870 : vector<16xf32> to vector<1x16xf32>
        tpu.vector_store %arg6[%swap3A_871, %swap3A_872], %swap3A_875 {strides = array<i32>} : memref<128x128xf32, #tpu.memory_space<vmem>>, vector<1x16xf32>,
        %broadcast_in_dim3A_876 = arith.constant 9 : i32
        %broadcast_in_dim3A_877 = vector.broadcast %broadcast_in_dim3A_876 : i32 to vector<16x1xi32>
        %gather3A_878 = vector.shape_cast %broadcast_in_dim3A_877 : vector<16x1xi32> to vector<16xi32>
        %gather3A_879 = tpu.dynamic_gather %bitcast_convert_type3A[%gather3A_878] in [0] : vector<16xf32>, vector<16xi32> -> vector<16xf32>
        %mul3A_880 = arith.constant 16 : i32
        %mul3A_881 = arith.muli %scan3A_79, %mul3A_880 : i32
        %add3A_882 = arith.constant 9 : i32
        %add3A_883 = arith.addi %mul3A_881, %add3A_882 : i32
        %get3A_884 = arith.index_cast %add3A_883 : i32 to index
        %get3A_885 = arith.constant 0 : index
        %get3A_886 = tpu.vector_load %arg6[%get3A_884, %get3A_885] {strides = array<i32>} : memref<128x128xf32, #tpu.memory_space<vmem>>, vector<1x16xf32>,
        %get3A_887 = vector.shape_cast %get3A_886 : vector<1x16xf32> to vector<16xf32>
        %mul3A_888 = arith.mulf %get3A_887, %gather3A_879 : vector<16xf32>
        %swap3A_889 = arith.index_cast %add3A_883 : i32 to index
        %swap3A_890 = arith.constant 0 : index
        %swap3A_891 = tpu.vector_load %arg6[%swap3A_889, %swap3A_890] {strides = array<i32>} : memref<128x128xf32, #tpu.memory_space<vmem>>, vector<1x16xf32>,
        %swap3A_892 = vector.shape_cast %swap3A_891 : vector<1x16xf32> to vector<16xf32>
        %swap3A_893 = vector.shape_cast %mul3A_888 : vector<16xf32> to vector<1x16xf32>
        tpu.vector_store %arg6[%swap3A_889, %swap3A_890], %swap3A_893 {strides = array<i32>} : memref<128x128xf32, #tpu.memory_space<vmem>>, vector<1x16xf32>,
        %get3A_894 = arith.index_cast %add3A_883 : i32 to index
        %get3A_895 = arith.constant 16 : index
        %get3A_896 = tpu.vector_load %arg6[%get3A_894, %get3A_895] {strides = array<i32>} : memref<128x128xf32, #tpu.memory_space<vmem>>, vector<1x16xf32>,
        %get3A_897 = vector.shape_cast %get3A_896 : vector<1x16xf32> to vector<16xf32>
        %mul3A_898 = arith.mulf %get3A_897, %gather3A_879 : vector<16xf32>
        %swap3A_899 = arith.index_cast %add3A_883 : i32 to index
        %swap3A_900 = arith.constant 16 : index
        %swap3A_901 = tpu.vector_load %arg6[%swap3A_899, %swap3A_900] {strides = array<i32>} : memref<128x128xf32, #tpu.memory_space<vmem>>, vector<1x16xf32>,
        %swap3A_902 = vector.shape_cast %swap3A_901 : vector<1x16xf32> to vector<16xf32>
        %swap3A_903 = vector.shape_cast %mul3A_898 : vector<16xf32> to vector<1x16xf32>
        tpu.vector_store %arg6[%swap3A_899, %swap3A_900], %swap3A_903 {strides = array<i32>} : memref<128x128xf32, #tpu.memory_space<vmem>>, vector<1x16xf32>,
        %get3A_904 = arith.index_cast %add3A_883 : i32 to index
        %get3A_905 = arith.constant 32 : index
        %get3A_906 = tpu.vector_load %arg6[%get3A_904, %get3A_905] {strides = array<i32>} : memref<128x128xf32, #tpu.memory_space<vmem>>, vector<1x16xf32>,
        %get3A_907 = vector.shape_cast %get3A_906 : vector<1x16xf32> to vector<16xf32>
        %mul3A_908 = arith.mulf %get3A_907, %gather3A_879 : vector<16xf32>
        %swap3A_909 = arith.index_cast %add3A_883 : i32 to index
        %swap3A_910 = arith.constant 32 : index
        %swap3A_911 = tpu.vector_load %arg6[%swap3A_909, %swap3A_910] {strides = array<i32>} : memref<128x128xf32, #tpu.memory_space<vmem>>, vector<1x16xf32>,
        %swap3A_912 = vector.shape_cast %swap3A_911 : vector<1x16xf32> to vector<16xf32>
        %swap3A_913 = vector.shape_cast %mul3A_908 : vector<16xf32> to vector<1x16xf32>
        tpu.vector_store %arg6[%swap3A_909, %swap3A_910], %swap3A_913 {strides = array<i32>} : memref<128x128xf32, #tpu.memory_space<vmem>>, vector<1x16xf32>,
        %get3A_914 = arith.index_cast %add3A_883 : i32 to index
        %get3A_915 = arith.constant 48 : index
        %get3A_916 = tpu.vector_load %arg6[%get3A_914, %get3A_915] {strides = array<i32>} : memref<128x128xf32, #tpu.memory_space<vmem>>, vector<1x16xf32>,
        %get3A_917 = vector.shape_cast %get3A_916 : vector<1x16xf32> to vector<16xf32>
        %mul3A_918 = arith.mulf %get3A_917, %gather3A_879 : vector<16xf32>
        %swap3A_919 = arith.index_cast %add3A_883 : i32 to index
        %swap3A_920 = arith.constant 48 : index
        %swap3A_921 = tpu.vector_load %arg6[%swap3A_919, %swap3A_920] {strides = array<i32>} : memref<128x128xf32, #tpu.memory_space<vmem>>, vector<1x16xf32>,
        %swap3A_922 = vector.shape_cast %swap3A_921 : vector<1x16xf32> to vector<16xf32>
        %swap3A_923 = vector.shape_cast %mul3A_918 : vector<16xf32> to vector<1x16xf32>
        tpu.vector_store %arg6[%swap3A_919, %swap3A_920], %swap3A_923 {strides = array<i32>} : memref<128x128xf32, #tpu.memory_space<vmem>>, vector<1x16xf32>,
        %get3A_924 = arith.index_cast %add3A_883 : i32 to index
        %get3A_925 = arith.constant 64 : index
        %get3A_926 = tpu.vector_load %arg6[%get3A_924, %get3A_925] {strides = array<i32>} : memref<128x128xf32, #tpu.memory_space<vmem>>, vector<1x16xf32>,
        %get3A_927 = vector.shape_cast %get3A_926 : vector<1x16xf32> to vector<16xf32>
        %mul3A_928 = arith.mulf %get3A_927, %gather3A_879 : vector<16xf32>
        %swap3A_929 = arith.index_cast %add3A_883 : i32 to index
        %swap3A_930 = arith.constant 64 : index
        %swap3A_931 = tpu.vector_load %arg6[%swap3A_929, %swap3A_930] {strides = array<i32>} : memref<128x128xf32, #tpu.memory_space<vmem>>, vector<1x16xf32>,
        %swap3A_932 = vector.shape_cast %swap3A_931 : vector<1x16xf32> to vector<16xf32>
        %swap3A_933 = vector.shape_cast %mul3A_928 : vector<16xf32> to vector<1x16xf32>
        tpu.vector_store %arg6[%swap3A_929, %swap3A_930], %swap3A_933 {strides = array<i32>} : memref<128x128xf32, #tpu.memory_space<vmem>>, vector<1x16xf32>,
        %get3A_934 = arith.index_cast %add3A_883 : i32 to index
        %get3A_935 = arith.constant 80 : index
        %get3A_936 = tpu.vector_load %arg6[%get3A_934, %get3A_935] {strides = array<i32>} : memref<128x128xf32, #tpu.memory_space<vmem>>, vector<1x16xf32>,
        %get3A_937 = vector.shape_cast %get3A_936 : vector<1x16xf32> to vector<16xf32>
        %mul3A_938 = arith.mulf %get3A_937, %gather3A_879 : vector<16xf32>
        %swap3A_939 = arith.index_cast %add3A_883 : i32 to index
        %swap3A_940 = arith.constant 80 : index
        %swap3A_941 = tpu.vector_load %arg6[%swap3A_939, %swap3A_940] {strides = array<i32>} : memref<128x128xf32, #tpu.memory_space<vmem>>, vector<1x16xf32>,
        %swap3A_942 = vector.shape_cast %swap3A_941 : vector<1x16xf32> to vector<16xf32>
        %swap3A_943 = vector.shape_cast %mul3A_938 : vector<16xf32> to vector<1x16xf32>
        tpu.vector_store %arg6[%swap3A_939, %swap3A_940], %swap3A_943 {strides = array<i32>} : memref<128x128xf32, #tpu.memory_space<vmem>>, vector<1x16xf32>,
        %get3A_944 = arith.index_cast %add3A_883 : i32 to index
        %get3A_945 = arith.constant 96 : index
        %get3A_946 = tpu.vector_load %arg6[%get3A_944, %get3A_945] {strides = array<i32>} : memref<128x128xf32, #tpu.memory_space<vmem>>, vector<1x16xf32>,
        %get3A_947 = vector.shape_cast %get3A_946 : vector<1x16xf32> to vector<16xf32>
        %mul3A_948 = arith.mulf %get3A_947, %gather3A_879 : vector<16xf32>
        %swap3A_949 = arith.index_cast %add3A_883 : i32 to index
        %swap3A_950 = arith.constant 96 : index
        %swap3A_951 = tpu.vector_load %arg6[%swap3A_949, %swap3A_950] {strides = array<i32>} : memref<128x128xf32, #tpu.memory_space<vmem>>, vector<1x16xf32>,
        %swap3A_952 = vector.shape_cast %swap3A_951 : vector<1x16xf32> to vector<16xf32>
        %swap3A_953 = vector.shape_cast %mul3A_948 : vector<16xf32> to vector<1x16xf32>
        tpu.vector_store %arg6[%swap3A_949, %swap3A_950], %swap3A_953 {strides = array<i32>} : memref<128x128xf32, #tpu.memory_space<vmem>>, vector<1x16xf32>,
        %get3A_954 = arith.index_cast %add3A_883 : i32 to index
        %get3A_955 = arith.constant 112 : index
        %get3A_956 = tpu.vector_load %arg6[%get3A_954, %get3A_955] {strides = array<i32>} : memref<128x128xf32, #tpu.memory_space<vmem>>, vector<1x16xf32>,
        %get3A_957 = vector.shape_cast %get3A_956 : vector<1x16xf32> to vector<16xf32>
        %mul3A_958 = arith.mulf %get3A_957, %gather3A_879 : vector<16xf32>
        %swap3A_959 = arith.index_cast %add3A_883 : i32 to index
        %swap3A_960 = arith.constant 112 : index
        %swap3A_961 = tpu.vector_load %arg6[%swap3A_959, %swap3A_960] {strides = array<i32>} : memref<128x128xf32, #tpu.memory_space<vmem>>, vector<1x16xf32>,
        %swap3A_962 = vector.shape_cast %swap3A_961 : vector<1x16xf32> to vector<16xf32>
        %swap3A_963 = vector.shape_cast %mul3A_958 : vector<16xf32> to vector<1x16xf32>
        tpu.vector_store %arg6[%swap3A_959, %swap3A_960], %swap3A_963 {strides = array<i32>} : memref<128x128xf32, #tpu.memory_space<vmem>>, vector<1x16xf32>,
        %broadcast_in_dim3A_964 = arith.constant 10 : i32
        %broadcast_in_dim3A_965 = vector.broadcast %broadcast_in_dim3A_964 : i32 to vector<16x1xi32>
        %gather3A_966 = vector.shape_cast %broadcast_in_dim3A_965 : vector<16x1xi32> to vector<16xi32>
        %gather3A_967 = tpu.dynamic_gather %bitcast_convert_type3A[%gather3A_966] in [0] : vector<16xf32>, vector<16xi32> -> vector<16xf32>
        %mul3A_968 = arith.constant 16 : i32
        %mul3A_969 = arith.muli %scan3A_79, %mul3A_968 : i32
        %add3A_970 = arith.constant 10 : i32
        %add3A_971 = arith.addi %mul3A_969, %add3A_970 : i32
        %get3A_972 = arith.index_cast %add3A_971 : i32 to index
        %get3A_973 = arith.constant 0 : index
        %get3A_974 = tpu.vector_load %arg6[%get3A_972, %get3A_973] {strides = array<i32>} : memref<128x128xf32, #tpu.memory_space<vmem>>, vector<1x16xf32>,
        %get3A_975 = vector.shape_cast %get3A_974 : vector<1x16xf32> to vector<16xf32>
        %mul3A_976 = arith.mulf %get3A_975, %gather3A_967 : vector<16xf32>
        %swap3A_977 = arith.index_cast %add3A_971 : i32 to index
        %swap3A_978 = arith.constant 0 : index
        %swap3A_979 = tpu.vector_load %arg6[%swap3A_977, %swap3A_978] {strides = array<i32>} : memref<128x128xf32, #tpu.memory_space<vmem>>, vector<1x16xf32>,
        %swap3A_980 = vector.shape_cast %swap3A_979 : vector<1x16xf32> to vector<16xf32>
        %swap3A_981 = vector.shape_cast %mul3A_976 : vector<16xf32> to vector<1x16xf32>
        tpu.vector_store %arg6[%swap3A_977, %swap3A_978], %swap3A_981 {strides = array<i32>} : memref<128x128xf32, #tpu.memory_space<vmem>>, vector<1x16xf32>,
        %get3A_982 = arith.index_cast %add3A_971 : i32 to index
        %get3A_983 = arith.constant 16 : index
        %get3A_984 = tpu.vector_load %arg6[%get3A_982, %get3A_983] {strides = array<i32>} : memref<128x128xf32, #tpu.memory_space<vmem>>, vector<1x16xf32>,
        %get3A_985 = vector.shape_cast %get3A_984 : vector<1x16xf32> to vector<16xf32>
        %mul3A_986 = arith.mulf %get3A_985, %gather3A_967 : vector<16xf32>
        %swap3A_987 = arith.index_cast %add3A_971 : i32 to index
        %swap3A_988 = arith.constant 16 : index
        %swap3A_989 = tpu.vector_load %arg6[%swap3A_987, %swap3A_988] {strides = array<i32>} : memref<128x128xf32, #tpu.memory_space<vmem>>, vector<1x16xf32>,
        %swap3A_990 = vector.shape_cast %swap3A_989 : vector<1x16xf32> to vector<16xf32>
        %swap3A_991 = vector.shape_cast %mul3A_986 : vector<16xf32> to vector<1x16xf32>
        tpu.vector_store %arg6[%swap3A_987, %swap3A_988], %swap3A_991 {strides = array<i32>} : memref<128x128xf32, #tpu.memory_space<vmem>>, vector<1x16xf32>,
        %get3A_992 = arith.index_cast %add3A_971 : i32 to index
        %get3A_993 = arith.constant 32 : index
        %get3A_994 = tpu.vector_load %arg6[%get3A_992, %get3A_993] {strides = array<i32>} : memref<128x128xf32, #tpu.memory_space<vmem>>, vector<1x16xf32>,
        %get3A_995 = vector.shape_cast %get3A_994 : vector<1x16xf32> to vector<16xf32>
        %mul3A_996 = arith.mulf %get3A_995, %gather3A_967 : vector<16xf32>
        %swap3A_997 = arith.index_cast %add3A_971 : i32 to index
        %swap3A_998 = arith.constant 32 : index
        %swap3A_999 = tpu.vector_load %arg6[%swap3A_997, %swap3A_998] {strides = array<i32>} : memref<128x128xf32, #tpu.memory_space<vmem>>, vector<1x16xf32>,
        %swap3A_1000 = vector.shape_cast %swap3A_999 : vector<1x16xf32> to vector<16xf32>
        %swap3A_1001 = vector.shape_cast %mul3A_996 : vector<16xf32> to vector<1x16xf32>
        tpu.vector_store %arg6[%swap3A_997, %swap3A_998], %swap3A_1001 {strides = array<i32>} : memref<128x128xf32, #tpu.memory_space<vmem>>, vector<1x16xf32>,
        %get3A_1002 = arith.index_cast %add3A_971 : i32 to index
        %get3A_1003 = arith.constant 48 : index
        %get3A_1004 = tpu.vector_load %arg6[%get3A_1002, %get3A_1003] {strides = array<i32>} : memref<128x128xf32, #tpu.memory_space<vmem>>, vector<1x16xf32>,
        %get3A_1005 = vector.shape_cast %get3A_1004 : vector<1x16xf32> to vector<16xf32>
        %mul3A_1006 = arith.mulf %get3A_1005, %gather3A_967 : vector<16xf32>
        %swap3A_1007 = arith.index_cast %add3A_971 : i32 to index
        %swap3A_1008 = arith.constant 48 : index
        %swap3A_1009 = tpu.vector_load %arg6[%swap3A_1007, %swap3A_1008] {strides = array<i32>} : memref<128x128xf32, #tpu.memory_space<vmem>>, vector<1x16xf32>,
        %swap3A_1010 = vector.shape_cast %swap3A_1009 : vector<1x16xf32> to vector<16xf32>
        %swap3A_1011 = vector.shape_cast %mul3A_1006 : vector<16xf32> to vector<1x16xf32>
        tpu.vector_store %arg6[%swap3A_1007, %swap3A_1008], %swap3A_1011 {strides = array<i32>} : memref<128x128xf32, #tpu.memory_space<vmem>>, vector<1x16xf32>,
        %get3A_1012 = arith.index_cast %add3A_971 : i32 to index
        %get3A_1013 = arith.constant 64 : index
        %get3A_1014 = tpu.vector_load %arg6[%get3A_1012, %get3A_1013] {strides = array<i32>} : memref<128x128xf32, #tpu.memory_space<vmem>>, vector<1x16xf32>,
        %get3A_1015 = vector.shape_cast %get3A_1014 : vector<1x16xf32> to vector<16xf32>
        %mul3A_1016 = arith.mulf %get3A_1015, %gather3A_967 : vector<16xf32>
        %swap3A_1017 = arith.index_cast %add3A_971 : i32 to index
        %swap3A_1018 = arith.constant 64 : index
        %swap3A_1019 = tpu.vector_load %arg6[%swap3A_1017, %swap3A_1018] {strides = array<i32>} : memref<128x128xf32, #tpu.memory_space<vmem>>, vector<1x16xf32>,
        %swap3A_1020 = vector.shape_cast %swap3A_1019 : vector<1x16xf32> to vector<16xf32>
        %swap3A_1021 = vector.shape_cast %mul3A_1016 : vector<16xf32> to vector<1x16xf32>
        tpu.vector_store %arg6[%swap3A_1017, %swap3A_1018], %swap3A_1021 {strides = array<i32>} : memref<128x128xf32, #tpu.memory_space<vmem>>, vector<1x16xf32>,
        %get3A_1022 = arith.index_cast %add3A_971 : i32 to index
        %get3A_1023 = arith.constant 80 : index
        %get3A_1024 = tpu.vector_load %arg6[%get3A_1022, %get3A_1023] {strides = array<i32>} : memref<128x128xf32, #tpu.memory_space<vmem>>, vector<1x16xf32>,
        %get3A_1025 = vector.shape_cast %get3A_1024 : vector<1x16xf32> to vector<16xf32>
        %mul3A_1026 = arith.mulf %get3A_1025, %gather3A_967 : vector<16xf32>
        %swap3A_1027 = arith.index_cast %add3A_971 : i32 to index
        %swap3A_1028 = arith.constant 80 : index
        %swap3A_1029 = tpu.vector_load %arg6[%swap3A_1027, %swap3A_1028] {strides = array<i32>} : memref<128x128xf32, #tpu.memory_space<vmem>>, vector<1x16xf32>,
        %swap3A_1030 = vector.shape_cast %swap3A_1029 : vector<1x16xf32> to vector<16xf32>
        %swap3A_1031 = vector.shape_cast %mul3A_1026 : vector<16xf32> to vector<1x16xf32>
        tpu.vector_store %arg6[%swap3A_1027, %swap3A_1028], %swap3A_1031 {strides = array<i32>} : memref<128x128xf32, #tpu.memory_space<vmem>>, vector<1x16xf32>,
        %get3A_1032 = arith.index_cast %add3A_971 : i32 to index
        %get3A_1033 = arith.constant 96 : index
        %get3A_1034 = tpu.vector_load %arg6[%get3A_1032, %get3A_1033] {strides = array<i32>} : memref<128x128xf32, #tpu.memory_space<vmem>>, vector<1x16xf32>,
        %get3A_1035 = vector.shape_cast %get3A_1034 : vector<1x16xf32> to vector<16xf32>
        %mul3A_1036 = arith.mulf %get3A_1035, %gather3A_967 : vector<16xf32>
        %swap3A_1037 = arith.index_cast %add3A_971 : i32 to index
        %swap3A_1038 = arith.constant 96 : index
        %swap3A_1039 = tpu.vector_load %arg6[%swap3A_1037, %swap3A_1038] {strides = array<i32>} : memref<128x128xf32, #tpu.memory_space<vmem>>, vector<1x16xf32>,
        %swap3A_1040 = vector.shape_cast %swap3A_1039 : vector<1x16xf32> to vector<16xf32>
        %swap3A_1041 = vector.shape_cast %mul3A_1036 : vector<16xf32> to vector<1x16xf32>
        tpu.vector_store %arg6[%swap3A_1037, %swap3A_1038], %swap3A_1041 {strides = array<i32>} : memref<128x128xf32, #tpu.memory_space<vmem>>, vector<1x16xf32>,
        %get3A_1042 = arith.index_cast %add3A_971 : i32 to index
        %get3A_1043 = arith.constant 112 : index
        %get3A_1044 = tpu.vector_load %arg6[%get3A_1042, %get3A_1043] {strides = array<i32>} : memref<128x128xf32, #tpu.memory_space<vmem>>, vector<1x16xf32>,
        %get3A_1045 = vector.shape_cast %get3A_1044 : vector<1x16xf32> to vector<16xf32>
        %mul3A_1046 = arith.mulf %get3A_1045, %gather3A_967 : vector<16xf32>
        %swap3A_1047 = arith.index_cast %add3A_971 : i32 to index
        %swap3A_1048 = arith.constant 112 : index
        %swap3A_1049 = tpu.vector_load %arg6[%swap3A_1047, %swap3A_1048] {strides = array<i32>} : memref<128x128xf32, #tpu.memory_space<vmem>>, vector<1x16xf32>,
        %swap3A_1050 = vector.shape_cast %swap3A_1049 : vector<1x16xf32> to vector<16xf32>
        %swap3A_1051 = vector.shape_cast %mul3A_1046 : vector<16xf32> to vector<1x16xf32>
        tpu.vector_store %arg6[%swap3A_1047, %swap3A_1048], %swap3A_1051 {strides = array<i32>} : memref<128x128xf32, #tpu.memory_space<vmem>>, vector<1x16xf32>,
        %broadcast_in_dim3A_1052 = arith.constant 11 : i32
        %broadcast_in_dim3A_1053 = vector.broadcast %broadcast_in_dim3A_1052 : i32 to vector<16x1xi32>
        %gather3A_1054 = vector.shape_cast %broadcast_in_dim3A_1053 : vector<16x1xi32> to vector<16xi32>
        %gather3A_1055 = tpu.dynamic_gather %bitcast_convert_type3A[%gather3A_1054] in [0] : vector<16xf32>, vector<16xi32> -> vector<16xf32>
        %mul3A_1056 = arith.constant 16 : i32
        %mul3A_1057 = arith.muli %scan3A_79, %mul3A_1056 : i32
        %add3A_1058 = arith.constant 11 : i32
        %add3A_1059 = arith.addi %mul3A_1057, %add3A_1058 : i32
        %get3A_1060 = arith.index_cast %add3A_1059 : i32 to index
        %get3A_1061 = arith.constant 0 : index
        %get3A_1062 = tpu.vector_load %arg6[%get3A_1060, %get3A_1061] {strides = array<i32>} : memref<128x128xf32, #tpu.memory_space<vmem>>, vector<1x16xf32>,
        %get3A_1063 = vector.shape_cast %get3A_1062 : vector<1x16xf32> to vector<16xf32>
        %mul3A_1064 = arith.mulf %get3A_1063, %gather3A_1055 : vector<16xf32>
        %swap3A_1065 = arith.index_cast %add3A_1059 : i32 to index
        %swap3A_1066 = arith.constant 0 : index
        %swap3A_1067 = tpu.vector_load %arg6[%swap3A_1065, %swap3A_1066] {strides = array<i32>} : memref<128x128xf32, #tpu.memory_space<vmem>>, vector<1x16xf32>,
        %swap3A_1068 = vector.shape_cast %swap3A_1067 : vector<1x16xf32> to vector<16xf32>
        %swap3A_1069 = vector.shape_cast %mul3A_1064 : vector<16xf32> to vector<1x16xf32>
        tpu.vector_store %arg6[%swap3A_1065, %swap3A_1066], %swap3A_1069 {strides = array<i32>} : memref<128x128xf32, #tpu.memory_space<vmem>>, vector<1x16xf32>,
        %get3A_1070 = arith.index_cast %add3A_1059 : i32 to index
        %get3A_1071 = arith.constant 16 : index
        %get3A_1072 = tpu.vector_load %arg6[%get3A_1070, %get3A_1071] {strides = array<i32>} : memref<128x128xf32, #tpu.memory_space<vmem>>, vector<1x16xf32>,
        %get3A_1073 = vector.shape_cast %get3A_1072 : vector<1x16xf32> to vector<16xf32>
        %mul3A_1074 = arith.mulf %get3A_1073, %gather3A_1055 : vector<16xf32>
        %swap3A_1075 = arith.index_cast %add3A_1059 : i32 to index
        %swap3A_1076 = arith.constant 16 : index
        %swap3A_1077 = tpu.vector_load %arg6[%swap3A_1075, %swap3A_1076] {strides = array<i32>} : memref<128x128xf32, #tpu.memory_space<vmem>>, vector<1x16xf32>,
        %swap3A_1078 = vector.shape_cast %swap3A_1077 : vector<1x16xf32> to vector<16xf32>
        %swap3A_1079 = vector.shape_cast %mul3A_1074 : vector<16xf32> to vector<1x16xf32>
        tpu.vector_store %arg6[%swap3A_1075, %swap3A_1076], %swap3A_1079 {strides = array<i32>} : memref<128x128xf32, #tpu.memory_space<vmem>>, vector<1x16xf32>,
        %get3A_1080 = arith.index_cast %add3A_1059 : i32 to index
        %get3A_1081 = arith.constant 32 : index
        %get3A_1082 = tpu.vector_load %arg6[%get3A_1080, %get3A_1081] {strides = array<i32>} : memref<128x128xf32, #tpu.memory_space<vmem>>, vector<1x16xf32>,
        %get3A_1083 = vector.shape_cast %get3A_1082 : vector<1x16xf32> to vector<16xf32>
        %mul3A_1084 = arith.mulf %get3A_1083, %gather3A_1055 : vector<16xf32>
        %swap3A_1085 = arith.index_cast %add3A_1059 : i32 to index
        %swap3A_1086 = arith.constant 32 : index
        %swap3A_1087 = tpu.vector_load %arg6[%swap3A_1085, %swap3A_1086] {strides = array<i32>} : memref<128x128xf32, #tpu.memory_space<vmem>>, vector<1x16xf32>,
        %swap3A_1088 = vector.shape_cast %swap3A_1087 : vector<1x16xf32> to vector<16xf32>
        %swap3A_1089 = vector.shape_cast %mul3A_1084 : vector<16xf32> to vector<1x16xf32>
        tpu.vector_store %arg6[%swap3A_1085, %swap3A_1086], %swap3A_1089 {strides = array<i32>} : memref<128x128xf32, #tpu.memory_space<vmem>>, vector<1x16xf32>,
        %get3A_1090 = arith.index_cast %add3A_1059 : i32 to index
        %get3A_1091 = arith.constant 48 : index
        %get3A_1092 = tpu.vector_load %arg6[%get3A_1090, %get3A_1091] {strides = array<i32>} : memref<128x128xf32, #tpu.memory_space<vmem>>, vector<1x16xf32>,
        %get3A_1093 = vector.shape_cast %get3A_1092 : vector<1x16xf32> to vector<16xf32>
        %mul3A_1094 = arith.mulf %get3A_1093, %gather3A_1055 : vector<16xf32>
        %swap3A_1095 = arith.index_cast %add3A_1059 : i32 to index
        %swap3A_1096 = arith.constant 48 : index
        %swap3A_1097 = tpu.vector_load %arg6[%swap3A_1095, %swap3A_1096] {strides = array<i32>} : memref<128x128xf32, #tpu.memory_space<vmem>>, vector<1x16xf32>,
        %swap3A_1098 = vector.shape_cast %swap3A_1097 : vector<1x16xf32> to vector<16xf32>
        %swap3A_1099 = vector.shape_cast %mul3A_1094 : vector<16xf32> to vector<1x16xf32>
        tpu.vector_store %arg6[%swap3A_1095, %swap3A_1096], %swap3A_1099 {strides = array<i32>} : memref<128x128xf32, #tpu.memory_space<vmem>>, vector<1x16xf32>,
        %get3A_1100 = arith.index_cast %add3A_1059 : i32 to index
        %get3A_1101 = arith.constant 64 : index
        %get3A_1102 = tpu.vector_load %arg6[%get3A_1100, %get3A_1101] {strides = array<i32>} : memref<128x128xf32, #tpu.memory_space<vmem>>, vector<1x16xf32>,
        %get3A_1103 = vector.shape_cast %get3A_1102 : vector<1x16xf32> to vector<16xf32>
        %mul3A_1104 = arith.mulf %get3A_1103, %gather3A_1055 : vector<16xf32>
        %swap3A_1105 = arith.index_cast %add3A_1059 : i32 to index
        %swap3A_1106 = arith.constant 64 : index
        %swap3A_1107 = tpu.vector_load %arg6[%swap3A_1105, %swap3A_1106] {strides = array<i32>} : memref<128x128xf32, #tpu.memory_space<vmem>>, vector<1x16xf32>,
        %swap3A_1108 = vector.shape_cast %swap3A_1107 : vector<1x16xf32> to vector<16xf32>
        %swap3A_1109 = vector.shape_cast %mul3A_1104 : vector<16xf32> to vector<1x16xf32>
        tpu.vector_store %arg6[%swap3A_1105, %swap3A_1106], %swap3A_1109 {strides = array<i32>} : memref<128x128xf32, #tpu.memory_space<vmem>>, vector<1x16xf32>,
        %get3A_1110 = arith.index_cast %add3A_1059 : i32 to index
        %get3A_1111 = arith.constant 80 : index
        %get3A_1112 = tpu.vector_load %arg6[%get3A_1110, %get3A_1111] {strides = array<i32>} : memref<128x128xf32, #tpu.memory_space<vmem>>, vector<1x16xf32>,
        %get3A_1113 = vector.shape_cast %get3A_1112 : vector<1x16xf32> to vector<16xf32>
        %mul3A_1114 = arith.mulf %get3A_1113, %gather3A_1055 : vector<16xf32>
        %swap3A_1115 = arith.index_cast %add3A_1059 : i32 to index
        %swap3A_1116 = arith.constant 80 : index
        %swap3A_1117 = tpu.vector_load %arg6[%swap3A_1115, %swap3A_1116] {strides = array<i32>} : memref<128x128xf32, #tpu.memory_space<vmem>>, vector<1x16xf32>,
        %swap3A_1118 = vector.shape_cast %swap3A_1117 : vector<1x16xf32> to vector<16xf32>
        %swap3A_1119 = vector.shape_cast %mul3A_1114 : vector<16xf32> to vector<1x16xf32>
        tpu.vector_store %arg6[%swap3A_1115, %swap3A_1116], %swap3A_1119 {strides = array<i32>} : memref<128x128xf32, #tpu.memory_space<vmem>>, vector<1x16xf32>,
        %get3A_1120 = arith.index_cast %add3A_1059 : i32 to index
        %get3A_1121 = arith.constant 96 : index
        %get3A_1122 = tpu.vector_load %arg6[%get3A_1120, %get3A_1121] {strides = array<i32>} : memref<128x128xf32, #tpu.memory_space<vmem>>, vector<1x16xf32>,
        %get3A_1123 = vector.shape_cast %get3A_1122 : vector<1x16xf32> to vector<16xf32>
        %mul3A_1124 = arith.mulf %get3A_1123, %gather3A_1055 : vector<16xf32>
        %swap3A_1125 = arith.index_cast %add3A_1059 : i32 to index
        %swap3A_1126 = arith.constant 96 : index
        %swap3A_1127 = tpu.vector_load %arg6[%swap3A_1125, %swap3A_1126] {strides = array<i32>} : memref<128x128xf32, #tpu.memory_space<vmem>>, vector<1x16xf32>,
        %swap3A_1128 = vector.shape_cast %swap3A_1127 : vector<1x16xf32> to vector<16xf32>
        %swap3A_1129 = vector.shape_cast %mul3A_1124 : vector<16xf32> to vector<1x16xf32>
        tpu.vector_store %arg6[%swap3A_1125, %swap3A_1126], %swap3A_1129 {strides = array<i32>} : memref<128x128xf32, #tpu.memory_space<vmem>>, vector<1x16xf32>,
        %get3A_1130 = arith.index_cast %add3A_1059 : i32 to index
        %get3A_1131 = arith.constant 112 : index
        %get3A_1132 = tpu.vector_load %arg6[%get3A_1130, %get3A_1131] {strides = array<i32>} : memref<128x128xf32, #tpu.memory_space<vmem>>, vector<1x16xf32>,
        %get3A_1133 = vector.shape_cast %get3A_1132 : vector<1x16xf32> to vector<16xf32>
        %mul3A_1134 = arith.mulf %get3A_1133, %gather3A_1055 : vector<16xf32>
        %swap3A_1135 = arith.index_cast %add3A_1059 : i32 to index
        %swap3A_1136 = arith.constant 112 : index
        %swap3A_1137 = tpu.vector_load %arg6[%swap3A_1135, %swap3A_1136] {strides = array<i32>} : memref<128x128xf32, #tpu.memory_space<vmem>>, vector<1x16xf32>,
        %swap3A_1138 = vector.shape_cast %swap3A_1137 : vector<1x16xf32> to vector<16xf32>
        %swap3A_1139 = vector.shape_cast %mul3A_1134 : vector<16xf32> to vector<1x16xf32>
        tpu.vector_store %arg6[%swap3A_1135, %swap3A_1136], %swap3A_1139 {strides = array<i32>} : memref<128x128xf32, #tpu.memory_space<vmem>>, vector<1x16xf32>,
        %broadcast_in_dim3A_1140 = arith.constant 12 : i32
        %broadcast_in_dim3A_1141 = vector.broadcast %broadcast_in_dim3A_1140 : i32 to vector<16x1xi32>
        %gather3A_1142 = vector.shape_cast %broadcast_in_dim3A_1141 : vector<16x1xi32> to vector<16xi32>
        %gather3A_1143 = tpu.dynamic_gather %bitcast_convert_type3A[%gather3A_1142] in [0] : vector<16xf32>, vector<16xi32> -> vector<16xf32>
        %mul3A_1144 = arith.constant 16 : i32
        %mul3A_1145 = arith.muli %scan3A_79, %mul3A_1144 : i32
        %add3A_1146 = arith.constant 12 : i32
        %add3A_1147 = arith.addi %mul3A_1145, %add3A_1146 : i32
        %get3A_1148 = arith.index_cast %add3A_1147 : i32 to index
        %get3A_1149 = arith.constant 0 : index
        %get3A_1150 = tpu.vector_load %arg6[%get3A_1148, %get3A_1149] {strides = array<i32>} : memref<128x128xf32, #tpu.memory_space<vmem>>, vector<1x16xf32>,
        %get3A_1151 = vector.shape_cast %get3A_1150 : vector<1x16xf32> to vector<16xf32>
        %mul3A_1152 = arith.mulf %get3A_1151, %gather3A_1143 : vector<16xf32>
        %swap3A_1153 = arith.index_cast %add3A_1147 : i32 to index
        %swap3A_1154 = arith.constant 0 : index
        %swap3A_1155 = tpu.vector_load %arg6[%swap3A_1153, %swap3A_1154] {strides = array<i32>} : memref<128x128xf32, #tpu.memory_space<vmem>>, vector<1x16xf32>,
        %swap3A_1156 = vector.shape_cast %swap3A_1155 : vector<1x16xf32> to vector<16xf32>
        %swap3A_1157 = vector.shape_cast %mul3A_1152 : vector<16xf32> to vector<1x16xf32>
        tpu.vector_store %arg6[%swap3A_1153, %swap3A_1154], %swap3A_1157 {strides = array<i32>} : memref<128x128xf32, #tpu.memory_space<vmem>>, vector<1x16xf32>,
        %get3A_1158 = arith.index_cast %add3A_1147 : i32 to index
        %get3A_1159 = arith.constant 16 : index
        %get3A_1160 = tpu.vector_load %arg6[%get3A_1158, %get3A_1159] {strides = array<i32>} : memref<128x128xf32, #tpu.memory_space<vmem>>, vector<1x16xf32>,
        %get3A_1161 = vector.shape_cast %get3A_1160 : vector<1x16xf32> to vector<16xf32>
        %mul3A_1162 = arith.mulf %get3A_1161, %gather3A_1143 : vector<16xf32>
        %swap3A_1163 = arith.index_cast %add3A_1147 : i32 to index
        %swap3A_1164 = arith.constant 16 : index
        %swap3A_1165 = tpu.vector_load %arg6[%swap3A_1163, %swap3A_1164] {strides = array<i32>} : memref<128x128xf32, #tpu.memory_space<vmem>>, vector<1x16xf32>,
        %swap3A_1166 = vector.shape_cast %swap3A_1165 : vector<1x16xf32> to vector<16xf32>
        %swap3A_1167 = vector.shape_cast %mul3A_1162 : vector<16xf32> to vector<1x16xf32>
        tpu.vector_store %arg6[%swap3A_1163, %swap3A_1164], %swap3A_1167 {strides = array<i32>} : memref<128x128xf32, #tpu.memory_space<vmem>>, vector<1x16xf32>,
        %get3A_1168 = arith.index_cast %add3A_1147 : i32 to index
        %get3A_1169 = arith.constant 32 : index
        %get3A_1170 = tpu.vector_load %arg6[%get3A_1168, %get3A_1169] {strides = array<i32>} : memref<128x128xf32, #tpu.memory_space<vmem>>, vector<1x16xf32>,
        %get3A_1171 = vector.shape_cast %get3A_1170 : vector<1x16xf32> to vector<16xf32>
        %mul3A_1172 = arith.mulf %get3A_1171, %gather3A_1143 : vector<16xf32>
        %swap3A_1173 = arith.index_cast %add3A_1147 : i32 to index
        %swap3A_1174 = arith.constant 32 : index
        %swap3A_1175 = tpu.vector_load %arg6[%swap3A_1173, %swap3A_1174] {strides = array<i32>} : memref<128x128xf32, #tpu.memory_space<vmem>>, vector<1x16xf32>,
        %swap3A_1176 = vector.shape_cast %swap3A_1175 : vector<1x16xf32> to vector<16xf32>
        %swap3A_1177 = vector.shape_cast %mul3A_1172 : vector<16xf32> to vector<1x16xf32>
        tpu.vector_store %arg6[%swap3A_1173, %swap3A_1174], %swap3A_1177 {strides = array<i32>} : memref<128x128xf32, #tpu.memory_space<vmem>>, vector<1x16xf32>,
        %get3A_1178 = arith.index_cast %add3A_1147 : i32 to index
        %get3A_1179 = arith.constant 48 : index
        %get3A_1180 = tpu.vector_load %arg6[%get3A_1178, %get3A_1179] {strides = array<i32>} : memref<128x128xf32, #tpu.memory_space<vmem>>, vector<1x16xf32>,
        %get3A_1181 = vector.shape_cast %get3A_1180 : vector<1x16xf32> to vector<16xf32>
        %mul3A_1182 = arith.mulf %get3A_1181, %gather3A_1143 : vector<16xf32>
        %swap3A_1183 = arith.index_cast %add3A_1147 : i32 to index
        %swap3A_1184 = arith.constant 48 : index
        %swap3A_1185 = tpu.vector_load %arg6[%swap3A_1183, %swap3A_1184] {strides = array<i32>} : memref<128x128xf32, #tpu.memory_space<vmem>>, vector<1x16xf32>,
        %swap3A_1186 = vector.shape_cast %swap3A_1185 : vector<1x16xf32> to vector<16xf32>
        %swap3A_1187 = vector.shape_cast %mul3A_1182 : vector<16xf32> to vector<1x16xf32>
        tpu.vector_store %arg6[%swap3A_1183, %swap3A_1184], %swap3A_1187 {strides = array<i32>} : memref<128x128xf32, #tpu.memory_space<vmem>>, vector<1x16xf32>,
        %get3A_1188 = arith.index_cast %add3A_1147 : i32 to index
        %get3A_1189 = arith.constant 64 : index
        %get3A_1190 = tpu.vector_load %arg6[%get3A_1188, %get3A_1189] {strides = array<i32>} : memref<128x128xf32, #tpu.memory_space<vmem>>, vector<1x16xf32>,
        %get3A_1191 = vector.shape_cast %get3A_1190 : vector<1x16xf32> to vector<16xf32>
        %mul3A_1192 = arith.mulf %get3A_1191, %gather3A_1143 : vector<16xf32>
        %swap3A_1193 = arith.index_cast %add3A_1147 : i32 to index
        %swap3A_1194 = arith.constant 64 : index
        %swap3A_1195 = tpu.vector_load %arg6[%swap3A_1193, %swap3A_1194] {strides = array<i32>} : memref<128x128xf32, #tpu.memory_space<vmem>>, vector<1x16xf32>,
        %swap3A_1196 = vector.shape_cast %swap3A_1195 : vector<1x16xf32> to vector<16xf32>
        %swap3A_1197 = vector.shape_cast %mul3A_1192 : vector<16xf32> to vector<1x16xf32>
        tpu.vector_store %arg6[%swap3A_1193, %swap3A_1194], %swap3A_1197 {strides = array<i32>} : memref<128x128xf32, #tpu.memory_space<vmem>>, vector<1x16xf32>,
        %get3A_1198 = arith.index_cast %add3A_1147 : i32 to index
        %get3A_1199 = arith.constant 80 : index
        %get3A_1200 = tpu.vector_load %arg6[%get3A_1198, %get3A_1199] {strides = array<i32>} : memref<128x128xf32, #tpu.memory_space<vmem>>, vector<1x16xf32>,
        %get3A_1201 = vector.shape_cast %get3A_1200 : vector<1x16xf32> to vector<16xf32>
        %mul3A_1202 = arith.mulf %get3A_1201, %gather3A_1143 : vector<16xf32>
        %swap3A_1203 = arith.index_cast %add3A_1147 : i32 to index
        %swap3A_1204 = arith.constant 80 : index
        %swap3A_1205 = tpu.vector_load %arg6[%swap3A_1203, %swap3A_1204] {strides = array<i32>} : memref<128x128xf32, #tpu.memory_space<vmem>>, vector<1x16xf32>,
        %swap3A_1206 = vector.shape_cast %swap3A_1205 : vector<1x16xf32> to vector<16xf32>
        %swap3A_1207 = vector.shape_cast %mul3A_1202 : vector<16xf32> to vector<1x16xf32>
        tpu.vector_store %arg6[%swap3A_1203, %swap3A_1204], %swap3A_1207 {strides = array<i32>} : memref<128x128xf32, #tpu.memory_space<vmem>>, vector<1x16xf32>,
        %get3A_1208 = arith.index_cast %add3A_1147 : i32 to index
        %get3A_1209 = arith.constant 96 : index
        %get3A_1210 = tpu.vector_load %arg6[%get3A_1208, %get3A_1209] {strides = array<i32>} : memref<128x128xf32, #tpu.memory_space<vmem>>, vector<1x16xf32>,
        %get3A_1211 = vector.shape_cast %get3A_1210 : vector<1x16xf32> to vector<16xf32>
        %mul3A_1212 = arith.mulf %get3A_1211, %gather3A_1143 : vector<16xf32>
        %swap3A_1213 = arith.index_cast %add3A_1147 : i32 to index
        %swap3A_1214 = arith.constant 96 : index
        %swap3A_1215 = tpu.vector_load %arg6[%swap3A_1213, %swap3A_1214] {strides = array<i32>} : memref<128x128xf32, #tpu.memory_space<vmem>>, vector<1x16xf32>,
        %swap3A_1216 = vector.shape_cast %swap3A_1215 : vector<1x16xf32> to vector<16xf32>
        %swap3A_1217 = vector.shape_cast %mul3A_1212 : vector<16xf32> to vector<1x16xf32>
        tpu.vector_store %arg6[%swap3A_1213, %swap3A_1214], %swap3A_1217 {strides = array<i32>} : memref<128x128xf32, #tpu.memory_space<vmem>>, vector<1x16xf32>,
        %get3A_1218 = arith.index_cast %add3A_1147 : i32 to index
        %get3A_1219 = arith.constant 112 : index
        %get3A_1220 = tpu.vector_load %arg6[%get3A_1218, %get3A_1219] {strides = array<i32>} : memref<128x128xf32, #tpu.memory_space<vmem>>, vector<1x16xf32>,
        %get3A_1221 = vector.shape_cast %get3A_1220 : vector<1x16xf32> to vector<16xf32>
        %mul3A_1222 = arith.mulf %get3A_1221, %gather3A_1143 : vector<16xf32>
        %swap3A_1223 = arith.index_cast %add3A_1147 : i32 to index
        %swap3A_1224 = arith.constant 112 : index
        %swap3A_1225 = tpu.vector_load %arg6[%swap3A_1223, %swap3A_1224] {strides = array<i32>} : memref<128x128xf32, #tpu.memory_space<vmem>>, vector<1x16xf32>,
        %swap3A_1226 = vector.shape_cast %swap3A_1225 : vector<1x16xf32> to vector<16xf32>
        %swap3A_1227 = vector.shape_cast %mul3A_1222 : vector<16xf32> to vector<1x16xf32>
        tpu.vector_store %arg6[%swap3A_1223, %swap3A_1224], %swap3A_1227 {strides = array<i32>} : memref<128x128xf32, #tpu.memory_space<vmem>>, vector<1x16xf32>,
        %broadcast_in_dim3A_1228 = arith.constant 13 : i32
        %broadcast_in_dim3A_1229 = vector.broadcast %broadcast_in_dim3A_1228 : i32 to vector<16x1xi32>
        %gather3A_1230 = vector.shape_cast %broadcast_in_dim3A_1229 : vector<16x1xi32> to vector<16xi32>
        %gather3A_1231 = tpu.dynamic_gather %bitcast_convert_type3A[%gather3A_1230] in [0] : vector<16xf32>, vector<16xi32> -> vector<16xf32>
        %mul3A_1232 = arith.constant 16 : i32
        %mul3A_1233 = arith.muli %scan3A_79, %mul3A_1232 : i32
        %add3A_1234 = arith.constant 13 : i32
        %add3A_1235 = arith.addi %mul3A_1233, %add3A_1234 : i32
        %get3A_1236 = arith.index_cast %add3A_1235 : i32 to index
        %get3A_1237 = arith.constant 0 : index
        %get3A_1238 = tpu.vector_load %arg6[%get3A_1236, %get3A_1237] {strides = array<i32>} : memref<128x128xf32, #tpu.memory_space<vmem>>, vector<1x16xf32>,
        %get3A_1239 = vector.shape_cast %get3A_1238 : vector<1x16xf32> to vector<16xf32>
        %mul3A_1240 = arith.mulf %get3A_1239, %gather3A_1231 : vector<16xf32>
        %swap3A_1241 = arith.index_cast %add3A_1235 : i32 to index
        %swap3A_1242 = arith.constant 0 : index
        %swap3A_1243 = tpu.vector_load %arg6[%swap3A_1241, %swap3A_1242] {strides = array<i32>} : memref<128x128xf32, #tpu.memory_space<vmem>>, vector<1x16xf32>,
        %swap3A_1244 = vector.shape_cast %swap3A_1243 : vector<1x16xf32> to vector<16xf32>
        %swap3A_1245 = vector.shape_cast %mul3A_1240 : vector<16xf32> to vector<1x16xf32>
        tpu.vector_store %arg6[%swap3A_1241, %swap3A_1242], %swap3A_1245 {strides = array<i32>} : memref<128x128xf32, #tpu.memory_space<vmem>>, vector<1x16xf32>,
        %get3A_1246 = arith.index_cast %add3A_1235 : i32 to index
        %get3A_1247 = arith.constant 16 : index
        %get3A_1248 = tpu.vector_load %arg6[%get3A_1246, %get3A_1247] {strides = array<i32>} : memref<128x128xf32, #tpu.memory_space<vmem>>, vector<1x16xf32>,
        %get3A_1249 = vector.shape_cast %get3A_1248 : vector<1x16xf32> to vector<16xf32>
        %mul3A_1250 = arith.mulf %get3A_1249, %gather3A_1231 : vector<16xf32>
        %swap3A_1251 = arith.index_cast %add3A_1235 : i32 to index
        %swap3A_1252 = arith.constant 16 : index
        %swap3A_1253 = tpu.vector_load %arg6[%swap3A_1251, %swap3A_1252] {strides = array<i32>} : memref<128x128xf32, #tpu.memory_space<vmem>>, vector<1x16xf32>,
        %swap3A_1254 = vector.shape_cast %swap3A_1253 : vector<1x16xf32> to vector<16xf32>
        %swap3A_1255 = vector.shape_cast %mul3A_1250 : vector<16xf32> to vector<1x16xf32>
        tpu.vector_store %arg6[%swap3A_1251, %swap3A_1252], %swap3A_1255 {strides = array<i32>} : memref<128x128xf32, #tpu.memory_space<vmem>>, vector<1x16xf32>,
        %get3A_1256 = arith.index_cast %add3A_1235 : i32 to index
        %get3A_1257 = arith.constant 32 : index
        %get3A_1258 = tpu.vector_load %arg6[%get3A_1256, %get3A_1257] {strides = array<i32>} : memref<128x128xf32, #tpu.memory_space<vmem>>, vector<1x16xf32>,
        %get3A_1259 = vector.shape_cast %get3A_1258 : vector<1x16xf32> to vector<16xf32>
        %mul3A_1260 = arith.mulf %get3A_1259, %gather3A_1231 : vector<16xf32>
        %swap3A_1261 = arith.index_cast %add3A_1235 : i32 to index
        %swap3A_1262 = arith.constant 32 : index
        %swap3A_1263 = tpu.vector_load %arg6[%swap3A_1261, %swap3A_1262] {strides = array<i32>} : memref<128x128xf32, #tpu.memory_space<vmem>>, vector<1x16xf32>,
        %swap3A_1264 = vector.shape_cast %swap3A_1263 : vector<1x16xf32> to vector<16xf32>
        %swap3A_1265 = vector.shape_cast %mul3A_1260 : vector<16xf32> to vector<1x16xf32>
        tpu.vector_store %arg6[%swap3A_1261, %swap3A_1262], %swap3A_1265 {strides = array<i32>} : memref<128x128xf32, #tpu.memory_space<vmem>>, vector<1x16xf32>,
        %get3A_1266 = arith.index_cast %add3A_1235 : i32 to index
        %get3A_1267 = arith.constant 48 : index
        %get3A_1268 = tpu.vector_load %arg6[%get3A_1266, %get3A_1267] {strides = array<i32>} : memref<128x128xf32, #tpu.memory_space<vmem>>, vector<1x16xf32>,
        %get3A_1269 = vector.shape_cast %get3A_1268 : vector<1x16xf32> to vector<16xf32>
        %mul3A_1270 = arith.mulf %get3A_1269, %gather3A_1231 : vector<16xf32>
        %swap3A_1271 = arith.index_cast %add3A_1235 : i32 to index
        %swap3A_1272 = arith.constant 48 : index
        %swap3A_1273 = tpu.vector_load %arg6[%swap3A_1271, %swap3A_1272] {strides = array<i32>} : memref<128x128xf32, #tpu.memory_space<vmem>>, vector<1x16xf32>,
        %swap3A_1274 = vector.shape_cast %swap3A_1273 : vector<1x16xf32> to vector<16xf32>
        %swap3A_1275 = vector.shape_cast %mul3A_1270 : vector<16xf32> to vector<1x16xf32>
        tpu.vector_store %arg6[%swap3A_1271, %swap3A_1272], %swap3A_1275 {strides = array<i32>} : memref<128x128xf32, #tpu.memory_space<vmem>>, vector<1x16xf32>,
        %get3A_1276 = arith.index_cast %add3A_1235 : i32 to index
        %get3A_1277 = arith.constant 64 : index
        %get3A_1278 = tpu.vector_load %arg6[%get3A_1276, %get3A_1277] {strides = array<i32>} : memref<128x128xf32, #tpu.memory_space<vmem>>, vector<1x16xf32>,
        %get3A_1279 = vector.shape_cast %get3A_1278 : vector<1x16xf32> to vector<16xf32>
        %mul3A_1280 = arith.mulf %get3A_1279, %gather3A_1231 : vector<16xf32>
        %swap3A_1281 = arith.index_cast %add3A_1235 : i32 to index
        %swap3A_1282 = arith.constant 64 : index
        %swap3A_1283 = tpu.vector_load %arg6[%swap3A_1281, %swap3A_1282] {strides = array<i32>} : memref<128x128xf32, #tpu.memory_space<vmem>>, vector<1x16xf32>,
        %swap3A_1284 = vector.shape_cast %swap3A_1283 : vector<1x16xf32> to vector<16xf32>
        %swap3A_1285 = vector.shape_cast %mul3A_1280 : vector<16xf32> to vector<1x16xf32>
        tpu.vector_store %arg6[%swap3A_1281, %swap3A_1282], %swap3A_1285 {strides = array<i32>} : memref<128x128xf32, #tpu.memory_space<vmem>>, vector<1x16xf32>,
        %get3A_1286 = arith.index_cast %add3A_1235 : i32 to index
        %get3A_1287 = arith.constant 80 : index
        %get3A_1288 = tpu.vector_load %arg6[%get3A_1286, %get3A_1287] {strides = array<i32>} : memref<128x128xf32, #tpu.memory_space<vmem>>, vector<1x16xf32>,
        %get3A_1289 = vector.shape_cast %get3A_1288 : vector<1x16xf32> to vector<16xf32>
        %mul3A_1290 = arith.mulf %get3A_1289, %gather3A_1231 : vector<16xf32>
        %swap3A_1291 = arith.index_cast %add3A_1235 : i32 to index
        %swap3A_1292 = arith.constant 80 : index
        %swap3A_1293 = tpu.vector_load %arg6[%swap3A_1291, %swap3A_1292] {strides = array<i32>} : memref<128x128xf32, #tpu.memory_space<vmem>>, vector<1x16xf32>,
        %swap3A_1294 = vector.shape_cast %swap3A_1293 : vector<1x16xf32> to vector<16xf32>
        %swap3A_1295 = vector.shape_cast %mul3A_1290 : vector<16xf32> to vector<1x16xf32>
        tpu.vector_store %arg6[%swap3A_1291, %swap3A_1292], %swap3A_1295 {strides = array<i32>} : memref<128x128xf32, #tpu.memory_space<vmem>>, vector<1x16xf32>,
        %get3A_1296 = arith.index_cast %add3A_1235 : i32 to index
        %get3A_1297 = arith.constant 96 : index
        %get3A_1298 = tpu.vector_load %arg6[%get3A_1296, %get3A_1297] {strides = array<i32>} : memref<128x128xf32, #tpu.memory_space<vmem>>, vector<1x16xf32>,
        %get3A_1299 = vector.shape_cast %get3A_1298 : vector<1x16xf32> to vector<16xf32>
        %mul3A_1300 = arith.mulf %get3A_1299, %gather3A_1231 : vector<16xf32>
        %swap3A_1301 = arith.index_cast %add3A_1235 : i32 to index
        %swap3A_1302 = arith.constant 96 : index
        %swap3A_1303 = tpu.vector_load %arg6[%swap3A_1301, %swap3A_1302] {strides = array<i32>} : memref<128x128xf32, #tpu.memory_space<vmem>>, vector<1x16xf32>,
        %swap3A_1304 = vector.shape_cast %swap3A_1303 : vector<1x16xf32> to vector<16xf32>
        %swap3A_1305 = vector.shape_cast %mul3A_1300 : vector<16xf32> to vector<1x16xf32>
        tpu.vector_store %arg6[%swap3A_1301, %swap3A_1302], %swap3A_1305 {strides = array<i32>} : memref<128x128xf32, #tpu.memory_space<vmem>>, vector<1x16xf32>,
        %get3A_1306 = arith.index_cast %add3A_1235 : i32 to index
        %get3A_1307 = arith.constant 112 : index
        %get3A_1308 = tpu.vector_load %arg6[%get3A_1306, %get3A_1307] {strides = array<i32>} : memref<128x128xf32, #tpu.memory_space<vmem>>, vector<1x16xf32>,
        %get3A_1309 = vector.shape_cast %get3A_1308 : vector<1x16xf32> to vector<16xf32>
        %mul3A_1310 = arith.mulf %get3A_1309, %gather3A_1231 : vector<16xf32>
        %swap3A_1311 = arith.index_cast %add3A_1235 : i32 to index
        %swap3A_1312 = arith.constant 112 : index
        %swap3A_1313 = tpu.vector_load %arg6[%swap3A_1311, %swap3A_1312] {strides = array<i32>} : memref<128x128xf32, #tpu.memory_space<vmem>>, vector<1x16xf32>,
        %swap3A_1314 = vector.shape_cast %swap3A_1313 : vector<1x16xf32> to vector<16xf32>
        %swap3A_1315 = vector.shape_cast %mul3A_1310 : vector<16xf32> to vector<1x16xf32>
        tpu.vector_store %arg6[%swap3A_1311, %swap3A_1312], %swap3A_1315 {strides = array<i32>} : memref<128x128xf32, #tpu.memory_space<vmem>>, vector<1x16xf32>,
        %broadcast_in_dim3A_1316 = arith.constant 14 : i32
        %broadcast_in_dim3A_1317 = vector.broadcast %broadcast_in_dim3A_1316 : i32 to vector<16x1xi32>
        %gather3A_1318 = vector.shape_cast %broadcast_in_dim3A_1317 : vector<16x1xi32> to vector<16xi32>
        %gather3A_1319 = tpu.dynamic_gather %bitcast_convert_type3A[%gather3A_1318] in [0] : vector<16xf32>, vector<16xi32> -> vector<16xf32>
        %mul3A_1320 = arith.constant 16 : i32
        %mul3A_1321 = arith.muli %scan3A_79, %mul3A_1320 : i32
        %add3A_1322 = arith.constant 14 : i32
        %add3A_1323 = arith.addi %mul3A_1321, %add3A_1322 : i32
        %get3A_1324 = arith.index_cast %add3A_1323 : i32 to index
        %get3A_1325 = arith.constant 0 : index
        %get3A_1326 = tpu.vector_load %arg6[%get3A_1324, %get3A_1325] {strides = array<i32>} : memref<128x128xf32, #tpu.memory_space<vmem>>, vector<1x16xf32>,
        %get3A_1327 = vector.shape_cast %get3A_1326 : vector<1x16xf32> to vector<16xf32>
        %mul3A_1328 = arith.mulf %get3A_1327, %gather3A_1319 : vector<16xf32>
        %swap3A_1329 = arith.index_cast %add3A_1323 : i32 to index
        %swap3A_1330 = arith.constant 0 : index
        %swap3A_1331 = tpu.vector_load %arg6[%swap3A_1329, %swap3A_1330] {strides = array<i32>} : memref<128x128xf32, #tpu.memory_space<vmem>>, vector<1x16xf32>,
        %swap3A_1332 = vector.shape_cast %swap3A_1331 : vector<1x16xf32> to vector<16xf32>
        %swap3A_1333 = vector.shape_cast %mul3A_1328 : vector<16xf32> to vector<1x16xf32>
        tpu.vector_store %arg6[%swap3A_1329, %swap3A_1330], %swap3A_1333 {strides = array<i32>} : memref<128x128xf32, #tpu.memory_space<vmem>>, vector<1x16xf32>,
        %get3A_1334 = arith.index_cast %add3A_1323 : i32 to index
        %get3A_1335 = arith.constant 16 : index
        %get3A_1336 = tpu.vector_load %arg6[%get3A_1334, %get3A_1335] {strides = array<i32>} : memref<128x128xf32, #tpu.memory_space<vmem>>, vector<1x16xf32>,
        %get3A_1337 = vector.shape_cast %get3A_1336 : vector<1x16xf32> to vector<16xf32>
        %mul3A_1338 = arith.mulf %get3A_1337, %gather3A_1319 : vector<16xf32>
        %swap3A_1339 = arith.index_cast %add3A_1323 : i32 to index
        %swap3A_1340 = arith.constant 16 : index
        %swap3A_1341 = tpu.vector_load %arg6[%swap3A_1339, %swap3A_1340] {strides = array<i32>} : memref<128x128xf32, #tpu.memory_space<vmem>>, vector<1x16xf32>,
        %swap3A_1342 = vector.shape_cast %swap3A_1341 : vector<1x16xf32> to vector<16xf32>
        %swap3A_1343 = vector.shape_cast %mul3A_1338 : vector<16xf32> to vector<1x16xf32>
        tpu.vector_store %arg6[%swap3A_1339, %swap3A_1340], %swap3A_1343 {strides = array<i32>} : memref<128x128xf32, #tpu.memory_space<vmem>>, vector<1x16xf32>,
        %get3A_1344 = arith.index_cast %add3A_1323 : i32 to index
        %get3A_1345 = arith.constant 32 : index
        %get3A_1346 = tpu.vector_load %arg6[%get3A_1344, %get3A_1345] {strides = array<i32>} : memref<128x128xf32, #tpu.memory_space<vmem>>, vector<1x16xf32>,
        %get3A_1347 = vector.shape_cast %get3A_1346 : vector<1x16xf32> to vector<16xf32>
        %mul3A_1348 = arith.mulf %get3A_1347, %gather3A_1319 : vector<16xf32>
        %swap3A_1349 = arith.index_cast %add3A_1323 : i32 to index
        %swap3A_1350 = arith.constant 32 : index
        %swap3A_1351 = tpu.vector_load %arg6[%swap3A_1349, %swap3A_1350] {strides = array<i32>} : memref<128x128xf32, #tpu.memory_space<vmem>>, vector<1x16xf32>,
        %swap3A_1352 = vector.shape_cast %swap3A_1351 : vector<1x16xf32> to vector<16xf32>
        %swap3A_1353 = vector.shape_cast %mul3A_1348 : vector<16xf32> to vector<1x16xf32>
        tpu.vector_store %arg6[%swap3A_1349, %swap3A_1350], %swap3A_1353 {strides = array<i32>} : memref<128x128xf32, #tpu.memory_space<vmem>>, vector<1x16xf32>,
        %get3A_1354 = arith.index_cast %add3A_1323 : i32 to index
        %get3A_1355 = arith.constant 48 : index
        %get3A_1356 = tpu.vector_load %arg6[%get3A_1354, %get3A_1355] {strides = array<i32>} : memref<128x128xf32, #tpu.memory_space<vmem>>, vector<1x16xf32>,
        %get3A_1357 = vector.shape_cast %get3A_1356 : vector<1x16xf32> to vector<16xf32>
        %mul3A_1358 = arith.mulf %get3A_1357, %gather3A_1319 : vector<16xf32>
        %swap3A_1359 = arith.index_cast %add3A_1323 : i32 to index
        %swap3A_1360 = arith.constant 48 : index
        %swap3A_1361 = tpu.vector_load %arg6[%swap3A_1359, %swap3A_1360] {strides = array<i32>} : memref<128x128xf32, #tpu.memory_space<vmem>>, vector<1x16xf32>,
        %swap3A_1362 = vector.shape_cast %swap3A_1361 : vector<1x16xf32> to vector<16xf32>
        %swap3A_1363 = vector.shape_cast %mul3A_1358 : vector<16xf32> to vector<1x16xf32>
        tpu.vector_store %arg6[%swap3A_1359, %swap3A_1360], %swap3A_1363 {strides = array<i32>} : memref<128x128xf32, #tpu.memory_space<vmem>>, vector<1x16xf32>,
        %get3A_1364 = arith.index_cast %add3A_1323 : i32 to index
        %get3A_1365 = arith.constant 64 : index
        %get3A_1366 = tpu.vector_load %arg6[%get3A_1364, %get3A_1365] {strides = array<i32>} : memref<128x128xf32, #tpu.memory_space<vmem>>, vector<1x16xf32>,
        %get3A_1367 = vector.shape_cast %get3A_1366 : vector<1x16xf32> to vector<16xf32>
        %mul3A_1368 = arith.mulf %get3A_1367, %gather3A_1319 : vector<16xf32>
        %swap3A_1369 = arith.index_cast %add3A_1323 : i32 to index
        %swap3A_1370 = arith.constant 64 : index
        %swap3A_1371 = tpu.vector_load %arg6[%swap3A_1369, %swap3A_1370] {strides = array<i32>} : memref<128x128xf32, #tpu.memory_space<vmem>>, vector<1x16xf32>,
        %swap3A_1372 = vector.shape_cast %swap3A_1371 : vector<1x16xf32> to vector<16xf32>
        %swap3A_1373 = vector.shape_cast %mul3A_1368 : vector<16xf32> to vector<1x16xf32>
        tpu.vector_store %arg6[%swap3A_1369, %swap3A_1370], %swap3A_1373 {strides = array<i32>} : memref<128x128xf32, #tpu.memory_space<vmem>>, vector<1x16xf32>,
        %get3A_1374 = arith.index_cast %add3A_1323 : i32 to index
        %get3A_1375 = arith.constant 80 : index
        %get3A_1376 = tpu.vector_load %arg6[%get3A_1374, %get3A_1375] {strides = array<i32>} : memref<128x128xf32, #tpu.memory_space<vmem>>, vector<1x16xf32>,
        %get3A_1377 = vector.shape_cast %get3A_1376 : vector<1x16xf32> to vector<16xf32>
        %mul3A_1378 = arith.mulf %get3A_1377, %gather3A_1319 : vector<16xf32>
        %swap3A_1379 = arith.index_cast %add3A_1323 : i32 to index
        %swap3A_1380 = arith.constant 80 : index
        %swap3A_1381 = tpu.vector_load %arg6[%swap3A_1379, %swap3A_1380] {strides = array<i32>} : memref<128x128xf32, #tpu.memory_space<vmem>>, vector<1x16xf32>,
        %swap3A_1382 = vector.shape_cast %swap3A_1381 : vector<1x16xf32> to vector<16xf32>
        %swap3A_1383 = vector.shape_cast %mul3A_1378 : vector<16xf32> to vector<1x16xf32>
        tpu.vector_store %arg6[%swap3A_1379, %swap3A_1380], %swap3A_1383 {strides = array<i32>} : memref<128x128xf32, #tpu.memory_space<vmem>>, vector<1x16xf32>,
        %get3A_1384 = arith.index_cast %add3A_1323 : i32 to index
        %get3A_1385 = arith.constant 96 : index
        %get3A_1386 = tpu.vector_load %arg6[%get3A_1384, %get3A_1385] {strides = array<i32>} : memref<128x128xf32, #tpu.memory_space<vmem>>, vector<1x16xf32>,
        %get3A_1387 = vector.shape_cast %get3A_1386 : vector<1x16xf32> to vector<16xf32>
        %mul3A_1388 = arith.mulf %get3A_1387, %gather3A_1319 : vector<16xf32>
        %swap3A_1389 = arith.index_cast %add3A_1323 : i32 to index
        %swap3A_1390 = arith.constant 96 : index
        %swap3A_1391 = tpu.vector_load %arg6[%swap3A_1389, %swap3A_1390] {strides = array<i32>} : memref<128x128xf32, #tpu.memory_space<vmem>>, vector<1x16xf32>,
        %swap3A_1392 = vector.shape_cast %swap3A_1391 : vector<1x16xf32> to vector<16xf32>
        %swap3A_1393 = vector.shape_cast %mul3A_1388 : vector<16xf32> to vector<1x16xf32>
        tpu.vector_store %arg6[%swap3A_1389, %swap3A_1390], %swap3A_1393 {strides = array<i32>} : memref<128x128xf32, #tpu.memory_space<vmem>>, vector<1x16xf32>,
        %get3A_1394 = arith.index_cast %add3A_1323 : i32 to index
        %get3A_1395 = arith.constant 112 : index
        %get3A_1396 = tpu.vector_load %arg6[%get3A_1394, %get3A_1395] {strides = array<i32>} : memref<128x128xf32, #tpu.memory_space<vmem>>, vector<1x16xf32>,
        %get3A_1397 = vector.shape_cast %get3A_1396 : vector<1x16xf32> to vector<16xf32>
        %mul3A_1398 = arith.mulf %get3A_1397, %gather3A_1319 : vector<16xf32>
        %swap3A_1399 = arith.index_cast %add3A_1323 : i32 to index
        %swap3A_1400 = arith.constant 112 : index
        %swap3A_1401 = tpu.vector_load %arg6[%swap3A_1399, %swap3A_1400] {strides = array<i32>} : memref<128x128xf32, #tpu.memory_space<vmem>>, vector<1x16xf32>,
        %swap3A_1402 = vector.shape_cast %swap3A_1401 : vector<1x16xf32> to vector<16xf32>
        %swap3A_1403 = vector.shape_cast %mul3A_1398 : vector<16xf32> to vector<1x16xf32>
        tpu.vector_store %arg6[%swap3A_1399, %swap3A_1400], %swap3A_1403 {strides = array<i32>} : memref<128x128xf32, #tpu.memory_space<vmem>>, vector<1x16xf32>,
        %broadcast_in_dim3A_1404 = arith.constant 15 : i32
        %broadcast_in_dim3A_1405 = vector.broadcast %broadcast_in_dim3A_1404 : i32 to vector<16x1xi32>
        %gather3A_1406 = vector.shape_cast %broadcast_in_dim3A_1405 : vector<16x1xi32> to vector<16xi32>
        %gather3A_1407 = tpu.dynamic_gather %bitcast_convert_type3A[%gather3A_1406] in [0] : vector<16xf32>, vector<16xi32> -> vector<16xf32>
        %mul3A_1408 = arith.constant 16 : i32
        %mul3A_1409 = arith.muli %scan3A_79, %mul3A_1408 : i32
        %add3A_1410 = arith.constant 15 : i32
        %add3A_1411 = arith.addi %mul3A_1409, %add3A_1410 : i32
        %get3A_1412 = arith.index_cast %add3A_1411 : i32 to index
        %get3A_1413 = arith.constant 0 : index
        %get3A_1414 = tpu.vector_load %arg6[%get3A_1412, %get3A_1413] {strides = array<i32>} : memref<128x128xf32, #tpu.memory_space<vmem>>, vector<1x16xf32>,
        %get3A_1415 = vector.shape_cast %get3A_1414 : vector<1x16xf32> to vector<16xf32>
        %mul3A_1416 = arith.mulf %get3A_1415, %gather3A_1407 : vector<16xf32>
        %swap3A_1417 = arith.index_cast %add3A_1411 : i32 to index
        %swap3A_1418 = arith.constant 0 : index
        %swap3A_1419 = tpu.vector_load %arg6[%swap3A_1417, %swap3A_1418] {strides = array<i32>} : memref<128x128xf32, #tpu.memory_space<vmem>>, vector<1x16xf32>,
        %swap3A_1420 = vector.shape_cast %swap3A_1419 : vector<1x16xf32> to vector<16xf32>
        %swap3A_1421 = vector.shape_cast %mul3A_1416 : vector<16xf32> to vector<1x16xf32>
        tpu.vector_store %arg6[%swap3A_1417, %swap3A_1418], %swap3A_1421 {strides = array<i32>} : memref<128x128xf32, #tpu.memory_space<vmem>>, vector<1x16xf32>,
        %get3A_1422 = arith.index_cast %add3A_1411 : i32 to index
        %get3A_1423 = arith.constant 16 : index
        %get3A_1424 = tpu.vector_load %arg6[%get3A_1422, %get3A_1423] {strides = array<i32>} : memref<128x128xf32, #tpu.memory_space<vmem>>, vector<1x16xf32>,
        %get3A_1425 = vector.shape_cast %get3A_1424 : vector<1x16xf32> to vector<16xf32>
        %mul3A_1426 = arith.mulf %get3A_1425, %gather3A_1407 : vector<16xf32>
        %swap3A_1427 = arith.index_cast %add3A_1411 : i32 to index
        %swap3A_1428 = arith.constant 16 : index
        %swap3A_1429 = tpu.vector_load %arg6[%swap3A_1427, %swap3A_1428] {strides = array<i32>} : memref<128x128xf32, #tpu.memory_space<vmem>>, vector<1x16xf32>,
        %swap3A_1430 = vector.shape_cast %swap3A_1429 : vector<1x16xf32> to vector<16xf32>
        %swap3A_1431 = vector.shape_cast %mul3A_1426 : vector<16xf32> to vector<1x16xf32>
        tpu.vector_store %arg6[%swap3A_1427, %swap3A_1428], %swap3A_1431 {strides = array<i32>} : memref<128x128xf32, #tpu.memory_space<vmem>>, vector<1x16xf32>,
        %get3A_1432 = arith.index_cast %add3A_1411 : i32 to index
        %get3A_1433 = arith.constant 32 : index
        %get3A_1434 = tpu.vector_load %arg6[%get3A_1432, %get3A_1433] {strides = array<i32>} : memref<128x128xf32, #tpu.memory_space<vmem>>, vector<1x16xf32>,
        %get3A_1435 = vector.shape_cast %get3A_1434 : vector<1x16xf32> to vector<16xf32>
        %mul3A_1436 = arith.mulf %get3A_1435, %gather3A_1407 : vector<16xf32>
        %swap3A_1437 = arith.index_cast %add3A_1411 : i32 to index
        %swap3A_1438 = arith.constant 32 : index
        %swap3A_1439 = tpu.vector_load %arg6[%swap3A_1437, %swap3A_1438] {strides = array<i32>} : memref<128x128xf32, #tpu.memory_space<vmem>>, vector<1x16xf32>,
        %swap3A_1440 = vector.shape_cast %swap3A_1439 : vector<1x16xf32> to vector<16xf32>
        %swap3A_1441 = vector.shape_cast %mul3A_1436 : vector<16xf32> to vector<1x16xf32>
        tpu.vector_store %arg6[%swap3A_1437, %swap3A_1438], %swap3A_1441 {strides = array<i32>} : memref<128x128xf32, #tpu.memory_space<vmem>>, vector<1x16xf32>,
        %get3A_1442 = arith.index_cast %add3A_1411 : i32 to index
        %get3A_1443 = arith.constant 48 : index
        %get3A_1444 = tpu.vector_load %arg6[%get3A_1442, %get3A_1443] {strides = array<i32>} : memref<128x128xf32, #tpu.memory_space<vmem>>, vector<1x16xf32>,
        %get3A_1445 = vector.shape_cast %get3A_1444 : vector<1x16xf32> to vector<16xf32>
        %mul3A_1446 = arith.mulf %get3A_1445, %gather3A_1407 : vector<16xf32>
        %swap3A_1447 = arith.index_cast %add3A_1411 : i32 to index
        %swap3A_1448 = arith.constant 48 : index
        %swap3A_1449 = tpu.vector_load %arg6[%swap3A_1447, %swap3A_1448] {strides = array<i32>} : memref<128x128xf32, #tpu.memory_space<vmem>>, vector<1x16xf32>,
        %swap3A_1450 = vector.shape_cast %swap3A_1449 : vector<1x16xf32> to vector<16xf32>
        %swap3A_1451 = vector.shape_cast %mul3A_1446 : vector<16xf32> to vector<1x16xf32>
        tpu.vector_store %arg6[%swap3A_1447, %swap3A_1448], %swap3A_1451 {strides = array<i32>} : memref<128x128xf32, #tpu.memory_space<vmem>>, vector<1x16xf32>,
        %get3A_1452 = arith.index_cast %add3A_1411 : i32 to index
        %get3A_1453 = arith.constant 64 : index
        %get3A_1454 = tpu.vector_load %arg6[%get3A_1452, %get3A_1453] {strides = array<i32>} : memref<128x128xf32, #tpu.memory_space<vmem>>, vector<1x16xf32>,
        %get3A_1455 = vector.shape_cast %get3A_1454 : vector<1x16xf32> to vector<16xf32>
        %mul3A_1456 = arith.mulf %get3A_1455, %gather3A_1407 : vector<16xf32>
        %swap3A_1457 = arith.index_cast %add3A_1411 : i32 to index
        %swap3A_1458 = arith.constant 64 : index
        %swap3A_1459 = tpu.vector_load %arg6[%swap3A_1457, %swap3A_1458] {strides = array<i32>} : memref<128x128xf32, #tpu.memory_space<vmem>>, vector<1x16xf32>,
        %swap3A_1460 = vector.shape_cast %swap3A_1459 : vector<1x16xf32> to vector<16xf32>
        %swap3A_1461 = vector.shape_cast %mul3A_1456 : vector<16xf32> to vector<1x16xf32>
        tpu.vector_store %arg6[%swap3A_1457, %swap3A_1458], %swap3A_1461 {strides = array<i32>} : memref<128x128xf32, #tpu.memory_space<vmem>>, vector<1x16xf32>,
        %get3A_1462 = arith.index_cast %add3A_1411 : i32 to index
        %get3A_1463 = arith.constant 80 : index
        %get3A_1464 = tpu.vector_load %arg6[%get3A_1462, %get3A_1463] {strides = array<i32>} : memref<128x128xf32, #tpu.memory_space<vmem>>, vector<1x16xf32>,
        %get3A_1465 = vector.shape_cast %get3A_1464 : vector<1x16xf32> to vector<16xf32>
        %mul3A_1466 = arith.mulf %get3A_1465, %gather3A_1407 : vector<16xf32>
        %swap3A_1467 = arith.index_cast %add3A_1411 : i32 to index
        %swap3A_1468 = arith.constant 80 : index
        %swap3A_1469 = tpu.vector_load %arg6[%swap3A_1467, %swap3A_1468] {strides = array<i32>} : memref<128x128xf32, #tpu.memory_space<vmem>>, vector<1x16xf32>,
        %swap3A_1470 = vector.shape_cast %swap3A_1469 : vector<1x16xf32> to vector<16xf32>
        %swap3A_1471 = vector.shape_cast %mul3A_1466 : vector<16xf32> to vector<1x16xf32>
        tpu.vector_store %arg6[%swap3A_1467, %swap3A_1468], %swap3A_1471 {strides = array<i32>} : memref<128x128xf32, #tpu.memory_space<vmem>>, vector<1x16xf32>,
        %get3A_1472 = arith.index_cast %add3A_1411 : i32 to index
        %get3A_1473 = arith.constant 96 : index
        %get3A_1474 = tpu.vector_load %arg6[%get3A_1472, %get3A_1473] {strides = array<i32>} : memref<128x128xf32, #tpu.memory_space<vmem>>, vector<1x16xf32>,
        %get3A_1475 = vector.shape_cast %get3A_1474 : vector<1x16xf32> to vector<16xf32>
        %mul3A_1476 = arith.mulf %get3A_1475, %gather3A_1407 : vector<16xf32>
        %swap3A_1477 = arith.index_cast %add3A_1411 : i32 to index
        %swap3A_1478 = arith.constant 96 : index
        %swap3A_1479 = tpu.vector_load %arg6[%swap3A_1477, %swap3A_1478] {strides = array<i32>} : memref<128x128xf32, #tpu.memory_space<vmem>>, vector<1x16xf32>,
        %swap3A_1480 = vector.shape_cast %swap3A_1479 : vector<1x16xf32> to vector<16xf32>
        %swap3A_1481 = vector.shape_cast %mul3A_1476 : vector<16xf32> to vector<1x16xf32>
        tpu.vector_store %arg6[%swap3A_1477, %swap3A_1478], %swap3A_1481 {strides = array<i32>} : memref<128x128xf32, #tpu.memory_space<vmem>>, vector<1x16xf32>,
        %get3A_1482 = arith.index_cast %add3A_1411 : i32 to index
        %get3A_1483 = arith.constant 112 : index
        %get3A_1484 = tpu.vector_load %arg6[%get3A_1482, %get3A_1483] {strides = array<i32>} : memref<128x128xf32, #tpu.memory_space<vmem>>, vector<1x16xf32>,
        %get3A_1485 = vector.shape_cast %get3A_1484 : vector<1x16xf32> to vector<16xf32>
        %mul3A_1486 = arith.mulf %get3A_1485, %gather3A_1407 : vector<16xf32>
        %swap3A_1487 = arith.index_cast %add3A_1411 : i32 to index
        %swap3A_1488 = arith.constant 112 : index
        %swap3A_1489 = tpu.vector_load %arg6[%swap3A_1487, %swap3A_1488] {strides = array<i32>} : memref<128x128xf32, #tpu.memory_space<vmem>>, vector<1x16xf32>,
        %swap3A_1490 = vector.shape_cast %swap3A_1489 : vector<1x16xf32> to vector<16xf32>
        %swap3A_1491 = vector.shape_cast %mul3A_1486 : vector<16xf32> to vector<1x16xf32>
        tpu.vector_store %arg6[%swap3A_1487, %swap3A_1488], %swap3A_1491 {strides = array<i32>} : memref<128x128xf32, #tpu.memory_space<vmem>>, vector<1x16xf32>,
      }
      %scan3A_66 = arith.constant 8 : i32
      %dma_start3A = arith.constant 1 : i32
      %dma_start3A_67 = arith.constant 0 : i32
      %dma_start3A_68 = tpu.memref_slice %arg5[%dma_start3A, %dma_start3A_67] : memref<3x128xi32, #tpu.memory_space<vmem>> -> memref<1x128xi32, #tpu.memory_space<vmem>>
      %dma_start3A_69 = tpu.memref_squeeze %dma_start3A_68 : memref<1x128xi32, #tpu.memory_space<vmem>> -> memref<128xi32, #tpu.memory_space<vmem>>
      %dma_start3A_70 = arith.constant 0 : i32
      %dma_start3A_71 = arith.constant 0 : i32
      %dma_start3A_72 = tpu.memref_slice %arg7[%dma_start3A_70, %dma_start3A_71] : memref<10000x128xf32, #tpu.memory_space<vmem_shared>> -> memref<10000x128xf32, #tpu.memory_space<vmem_shared>>
      tpu.enqueue_indirect_dma source(%arg6 : memref<128x128xf32, #tpu.memory_space<vmem>>) target(%dma_start3A_72 : memref<10000x128xf32, #tpu.memory_space<vmem_shared>>) offsets(%dma_start3A_69 : memref<128xi32, #tpu.memory_space<vmem>>) semaphore(%arg8 : memref<!tpu.dma_semaphore, #tpu.memory_space<semaphore_mem>>) {add = true}
      %dma_wait3A = arith.constant 1 : i32
      %dma_wait3A_73 = arith.constant 0 : i32
      %dma_wait3A_74 = tpu.memref_slice %arg5[%dma_wait3A, %dma_wait3A_73] : memref<3x128xi32, #tpu.memory_space<vmem>> -> memref<1x128xi32, #tpu.memory_space<vmem>>
      %dma_wait3A_75 = tpu.memref_squeeze %dma_wait3A_74 : memref<1x128xi32, #tpu.memory_space<vmem>> -> memref<128xi32, #tpu.memory_space<vmem>>
      %dma_wait3A_76 = arith.constant 0 : i32
      %dma_wait3A_77 = arith.constant 0 : i32
      %dma_wait3A_78 = tpu.memref_slice %arg7[%dma_wait3A_76, %dma_wait3A_77] : memref<10000x128xf32, #tpu.memory_space<vmem_shared>> -> memref<10000x128xf32, #tpu.memory_space<vmem_shared>>
      tpu.wait_indirect_dma semaphore(%arg8 : memref<!tpu.dma_semaphore, #tpu.memory_space<semaphore_mem>>) src(%arg6 : memref<128x128xf32, #tpu.memory_space<vmem>>) dst(%dma_wait3A_78 : memref<10000x128xf32, #tpu.memory_space<vmem_shared>>)
    }
    %while3A_42 = arith.constant 1 : i32
    scf.for %while3A_59 = %while3A_40 to %while3A_36 step %while3A_42  : i32 {
      %add3A_60 = arith.addi %select_n3A, %while3A_59 : i32
      "tpu.region"() ({
        %run_scoped3A_79 = tpu.sem_alloc : memref<!tpu.dma_semaphore, #tpu.memory_space<semaphore_mem>>
        %dma_start3A_80 = arith.constant 0 : i32
        %dma_start3A_81 = arith.constant 0 : i32
        %dma_start3A_82 = tpu.memref_slice %arg3[%add3A_60, %dma_start3A_80, %dma_start3A_81] : memref<2528x3x128xi32, #tpu.memory_space<hbm>> -> memref<1x3x128xi32, #tpu.memory_space<hbm>>
        %dma_start3A_83 = tpu.memref_squeeze %dma_start3A_82 : memref<1x3x128xi32, #tpu.memory_space<hbm>> -> memref<3x128xi32, #tpu.memory_space<hbm>>
        %dma_start3A_84 = arith.constant 0 : i32
        %dma_start3A_85 = arith.constant 0 : i32
        %dma_start3A_86 = tpu.memref_slice %arg3[%add3A_60, %dma_start3A_84, %dma_start3A_85] : memref<2528x3x128xi32, #tpu.memory_space<hbm>> -> memref<1x3x128xi32, #tpu.memory_space<hbm>>
        %dma_start3A_87 = tpu.memref_squeeze %dma_start3A_86 : memref<1x3x128xi32, #tpu.memory_space<hbm>> -> memref<3x128xi32, #tpu.memory_space<hbm>>
        tpu.enqueue_dma source(%dma_start3A_87 : memref<3x128xi32, #tpu.memory_space<hbm>>) target(%arg5 : memref<3x128xi32, #tpu.memory_space<vmem>>) target_semaphore(%run_scoped3A_79 : memref<!tpu.dma_semaphore, #tpu.memory_space<semaphore_mem>>)
        %dma_wait3A_88 = arith.constant 0 : i32
        %dma_wait3A_89 = arith.constant 0 : i32
        %dma_wait3A_90 = tpu.memref_slice %arg3[%add3A_60, %dma_wait3A_88, %dma_wait3A_89] : memref<2528x3x128xi32, #tpu.memory_space<hbm>> -> memref<1x3x128xi32, #tpu.memory_space<hbm>>
        %dma_wait3A_91 = tpu.memref_squeeze %dma_wait3A_90 : memref<1x3x128xi32, #tpu.memory_space<hbm>> -> memref<3x128xi32, #tpu.memory_space<hbm>>
        %dma_wait3A_92 = arith.constant 0 : i32
        %dma_wait3A_93 = arith.constant 0 : i32
        %dma_wait3A_94 = tpu.memref_slice %arg3[%add3A_60, %dma_wait3A_92, %dma_wait3A_93] : memref<2528x3x128xi32, #tpu.memory_space<hbm>> -> memref<1x3x128xi32, #tpu.memory_space<hbm>>
        %dma_wait3A_95 = tpu.memref_squeeze %dma_wait3A_94 : memref<1x3x128xi32, #tpu.memory_space<hbm>> -> memref<3x128xi32, #tpu.memory_space<hbm>>
        tpu.wait_dma2 semaphore(%run_scoped3A_79 : memref<!tpu.dma_semaphore, #tpu.memory_space<semaphore_mem>>) src(%dma_wait3A_95 : memref<3x128xi32, #tpu.memory_space<hbm>>) dst(%arg5 : memref<3x128xi32, #tpu.memory_space<vmem>>)
        tpu.yield
      }) : () -> ()
      %run_scoped3A = arith.constant 0 : i32
      "tpu.region"() ({
        %run_scoped3A_79 = tpu.sem_alloc : memref<!tpu.dma_semaphore, #tpu.memory_space<semaphore_mem>>
        %dma_start3A_80 = arith.constant 0 : i32
        %dma_start3A_81 = tpu.memref_slice %arg5[%run_scoped3A, %dma_start3A_80] : memref<3x128xi32, #tpu.memory_space<vmem>> -> memref<1x128xi32, #tpu.memory_space<vmem>>
        %dma_start3A_82 = tpu.memref_squeeze %dma_start3A_81 : memref<1x128xi32, #tpu.memory_space<vmem>> -> memref<128xi32, #tpu.memory_space<vmem>>
        %dma_start3A_83 = arith.constant 0 : i32
        %dma_start3A_84 = arith.constant 0 : i32
        %dma_start3A_85 = tpu.memref_slice %arg2[%dma_start3A_83, %dma_start3A_84] : memref<10000x128xf32, #tpu.memory_space<hbm>> -> memref<10000x128xf32, #tpu.memory_space<hbm>>
        tpu.enqueue_indirect_dma source(%dma_start3A_85 : memref<10000x128xf32, #tpu.memory_space<hbm>>) target(%arg6 : memref<128x128xf32, #tpu.memory_space<vmem>>) offsets(%dma_start3A_82 : memref<128xi32, #tpu.memory_space<vmem>>) semaphore(%run_scoped3A_79 : memref<!tpu.dma_semaphore, #tpu.memory_space<semaphore_mem>>)
        %dma_wait3A_86 = arith.constant 0 : i32
        %dma_wait3A_87 = tpu.memref_slice %arg5[%run_scoped3A, %dma_wait3A_86] : memref<3x128xi32, #tpu.memory_space<vmem>> -> memref<1x128xi32, #tpu.memory_space<vmem>>
        %dma_wait3A_88 = tpu.memref_squeeze %dma_wait3A_87 : memref<1x128xi32, #tpu.memory_space<vmem>> -> memref<128xi32, #tpu.memory_space<vmem>>
        %dma_wait3A_89 = arith.constant 0 : i32
        %dma_wait3A_90 = arith.constant 0 : i32
        %dma_wait3A_91 = tpu.memref_slice %arg2[%dma_wait3A_89, %dma_wait3A_90] : memref<10000x128xf32, #tpu.memory_space<hbm>> -> memref<10000x128xf32, #tpu.memory_space<hbm>>
        tpu.wait_indirect_dma semaphore(%run_scoped3A_79 : memref<!tpu.dma_semaphore, #tpu.memory_space<semaphore_mem>>) src(%dma_wait3A_91 : memref<10000x128xf32, #tpu.memory_space<hbm>>) dst(%arg6 : memref<128x128xf32, #tpu.memory_space<vmem>>)
        tpu.yield
      }) : () -> ()
      %scan3A_61 = arith.constant 0 : i32
      %scan3A_62 = arith.constant 0 : i32
      %scan3A_63 = arith.constant 8 : i32
      %scan3A_64 = arith.addi %scan3A_62, %scan3A_63 : i32
      %scan3A_65 = arith.constant 1 : i32
      scf.for %scan3A_79 = %scan3A_62 to %scan3A_64 step %scan3A_65  : i32 {
        %mul3A_80 = arith.constant 16 : i32
        %mul3A_81 = arith.muli %scan3A_79, %mul3A_80 : i32
        %get3A = arith.constant 2 : i32
        %get3A_82 = arith.index_cast %get3A : i32 to index
        %get3A_83 = arith.index_cast %mul3A_81 : i32 to index
        %get3A_84 = tpu.vector_load %arg5[%get3A_82, %get3A_83] {strides = array<i32>} : memref<3x128xi32, #tpu.memory_space<vmem>>, vector<1x16xi32>,
        %get3A_85 = vector.shape_cast %get3A_84 : vector<1x16xi32> to vector<16xi32>
        %bitcast_convert_type3A = tpu.bitcast %get3A_85 : vector<16xi32> -> vector<16xf32>
        %broadcast_in_dim3A_86 = arith.constant 0 : i32
        %broadcast_in_dim3A_87 = vector.broadcast %broadcast_in_dim3A_86 : i32 to vector<16x1xi32>
        %gather3A = vector.shape_cast %broadcast_in_dim3A_87 : vector<16x1xi32> to vector<16xi32>
        %gather3A_88 = tpu.dynamic_gather %bitcast_convert_type3A[%gather3A] in [0] : vector<16xf32>, vector<16xi32> -> vector<16xf32>
        %mul3A_89 = arith.constant 16 : i32
        %mul3A_90 = arith.muli %scan3A_79, %mul3A_89 : i32
        %add3A_91 = arith.constant 0 : i32
        %add3A_92 = arith.addi %mul3A_90, %add3A_91 : i32
        %get3A_93 = arith.index_cast %add3A_92 : i32 to index
        %get3A_94 = arith.constant 0 : index
        %get3A_95 = tpu.vector_load %arg6[%get3A_93, %get3A_94] {strides = array<i32>} : memref<128x128xf32, #tpu.memory_space<vmem>>, vector<1x16xf32>,
        %get3A_96 = vector.shape_cast %get3A_95 : vector<1x16xf32> to vector<16xf32>
        %mul3A_97 = arith.mulf %get3A_96, %gather3A_88 : vector<16xf32>
        %swap3A = arith.index_cast %add3A_92 : i32 to index
        %swap3A_98 = arith.constant 0 : index
        %swap3A_99 = tpu.vector_load %arg6[%swap3A, %swap3A_98] {strides = array<i32>} : memref<128x128xf32, #tpu.memory_space<vmem>>, vector<1x16xf32>,
        %swap3A_100 = vector.shape_cast %swap3A_99 : vector<1x16xf32> to vector<16xf32>
        %swap3A_101 = vector.shape_cast %mul3A_97 : vector<16xf32> to vector<1x16xf32>
        tpu.vector_store %arg6[%swap3A, %swap3A_98], %swap3A_101 {strides = array<i32>} : memref<128x128xf32, #tpu.memory_space<vmem>>, vector<1x16xf32>,
        %get3A_102 = arith.index_cast %add3A_92 : i32 to index
        %get3A_103 = arith.constant 16 : index
        %get3A_104 = tpu.vector_load %arg6[%get3A_102, %get3A_103] {strides = array<i32>} : memref<128x128xf32, #tpu.memory_space<vmem>>, vector<1x16xf32>,
        %get3A_105 = vector.shape_cast %get3A_104 : vector<1x16xf32> to vector<16xf32>
        %mul3A_106 = arith.mulf %get3A_105, %gather3A_88 : vector<16xf32>
        %swap3A_107 = arith.index_cast %add3A_92 : i32 to index
        %swap3A_108 = arith.constant 16 : index
        %swap3A_109 = tpu.vector_load %arg6[%swap3A_107, %swap3A_108] {strides = array<i32>} : memref<128x128xf32, #tpu.memory_space<vmem>>, vector<1x16xf32>,
        %swap3A_110 = vector.shape_cast %swap3A_109 : vector<1x16xf32> to vector<16xf32>
        %swap3A_111 = vector.shape_cast %mul3A_106 : vector<16xf32> to vector<1x16xf32>
        tpu.vector_store %arg6[%swap3A_107, %swap3A_108], %swap3A_111 {strides = array<i32>} : memref<128x128xf32, #tpu.memory_space<vmem>>, vector<1x16xf32>,
        %get3A_112 = arith.index_cast %add3A_92 : i32 to index
        %get3A_113 = arith.constant 32 : index
        %get3A_114 = tpu.vector_load %arg6[%get3A_112, %get3A_113] {strides = array<i32>} : memref<128x128xf32, #tpu.memory_space<vmem>>, vector<1x16xf32>,
        %get3A_115 = vector.shape_cast %get3A_114 : vector<1x16xf32> to vector<16xf32>
        %mul3A_116 = arith.mulf %get3A_115, %gather3A_88 : vector<16xf32>
        %swap3A_117 = arith.index_cast %add3A_92 : i32 to index
        %swap3A_118 = arith.constant 32 : index
        %swap3A_119 = tpu.vector_load %arg6[%swap3A_117, %swap3A_118] {strides = array<i32>} : memref<128x128xf32, #tpu.memory_space<vmem>>, vector<1x16xf32>,
        %swap3A_120 = vector.shape_cast %swap3A_119 : vector<1x16xf32> to vector<16xf32>
        %swap3A_121 = vector.shape_cast %mul3A_116 : vector<16xf32> to vector<1x16xf32>
        tpu.vector_store %arg6[%swap3A_117, %swap3A_118], %swap3A_121 {strides = array<i32>} : memref<128x128xf32, #tpu.memory_space<vmem>>, vector<1x16xf32>,
        %get3A_122 = arith.index_cast %add3A_92 : i32 to index
        %get3A_123 = arith.constant 48 : index
        %get3A_124 = tpu.vector_load %arg6[%get3A_122, %get3A_123] {strides = array<i32>} : memref<128x128xf32, #tpu.memory_space<vmem>>, vector<1x16xf32>,
        %get3A_125 = vector.shape_cast %get3A_124 : vector<1x16xf32> to vector<16xf32>
        %mul3A_126 = arith.mulf %get3A_125, %gather3A_88 : vector<16xf32>
        %swap3A_127 = arith.index_cast %add3A_92 : i32 to index
        %swap3A_128 = arith.constant 48 : index
        %swap3A_129 = tpu.vector_load %arg6[%swap3A_127, %swap3A_128] {strides = array<i32>} : memref<128x128xf32, #tpu.memory_space<vmem>>, vector<1x16xf32>,
        %swap3A_130 = vector.shape_cast %swap3A_129 : vector<1x16xf32> to vector<16xf32>
        %swap3A_131 = vector.shape_cast %mul3A_126 : vector<16xf32> to vector<1x16xf32>
        tpu.vector_store %arg6[%swap3A_127, %swap3A_128], %swap3A_131 {strides = array<i32>} : memref<128x128xf32, #tpu.memory_space<vmem>>, vector<1x16xf32>,
        %get3A_132 = arith.index_cast %add3A_92 : i32 to index
        %get3A_133 = arith.constant 64 : index
        %get3A_134 = tpu.vector_load %arg6[%get3A_132, %get3A_133] {strides = array<i32>} : memref<128x128xf32, #tpu.memory_space<vmem>>, vector<1x16xf32>,
        %get3A_135 = vector.shape_cast %get3A_134 : vector<1x16xf32> to vector<16xf32>
        %mul3A_136 = arith.mulf %get3A_135, %gather3A_88 : vector<16xf32>
        %swap3A_137 = arith.index_cast %add3A_92 : i32 to index
        %swap3A_138 = arith.constant 64 : index
        %swap3A_139 = tpu.vector_load %arg6[%swap3A_137, %swap3A_138] {strides = array<i32>} : memref<128x128xf32, #tpu.memory_space<vmem>>, vector<1x16xf32>,
        %swap3A_140 = vector.shape_cast %swap3A_139 : vector<1x16xf32> to vector<16xf32>
        %swap3A_141 = vector.shape_cast %mul3A_136 : vector<16xf32> to vector<1x16xf32>
        tpu.vector_store %arg6[%swap3A_137, %swap3A_138], %swap3A_141 {strides = array<i32>} : memref<128x128xf32, #tpu.memory_space<vmem>>, vector<1x16xf32>,
        %get3A_142 = arith.index_cast %add3A_92 : i32 to index
        %get3A_143 = arith.constant 80 : index
        %get3A_144 = tpu.vector_load %arg6[%get3A_142, %get3A_143] {strides = array<i32>} : memref<128x128xf32, #tpu.memory_space<vmem>>, vector<1x16xf32>,
        %get3A_145 = vector.shape_cast %get3A_144 : vector<1x16xf32> to vector<16xf32>
        %mul3A_146 = arith.mulf %get3A_145, %gather3A_88 : vector<16xf32>
        %swap3A_147 = arith.index_cast %add3A_92 : i32 to index
        %swap3A_148 = arith.constant 80 : index
        %swap3A_149 = tpu.vector_load %arg6[%swap3A_147, %swap3A_148] {strides = array<i32>} : memref<128x128xf32, #tpu.memory_space<vmem>>, vector<1x16xf32>,
        %swap3A_150 = vector.shape_cast %swap3A_149 : vector<1x16xf32> to vector<16xf32>
        %swap3A_151 = vector.shape_cast %mul3A_146 : vector<16xf32> to vector<1x16xf32>
        tpu.vector_store %arg6[%swap3A_147, %swap3A_148], %swap3A_151 {strides = array<i32>} : memref<128x128xf32, #tpu.memory_space<vmem>>, vector<1x16xf32>,
        %get3A_152 = arith.index_cast %add3A_92 : i32 to index
        %get3A_153 = arith.constant 96 : index
        %get3A_154 = tpu.vector_load %arg6[%get3A_152, %get3A_153] {strides = array<i32>} : memref<128x128xf32, #tpu.memory_space<vmem>>, vector<1x16xf32>,
        %get3A_155 = vector.shape_cast %get3A_154 : vector<1x16xf32> to vector<16xf32>
        %mul3A_156 = arith.mulf %get3A_155, %gather3A_88 : vector<16xf32>
        %swap3A_157 = arith.index_cast %add3A_92 : i32 to index
        %swap3A_158 = arith.constant 96 : index
        %swap3A_159 = tpu.vector_load %arg6[%swap3A_157, %swap3A_158] {strides = array<i32>} : memref<128x128xf32, #tpu.memory_space<vmem>>, vector<1x16xf32>,
        %swap3A_160 = vector.shape_cast %swap3A_159 : vector<1x16xf32> to vector<16xf32>
        %swap3A_161 = vector.shape_cast %mul3A_156 : vector<16xf32> to vector<1x16xf32>
        tpu.vector_store %arg6[%swap3A_157, %swap3A_158], %swap3A_161 {strides = array<i32>} : memref<128x128xf32, #tpu.memory_space<vmem>>, vector<1x16xf32>,
        %get3A_162 = arith.index_cast %add3A_92 : i32 to index
        %get3A_163 = arith.constant 112 : index
        %get3A_164 = tpu.vector_load %arg6[%get3A_162, %get3A_163] {strides = array<i32>} : memref<128x128xf32, #tpu.memory_space<vmem>>, vector<1x16xf32>,
        %get3A_165 = vector.shape_cast %get3A_164 : vector<1x16xf32> to vector<16xf32>
        %mul3A_166 = arith.mulf %get3A_165, %gather3A_88 : vector<16xf32>
        %swap3A_167 = arith.index_cast %add3A_92 : i32 to index
        %swap3A_168 = arith.constant 112 : index
        %swap3A_169 = tpu.vector_load %arg6[%swap3A_167, %swap3A_168] {strides = array<i32>} : memref<128x128xf32, #tpu.memory_space<vmem>>, vector<1x16xf32>,
        %swap3A_170 = vector.shape_cast %swap3A_169 : vector<1x16xf32> to vector<16xf32>
        %swap3A_171 = vector.shape_cast %mul3A_166 : vector<16xf32> to vector<1x16xf32>
        tpu.vector_store %arg6[%swap3A_167, %swap3A_168], %swap3A_171 {strides = array<i32>} : memref<128x128xf32, #tpu.memory_space<vmem>>, vector<1x16xf32>,
        %broadcast_in_dim3A_172 = arith.constant 1 : i32
        %broadcast_in_dim3A_173 = vector.broadcast %broadcast_in_dim3A_172 : i32 to vector<16x1xi32>
        %gather3A_174 = vector.shape_cast %broadcast_in_dim3A_173 : vector<16x1xi32> to vector<16xi32>
        %gather3A_175 = tpu.dynamic_gather %bitcast_convert_type3A[%gather3A_174] in [0] : vector<16xf32>, vector<16xi32> -> vector<16xf32>
        %mul3A_176 = arith.constant 16 : i32
        %mul3A_177 = arith.muli %scan3A_79, %mul3A_176 : i32
        %add3A_178 = arith.constant 1 : i32
        %add3A_179 = arith.addi %mul3A_177, %add3A_178 : i32
        %get3A_180 = arith.index_cast %add3A_179 : i32 to index
        %get3A_181 = arith.constant 0 : index
        %get3A_182 = tpu.vector_load %arg6[%get3A_180, %get3A_181] {strides = array<i32>} : memref<128x128xf32, #tpu.memory_space<vmem>>, vector<1x16xf32>,
        %get3A_183 = vector.shape_cast %get3A_182 : vector<1x16xf32> to vector<16xf32>
        %mul3A_184 = arith.mulf %get3A_183, %gather3A_175 : vector<16xf32>
        %swap3A_185 = arith.index_cast %add3A_179 : i32 to index
        %swap3A_186 = arith.constant 0 : index
        %swap3A_187 = tpu.vector_load %arg6[%swap3A_185, %swap3A_186] {strides = array<i32>} : memref<128x128xf32, #tpu.memory_space<vmem>>, vector<1x16xf32>,
        %swap3A_188 = vector.shape_cast %swap3A_187 : vector<1x16xf32> to vector<16xf32>
        %swap3A_189 = vector.shape_cast %mul3A_184 : vector<16xf32> to vector<1x16xf32>
        tpu.vector_store %arg6[%swap3A_185, %swap3A_186], %swap3A_189 {strides = array<i32>} : memref<128x128xf32, #tpu.memory_space<vmem>>, vector<1x16xf32>,
        %get3A_190 = arith.index_cast %add3A_179 : i32 to index
        %get3A_191 = arith.constant 16 : index
        %get3A_192 = tpu.vector_load %arg6[%get3A_190, %get3A_191] {strides = array<i32>} : memref<128x128xf32, #tpu.memory_space<vmem>>, vector<1x16xf32>,
        %get3A_193 = vector.shape_cast %get3A_192 : vector<1x16xf32> to vector<16xf32>
        %mul3A_194 = arith.mulf %get3A_193, %gather3A_175 : vector<16xf32>
        %swap3A_195 = arith.index_cast %add3A_179 : i32 to index
        %swap3A_196 = arith.constant 16 : index
        %swap3A_197 = tpu.vector_load %arg6[%swap3A_195, %swap3A_196] {strides = array<i32>} : memref<128x128xf32, #tpu.memory_space<vmem>>, vector<1x16xf32>,
        %swap3A_198 = vector.shape_cast %swap3A_197 : vector<1x16xf32> to vector<16xf32>
        %swap3A_199 = vector.shape_cast %mul3A_194 : vector<16xf32> to vector<1x16xf32>
        tpu.vector_store %arg6[%swap3A_195, %swap3A_196], %swap3A_199 {strides = array<i32>} : memref<128x128xf32, #tpu.memory_space<vmem>>, vector<1x16xf32>,
        %get3A_200 = arith.index_cast %add3A_179 : i32 to index
        %get3A_201 = arith.constant 32 : index
        %get3A_202 = tpu.vector_load %arg6[%get3A_200, %get3A_201] {strides = array<i32>} : memref<128x128xf32, #tpu.memory_space<vmem>>, vector<1x16xf32>,
        %get3A_203 = vector.shape_cast %get3A_202 : vector<1x16xf32> to vector<16xf32>
        %mul3A_204 = arith.mulf %get3A_203, %gather3A_175 : vector<16xf32>
        %swap3A_205 = arith.index_cast %add3A_179 : i32 to index
        %swap3A_206 = arith.constant 32 : index
        %swap3A_207 = tpu.vector_load %arg6[%swap3A_205, %swap3A_206] {strides = array<i32>} : memref<128x128xf32, #tpu.memory_space<vmem>>, vector<1x16xf32>,
        %swap3A_208 = vector.shape_cast %swap3A_207 : vector<1x16xf32> to vector<16xf32>
        %swap3A_209 = vector.shape_cast %mul3A_204 : vector<16xf32> to vector<1x16xf32>
        tpu.vector_store %arg6[%swap3A_205, %swap3A_206], %swap3A_209 {strides = array<i32>} : memref<128x128xf32, #tpu.memory_space<vmem>>, vector<1x16xf32>,
        %get3A_210 = arith.index_cast %add3A_179 : i32 to index
        %get3A_211 = arith.constant 48 : index
        %get3A_212 = tpu.vector_load %arg6[%get3A_210, %get3A_211] {strides = array<i32>} : memref<128x128xf32, #tpu.memory_space<vmem>>, vector<1x16xf32>,
        %get3A_213 = vector.shape_cast %get3A_212 : vector<1x16xf32> to vector<16xf32>
        %mul3A_214 = arith.mulf %get3A_213, %gather3A_175 : vector<16xf32>
        %swap3A_215 = arith.index_cast %add3A_179 : i32 to index
        %swap3A_216 = arith.constant 48 : index
        %swap3A_217 = tpu.vector_load %arg6[%swap3A_215, %swap3A_216] {strides = array<i32>} : memref<128x128xf32, #tpu.memory_space<vmem>>, vector<1x16xf32>,
        %swap3A_218 = vector.shape_cast %swap3A_217 : vector<1x16xf32> to vector<16xf32>
        %swap3A_219 = vector.shape_cast %mul3A_214 : vector<16xf32> to vector<1x16xf32>
        tpu.vector_store %arg6[%swap3A_215, %swap3A_216], %swap3A_219 {strides = array<i32>} : memref<128x128xf32, #tpu.memory_space<vmem>>, vector<1x16xf32>,
        %get3A_220 = arith.index_cast %add3A_179 : i32 to index
        %get3A_221 = arith.constant 64 : index
        %get3A_222 = tpu.vector_load %arg6[%get3A_220, %get3A_221] {strides = array<i32>} : memref<128x128xf32, #tpu.memory_space<vmem>>, vector<1x16xf32>,
        %get3A_223 = vector.shape_cast %get3A_222 : vector<1x16xf32> to vector<16xf32>
        %mul3A_224 = arith.mulf %get3A_223, %gather3A_175 : vector<16xf32>
        %swap3A_225 = arith.index_cast %add3A_179 : i32 to index
        %swap3A_226 = arith.constant 64 : index
        %swap3A_227 = tpu.vector_load %arg6[%swap3A_225, %swap3A_226] {strides = array<i32>} : memref<128x128xf32, #tpu.memory_space<vmem>>, vector<1x16xf32>,
        %swap3A_228 = vector.shape_cast %swap3A_227 : vector<1x16xf32> to vector<16xf32>
        %swap3A_229 = vector.shape_cast %mul3A_224 : vector<16xf32> to vector<1x16xf32>
        tpu.vector_store %arg6[%swap3A_225, %swap3A_226], %swap3A_229 {strides = array<i32>} : memref<128x128xf32, #tpu.memory_space<vmem>>, vector<1x16xf32>,
        %get3A_230 = arith.index_cast %add3A_179 : i32 to index
        %get3A_231 = arith.constant 80 : index
        %get3A_232 = tpu.vector_load %arg6[%get3A_230, %get3A_231] {strides = array<i32>} : memref<128x128xf32, #tpu.memory_space<vmem>>, vector<1x16xf32>,
        %get3A_233 = vector.shape_cast %get3A_232 : vector<1x16xf32> to vector<16xf32>
        %mul3A_234 = arith.mulf %get3A_233, %gather3A_175 : vector<16xf32>
        %swap3A_235 = arith.index_cast %add3A_179 : i32 to index
        %swap3A_236 = arith.constant 80 : index
        %swap3A_237 = tpu.vector_load %arg6[%swap3A_235, %swap3A_236] {strides = array<i32>} : memref<128x128xf32, #tpu.memory_space<vmem>>, vector<1x16xf32>,
        %swap3A_238 = vector.shape_cast %swap3A_237 : vector<1x16xf32> to vector<16xf32>
        %swap3A_239 = vector.shape_cast %mul3A_234 : vector<16xf32> to vector<1x16xf32>
        tpu.vector_store %arg6[%swap3A_235, %swap3A_236], %swap3A_239 {strides = array<i32>} : memref<128x128xf32, #tpu.memory_space<vmem>>, vector<1x16xf32>,
        %get3A_240 = arith.index_cast %add3A_179 : i32 to index
        %get3A_241 = arith.constant 96 : index
        %get3A_242 = tpu.vector_load %arg6[%get3A_240, %get3A_241] {strides = array<i32>} : memref<128x128xf32, #tpu.memory_space<vmem>>, vector<1x16xf32>,
        %get3A_243 = vector.shape_cast %get3A_242 : vector<1x16xf32> to vector<16xf32>
        %mul3A_244 = arith.mulf %get3A_243, %gather3A_175 : vector<16xf32>
        %swap3A_245 = arith.index_cast %add3A_179 : i32 to index
        %swap3A_246 = arith.constant 96 : index
        %swap3A_247 = tpu.vector_load %arg6[%swap3A_245, %swap3A_246] {strides = array<i32>} : memref<128x128xf32, #tpu.memory_space<vmem>>, vector<1x16xf32>,
        %swap3A_248 = vector.shape_cast %swap3A_247 : vector<1x16xf32> to vector<16xf32>
        %swap3A_249 = vector.shape_cast %mul3A_244 : vector<16xf32> to vector<1x16xf32>
        tpu.vector_store %arg6[%swap3A_245, %swap3A_246], %swap3A_249 {strides = array<i32>} : memref<128x128xf32, #tpu.memory_space<vmem>>, vector<1x16xf32>,
        %get3A_250 = arith.index_cast %add3A_179 : i32 to index
        %get3A_251 = arith.constant 112 : index
        %get3A_252 = tpu.vector_load %arg6[%get3A_250, %get3A_251] {strides = array<i32>} : memref<128x128xf32, #tpu.memory_space<vmem>>, vector<1x16xf32>,
        %get3A_253 = vector.shape_cast %get3A_252 : vector<1x16xf32> to vector<16xf32>
        %mul3A_254 = arith.mulf %get3A_253, %gather3A_175 : vector<16xf32>
        %swap3A_255 = arith.index_cast %add3A_179 : i32 to index
        %swap3A_256 = arith.constant 112 : index
        %swap3A_257 = tpu.vector_load %arg6[%swap3A_255, %swap3A_256] {strides = array<i32>} : memref<128x128xf32, #tpu.memory_space<vmem>>, vector<1x16xf32>,
        %swap3A_258 = vector.shape_cast %swap3A_257 : vector<1x16xf32> to vector<16xf32>
        %swap3A_259 = vector.shape_cast %mul3A_254 : vector<16xf32> to vector<1x16xf32>
        tpu.vector_store %arg6[%swap3A_255, %swap3A_256], %swap3A_259 {strides = array<i32>} : memref<128x128xf32, #tpu.memory_space<vmem>>, vector<1x16xf32>,
        %broadcast_in_dim3A_260 = arith.constant 2 : i32
        %broadcast_in_dim3A_261 = vector.broadcast %broadcast_in_dim3A_260 : i32 to vector<16x1xi32>
        %gather3A_262 = vector.shape_cast %broadcast_in_dim3A_261 : vector<16x1xi32> to vector<16xi32>
        %gather3A_263 = tpu.dynamic_gather %bitcast_convert_type3A[%gather3A_262] in [0] : vector<16xf32>, vector<16xi32> -> vector<16xf32>
        %mul3A_264 = arith.constant 16 : i32
        %mul3A_265 = arith.muli %scan3A_79, %mul3A_264 : i32
        %add3A_266 = arith.constant 2 : i32
        %add3A_267 = arith.addi %mul3A_265, %add3A_266 : i32
        %get3A_268 = arith.index_cast %add3A_267 : i32 to index
        %get3A_269 = arith.constant 0 : index
        %get3A_270 = tpu.vector_load %arg6[%get3A_268, %get3A_269] {strides = array<i32>} : memref<128x128xf32, #tpu.memory_space<vmem>>, vector<1x16xf32>,
        %get3A_271 = vector.shape_cast %get3A_270 : vector<1x16xf32> to vector<16xf32>
        %mul3A_272 = arith.mulf %get3A_271, %gather3A_263 : vector<16xf32>
        %swap3A_273 = arith.index_cast %add3A_267 : i32 to index
        %swap3A_274 = arith.constant 0 : index
        %swap3A_275 = tpu.vector_load %arg6[%swap3A_273, %swap3A_274] {strides = array<i32>} : memref<128x128xf32, #tpu.memory_space<vmem>>, vector<1x16xf32>,
        %swap3A_276 = vector.shape_cast %swap3A_275 : vector<1x16xf32> to vector<16xf32>
        %swap3A_277 = vector.shape_cast %mul3A_272 : vector<16xf32> to vector<1x16xf32>
        tpu.vector_store %arg6[%swap3A_273, %swap3A_274], %swap3A_277 {strides = array<i32>} : memref<128x128xf32, #tpu.memory_space<vmem>>, vector<1x16xf32>,
        %get3A_278 = arith.index_cast %add3A_267 : i32 to index
        %get3A_279 = arith.constant 16 : index
        %get3A_280 = tpu.vector_load %arg6[%get3A_278, %get3A_279] {strides = array<i32>} : memref<128x128xf32, #tpu.memory_space<vmem>>, vector<1x16xf32>,
        %get3A_281 = vector.shape_cast %get3A_280 : vector<1x16xf32> to vector<16xf32>
        %mul3A_282 = arith.mulf %get3A_281, %gather3A_263 : vector<16xf32>
        %swap3A_283 = arith.index_cast %add3A_267 : i32 to index
        %swap3A_284 = arith.constant 16 : index
        %swap3A_285 = tpu.vector_load %arg6[%swap3A_283, %swap3A_284] {strides = array<i32>} : memref<128x128xf32, #tpu.memory_space<vmem>>, vector<1x16xf32>,
        %swap3A_286 = vector.shape_cast %swap3A_285 : vector<1x16xf32> to vector<16xf32>
        %swap3A_287 = vector.shape_cast %mul3A_282 : vector<16xf32> to vector<1x16xf32>
        tpu.vector_store %arg6[%swap3A_283, %swap3A_284], %swap3A_287 {strides = array<i32>} : memref<128x128xf32, #tpu.memory_space<vmem>>, vector<1x16xf32>,
        %get3A_288 = arith.index_cast %add3A_267 : i32 to index
        %get3A_289 = arith.constant 32 : index
        %get3A_290 = tpu.vector_load %arg6[%get3A_288, %get3A_289] {strides = array<i32>} : memref<128x128xf32, #tpu.memory_space<vmem>>, vector<1x16xf32>,
        %get3A_291 = vector.shape_cast %get3A_290 : vector<1x16xf32> to vector<16xf32>
        %mul3A_292 = arith.mulf %get3A_291, %gather3A_263 : vector<16xf32>
        %swap3A_293 = arith.index_cast %add3A_267 : i32 to index
        %swap3A_294 = arith.constant 32 : index
        %swap3A_295 = tpu.vector_load %arg6[%swap3A_293, %swap3A_294] {strides = array<i32>} : memref<128x128xf32, #tpu.memory_space<vmem>>, vector<1x16xf32>,
        %swap3A_296 = vector.shape_cast %swap3A_295 : vector<1x16xf32> to vector<16xf32>
        %swap3A_297 = vector.shape_cast %mul3A_292 : vector<16xf32> to vector<1x16xf32>
        tpu.vector_store %arg6[%swap3A_293, %swap3A_294], %swap3A_297 {strides = array<i32>} : memref<128x128xf32, #tpu.memory_space<vmem>>, vector<1x16xf32>,
        %get3A_298 = arith.index_cast %add3A_267 : i32 to index
        %get3A_299 = arith.constant 48 : index
        %get3A_300 = tpu.vector_load %arg6[%get3A_298, %get3A_299] {strides = array<i32>} : memref<128x128xf32, #tpu.memory_space<vmem>>, vector<1x16xf32>,
        %get3A_301 = vector.shape_cast %get3A_300 : vector<1x16xf32> to vector<16xf32>
        %mul3A_302 = arith.mulf %get3A_301, %gather3A_263 : vector<16xf32>
        %swap3A_303 = arith.index_cast %add3A_267 : i32 to index
        %swap3A_304 = arith.constant 48 : index
        %swap3A_305 = tpu.vector_load %arg6[%swap3A_303, %swap3A_304] {strides = array<i32>} : memref<128x128xf32, #tpu.memory_space<vmem>>, vector<1x16xf32>,
        %swap3A_306 = vector.shape_cast %swap3A_305 : vector<1x16xf32> to vector<16xf32>
        %swap3A_307 = vector.shape_cast %mul3A_302 : vector<16xf32> to vector<1x16xf32>
        tpu.vector_store %arg6[%swap3A_303, %swap3A_304], %swap3A_307 {strides = array<i32>} : memref<128x128xf32, #tpu.memory_space<vmem>>, vector<1x16xf32>,
        %get3A_308 = arith.index_cast %add3A_267 : i32 to index
        %get3A_309 = arith.constant 64 : index
        %get3A_310 = tpu.vector_load %arg6[%get3A_308, %get3A_309] {strides = array<i32>} : memref<128x128xf32, #tpu.memory_space<vmem>>, vector<1x16xf32>,
        %get3A_311 = vector.shape_cast %get3A_310 : vector<1x16xf32> to vector<16xf32>
        %mul3A_312 = arith.mulf %get3A_311, %gather3A_263 : vector<16xf32>
        %swap3A_313 = arith.index_cast %add3A_267 : i32 to index
        %swap3A_314 = arith.constant 64 : index
        %swap3A_315 = tpu.vector_load %arg6[%swap3A_313, %swap3A_314] {strides = array<i32>} : memref<128x128xf32, #tpu.memory_space<vmem>>, vector<1x16xf32>,
        %swap3A_316 = vector.shape_cast %swap3A_315 : vector<1x16xf32> to vector<16xf32>
        %swap3A_317 = vector.shape_cast %mul3A_312 : vector<16xf32> to vector<1x16xf32>
        tpu.vector_store %arg6[%swap3A_313, %swap3A_314], %swap3A_317 {strides = array<i32>} : memref<128x128xf32, #tpu.memory_space<vmem>>, vector<1x16xf32>,
        %get3A_318 = arith.index_cast %add3A_267 : i32 to index
        %get3A_319 = arith.constant 80 : index
        %get3A_320 = tpu.vector_load %arg6[%get3A_318, %get3A_319] {strides = array<i32>} : memref<128x128xf32, #tpu.memory_space<vmem>>, vector<1x16xf32>,
        %get3A_321 = vector.shape_cast %get3A_320 : vector<1x16xf32> to vector<16xf32>
        %mul3A_322 = arith.mulf %get3A_321, %gather3A_263 : vector<16xf32>
        %swap3A_323 = arith.index_cast %add3A_267 : i32 to index
        %swap3A_324 = arith.constant 80 : index
        %swap3A_325 = tpu.vector_load %arg6[%swap3A_323, %swap3A_324] {strides = array<i32>} : memref<128x128xf32, #tpu.memory_space<vmem>>, vector<1x16xf32>,
        %swap3A_326 = vector.shape_cast %swap3A_325 : vector<1x16xf32> to vector<16xf32>
        %swap3A_327 = vector.shape_cast %mul3A_322 : vector<16xf32> to vector<1x16xf32>
        tpu.vector_store %arg6[%swap3A_323, %swap3A_324], %swap3A_327 {strides = array<i32>} : memref<128x128xf32, #tpu.memory_space<vmem>>, vector<1x16xf32>,
        %get3A_328 = arith.index_cast %add3A_267 : i32 to index
        %get3A_329 = arith.constant 96 : index
        %get3A_330 = tpu.vector_load %arg6[%get3A_328, %get3A_329] {strides = array<i32>} : memref<128x128xf32, #tpu.memory_space<vmem>>, vector<1x16xf32>,
        %get3A_331 = vector.shape_cast %get3A_330 : vector<1x16xf32> to vector<16xf32>
        %mul3A_332 = arith.mulf %get3A_331, %gather3A_263 : vector<16xf32>
        %swap3A_333 = arith.index_cast %add3A_267 : i32 to index
        %swap3A_334 = arith.constant 96 : index
        %swap3A_335 = tpu.vector_load %arg6[%swap3A_333, %swap3A_334] {strides = array<i32>} : memref<128x128xf32, #tpu.memory_space<vmem>>, vector<1x16xf32>,
        %swap3A_336 = vector.shape_cast %swap3A_335 : vector<1x16xf32> to vector<16xf32>
        %swap3A_337 = vector.shape_cast %mul3A_332 : vector<16xf32> to vector<1x16xf32>
        tpu.vector_store %arg6[%swap3A_333, %swap3A_334], %swap3A_337 {strides = array<i32>} : memref<128x128xf32, #tpu.memory_space<vmem>>, vector<1x16xf32>,
        %get3A_338 = arith.index_cast %add3A_267 : i32 to index
        %get3A_339 = arith.constant 112 : index
        %get3A_340 = tpu.vector_load %arg6[%get3A_338, %get3A_339] {strides = array<i32>} : memref<128x128xf32, #tpu.memory_space<vmem>>, vector<1x16xf32>,
        %get3A_341 = vector.shape_cast %get3A_340 : vector<1x16xf32> to vector<16xf32>
        %mul3A_342 = arith.mulf %get3A_341, %gather3A_263 : vector<16xf32>
        %swap3A_343 = arith.index_cast %add3A_267 : i32 to index
        %swap3A_344 = arith.constant 112 : index
        %swap3A_345 = tpu.vector_load %arg6[%swap3A_343, %swap3A_344] {strides = array<i32>} : memref<128x128xf32, #tpu.memory_space<vmem>>, vector<1x16xf32>,
        %swap3A_346 = vector.shape_cast %swap3A_345 : vector<1x16xf32> to vector<16xf32>
        %swap3A_347 = vector.shape_cast %mul3A_342 : vector<16xf32> to vector<1x16xf32>
        tpu.vector_store %arg6[%swap3A_343, %swap3A_344], %swap3A_347 {strides = array<i32>} : memref<128x128xf32, #tpu.memory_space<vmem>>, vector<1x16xf32>,
        %broadcast_in_dim3A_348 = arith.constant 3 : i32
        %broadcast_in_dim3A_349 = vector.broadcast %broadcast_in_dim3A_348 : i32 to vector<16x1xi32>
        %gather3A_350 = vector.shape_cast %broadcast_in_dim3A_349 : vector<16x1xi32> to vector<16xi32>
        %gather3A_351 = tpu.dynamic_gather %bitcast_convert_type3A[%gather3A_350] in [0] : vector<16xf32>, vector<16xi32> -> vector<16xf32>
        %mul3A_352 = arith.constant 16 : i32
        %mul3A_353 = arith.muli %scan3A_79, %mul3A_352 : i32
        %add3A_354 = arith.constant 3 : i32
        %add3A_355 = arith.addi %mul3A_353, %add3A_354 : i32
        %get3A_356 = arith.index_cast %add3A_355 : i32 to index
        %get3A_357 = arith.constant 0 : index
        %get3A_358 = tpu.vector_load %arg6[%get3A_356, %get3A_357] {strides = array<i32>} : memref<128x128xf32, #tpu.memory_space<vmem>>, vector<1x16xf32>,
        %get3A_359 = vector.shape_cast %get3A_358 : vector<1x16xf32> to vector<16xf32>
        %mul3A_360 = arith.mulf %get3A_359, %gather3A_351 : vector<16xf32>
        %swap3A_361 = arith.index_cast %add3A_355 : i32 to index
        %swap3A_362 = arith.constant 0 : index
        %swap3A_363 = tpu.vector_load %arg6[%swap3A_361, %swap3A_362] {strides = array<i32>} : memref<128x128xf32, #tpu.memory_space<vmem>>, vector<1x16xf32>,
        %swap3A_364 = vector.shape_cast %swap3A_363 : vector<1x16xf32> to vector<16xf32>
        %swap3A_365 = vector.shape_cast %mul3A_360 : vector<16xf32> to vector<1x16xf32>
        tpu.vector_store %arg6[%swap3A_361, %swap3A_362], %swap3A_365 {strides = array<i32>} : memref<128x128xf32, #tpu.memory_space<vmem>>, vector<1x16xf32>,
        %get3A_366 = arith.index_cast %add3A_355 : i32 to index
        %get3A_367 = arith.constant 16 : index
        %get3A_368 = tpu.vector_load %arg6[%get3A_366, %get3A_367] {strides = array<i32>} : memref<128x128xf32, #tpu.memory_space<vmem>>, vector<1x16xf32>,
        %get3A_369 = vector.shape_cast %get3A_368 : vector<1x16xf32> to vector<16xf32>
        %mul3A_370 = arith.mulf %get3A_369, %gather3A_351 : vector<16xf32>
        %swap3A_371 = arith.index_cast %add3A_355 : i32 to index
        %swap3A_372 = arith.constant 16 : index
        %swap3A_373 = tpu.vector_load %arg6[%swap3A_371, %swap3A_372] {strides = array<i32>} : memref<128x128xf32, #tpu.memory_space<vmem>>, vector<1x16xf32>,
        %swap3A_374 = vector.shape_cast %swap3A_373 : vector<1x16xf32> to vector<16xf32>
        %swap3A_375 = vector.shape_cast %mul3A_370 : vector<16xf32> to vector<1x16xf32>
        tpu.vector_store %arg6[%swap3A_371, %swap3A_372], %swap3A_375 {strides = array<i32>} : memref<128x128xf32, #tpu.memory_space<vmem>>, vector<1x16xf32>,
        %get3A_376 = arith.index_cast %add3A_355 : i32 to index
        %get3A_377 = arith.constant 32 : index
        %get3A_378 = tpu.vector_load %arg6[%get3A_376, %get3A_377] {strides = array<i32>} : memref<128x128xf32, #tpu.memory_space<vmem>>, vector<1x16xf32>,
        %get3A_379 = vector.shape_cast %get3A_378 : vector<1x16xf32> to vector<16xf32>
        %mul3A_380 = arith.mulf %get3A_379, %gather3A_351 : vector<16xf32>
        %swap3A_381 = arith.index_cast %add3A_355 : i32 to index
        %swap3A_382 = arith.constant 32 : index
        %swap3A_383 = tpu.vector_load %arg6[%swap3A_381, %swap3A_382] {strides = array<i32>} : memref<128x128xf32, #tpu.memory_space<vmem>>, vector<1x16xf32>,
        %swap3A_384 = vector.shape_cast %swap3A_383 : vector<1x16xf32> to vector<16xf32>
        %swap3A_385 = vector.shape_cast %mul3A_380 : vector<16xf32> to vector<1x16xf32>
        tpu.vector_store %arg6[%swap3A_381, %swap3A_382], %swap3A_385 {strides = array<i32>} : memref<128x128xf32, #tpu.memory_space<vmem>>, vector<1x16xf32>,
        %get3A_386 = arith.index_cast %add3A_355 : i32 to index
        %get3A_387 = arith.constant 48 : index
        %get3A_388 = tpu.vector_load %arg6[%get3A_386, %get3A_387] {strides = array<i32>} : memref<128x128xf32, #tpu.memory_space<vmem>>, vector<1x16xf32>,
        %get3A_389 = vector.shape_cast %get3A_388 : vector<1x16xf32> to vector<16xf32>
        %mul3A_390 = arith.mulf %get3A_389, %gather3A_351 : vector<16xf32>
        %swap3A_391 = arith.index_cast %add3A_355 : i32 to index
        %swap3A_392 = arith.constant 48 : index
        %swap3A_393 = tpu.vector_load %arg6[%swap3A_391, %swap3A_392] {strides = array<i32>} : memref<128x128xf32, #tpu.memory_space<vmem>>, vector<1x16xf32>,
        %swap3A_394 = vector.shape_cast %swap3A_393 : vector<1x16xf32> to vector<16xf32>
        %swap3A_395 = vector.shape_cast %mul3A_390 : vector<16xf32> to vector<1x16xf32>
        tpu.vector_store %arg6[%swap3A_391, %swap3A_392], %swap3A_395 {strides = array<i32>} : memref<128x128xf32, #tpu.memory_space<vmem>>, vector<1x16xf32>,
        %get3A_396 = arith.index_cast %add3A_355 : i32 to index
        %get3A_397 = arith.constant 64 : index
        %get3A_398 = tpu.vector_load %arg6[%get3A_396, %get3A_397] {strides = array<i32>} : memref<128x128xf32, #tpu.memory_space<vmem>>, vector<1x16xf32>,
        %get3A_399 = vector.shape_cast %get3A_398 : vector<1x16xf32> to vector<16xf32>
        %mul3A_400 = arith.mulf %get3A_399, %gather3A_351 : vector<16xf32>
        %swap3A_401 = arith.index_cast %add3A_355 : i32 to index
        %swap3A_402 = arith.constant 64 : index
        %swap3A_403 = tpu.vector_load %arg6[%swap3A_401, %swap3A_402] {strides = array<i32>} : memref<128x128xf32, #tpu.memory_space<vmem>>, vector<1x16xf32>,
        %swap3A_404 = vector.shape_cast %swap3A_403 : vector<1x16xf32> to vector<16xf32>
        %swap3A_405 = vector.shape_cast %mul3A_400 : vector<16xf32> to vector<1x16xf32>
        tpu.vector_store %arg6[%swap3A_401, %swap3A_402], %swap3A_405 {strides = array<i32>} : memref<128x128xf32, #tpu.memory_space<vmem>>, vector<1x16xf32>,
        %get3A_406 = arith.index_cast %add3A_355 : i32 to index
        %get3A_407 = arith.constant 80 : index
        %get3A_408 = tpu.vector_load %arg6[%get3A_406, %get3A_407] {strides = array<i32>} : memref<128x128xf32, #tpu.memory_space<vmem>>, vector<1x16xf32>,
        %get3A_409 = vector.shape_cast %get3A_408 : vector<1x16xf32> to vector<16xf32>
        %mul3A_410 = arith.mulf %get3A_409, %gather3A_351 : vector<16xf32>
        %swap3A_411 = arith.index_cast %add3A_355 : i32 to index
        %swap3A_412 = arith.constant 80 : index
        %swap3A_413 = tpu.vector_load %arg6[%swap3A_411, %swap3A_412] {strides = array<i32>} : memref<128x128xf32, #tpu.memory_space<vmem>>, vector<1x16xf32>,
        %swap3A_414 = vector.shape_cast %swap3A_413 : vector<1x16xf32> to vector<16xf32>
        %swap3A_415 = vector.shape_cast %mul3A_410 : vector<16xf32> to vector<1x16xf32>
        tpu.vector_store %arg6[%swap3A_411, %swap3A_412], %swap3A_415 {strides = array<i32>} : memref<128x128xf32, #tpu.memory_space<vmem>>, vector<1x16xf32>,
        %get3A_416 = arith.index_cast %add3A_355 : i32 to index
        %get3A_417 = arith.constant 96 : index
        %get3A_418 = tpu.vector_load %arg6[%get3A_416, %get3A_417] {strides = array<i32>} : memref<128x128xf32, #tpu.memory_space<vmem>>, vector<1x16xf32>,
        %get3A_419 = vector.shape_cast %get3A_418 : vector<1x16xf32> to vector<16xf32>
        %mul3A_420 = arith.mulf %get3A_419, %gather3A_351 : vector<16xf32>
        %swap3A_421 = arith.index_cast %add3A_355 : i32 to index
        %swap3A_422 = arith.constant 96 : index
        %swap3A_423 = tpu.vector_load %arg6[%swap3A_421, %swap3A_422] {strides = array<i32>} : memref<128x128xf32, #tpu.memory_space<vmem>>, vector<1x16xf32>,
        %swap3A_424 = vector.shape_cast %swap3A_423 : vector<1x16xf32> to vector<16xf32>
        %swap3A_425 = vector.shape_cast %mul3A_420 : vector<16xf32> to vector<1x16xf32>
        tpu.vector_store %arg6[%swap3A_421, %swap3A_422], %swap3A_425 {strides = array<i32>} : memref<128x128xf32, #tpu.memory_space<vmem>>, vector<1x16xf32>,
        %get3A_426 = arith.index_cast %add3A_355 : i32 to index
        %get3A_427 = arith.constant 112 : index
        %get3A_428 = tpu.vector_load %arg6[%get3A_426, %get3A_427] {strides = array<i32>} : memref<128x128xf32, #tpu.memory_space<vmem>>, vector<1x16xf32>,
        %get3A_429 = vector.shape_cast %get3A_428 : vector<1x16xf32> to vector<16xf32>
        %mul3A_430 = arith.mulf %get3A_429, %gather3A_351 : vector<16xf32>
        %swap3A_431 = arith.index_cast %add3A_355 : i32 to index
        %swap3A_432 = arith.constant 112 : index
        %swap3A_433 = tpu.vector_load %arg6[%swap3A_431, %swap3A_432] {strides = array<i32>} : memref<128x128xf32, #tpu.memory_space<vmem>>, vector<1x16xf32>,
        %swap3A_434 = vector.shape_cast %swap3A_433 : vector<1x16xf32> to vector<16xf32>
        %swap3A_435 = vector.shape_cast %mul3A_430 : vector<16xf32> to vector<1x16xf32>
        tpu.vector_store %arg6[%swap3A_431, %swap3A_432], %swap3A_435 {strides = array<i32>} : memref<128x128xf32, #tpu.memory_space<vmem>>, vector<1x16xf32>,
        %broadcast_in_dim3A_436 = arith.constant 4 : i32
        %broadcast_in_dim3A_437 = vector.broadcast %broadcast_in_dim3A_436 : i32 to vector<16x1xi32>
        %gather3A_438 = vector.shape_cast %broadcast_in_dim3A_437 : vector<16x1xi32> to vector<16xi32>
        %gather3A_439 = tpu.dynamic_gather %bitcast_convert_type3A[%gather3A_438] in [0] : vector<16xf32>, vector<16xi32> -> vector<16xf32>
        %mul3A_440 = arith.constant 16 : i32
        %mul3A_441 = arith.muli %scan3A_79, %mul3A_440 : i32
        %add3A_442 = arith.constant 4 : i32
        %add3A_443 = arith.addi %mul3A_441, %add3A_442 : i32
        %get3A_444 = arith.index_cast %add3A_443 : i32 to index
        %get3A_445 = arith.constant 0 : index
        %get3A_446 = tpu.vector_load %arg6[%get3A_444, %get3A_445] {strides = array<i32>} : memref<128x128xf32, #tpu.memory_space<vmem>>, vector<1x16xf32>,
        %get3A_447 = vector.shape_cast %get3A_446 : vector<1x16xf32> to vector<16xf32>
        %mul3A_448 = arith.mulf %get3A_447, %gather3A_439 : vector<16xf32>
        %swap3A_449 = arith.index_cast %add3A_443 : i32 to index
        %swap3A_450 = arith.constant 0 : index
        %swap3A_451 = tpu.vector_load %arg6[%swap3A_449, %swap3A_450] {strides = array<i32>} : memref<128x128xf32, #tpu.memory_space<vmem>>, vector<1x16xf32>,
        %swap3A_452 = vector.shape_cast %swap3A_451 : vector<1x16xf32> to vector<16xf32>
        %swap3A_453 = vector.shape_cast %mul3A_448 : vector<16xf32> to vector<1x16xf32>
        tpu.vector_store %arg6[%swap3A_449, %swap3A_450], %swap3A_453 {strides = array<i32>} : memref<128x128xf32, #tpu.memory_space<vmem>>, vector<1x16xf32>,
        %get3A_454 = arith.index_cast %add3A_443 : i32 to index
        %get3A_455 = arith.constant 16 : index
        %get3A_456 = tpu.vector_load %arg6[%get3A_454, %get3A_455] {strides = array<i32>} : memref<128x128xf32, #tpu.memory_space<vmem>>, vector<1x16xf32>,
        %get3A_457 = vector.shape_cast %get3A_456 : vector<1x16xf32> to vector<16xf32>
        %mul3A_458 = arith.mulf %get3A_457, %gather3A_439 : vector<16xf32>
        %swap3A_459 = arith.index_cast %add3A_443 : i32 to index
        %swap3A_460 = arith.constant 16 : index
        %swap3A_461 = tpu.vector_load %arg6[%swap3A_459, %swap3A_460] {strides = array<i32>} : memref<128x128xf32, #tpu.memory_space<vmem>>, vector<1x16xf32>,
        %swap3A_462 = vector.shape_cast %swap3A_461 : vector<1x16xf32> to vector<16xf32>
        %swap3A_463 = vector.shape_cast %mul3A_458 : vector<16xf32> to vector<1x16xf32>
        tpu.vector_store %arg6[%swap3A_459, %swap3A_460], %swap3A_463 {strides = array<i32>} : memref<128x128xf32, #tpu.memory_space<vmem>>, vector<1x16xf32>,
        %get3A_464 = arith.index_cast %add3A_443 : i32 to index
        %get3A_465 = arith.constant 32 : index
        %get3A_466 = tpu.vector_load %arg6[%get3A_464, %get3A_465] {strides = array<i32>} : memref<128x128xf32, #tpu.memory_space<vmem>>, vector<1x16xf32>,
        %get3A_467 = vector.shape_cast %get3A_466 : vector<1x16xf32> to vector<16xf32>
        %mul3A_468 = arith.mulf %get3A_467, %gather3A_439 : vector<16xf32>
        %swap3A_469 = arith.index_cast %add3A_443 : i32 to index
        %swap3A_470 = arith.constant 32 : index
        %swap3A_471 = tpu.vector_load %arg6[%swap3A_469, %swap3A_470] {strides = array<i32>} : memref<128x128xf32, #tpu.memory_space<vmem>>, vector<1x16xf32>,
        %swap3A_472 = vector.shape_cast %swap3A_471 : vector<1x16xf32> to vector<16xf32>
        %swap3A_473 = vector.shape_cast %mul3A_468 : vector<16xf32> to vector<1x16xf32>
        tpu.vector_store %arg6[%swap3A_469, %swap3A_470], %swap3A_473 {strides = array<i32>} : memref<128x128xf32, #tpu.memory_space<vmem>>, vector<1x16xf32>,
        %get3A_474 = arith.index_cast %add3A_443 : i32 to index
        %get3A_475 = arith.constant 48 : index
        %get3A_476 = tpu.vector_load %arg6[%get3A_474, %get3A_475] {strides = array<i32>} : memref<128x128xf32, #tpu.memory_space<vmem>>, vector<1x16xf32>,
        %get3A_477 = vector.shape_cast %get3A_476 : vector<1x16xf32> to vector<16xf32>
        %mul3A_478 = arith.mulf %get3A_477, %gather3A_439 : vector<16xf32>
        %swap3A_479 = arith.index_cast %add3A_443 : i32 to index
        %swap3A_480 = arith.constant 48 : index
        %swap3A_481 = tpu.vector_load %arg6[%swap3A_479, %swap3A_480] {strides = array<i32>} : memref<128x128xf32, #tpu.memory_space<vmem>>, vector<1x16xf32>,
        %swap3A_482 = vector.shape_cast %swap3A_481 : vector<1x16xf32> to vector<16xf32>
        %swap3A_483 = vector.shape_cast %mul3A_478 : vector<16xf32> to vector<1x16xf32>
        tpu.vector_store %arg6[%swap3A_479, %swap3A_480], %swap3A_483 {strides = array<i32>} : memref<128x128xf32, #tpu.memory_space<vmem>>, vector<1x16xf32>,
        %get3A_484 = arith.index_cast %add3A_443 : i32 to index
        %get3A_485 = arith.constant 64 : index
        %get3A_486 = tpu.vector_load %arg6[%get3A_484, %get3A_485] {strides = array<i32>} : memref<128x128xf32, #tpu.memory_space<vmem>>, vector<1x16xf32>,
        %get3A_487 = vector.shape_cast %get3A_486 : vector<1x16xf32> to vector<16xf32>
        %mul3A_488 = arith.mulf %get3A_487, %gather3A_439 : vector<16xf32>
        %swap3A_489 = arith.index_cast %add3A_443 : i32 to index
        %swap3A_490 = arith.constant 64 : index
        %swap3A_491 = tpu.vector_load %arg6[%swap3A_489, %swap3A_490] {strides = array<i32>} : memref<128x128xf32, #tpu.memory_space<vmem>>, vector<1x16xf32>,
        %swap3A_492 = vector.shape_cast %swap3A_491 : vector<1x16xf32> to vector<16xf32>
        %swap3A_493 = vector.shape_cast %mul3A_488 : vector<16xf32> to vector<1x16xf32>
        tpu.vector_store %arg6[%swap3A_489, %swap3A_490], %swap3A_493 {strides = array<i32>} : memref<128x128xf32, #tpu.memory_space<vmem>>, vector<1x16xf32>,
        %get3A_494 = arith.index_cast %add3A_443 : i32 to index
        %get3A_495 = arith.constant 80 : index
        %get3A_496 = tpu.vector_load %arg6[%get3A_494, %get3A_495] {strides = array<i32>} : memref<128x128xf32, #tpu.memory_space<vmem>>, vector<1x16xf32>,
        %get3A_497 = vector.shape_cast %get3A_496 : vector<1x16xf32> to vector<16xf32>
        %mul3A_498 = arith.mulf %get3A_497, %gather3A_439 : vector<16xf32>
        %swap3A_499 = arith.index_cast %add3A_443 : i32 to index
        %swap3A_500 = arith.constant 80 : index
        %swap3A_501 = tpu.vector_load %arg6[%swap3A_499, %swap3A_500] {strides = array<i32>} : memref<128x128xf32, #tpu.memory_space<vmem>>, vector<1x16xf32>,
        %swap3A_502 = vector.shape_cast %swap3A_501 : vector<1x16xf32> to vector<16xf32>
        %swap3A_503 = vector.shape_cast %mul3A_498 : vector<16xf32> to vector<1x16xf32>
        tpu.vector_store %arg6[%swap3A_499, %swap3A_500], %swap3A_503 {strides = array<i32>} : memref<128x128xf32, #tpu.memory_space<vmem>>, vector<1x16xf32>,
        %get3A_504 = arith.index_cast %add3A_443 : i32 to index
        %get3A_505 = arith.constant 96 : index
        %get3A_506 = tpu.vector_load %arg6[%get3A_504, %get3A_505] {strides = array<i32>} : memref<128x128xf32, #tpu.memory_space<vmem>>, vector<1x16xf32>,
        %get3A_507 = vector.shape_cast %get3A_506 : vector<1x16xf32> to vector<16xf32>
        %mul3A_508 = arith.mulf %get3A_507, %gather3A_439 : vector<16xf32>
        %swap3A_509 = arith.index_cast %add3A_443 : i32 to index
        %swap3A_510 = arith.constant 96 : index
        %swap3A_511 = tpu.vector_load %arg6[%swap3A_509, %swap3A_510] {strides = array<i32>} : memref<128x128xf32, #tpu.memory_space<vmem>>, vector<1x16xf32>,
        %swap3A_512 = vector.shape_cast %swap3A_511 : vector<1x16xf32> to vector<16xf32>
        %swap3A_513 = vector.shape_cast %mul3A_508 : vector<16xf32> to vector<1x16xf32>
        tpu.vector_store %arg6[%swap3A_509, %swap3A_510], %swap3A_513 {strides = array<i32>} : memref<128x128xf32, #tpu.memory_space<vmem>>, vector<1x16xf32>,
        %get3A_514 = arith.index_cast %add3A_443 : i32 to index
        %get3A_515 = arith.constant 112 : index
        %get3A_516 = tpu.vector_load %arg6[%get3A_514, %get3A_515] {strides = array<i32>} : memref<128x128xf32, #tpu.memory_space<vmem>>, vector<1x16xf32>,
        %get3A_517 = vector.shape_cast %get3A_516 : vector<1x16xf32> to vector<16xf32>
        %mul3A_518 = arith.mulf %get3A_517, %gather3A_439 : vector<16xf32>
        %swap3A_519 = arith.index_cast %add3A_443 : i32 to index
        %swap3A_520 = arith.constant 112 : index
        %swap3A_521 = tpu.vector_load %arg6[%swap3A_519, %swap3A_520] {strides = array<i32>} : memref<128x128xf32, #tpu.memory_space<vmem>>, vector<1x16xf32>,
        %swap3A_522 = vector.shape_cast %swap3A_521 : vector<1x16xf32> to vector<16xf32>
        %swap3A_523 = vector.shape_cast %mul3A_518 : vector<16xf32> to vector<1x16xf32>
        tpu.vector_store %arg6[%swap3A_519, %swap3A_520], %swap3A_523 {strides = array<i32>} : memref<128x128xf32, #tpu.memory_space<vmem>>, vector<1x16xf32>,
        %broadcast_in_dim3A_524 = arith.constant 5 : i32
        %broadcast_in_dim3A_525 = vector.broadcast %broadcast_in_dim3A_524 : i32 to vector<16x1xi32>
        %gather3A_526 = vector.shape_cast %broadcast_in_dim3A_525 : vector<16x1xi32> to vector<16xi32>
        %gather3A_527 = tpu.dynamic_gather %bitcast_convert_type3A[%gather3A_526] in [0] : vector<16xf32>, vector<16xi32> -> vector<16xf32>
        %mul3A_528 = arith.constant 16 : i32
        %mul3A_529 = arith.muli %scan3A_79, %mul3A_528 : i32
        %add3A_530 = arith.constant 5 : i32
        %add3A_531 = arith.addi %mul3A_529, %add3A_530 : i32
        %get3A_532 = arith.index_cast %add3A_531 : i32 to index
        %get3A_533 = arith.constant 0 : index
        %get3A_534 = tpu.vector_load %arg6[%get3A_532, %get3A_533] {strides = array<i32>} : memref<128x128xf32, #tpu.memory_space<vmem>>, vector<1x16xf32>,
        %get3A_535 = vector.shape_cast %get3A_534 : vector<1x16xf32> to vector<16xf32>
        %mul3A_536 = arith.mulf %get3A_535, %gather3A_527 : vector<16xf32>
        %swap3A_537 = arith.index_cast %add3A_531 : i32 to index
        %swap3A_538 = arith.constant 0 : index
        %swap3A_539 = tpu.vector_load %arg6[%swap3A_537, %swap3A_538] {strides = array<i32>} : memref<128x128xf32, #tpu.memory_space<vmem>>, vector<1x16xf32>,
        %swap3A_540 = vector.shape_cast %swap3A_539 : vector<1x16xf32> to vector<16xf32>
        %swap3A_541 = vector.shape_cast %mul3A_536 : vector<16xf32> to vector<1x16xf32>
        tpu.vector_store %arg6[%swap3A_537, %swap3A_538], %swap3A_541 {strides = array<i32>} : memref<128x128xf32, #tpu.memory_space<vmem>>, vector<1x16xf32>,
        %get3A_542 = arith.index_cast %add3A_531 : i32 to index
        %get3A_543 = arith.constant 16 : index
        %get3A_544 = tpu.vector_load %arg6[%get3A_542, %get3A_543] {strides = array<i32>} : memref<128x128xf32, #tpu.memory_space<vmem>>, vector<1x16xf32>,
        %get3A_545 = vector.shape_cast %get3A_544 : vector<1x16xf32> to vector<16xf32>
        %mul3A_546 = arith.mulf %get3A_545, %gather3A_527 : vector<16xf32>
        %swap3A_547 = arith.index_cast %add3A_531 : i32 to index
        %swap3A_548 = arith.constant 16 : index
        %swap3A_549 = tpu.vector_load %arg6[%swap3A_547, %swap3A_548] {strides = array<i32>} : memref<128x128xf32, #tpu.memory_space<vmem>>, vector<1x16xf32>,
        %swap3A_550 = vector.shape_cast %swap3A_549 : vector<1x16xf32> to vector<16xf32>
        %swap3A_551 = vector.shape_cast %mul3A_546 : vector<16xf32> to vector<1x16xf32>
        tpu.vector_store %arg6[%swap3A_547, %swap3A_548], %swap3A_551 {strides = array<i32>} : memref<128x128xf32, #tpu.memory_space<vmem>>, vector<1x16xf32>,
        %get3A_552 = arith.index_cast %add3A_531 : i32 to index
        %get3A_553 = arith.constant 32 : index
        %get3A_554 = tpu.vector_load %arg6[%get3A_552, %get3A_553] {strides = array<i32>} : memref<128x128xf32, #tpu.memory_space<vmem>>, vector<1x16xf32>,
        %get3A_555 = vector.shape_cast %get3A_554 : vector<1x16xf32> to vector<16xf32>
        %mul3A_556 = arith.mulf %get3A_555, %gather3A_527 : vector<16xf32>
        %swap3A_557 = arith.index_cast %add3A_531 : i32 to index
        %swap3A_558 = arith.constant 32 : index
        %swap3A_559 = tpu.vector_load %arg6[%swap3A_557, %swap3A_558] {strides = array<i32>} : memref<128x128xf32, #tpu.memory_space<vmem>>, vector<1x16xf32>,
        %swap3A_560 = vector.shape_cast %swap3A_559 : vector<1x16xf32> to vector<16xf32>
        %swap3A_561 = vector.shape_cast %mul3A_556 : vector<16xf32> to vector<1x16xf32>
        tpu.vector_store %arg6[%swap3A_557, %swap3A_558], %swap3A_561 {strides = array<i32>} : memref<128x128xf32, #tpu.memory_space<vmem>>, vector<1x16xf32>,
        %get3A_562 = arith.index_cast %add3A_531 : i32 to index
        %get3A_563 = arith.constant 48 : index
        %get3A_564 = tpu.vector_load %arg6[%get3A_562, %get3A_563] {strides = array<i32>} : memref<128x128xf32, #tpu.memory_space<vmem>>, vector<1x16xf32>,
        %get3A_565 = vector.shape_cast %get3A_564 : vector<1x16xf32> to vector<16xf32>
        %mul3A_566 = arith.mulf %get3A_565, %gather3A_527 : vector<16xf32>
        %swap3A_567 = arith.index_cast %add3A_531 : i32 to index
        %swap3A_568 = arith.constant 48 : index
        %swap3A_569 = tpu.vector_load %arg6[%swap3A_567, %swap3A_568] {strides = array<i32>} : memref<128x128xf32, #tpu.memory_space<vmem>>, vector<1x16xf32>,
        %swap3A_570 = vector.shape_cast %swap3A_569 : vector<1x16xf32> to vector<16xf32>
        %swap3A_571 = vector.shape_cast %mul3A_566 : vector<16xf32> to vector<1x16xf32>
        tpu.vector_store %arg6[%swap3A_567, %swap3A_568], %swap3A_571 {strides = array<i32>} : memref<128x128xf32, #tpu.memory_space<vmem>>, vector<1x16xf32>,
        %get3A_572 = arith.index_cast %add3A_531 : i32 to index
        %get3A_573 = arith.constant 64 : index
        %get3A_574 = tpu.vector_load %arg6[%get3A_572, %get3A_573] {strides = array<i32>} : memref<128x128xf32, #tpu.memory_space<vmem>>, vector<1x16xf32>,
        %get3A_575 = vector.shape_cast %get3A_574 : vector<1x16xf32> to vector<16xf32>
        %mul3A_576 = arith.mulf %get3A_575, %gather3A_527 : vector<16xf32>
        %swap3A_577 = arith.index_cast %add3A_531 : i32 to index
        %swap3A_578 = arith.constant 64 : index
        %swap3A_579 = tpu.vector_load %arg6[%swap3A_577, %swap3A_578] {strides = array<i32>} : memref<128x128xf32, #tpu.memory_space<vmem>>, vector<1x16xf32>,
        %swap3A_580 = vector.shape_cast %swap3A_579 : vector<1x16xf32> to vector<16xf32>
        %swap3A_581 = vector.shape_cast %mul3A_576 : vector<16xf32> to vector<1x16xf32>
        tpu.vector_store %arg6[%swap3A_577, %swap3A_578], %swap3A_581 {strides = array<i32>} : memref<128x128xf32, #tpu.memory_space<vmem>>, vector<1x16xf32>,
        %get3A_582 = arith.index_cast %add3A_531 : i32 to index
        %get3A_583 = arith.constant 80 : index
        %get3A_584 = tpu.vector_load %arg6[%get3A_582, %get3A_583] {strides = array<i32>} : memref<128x128xf32, #tpu.memory_space<vmem>>, vector<1x16xf32>,
        %get3A_585 = vector.shape_cast %get3A_584 : vector<1x16xf32> to vector<16xf32>
        %mul3A_586 = arith.mulf %get3A_585, %gather3A_527 : vector<16xf32>
        %swap3A_587 = arith.index_cast %add3A_531 : i32 to index
        %swap3A_588 = arith.constant 80 : index
        %swap3A_589 = tpu.vector_load %arg6[%swap3A_587, %swap3A_588] {strides = array<i32>} : memref<128x128xf32, #tpu.memory_space<vmem>>, vector<1x16xf32>,
        %swap3A_590 = vector.shape_cast %swap3A_589 : vector<1x16xf32> to vector<16xf32>
        %swap3A_591 = vector.shape_cast %mul3A_586 : vector<16xf32> to vector<1x16xf32>
        tpu.vector_store %arg6[%swap3A_587, %swap3A_588], %swap3A_591 {strides = array<i32>} : memref<128x128xf32, #tpu.memory_space<vmem>>, vector<1x16xf32>,
        %get3A_592 = arith.index_cast %add3A_531 : i32 to index
        %get3A_593 = arith.constant 96 : index
        %get3A_594 = tpu.vector_load %arg6[%get3A_592, %get3A_593] {strides = array<i32>} : memref<128x128xf32, #tpu.memory_space<vmem>>, vector<1x16xf32>,
        %get3A_595 = vector.shape_cast %get3A_594 : vector<1x16xf32> to vector<16xf32>
        %mul3A_596 = arith.mulf %get3A_595, %gather3A_527 : vector<16xf32>
        %swap3A_597 = arith.index_cast %add3A_531 : i32 to index
        %swap3A_598 = arith.constant 96 : index
        %swap3A_599 = tpu.vector_load %arg6[%swap3A_597, %swap3A_598] {strides = array<i32>} : memref<128x128xf32, #tpu.memory_space<vmem>>, vector<1x16xf32>,
        %swap3A_600 = vector.shape_cast %swap3A_599 : vector<1x16xf32> to vector<16xf32>
        %swap3A_601 = vector.shape_cast %mul3A_596 : vector<16xf32> to vector<1x16xf32>
        tpu.vector_store %arg6[%swap3A_597, %swap3A_598], %swap3A_601 {strides = array<i32>} : memref<128x128xf32, #tpu.memory_space<vmem>>, vector<1x16xf32>,
        %get3A_602 = arith.index_cast %add3A_531 : i32 to index
        %get3A_603 = arith.constant 112 : index
        %get3A_604 = tpu.vector_load %arg6[%get3A_602, %get3A_603] {strides = array<i32>} : memref<128x128xf32, #tpu.memory_space<vmem>>, vector<1x16xf32>,
        %get3A_605 = vector.shape_cast %get3A_604 : vector<1x16xf32> to vector<16xf32>
        %mul3A_606 = arith.mulf %get3A_605, %gather3A_527 : vector<16xf32>
        %swap3A_607 = arith.index_cast %add3A_531 : i32 to index
        %swap3A_608 = arith.constant 112 : index
        %swap3A_609 = tpu.vector_load %arg6[%swap3A_607, %swap3A_608] {strides = array<i32>} : memref<128x128xf32, #tpu.memory_space<vmem>>, vector<1x16xf32>,
        %swap3A_610 = vector.shape_cast %swap3A_609 : vector<1x16xf32> to vector<16xf32>
        %swap3A_611 = vector.shape_cast %mul3A_606 : vector<16xf32> to vector<1x16xf32>
        tpu.vector_store %arg6[%swap3A_607, %swap3A_608], %swap3A_611 {strides = array<i32>} : memref<128x128xf32, #tpu.memory_space<vmem>>, vector<1x16xf32>,
        %broadcast_in_dim3A_612 = arith.constant 6 : i32
        %broadcast_in_dim3A_613 = vector.broadcast %broadcast_in_dim3A_612 : i32 to vector<16x1xi32>
        %gather3A_614 = vector.shape_cast %broadcast_in_dim3A_613 : vector<16x1xi32> to vector<16xi32>
        %gather3A_615 = tpu.dynamic_gather %bitcast_convert_type3A[%gather3A_614] in [0] : vector<16xf32>, vector<16xi32> -> vector<16xf32>
        %mul3A_616 = arith.constant 16 : i32
        %mul3A_617 = arith.muli %scan3A_79, %mul3A_616 : i32
        %add3A_618 = arith.constant 6 : i32
        %add3A_619 = arith.addi %mul3A_617, %add3A_618 : i32
        %get3A_620 = arith.index_cast %add3A_619 : i32 to index
        %get3A_621 = arith.constant 0 : index
        %get3A_622 = tpu.vector_load %arg6[%get3A_620, %get3A_621] {strides = array<i32>} : memref<128x128xf32, #tpu.memory_space<vmem>>, vector<1x16xf32>,
        %get3A_623 = vector.shape_cast %get3A_622 : vector<1x16xf32> to vector<16xf32>
        %mul3A_624 = arith.mulf %get3A_623, %gather3A_615 : vector<16xf32>
        %swap3A_625 = arith.index_cast %add3A_619 : i32 to index
        %swap3A_626 = arith.constant 0 : index
        %swap3A_627 = tpu.vector_load %arg6[%swap3A_625, %swap3A_626] {strides = array<i32>} : memref<128x128xf32, #tpu.memory_space<vmem>>, vector<1x16xf32>,
        %swap3A_628 = vector.shape_cast %swap3A_627 : vector<1x16xf32> to vector<16xf32>
        %swap3A_629 = vector.shape_cast %mul3A_624 : vector<16xf32> to vector<1x16xf32>
        tpu.vector_store %arg6[%swap3A_625, %swap3A_626], %swap3A_629 {strides = array<i32>} : memref<128x128xf32, #tpu.memory_space<vmem>>, vector<1x16xf32>,
        %get3A_630 = arith.index_cast %add3A_619 : i32 to index
        %get3A_631 = arith.constant 16 : index
        %get3A_632 = tpu.vector_load %arg6[%get3A_630, %get3A_631] {strides = array<i32>} : memref<128x128xf32, #tpu.memory_space<vmem>>, vector<1x16xf32>,
        %get3A_633 = vector.shape_cast %get3A_632 : vector<1x16xf32> to vector<16xf32>
        %mul3A_634 = arith.mulf %get3A_633, %gather3A_615 : vector<16xf32>
        %swap3A_635 = arith.index_cast %add3A_619 : i32 to index
        %swap3A_636 = arith.constant 16 : index
        %swap3A_637 = tpu.vector_load %arg6[%swap3A_635, %swap3A_636] {strides = array<i32>} : memref<128x128xf32, #tpu.memory_space<vmem>>, vector<1x16xf32>,
        %swap3A_638 = vector.shape_cast %swap3A_637 : vector<1x16xf32> to vector<16xf32>
        %swap3A_639 = vector.shape_cast %mul3A_634 : vector<16xf32> to vector<1x16xf32>
        tpu.vector_store %arg6[%swap3A_635, %swap3A_636], %swap3A_639 {strides = array<i32>} : memref<128x128xf32, #tpu.memory_space<vmem>>, vector<1x16xf32>,
        %get3A_640 = arith.index_cast %add3A_619 : i32 to index
        %get3A_641 = arith.constant 32 : index
        %get3A_642 = tpu.vector_load %arg6[%get3A_640, %get3A_641] {strides = array<i32>} : memref<128x128xf32, #tpu.memory_space<vmem>>, vector<1x16xf32>,
        %get3A_643 = vector.shape_cast %get3A_642 : vector<1x16xf32> to vector<16xf32>
        %mul3A_644 = arith.mulf %get3A_643, %gather3A_615 : vector<16xf32>
        %swap3A_645 = arith.index_cast %add3A_619 : i32 to index
        %swap3A_646 = arith.constant 32 : index
        %swap3A_647 = tpu.vector_load %arg6[%swap3A_645, %swap3A_646] {strides = array<i32>} : memref<128x128xf32, #tpu.memory_space<vmem>>, vector<1x16xf32>,
        %swap3A_648 = vector.shape_cast %swap3A_647 : vector<1x16xf32> to vector<16xf32>
        %swap3A_649 = vector.shape_cast %mul3A_644 : vector<16xf32> to vector<1x16xf32>
        tpu.vector_store %arg6[%swap3A_645, %swap3A_646], %swap3A_649 {strides = array<i32>} : memref<128x128xf32, #tpu.memory_space<vmem>>, vector<1x16xf32>,
        %get3A_650 = arith.index_cast %add3A_619 : i32 to index
        %get3A_651 = arith.constant 48 : index
        %get3A_652 = tpu.vector_load %arg6[%get3A_650, %get3A_651] {strides = array<i32>} : memref<128x128xf32, #tpu.memory_space<vmem>>, vector<1x16xf32>,
        %get3A_653 = vector.shape_cast %get3A_652 : vector<1x16xf32> to vector<16xf32>
        %mul3A_654 = arith.mulf %get3A_653, %gather3A_615 : vector<16xf32>
        %swap3A_655 = arith.index_cast %add3A_619 : i32 to index
        %swap3A_656 = arith.constant 48 : index
        %swap3A_657 = tpu.vector_load %arg6[%swap3A_655, %swap3A_656] {strides = array<i32>} : memref<128x128xf32, #tpu.memory_space<vmem>>, vector<1x16xf32>,
        %swap3A_658 = vector.shape_cast %swap3A_657 : vector<1x16xf32> to vector<16xf32>
        %swap3A_659 = vector.shape_cast %mul3A_654 : vector<16xf32> to vector<1x16xf32>
        tpu.vector_store %arg6[%swap3A_655, %swap3A_656], %swap3A_659 {strides = array<i32>} : memref<128x128xf32, #tpu.memory_space<vmem>>, vector<1x16xf32>,
        %get3A_660 = arith.index_cast %add3A_619 : i32 to index
        %get3A_661 = arith.constant 64 : index
        %get3A_662 = tpu.vector_load %arg6[%get3A_660, %get3A_661] {strides = array<i32>} : memref<128x128xf32, #tpu.memory_space<vmem>>, vector<1x16xf32>,
        %get3A_663 = vector.shape_cast %get3A_662 : vector<1x16xf32> to vector<16xf32>
        %mul3A_664 = arith.mulf %get3A_663, %gather3A_615 : vector<16xf32>
        %swap3A_665 = arith.index_cast %add3A_619 : i32 to index
        %swap3A_666 = arith.constant 64 : index
        %swap3A_667 = tpu.vector_load %arg6[%swap3A_665, %swap3A_666] {strides = array<i32>} : memref<128x128xf32, #tpu.memory_space<vmem>>, vector<1x16xf32>,
        %swap3A_668 = vector.shape_cast %swap3A_667 : vector<1x16xf32> to vector<16xf32>
        %swap3A_669 = vector.shape_cast %mul3A_664 : vector<16xf32> to vector<1x16xf32>
        tpu.vector_store %arg6[%swap3A_665, %swap3A_666], %swap3A_669 {strides = array<i32>} : memref<128x128xf32, #tpu.memory_space<vmem>>, vector<1x16xf32>,
        %get3A_670 = arith.index_cast %add3A_619 : i32 to index
        %get3A_671 = arith.constant 80 : index
        %get3A_672 = tpu.vector_load %arg6[%get3A_670, %get3A_671] {strides = array<i32>} : memref<128x128xf32, #tpu.memory_space<vmem>>, vector<1x16xf32>,
        %get3A_673 = vector.shape_cast %get3A_672 : vector<1x16xf32> to vector<16xf32>
        %mul3A_674 = arith.mulf %get3A_673, %gather3A_615 : vector<16xf32>
        %swap3A_675 = arith.index_cast %add3A_619 : i32 to index
        %swap3A_676 = arith.constant 80 : index
        %swap3A_677 = tpu.vector_load %arg6[%swap3A_675, %swap3A_676] {strides = array<i32>} : memref<128x128xf32, #tpu.memory_space<vmem>>, vector<1x16xf32>,
        %swap3A_678 = vector.shape_cast %swap3A_677 : vector<1x16xf32> to vector<16xf32>
        %swap3A_679 = vector.shape_cast %mul3A_674 : vector<16xf32> to vector<1x16xf32>
        tpu.vector_store %arg6[%swap3A_675, %swap3A_676], %swap3A_679 {strides = array<i32>} : memref<128x128xf32, #tpu.memory_space<vmem>>, vector<1x16xf32>,
        %get3A_680 = arith.index_cast %add3A_619 : i32 to index
        %get3A_681 = arith.constant 96 : index
        %get3A_682 = tpu.vector_load %arg6[%get3A_680, %get3A_681] {strides = array<i32>} : memref<128x128xf32, #tpu.memory_space<vmem>>, vector<1x16xf32>,
        %get3A_683 = vector.shape_cast %get3A_682 : vector<1x16xf32> to vector<16xf32>
        %mul3A_684 = arith.mulf %get3A_683, %gather3A_615 : vector<16xf32>
        %swap3A_685 = arith.index_cast %add3A_619 : i32 to index
        %swap3A_686 = arith.constant 96 : index
        %swap3A_687 = tpu.vector_load %arg6[%swap3A_685, %swap3A_686] {strides = array<i32>} : memref<128x128xf32, #tpu.memory_space<vmem>>, vector<1x16xf32>,
        %swap3A_688 = vector.shape_cast %swap3A_687 : vector<1x16xf32> to vector<16xf32>
        %swap3A_689 = vector.shape_cast %mul3A_684 : vector<16xf32> to vector<1x16xf32>
        tpu.vector_store %arg6[%swap3A_685, %swap3A_686], %swap3A_689 {strides = array<i32>} : memref<128x128xf32, #tpu.memory_space<vmem>>, vector<1x16xf32>,
        %get3A_690 = arith.index_cast %add3A_619 : i32 to index
        %get3A_691 = arith.constant 112 : index
        %get3A_692 = tpu.vector_load %arg6[%get3A_690, %get3A_691] {strides = array<i32>} : memref<128x128xf32, #tpu.memory_space<vmem>>, vector<1x16xf32>,
        %get3A_693 = vector.shape_cast %get3A_692 : vector<1x16xf32> to vector<16xf32>
        %mul3A_694 = arith.mulf %get3A_693, %gather3A_615 : vector<16xf32>
        %swap3A_695 = arith.index_cast %add3A_619 : i32 to index
        %swap3A_696 = arith.constant 112 : index
        %swap3A_697 = tpu.vector_load %arg6[%swap3A_695, %swap3A_696] {strides = array<i32>} : memref<128x128xf32, #tpu.memory_space<vmem>>, vector<1x16xf32>,
        %swap3A_698 = vector.shape_cast %swap3A_697 : vector<1x16xf32> to vector<16xf32>
        %swap3A_699 = vector.shape_cast %mul3A_694 : vector<16xf32> to vector<1x16xf32>
        tpu.vector_store %arg6[%swap3A_695, %swap3A_696], %swap3A_699 {strides = array<i32>} : memref<128x128xf32, #tpu.memory_space<vmem>>, vector<1x16xf32>,
        %broadcast_in_dim3A_700 = arith.constant 7 : i32
        %broadcast_in_dim3A_701 = vector.broadcast %broadcast_in_dim3A_700 : i32 to vector<16x1xi32>
        %gather3A_702 = vector.shape_cast %broadcast_in_dim3A_701 : vector<16x1xi32> to vector<16xi32>
        %gather3A_703 = tpu.dynamic_gather %bitcast_convert_type3A[%gather3A_702] in [0] : vector<16xf32>, vector<16xi32> -> vector<16xf32>
        %mul3A_704 = arith.constant 16 : i32
        %mul3A_705 = arith.muli %scan3A_79, %mul3A_704 : i32
        %add3A_706 = arith.constant 7 : i32
        %add3A_707 = arith.addi %mul3A_705, %add3A_706 : i32
        %get3A_708 = arith.index_cast %add3A_707 : i32 to index
        %get3A_709 = arith.constant 0 : index
        %get3A_710 = tpu.vector_load %arg6[%get3A_708, %get3A_709] {strides = array<i32>} : memref<128x128xf32, #tpu.memory_space<vmem>>, vector<1x16xf32>,
        %get3A_711 = vector.shape_cast %get3A_710 : vector<1x16xf32> to vector<16xf32>
        %mul3A_712 = arith.mulf %get3A_711, %gather3A_703 : vector<16xf32>
        %swap3A_713 = arith.index_cast %add3A_707 : i32 to index
        %swap3A_714 = arith.constant 0 : index
        %swap3A_715 = tpu.vector_load %arg6[%swap3A_713, %swap3A_714] {strides = array<i32>} : memref<128x128xf32, #tpu.memory_space<vmem>>, vector<1x16xf32>,
        %swap3A_716 = vector.shape_cast %swap3A_715 : vector<1x16xf32> to vector<16xf32>
        %swap3A_717 = vector.shape_cast %mul3A_712 : vector<16xf32> to vector<1x16xf32>
        tpu.vector_store %arg6[%swap3A_713, %swap3A_714], %swap3A_717 {strides = array<i32>} : memref<128x128xf32, #tpu.memory_space<vmem>>, vector<1x16xf32>,
        %get3A_718 = arith.index_cast %add3A_707 : i32 to index
        %get3A_719 = arith.constant 16 : index
        %get3A_720 = tpu.vector_load %arg6[%get3A_718, %get3A_719] {strides = array<i32>} : memref<128x128xf32, #tpu.memory_space<vmem>>, vector<1x16xf32>,
        %get3A_721 = vector.shape_cast %get3A_720 : vector<1x16xf32> to vector<16xf32>
        %mul3A_722 = arith.mulf %get3A_721, %gather3A_703 : vector<16xf32>
        %swap3A_723 = arith.index_cast %add3A_707 : i32 to index
        %swap3A_724 = arith.constant 16 : index
        %swap3A_725 = tpu.vector_load %arg6[%swap3A_723, %swap3A_724] {strides = array<i32>} : memref<128x128xf32, #tpu.memory_space<vmem>>, vector<1x16xf32>,
        %swap3A_726 = vector.shape_cast %swap3A_725 : vector<1x16xf32> to vector<16xf32>
        %swap3A_727 = vector.shape_cast %mul3A_722 : vector<16xf32> to vector<1x16xf32>
        tpu.vector_store %arg6[%swap3A_723, %swap3A_724], %swap3A_727 {strides = array<i32>} : memref<128x128xf32, #tpu.memory_space<vmem>>, vector<1x16xf32>,
        %get3A_728 = arith.index_cast %add3A_707 : i32 to index
        %get3A_729 = arith.constant 32 : index
        %get3A_730 = tpu.vector_load %arg6[%get3A_728, %get3A_729] {strides = array<i32>} : memref<128x128xf32, #tpu.memory_space<vmem>>, vector<1x16xf32>,
        %get3A_731 = vector.shape_cast %get3A_730 : vector<1x16xf32> to vector<16xf32>
        %mul3A_732 = arith.mulf %get3A_731, %gather3A_703 : vector<16xf32>
        %swap3A_733 = arith.index_cast %add3A_707 : i32 to index
        %swap3A_734 = arith.constant 32 : index
        %swap3A_735 = tpu.vector_load %arg6[%swap3A_733, %swap3A_734] {strides = array<i32>} : memref<128x128xf32, #tpu.memory_space<vmem>>, vector<1x16xf32>,
        %swap3A_736 = vector.shape_cast %swap3A_735 : vector<1x16xf32> to vector<16xf32>
        %swap3A_737 = vector.shape_cast %mul3A_732 : vector<16xf32> to vector<1x16xf32>
        tpu.vector_store %arg6[%swap3A_733, %swap3A_734], %swap3A_737 {strides = array<i32>} : memref<128x128xf32, #tpu.memory_space<vmem>>, vector<1x16xf32>,
        %get3A_738 = arith.index_cast %add3A_707 : i32 to index
        %get3A_739 = arith.constant 48 : index
        %get3A_740 = tpu.vector_load %arg6[%get3A_738, %get3A_739] {strides = array<i32>} : memref<128x128xf32, #tpu.memory_space<vmem>>, vector<1x16xf32>,
        %get3A_741 = vector.shape_cast %get3A_740 : vector<1x16xf32> to vector<16xf32>
        %mul3A_742 = arith.mulf %get3A_741, %gather3A_703 : vector<16xf32>
        %swap3A_743 = arith.index_cast %add3A_707 : i32 to index
        %swap3A_744 = arith.constant 48 : index
        %swap3A_745 = tpu.vector_load %arg6[%swap3A_743, %swap3A_744] {strides = array<i32>} : memref<128x128xf32, #tpu.memory_space<vmem>>, vector<1x16xf32>,
        %swap3A_746 = vector.shape_cast %swap3A_745 : vector<1x16xf32> to vector<16xf32>
        %swap3A_747 = vector.shape_cast %mul3A_742 : vector<16xf32> to vector<1x16xf32>
        tpu.vector_store %arg6[%swap3A_743, %swap3A_744], %swap3A_747 {strides = array<i32>} : memref<128x128xf32, #tpu.memory_space<vmem>>, vector<1x16xf32>,
        %get3A_748 = arith.index_cast %add3A_707 : i32 to index
        %get3A_749 = arith.constant 64 : index
        %get3A_750 = tpu.vector_load %arg6[%get3A_748, %get3A_749] {strides = array<i32>} : memref<128x128xf32, #tpu.memory_space<vmem>>, vector<1x16xf32>,
        %get3A_751 = vector.shape_cast %get3A_750 : vector<1x16xf32> to vector<16xf32>
        %mul3A_752 = arith.mulf %get3A_751, %gather3A_703 : vector<16xf32>
        %swap3A_753 = arith.index_cast %add3A_707 : i32 to index
        %swap3A_754 = arith.constant 64 : index
        %swap3A_755 = tpu.vector_load %arg6[%swap3A_753, %swap3A_754] {strides = array<i32>} : memref<128x128xf32, #tpu.memory_space<vmem>>, vector<1x16xf32>,
        %swap3A_756 = vector.shape_cast %swap3A_755 : vector<1x16xf32> to vector<16xf32>
        %swap3A_757 = vector.shape_cast %mul3A_752 : vector<16xf32> to vector<1x16xf32>
        tpu.vector_store %arg6[%swap3A_753, %swap3A_754], %swap3A_757 {strides = array<i32>} : memref<128x128xf32, #tpu.memory_space<vmem>>, vector<1x16xf32>,
        %get3A_758 = arith.index_cast %add3A_707 : i32 to index
        %get3A_759 = arith.constant 80 : index
        %get3A_760 = tpu.vector_load %arg6[%get3A_758, %get3A_759] {strides = array<i32>} : memref<128x128xf32, #tpu.memory_space<vmem>>, vector<1x16xf32>,
        %get3A_761 = vector.shape_cast %get3A_760 : vector<1x16xf32> to vector<16xf32>
        %mul3A_762 = arith.mulf %get3A_761, %gather3A_703 : vector<16xf32>
        %swap3A_763 = arith.index_cast %add3A_707 : i32 to index
        %swap3A_764 = arith.constant 80 : index
        %swap3A_765 = tpu.vector_load %arg6[%swap3A_763, %swap3A_764] {strides = array<i32>} : memref<128x128xf32, #tpu.memory_space<vmem>>, vector<1x16xf32>,
        %swap3A_766 = vector.shape_cast %swap3A_765 : vector<1x16xf32> to vector<16xf32>
        %swap3A_767 = vector.shape_cast %mul3A_762 : vector<16xf32> to vector<1x16xf32>
        tpu.vector_store %arg6[%swap3A_763, %swap3A_764], %swap3A_767 {strides = array<i32>} : memref<128x128xf32, #tpu.memory_space<vmem>>, vector<1x16xf32>,
        %get3A_768 = arith.index_cast %add3A_707 : i32 to index
        %get3A_769 = arith.constant 96 : index
        %get3A_770 = tpu.vector_load %arg6[%get3A_768, %get3A_769] {strides = array<i32>} : memref<128x128xf32, #tpu.memory_space<vmem>>, vector<1x16xf32>,
        %get3A_771 = vector.shape_cast %get3A_770 : vector<1x16xf32> to vector<16xf32>
        %mul3A_772 = arith.mulf %get3A_771, %gather3A_703 : vector<16xf32>
        %swap3A_773 = arith.index_cast %add3A_707 : i32 to index
        %swap3A_774 = arith.constant 96 : index
        %swap3A_775 = tpu.vector_load %arg6[%swap3A_773, %swap3A_774] {strides = array<i32>} : memref<128x128xf32, #tpu.memory_space<vmem>>, vector<1x16xf32>,
        %swap3A_776 = vector.shape_cast %swap3A_775 : vector<1x16xf32> to vector<16xf32>
        %swap3A_777 = vector.shape_cast %mul3A_772 : vector<16xf32> to vector<1x16xf32>
        tpu.vector_store %arg6[%swap3A_773, %swap3A_774], %swap3A_777 {strides = array<i32>} : memref<128x128xf32, #tpu.memory_space<vmem>>, vector<1x16xf32>,
        %get3A_778 = arith.index_cast %add3A_707 : i32 to index
        %get3A_779 = arith.constant 112 : index
        %get3A_780 = tpu.vector_load %arg6[%get3A_778, %get3A_779] {strides = array<i32>} : memref<128x128xf32, #tpu.memory_space<vmem>>, vector<1x16xf32>,
        %get3A_781 = vector.shape_cast %get3A_780 : vector<1x16xf32> to vector<16xf32>
        %mul3A_782 = arith.mulf %get3A_781, %gather3A_703 : vector<16xf32>
        %swap3A_783 = arith.index_cast %add3A_707 : i32 to index
        %swap3A_784 = arith.constant 112 : index
        %swap3A_785 = tpu.vector_load %arg6[%swap3A_783, %swap3A_784] {strides = array<i32>} : memref<128x128xf32, #tpu.memory_space<vmem>>, vector<1x16xf32>,
        %swap3A_786 = vector.shape_cast %swap3A_785 : vector<1x16xf32> to vector<16xf32>
        %swap3A_787 = vector.shape_cast %mul3A_782 : vector<16xf32> to vector<1x16xf32>
        tpu.vector_store %arg6[%swap3A_783, %swap3A_784], %swap3A_787 {strides = array<i32>} : memref<128x128xf32, #tpu.memory_space<vmem>>, vector<1x16xf32>,
        %broadcast_in_dim3A_788 = arith.constant 8 : i32
        %broadcast_in_dim3A_789 = vector.broadcast %broadcast_in_dim3A_788 : i32 to vector<16x1xi32>
        %gather3A_790 = vector.shape_cast %broadcast_in_dim3A_789 : vector<16x1xi32> to vector<16xi32>
        %gather3A_791 = tpu.dynamic_gather %bitcast_convert_type3A[%gather3A_790] in [0] : vector<16xf32>, vector<16xi32> -> vector<16xf32>
        %mul3A_792 = arith.constant 16 : i32
        %mul3A_793 = arith.muli %scan3A_79, %mul3A_792 : i32
        %add3A_794 = arith.constant 8 : i32
        %add3A_795 = arith.addi %mul3A_793, %add3A_794 : i32
        %get3A_796 = arith.index_cast %add3A_795 : i32 to index
        %get3A_797 = arith.constant 0 : index
        %get3A_798 = tpu.vector_load %arg6[%get3A_796, %get3A_797] {strides = array<i32>} : memref<128x128xf32, #tpu.memory_space<vmem>>, vector<1x16xf32>,
        %get3A_799 = vector.shape_cast %get3A_798 : vector<1x16xf32> to vector<16xf32>
        %mul3A_800 = arith.mulf %get3A_799, %gather3A_791 : vector<16xf32>
        %swap3A_801 = arith.index_cast %add3A_795 : i32 to index
        %swap3A_802 = arith.constant 0 : index
        %swap3A_803 = tpu.vector_load %arg6[%swap3A_801, %swap3A_802] {strides = array<i32>} : memref<128x128xf32, #tpu.memory_space<vmem>>, vector<1x16xf32>,
        %swap3A_804 = vector.shape_cast %swap3A_803 : vector<1x16xf32> to vector<16xf32>
        %swap3A_805 = vector.shape_cast %mul3A_800 : vector<16xf32> to vector<1x16xf32>
        tpu.vector_store %arg6[%swap3A_801, %swap3A_802], %swap3A_805 {strides = array<i32>} : memref<128x128xf32, #tpu.memory_space<vmem>>, vector<1x16xf32>,
        %get3A_806 = arith.index_cast %add3A_795 : i32 to index
        %get3A_807 = arith.constant 16 : index
        %get3A_808 = tpu.vector_load %arg6[%get3A_806, %get3A_807] {strides = array<i32>} : memref<128x128xf32, #tpu.memory_space<vmem>>, vector<1x16xf32>,
        %get3A_809 = vector.shape_cast %get3A_808 : vector<1x16xf32> to vector<16xf32>
        %mul3A_810 = arith.mulf %get3A_809, %gather3A_791 : vector<16xf32>
        %swap3A_811 = arith.index_cast %add3A_795 : i32 to index
        %swap3A_812 = arith.constant 16 : index
        %swap3A_813 = tpu.vector_load %arg6[%swap3A_811, %swap3A_812] {strides = array<i32>} : memref<128x128xf32, #tpu.memory_space<vmem>>, vector<1x16xf32>,
        %swap3A_814 = vector.shape_cast %swap3A_813 : vector<1x16xf32> to vector<16xf32>
        %swap3A_815 = vector.shape_cast %mul3A_810 : vector<16xf32> to vector<1x16xf32>
        tpu.vector_store %arg6[%swap3A_811, %swap3A_812], %swap3A_815 {strides = array<i32>} : memref<128x128xf32, #tpu.memory_space<vmem>>, vector<1x16xf32>,
        %get3A_816 = arith.index_cast %add3A_795 : i32 to index
        %get3A_817 = arith.constant 32 : index
        %get3A_818 = tpu.vector_load %arg6[%get3A_816, %get3A_817] {strides = array<i32>} : memref<128x128xf32, #tpu.memory_space<vmem>>, vector<1x16xf32>,
        %get3A_819 = vector.shape_cast %get3A_818 : vector<1x16xf32> to vector<16xf32>
        %mul3A_820 = arith.mulf %get3A_819, %gather3A_791 : vector<16xf32>
        %swap3A_821 = arith.index_cast %add3A_795 : i32 to index
        %swap3A_822 = arith.constant 32 : index
        %swap3A_823 = tpu.vector_load %arg6[%swap3A_821, %swap3A_822] {strides = array<i32>} : memref<128x128xf32, #tpu.memory_space<vmem>>, vector<1x16xf32>,
        %swap3A_824 = vector.shape_cast %swap3A_823 : vector<1x16xf32> to vector<16xf32>
        %swap3A_825 = vector.shape_cast %mul3A_820 : vector<16xf32> to vector<1x16xf32>
        tpu.vector_store %arg6[%swap3A_821, %swap3A_822], %swap3A_825 {strides = array<i32>} : memref<128x128xf32, #tpu.memory_space<vmem>>, vector<1x16xf32>,
        %get3A_826 = arith.index_cast %add3A_795 : i32 to index
        %get3A_827 = arith.constant 48 : index
        %get3A_828 = tpu.vector_load %arg6[%get3A_826, %get3A_827] {strides = array<i32>} : memref<128x128xf32, #tpu.memory_space<vmem>>, vector<1x16xf32>,
        %get3A_829 = vector.shape_cast %get3A_828 : vector<1x16xf32> to vector<16xf32>
        %mul3A_830 = arith.mulf %get3A_829, %gather3A_791 : vector<16xf32>
        %swap3A_831 = arith.index_cast %add3A_795 : i32 to index
        %swap3A_832 = arith.constant 48 : index
        %swap3A_833 = tpu.vector_load %arg6[%swap3A_831, %swap3A_832] {strides = array<i32>} : memref<128x128xf32, #tpu.memory_space<vmem>>, vector<1x16xf32>,
        %swap3A_834 = vector.shape_cast %swap3A_833 : vector<1x16xf32> to vector<16xf32>
        %swap3A_835 = vector.shape_cast %mul3A_830 : vector<16xf32> to vector<1x16xf32>
        tpu.vector_store %arg6[%swap3A_831, %swap3A_832], %swap3A_835 {strides = array<i32>} : memref<128x128xf32, #tpu.memory_space<vmem>>, vector<1x16xf32>,
        %get3A_836 = arith.index_cast %add3A_795 : i32 to index
        %get3A_837 = arith.constant 64 : index
        %get3A_838 = tpu.vector_load %arg6[%get3A_836, %get3A_837] {strides = array<i32>} : memref<128x128xf32, #tpu.memory_space<vmem>>, vector<1x16xf32>,
        %get3A_839 = vector.shape_cast %get3A_838 : vector<1x16xf32> to vector<16xf32>
        %mul3A_840 = arith.mulf %get3A_839, %gather3A_791 : vector<16xf32>
        %swap3A_841 = arith.index_cast %add3A_795 : i32 to index
        %swap3A_842 = arith.constant 64 : index
        %swap3A_843 = tpu.vector_load %arg6[%swap3A_841, %swap3A_842] {strides = array<i32>} : memref<128x128xf32, #tpu.memory_space<vmem>>, vector<1x16xf32>,
        %swap3A_844 = vector.shape_cast %swap3A_843 : vector<1x16xf32> to vector<16xf32>
        %swap3A_845 = vector.shape_cast %mul3A_840 : vector<16xf32> to vector<1x16xf32>
        tpu.vector_store %arg6[%swap3A_841, %swap3A_842], %swap3A_845 {strides = array<i32>} : memref<128x128xf32, #tpu.memory_space<vmem>>, vector<1x16xf32>,
        %get3A_846 = arith.index_cast %add3A_795 : i32 to index
        %get3A_847 = arith.constant 80 : index
        %get3A_848 = tpu.vector_load %arg6[%get3A_846, %get3A_847] {strides = array<i32>} : memref<128x128xf32, #tpu.memory_space<vmem>>, vector<1x16xf32>,
        %get3A_849 = vector.shape_cast %get3A_848 : vector<1x16xf32> to vector<16xf32>
        %mul3A_850 = arith.mulf %get3A_849, %gather3A_791 : vector<16xf32>
        %swap3A_851 = arith.index_cast %add3A_795 : i32 to index
        %swap3A_852 = arith.constant 80 : index
        %swap3A_853 = tpu.vector_load %arg6[%swap3A_851, %swap3A_852] {strides = array<i32>} : memref<128x128xf32, #tpu.memory_space<vmem>>, vector<1x16xf32>,
        %swap3A_854 = vector.shape_cast %swap3A_853 : vector<1x16xf32> to vector<16xf32>
        %swap3A_855 = vector.shape_cast %mul3A_850 : vector<16xf32> to vector<1x16xf32>
        tpu.vector_store %arg6[%swap3A_851, %swap3A_852], %swap3A_855 {strides = array<i32>} : memref<128x128xf32, #tpu.memory_space<vmem>>, vector<1x16xf32>,
        %get3A_856 = arith.index_cast %add3A_795 : i32 to index
        %get3A_857 = arith.constant 96 : index
        %get3A_858 = tpu.vector_load %arg6[%get3A_856, %get3A_857] {strides = array<i32>} : memref<128x128xf32, #tpu.memory_space<vmem>>, vector<1x16xf32>,
        %get3A_859 = vector.shape_cast %get3A_858 : vector<1x16xf32> to vector<16xf32>
        %mul3A_860 = arith.mulf %get3A_859, %gather3A_791 : vector<16xf32>
        %swap3A_861 = arith.index_cast %add3A_795 : i32 to index
        %swap3A_862 = arith.constant 96 : index
        %swap3A_863 = tpu.vector_load %arg6[%swap3A_861, %swap3A_862] {strides = array<i32>} : memref<128x128xf32, #tpu.memory_space<vmem>>, vector<1x16xf32>,
        %swap3A_864 = vector.shape_cast %swap3A_863 : vector<1x16xf32> to vector<16xf32>
        %swap3A_865 = vector.shape_cast %mul3A_860 : vector<16xf32> to vector<1x16xf32>
        tpu.vector_store %arg6[%swap3A_861, %swap3A_862], %swap3A_865 {strides = array<i32>} : memref<128x128xf32, #tpu.memory_space<vmem>>, vector<1x16xf32>,
        %get3A_866 = arith.index_cast %add3A_795 : i32 to index
        %get3A_867 = arith.constant 112 : index
        %get3A_868 = tpu.vector_load %arg6[%get3A_866, %get3A_867] {strides = array<i32>} : memref<128x128xf32, #tpu.memory_space<vmem>>, vector<1x16xf32>,
        %get3A_869 = vector.shape_cast %get3A_868 : vector<1x16xf32> to vector<16xf32>
        %mul3A_870 = arith.mulf %get3A_869, %gather3A_791 : vector<16xf32>
        %swap3A_871 = arith.index_cast %add3A_795 : i32 to index
        %swap3A_872 = arith.constant 112 : index
        %swap3A_873 = tpu.vector_load %arg6[%swap3A_871, %swap3A_872] {strides = array<i32>} : memref<128x128xf32, #tpu.memory_space<vmem>>, vector<1x16xf32>,
        %swap3A_874 = vector.shape_cast %swap3A_873 : vector<1x16xf32> to vector<16xf32>
        %swap3A_875 = vector.shape_cast %mul3A_870 : vector<16xf32> to vector<1x16xf32>
        tpu.vector_store %arg6[%swap3A_871, %swap3A_872], %swap3A_875 {strides = array<i32>} : memref<128x128xf32, #tpu.memory_space<vmem>>, vector<1x16xf32>,
        %broadcast_in_dim3A_876 = arith.constant 9 : i32
        %broadcast_in_dim3A_877 = vector.broadcast %broadcast_in_dim3A_876 : i32 to vector<16x1xi32>
        %gather3A_878 = vector.shape_cast %broadcast_in_dim3A_877 : vector<16x1xi32> to vector<16xi32>
        %gather3A_879 = tpu.dynamic_gather %bitcast_convert_type3A[%gather3A_878] in [0] : vector<16xf32>, vector<16xi32> -> vector<16xf32>
        %mul3A_880 = arith.constant 16 : i32
        %mul3A_881 = arith.muli %scan3A_79, %mul3A_880 : i32
        %add3A_882 = arith.constant 9 : i32
        %add3A_883 = arith.addi %mul3A_881, %add3A_882 : i32
        %get3A_884 = arith.index_cast %add3A_883 : i32 to index
        %get3A_885 = arith.constant 0 : index
        %get3A_886 = tpu.vector_load %arg6[%get3A_884, %get3A_885] {strides = array<i32>} : memref<128x128xf32, #tpu.memory_space<vmem>>, vector<1x16xf32>,
        %get3A_887 = vector.shape_cast %get3A_886 : vector<1x16xf32> to vector<16xf32>
        %mul3A_888 = arith.mulf %get3A_887, %gather3A_879 : vector<16xf32>
        %swap3A_889 = arith.index_cast %add3A_883 : i32 to index
        %swap3A_890 = arith.constant 0 : index
        %swap3A_891 = tpu.vector_load %arg6[%swap3A_889, %swap3A_890] {strides = array<i32>} : memref<128x128xf32, #tpu.memory_space<vmem>>, vector<1x16xf32>,
        %swap3A_892 = vector.shape_cast %swap3A_891 : vector<1x16xf32> to vector<16xf32>
        %swap3A_893 = vector.shape_cast %mul3A_888 : vector<16xf32> to vector<1x16xf32>
        tpu.vector_store %arg6[%swap3A_889, %swap3A_890], %swap3A_893 {strides = array<i32>} : memref<128x128xf32, #tpu.memory_space<vmem>>, vector<1x16xf32>,
        %get3A_894 = arith.index_cast %add3A_883 : i32 to index
        %get3A_895 = arith.constant 16 : index
        %get3A_896 = tpu.vector_load %arg6[%get3A_894, %get3A_895] {strides = array<i32>} : memref<128x128xf32, #tpu.memory_space<vmem>>, vector<1x16xf32>,
        %get3A_897 = vector.shape_cast %get3A_896 : vector<1x16xf32> to vector<16xf32>
        %mul3A_898 = arith.mulf %get3A_897, %gather3A_879 : vector<16xf32>
        %swap3A_899 = arith.index_cast %add3A_883 : i32 to index
        %swap3A_900 = arith.constant 16 : index
        %swap3A_901 = tpu.vector_load %arg6[%swap3A_899, %swap3A_900] {strides = array<i32>} : memref<128x128xf32, #tpu.memory_space<vmem>>, vector<1x16xf32>,
        %swap3A_902 = vector.shape_cast %swap3A_901 : vector<1x16xf32> to vector<16xf32>
        %swap3A_903 = vector.shape_cast %mul3A_898 : vector<16xf32> to vector<1x16xf32>
        tpu.vector_store %arg6[%swap3A_899, %swap3A_900], %swap3A_903 {strides = array<i32>} : memref<128x128xf32, #tpu.memory_space<vmem>>, vector<1x16xf32>,
        %get3A_904 = arith.index_cast %add3A_883 : i32 to index
        %get3A_905 = arith.constant 32 : index
        %get3A_906 = tpu.vector_load %arg6[%get3A_904, %get3A_905] {strides = array<i32>} : memref<128x128xf32, #tpu.memory_space<vmem>>, vector<1x16xf32>,
        %get3A_907 = vector.shape_cast %get3A_906 : vector<1x16xf32> to vector<16xf32>
        %mul3A_908 = arith.mulf %get3A_907, %gather3A_879 : vector<16xf32>
        %swap3A_909 = arith.index_cast %add3A_883 : i32 to index
        %swap3A_910 = arith.constant 32 : index
        %swap3A_911 = tpu.vector_load %arg6[%swap3A_909, %swap3A_910] {strides = array<i32>} : memref<128x128xf32, #tpu.memory_space<vmem>>, vector<1x16xf32>,
        %swap3A_912 = vector.shape_cast %swap3A_911 : vector<1x16xf32> to vector<16xf32>
        %swap3A_913 = vector.shape_cast %mul3A_908 : vector<16xf32> to vector<1x16xf32>
        tpu.vector_store %arg6[%swap3A_909, %swap3A_910], %swap3A_913 {strides = array<i32>} : memref<128x128xf32, #tpu.memory_space<vmem>>, vector<1x16xf32>,
        %get3A_914 = arith.index_cast %add3A_883 : i32 to index
        %get3A_915 = arith.constant 48 : index
        %get3A_916 = tpu.vector_load %arg6[%get3A_914, %get3A_915] {strides = array<i32>} : memref<128x128xf32, #tpu.memory_space<vmem>>, vector<1x16xf32>,
        %get3A_917 = vector.shape_cast %get3A_916 : vector<1x16xf32> to vector<16xf32>
        %mul3A_918 = arith.mulf %get3A_917, %gather3A_879 : vector<16xf32>
        %swap3A_919 = arith.index_cast %add3A_883 : i32 to index
        %swap3A_920 = arith.constant 48 : index
        %swap3A_921 = tpu.vector_load %arg6[%swap3A_919, %swap3A_920] {strides = array<i32>} : memref<128x128xf32, #tpu.memory_space<vmem>>, vector<1x16xf32>,
        %swap3A_922 = vector.shape_cast %swap3A_921 : vector<1x16xf32> to vector<16xf32>
        %swap3A_923 = vector.shape_cast %mul3A_918 : vector<16xf32> to vector<1x16xf32>
        tpu.vector_store %arg6[%swap3A_919, %swap3A_920], %swap3A_923 {strides = array<i32>} : memref<128x128xf32, #tpu.memory_space<vmem>>, vector<1x16xf32>,
        %get3A_924 = arith.index_cast %add3A_883 : i32 to index
        %get3A_925 = arith.constant 64 : index
        %get3A_926 = tpu.vector_load %arg6[%get3A_924, %get3A_925] {strides = array<i32>} : memref<128x128xf32, #tpu.memory_space<vmem>>, vector<1x16xf32>,
        %get3A_927 = vector.shape_cast %get3A_926 : vector<1x16xf32> to vector<16xf32>
        %mul3A_928 = arith.mulf %get3A_927, %gather3A_879 : vector<16xf32>
        %swap3A_929 = arith.index_cast %add3A_883 : i32 to index
        %swap3A_930 = arith.constant 64 : index
        %swap3A_931 = tpu.vector_load %arg6[%swap3A_929, %swap3A_930] {strides = array<i32>} : memref<128x128xf32, #tpu.memory_space<vmem>>, vector<1x16xf32>,
        %swap3A_932 = vector.shape_cast %swap3A_931 : vector<1x16xf32> to vector<16xf32>
        %swap3A_933 = vector.shape_cast %mul3A_928 : vector<16xf32> to vector<1x16xf32>
        tpu.vector_store %arg6[%swap3A_929, %swap3A_930], %swap3A_933 {strides = array<i32>} : memref<128x128xf32, #tpu.memory_space<vmem>>, vector<1x16xf32>,
        %get3A_934 = arith.index_cast %add3A_883 : i32 to index
        %get3A_935 = arith.constant 80 : index
        %get3A_936 = tpu.vector_load %arg6[%get3A_934, %get3A_935] {strides = array<i32>} : memref<128x128xf32, #tpu.memory_space<vmem>>, vector<1x16xf32>,
        %get3A_937 = vector.shape_cast %get3A_936 : vector<1x16xf32> to vector<16xf32>
        %mul3A_938 = arith.mulf %get3A_937, %gather3A_879 : vector<16xf32>
        %swap3A_939 = arith.index_cast %add3A_883 : i32 to index
        %swap3A_940 = arith.constant 80 : index
        %swap3A_941 = tpu.vector_load %arg6[%swap3A_939, %swap3A_940] {strides = array<i32>} : memref<128x128xf32, #tpu.memory_space<vmem>>, vector<1x16xf32>,
        %swap3A_942 = vector.shape_cast %swap3A_941 : vector<1x16xf32> to vector<16xf32>
        %swap3A_943 = vector.shape_cast %mul3A_938 : vector<16xf32> to vector<1x16xf32>
        tpu.vector_store %arg6[%swap3A_939, %swap3A_940], %swap3A_943 {strides = array<i32>} : memref<128x128xf32, #tpu.memory_space<vmem>>, vector<1x16xf32>,
        %get3A_944 = arith.index_cast %add3A_883 : i32 to index
        %get3A_945 = arith.constant 96 : index
        %get3A_946 = tpu.vector_load %arg6[%get3A_944, %get3A_945] {strides = array<i32>} : memref<128x128xf32, #tpu.memory_space<vmem>>, vector<1x16xf32>,
        %get3A_947 = vector.shape_cast %get3A_946 : vector<1x16xf32> to vector<16xf32>
        %mul3A_948 = arith.mulf %get3A_947, %gather3A_879 : vector<16xf32>
        %swap3A_949 = arith.index_cast %add3A_883 : i32 to index
        %swap3A_950 = arith.constant 96 : index
        %swap3A_951 = tpu.vector_load %arg6[%swap3A_949, %swap3A_950] {strides = array<i32>} : memref<128x128xf32, #tpu.memory_space<vmem>>, vector<1x16xf32>,
        %swap3A_952 = vector.shape_cast %swap3A_951 : vector<1x16xf32> to vector<16xf32>
        %swap3A_953 = vector.shape_cast %mul3A_948 : vector<16xf32> to vector<1x16xf32>
        tpu.vector_store %arg6[%swap3A_949, %swap3A_950], %swap3A_953 {strides = array<i32>} : memref<128x128xf32, #tpu.memory_space<vmem>>, vector<1x16xf32>,
        %get3A_954 = arith.index_cast %add3A_883 : i32 to index
        %get3A_955 = arith.constant 112 : index
        %get3A_956 = tpu.vector_load %arg6[%get3A_954, %get3A_955] {strides = array<i32>} : memref<128x128xf32, #tpu.memory_space<vmem>>, vector<1x16xf32>,
        %get3A_957 = vector.shape_cast %get3A_956 : vector<1x16xf32> to vector<16xf32>
        %mul3A_958 = arith.mulf %get3A_957, %gather3A_879 : vector<16xf32>
        %swap3A_959 = arith.index_cast %add3A_883 : i32 to index
        %swap3A_960 = arith.constant 112 : index
        %swap3A_961 = tpu.vector_load %arg6[%swap3A_959, %swap3A_960] {strides = array<i32>} : memref<128x128xf32, #tpu.memory_space<vmem>>, vector<1x16xf32>,
        %swap3A_962 = vector.shape_cast %swap3A_961 : vector<1x16xf32> to vector<16xf32>
        %swap3A_963 = vector.shape_cast %mul3A_958 : vector<16xf32> to vector<1x16xf32>
        tpu.vector_store %arg6[%swap3A_959, %swap3A_960], %swap3A_963 {strides = array<i32>} : memref<128x128xf32, #tpu.memory_space<vmem>>, vector<1x16xf32>,
        %broadcast_in_dim3A_964 = arith.constant 10 : i32
        %broadcast_in_dim3A_965 = vector.broadcast %broadcast_in_dim3A_964 : i32 to vector<16x1xi32>
        %gather3A_966 = vector.shape_cast %broadcast_in_dim3A_965 : vector<16x1xi32> to vector<16xi32>
        %gather3A_967 = tpu.dynamic_gather %bitcast_convert_type3A[%gather3A_966] in [0] : vector<16xf32>, vector<16xi32> -> vector<16xf32>
        %mul3A_968 = arith.constant 16 : i32
        %mul3A_969 = arith.muli %scan3A_79, %mul3A_968 : i32
        %add3A_970 = arith.constant 10 : i32
        %add3A_971 = arith.addi %mul3A_969, %add3A_970 : i32
        %get3A_972 = arith.index_cast %add3A_971 : i32 to index
        %get3A_973 = arith.constant 0 : index
        %get3A_974 = tpu.vector_load %arg6[%get3A_972, %get3A_973] {strides = array<i32>} : memref<128x128xf32, #tpu.memory_space<vmem>>, vector<1x16xf32>,
        %get3A_975 = vector.shape_cast %get3A_974 : vector<1x16xf32> to vector<16xf32>
        %mul3A_976 = arith.mulf %get3A_975, %gather3A_967 : vector<16xf32>
        %swap3A_977 = arith.index_cast %add3A_971 : i32 to index
        %swap3A_978 = arith.constant 0 : index
        %swap3A_979 = tpu.vector_load %arg6[%swap3A_977, %swap3A_978] {strides = array<i32>} : memref<128x128xf32, #tpu.memory_space<vmem>>, vector<1x16xf32>,
        %swap3A_980 = vector.shape_cast %swap3A_979 : vector<1x16xf32> to vector<16xf32>
        %swap3A_981 = vector.shape_cast %mul3A_976 : vector<16xf32> to vector<1x16xf32>
        tpu.vector_store %arg6[%swap3A_977, %swap3A_978], %swap3A_981 {strides = array<i32>} : memref<128x128xf32, #tpu.memory_space<vmem>>, vector<1x16xf32>,
        %get3A_982 = arith.index_cast %add3A_971 : i32 to index
        %get3A_983 = arith.constant 16 : index
        %get3A_984 = tpu.vector_load %arg6[%get3A_982, %get3A_983] {strides = array<i32>} : memref<128x128xf32, #tpu.memory_space<vmem>>, vector<1x16xf32>,
        %get3A_985 = vector.shape_cast %get3A_984 : vector<1x16xf32> to vector<16xf32>
        %mul3A_986 = arith.mulf %get3A_985, %gather3A_967 : vector<16xf32>
        %swap3A_987 = arith.index_cast %add3A_971 : i32 to index
        %swap3A_988 = arith.constant 16 : index
        %swap3A_989 = tpu.vector_load %arg6[%swap3A_987, %swap3A_988] {strides = array<i32>} : memref<128x128xf32, #tpu.memory_space<vmem>>, vector<1x16xf32>,
        %swap3A_990 = vector.shape_cast %swap3A_989 : vector<1x16xf32> to vector<16xf32>
        %swap3A_991 = vector.shape_cast %mul3A_986 : vector<16xf32> to vector<1x16xf32>
        tpu.vector_store %arg6[%swap3A_987, %swap3A_988], %swap3A_991 {strides = array<i32>} : memref<128x128xf32, #tpu.memory_space<vmem>>, vector<1x16xf32>,
        %get3A_992 = arith.index_cast %add3A_971 : i32 to index
        %get3A_993 = arith.constant 32 : index
        %get3A_994 = tpu.vector_load %arg6[%get3A_992, %get3A_993] {strides = array<i32>} : memref<128x128xf32, #tpu.memory_space<vmem>>, vector<1x16xf32>,
        %get3A_995 = vector.shape_cast %get3A_994 : vector<1x16xf32> to vector<16xf32>
        %mul3A_996 = arith.mulf %get3A_995, %gather3A_967 : vector<16xf32>
        %swap3A_997 = arith.index_cast %add3A_971 : i32 to index
        %swap3A_998 = arith.constant 32 : index
        %swap3A_999 = tpu.vector_load %arg6[%swap3A_997, %swap3A_998] {strides = array<i32>} : memref<128x128xf32, #tpu.memory_space<vmem>>, vector<1x16xf32>,
        %swap3A_1000 = vector.shape_cast %swap3A_999 : vector<1x16xf32> to vector<16xf32>
        %swap3A_1001 = vector.shape_cast %mul3A_996 : vector<16xf32> to vector<1x16xf32>
        tpu.vector_store %arg6[%swap3A_997, %swap3A_998], %swap3A_1001 {strides = array<i32>} : memref<128x128xf32, #tpu.memory_space<vmem>>, vector<1x16xf32>,
        %get3A_1002 = arith.index_cast %add3A_971 : i32 to index
        %get3A_1003 = arith.constant 48 : index
        %get3A_1004 = tpu.vector_load %arg6[%get3A_1002, %get3A_1003] {strides = array<i32>} : memref<128x128xf32, #tpu.memory_space<vmem>>, vector<1x16xf32>,
        %get3A_1005 = vector.shape_cast %get3A_1004 : vector<1x16xf32> to vector<16xf32>
        %mul3A_1006 = arith.mulf %get3A_1005, %gather3A_967 : vector<16xf32>
        %swap3A_1007 = arith.index_cast %add3A_971 : i32 to index
        %swap3A_1008 = arith.constant 48 : index
        %swap3A_1009 = tpu.vector_load %arg6[%swap3A_1007, %swap3A_1008] {strides = array<i32>} : memref<128x128xf32, #tpu.memory_space<vmem>>, vector<1x16xf32>,
        %swap3A_1010 = vector.shape_cast %swap3A_1009 : vector<1x16xf32> to vector<16xf32>
        %swap3A_1011 = vector.shape_cast %mul3A_1006 : vector<16xf32> to vector<1x16xf32>
        tpu.vector_store %arg6[%swap3A_1007, %swap3A_1008], %swap3A_1011 {strides = array<i32>} : memref<128x128xf32, #tpu.memory_space<vmem>>, vector<1x16xf32>,
        %get3A_1012 = arith.index_cast %add3A_971 : i32 to index
        %get3A_1013 = arith.constant 64 : index
        %get3A_1014 = tpu.vector_load %arg6[%get3A_1012, %get3A_1013] {strides = array<i32>} : memref<128x128xf32, #tpu.memory_space<vmem>>, vector<1x16xf32>,
        %get3A_1015 = vector.shape_cast %get3A_1014 : vector<1x16xf32> to vector<16xf32>
        %mul3A_1016 = arith.mulf %get3A_1015, %gather3A_967 : vector<16xf32>
        %swap3A_1017 = arith.index_cast %add3A_971 : i32 to index
        %swap3A_1018 = arith.constant 64 : index
        %swap3A_1019 = tpu.vector_load %arg6[%swap3A_1017, %swap3A_1018] {strides = array<i32>} : memref<128x128xf32, #tpu.memory_space<vmem>>, vector<1x16xf32>,
        %swap3A_1020 = vector.shape_cast %swap3A_1019 : vector<1x16xf32> to vector<16xf32>
        %swap3A_1021 = vector.shape_cast %mul3A_1016 : vector<16xf32> to vector<1x16xf32>
        tpu.vector_store %arg6[%swap3A_1017, %swap3A_1018], %swap3A_1021 {strides = array<i32>} : memref<128x128xf32, #tpu.memory_space<vmem>>, vector<1x16xf32>,
        %get3A_1022 = arith.index_cast %add3A_971 : i32 to index
        %get3A_1023 = arith.constant 80 : index
        %get3A_1024 = tpu.vector_load %arg6[%get3A_1022, %get3A_1023] {strides = array<i32>} : memref<128x128xf32, #tpu.memory_space<vmem>>, vector<1x16xf32>,
        %get3A_1025 = vector.shape_cast %get3A_1024 : vector<1x16xf32> to vector<16xf32>
        %mul3A_1026 = arith.mulf %get3A_1025, %gather3A_967 : vector<16xf32>
        %swap3A_1027 = arith.index_cast %add3A_971 : i32 to index
        %swap3A_1028 = arith.constant 80 : index
        %swap3A_1029 = tpu.vector_load %arg6[%swap3A_1027, %swap3A_1028] {strides = array<i32>} : memref<128x128xf32, #tpu.memory_space<vmem>>, vector<1x16xf32>,
        %swap3A_1030 = vector.shape_cast %swap3A_1029 : vector<1x16xf32> to vector<16xf32>
        %swap3A_1031 = vector.shape_cast %mul3A_1026 : vector<16xf32> to vector<1x16xf32>
        tpu.vector_store %arg6[%swap3A_1027, %swap3A_1028], %swap3A_1031 {strides = array<i32>} : memref<128x128xf32, #tpu.memory_space<vmem>>, vector<1x16xf32>,
        %get3A_1032 = arith.index_cast %add3A_971 : i32 to index
        %get3A_1033 = arith.constant 96 : index
        %get3A_1034 = tpu.vector_load %arg6[%get3A_1032, %get3A_1033] {strides = array<i32>} : memref<128x128xf32, #tpu.memory_space<vmem>>, vector<1x16xf32>,
        %get3A_1035 = vector.shape_cast %get3A_1034 : vector<1x16xf32> to vector<16xf32>
        %mul3A_1036 = arith.mulf %get3A_1035, %gather3A_967 : vector<16xf32>
        %swap3A_1037 = arith.index_cast %add3A_971 : i32 to index
        %swap3A_1038 = arith.constant 96 : index
        %swap3A_1039 = tpu.vector_load %arg6[%swap3A_1037, %swap3A_1038] {strides = array<i32>} : memref<128x128xf32, #tpu.memory_space<vmem>>, vector<1x16xf32>,
        %swap3A_1040 = vector.shape_cast %swap3A_1039 : vector<1x16xf32> to vector<16xf32>
        %swap3A_1041 = vector.shape_cast %mul3A_1036 : vector<16xf32> to vector<1x16xf32>
        tpu.vector_store %arg6[%swap3A_1037, %swap3A_1038], %swap3A_1041 {strides = array<i32>} : memref<128x128xf32, #tpu.memory_space<vmem>>, vector<1x16xf32>,
        %get3A_1042 = arith.index_cast %add3A_971 : i32 to index
        %get3A_1043 = arith.constant 112 : index
        %get3A_1044 = tpu.vector_load %arg6[%get3A_1042, %get3A_1043] {strides = array<i32>} : memref<128x128xf32, #tpu.memory_space<vmem>>, vector<1x16xf32>,
        %get3A_1045 = vector.shape_cast %get3A_1044 : vector<1x16xf32> to vector<16xf32>
        %mul3A_1046 = arith.mulf %get3A_1045, %gather3A_967 : vector<16xf32>
        %swap3A_1047 = arith.index_cast %add3A_971 : i32 to index
        %swap3A_1048 = arith.constant 112 : index
        %swap3A_1049 = tpu.vector_load %arg6[%swap3A_1047, %swap3A_1048] {strides = array<i32>} : memref<128x128xf32, #tpu.memory_space<vmem>>, vector<1x16xf32>,
        %swap3A_1050 = vector.shape_cast %swap3A_1049 : vector<1x16xf32> to vector<16xf32>
        %swap3A_1051 = vector.shape_cast %mul3A_1046 : vector<16xf32> to vector<1x16xf32>
        tpu.vector_store %arg6[%swap3A_1047, %swap3A_1048], %swap3A_1051 {strides = array<i32>} : memref<128x128xf32, #tpu.memory_space<vmem>>, vector<1x16xf32>,
        %broadcast_in_dim3A_1052 = arith.constant 11 : i32
        %broadcast_in_dim3A_1053 = vector.broadcast %broadcast_in_dim3A_1052 : i32 to vector<16x1xi32>
        %gather3A_1054 = vector.shape_cast %broadcast_in_dim3A_1053 : vector<16x1xi32> to vector<16xi32>
        %gather3A_1055 = tpu.dynamic_gather %bitcast_convert_type3A[%gather3A_1054] in [0] : vector<16xf32>, vector<16xi32> -> vector<16xf32>
        %mul3A_1056 = arith.constant 16 : i32
        %mul3A_1057 = arith.muli %scan3A_79, %mul3A_1056 : i32
        %add3A_1058 = arith.constant 11 : i32
        %add3A_1059 = arith.addi %mul3A_1057, %add3A_1058 : i32
        %get3A_1060 = arith.index_cast %add3A_1059 : i32 to index
        %get3A_1061 = arith.constant 0 : index
        %get3A_1062 = tpu.vector_load %arg6[%get3A_1060, %get3A_1061] {strides = array<i32>} : memref<128x128xf32, #tpu.memory_space<vmem>>, vector<1x16xf32>,
        %get3A_1063 = vector.shape_cast %get3A_1062 : vector<1x16xf32> to vector<16xf32>
        %mul3A_1064 = arith.mulf %get3A_1063, %gather3A_1055 : vector<16xf32>
        %swap3A_1065 = arith.index_cast %add3A_1059 : i32 to index
        %swap3A_1066 = arith.constant 0 : index
        %swap3A_1067 = tpu.vector_load %arg6[%swap3A_1065, %swap3A_1066] {strides = array<i32>} : memref<128x128xf32, #tpu.memory_space<vmem>>, vector<1x16xf32>,
        %swap3A_1068 = vector.shape_cast %swap3A_1067 : vector<1x16xf32> to vector<16xf32>
        %swap3A_1069 = vector.shape_cast %mul3A_1064 : vector<16xf32> to vector<1x16xf32>
        tpu.vector_store %arg6[%swap3A_1065, %swap3A_1066], %swap3A_1069 {strides = array<i32>} : memref<128x128xf32, #tpu.memory_space<vmem>>, vector<1x16xf32>,
        %get3A_1070 = arith.index_cast %add3A_1059 : i32 to index
        %get3A_1071 = arith.constant 16 : index
        %get3A_1072 = tpu.vector_load %arg6[%get3A_1070, %get3A_1071] {strides = array<i32>} : memref<128x128xf32, #tpu.memory_space<vmem>>, vector<1x16xf32>,
        %get3A_1073 = vector.shape_cast %get3A_1072 : vector<1x16xf32> to vector<16xf32>
        %mul3A_1074 = arith.mulf %get3A_1073, %gather3A_1055 : vector<16xf32>
        %swap3A_1075 = arith.index_cast %add3A_1059 : i32 to index
        %swap3A_1076 = arith.constant 16 : index
        %swap3A_1077 = tpu.vector_load %arg6[%swap3A_1075, %swap3A_1076] {strides = array<i32>} : memref<128x128xf32, #tpu.memory_space<vmem>>, vector<1x16xf32>,
        %swap3A_1078 = vector.shape_cast %swap3A_1077 : vector<1x16xf32> to vector<16xf32>
        %swap3A_1079 = vector.shape_cast %mul3A_1074 : vector<16xf32> to vector<1x16xf32>
        tpu.vector_store %arg6[%swap3A_1075, %swap3A_1076], %swap3A_1079 {strides = array<i32>} : memref<128x128xf32, #tpu.memory_space<vmem>>, vector<1x16xf32>,
        %get3A_1080 = arith.index_cast %add3A_1059 : i32 to index
        %get3A_1081 = arith.constant 32 : index
        %get3A_1082 = tpu.vector_load %arg6[%get3A_1080, %get3A_1081] {strides = array<i32>} : memref<128x128xf32, #tpu.memory_space<vmem>>, vector<1x16xf32>,
        %get3A_1083 = vector.shape_cast %get3A_1082 : vector<1x16xf32> to vector<16xf32>
        %mul3A_1084 = arith.mulf %get3A_1083, %gather3A_1055 : vector<16xf32>
        %swap3A_1085 = arith.index_cast %add3A_1059 : i32 to index
        %swap3A_1086 = arith.constant 32 : index
        %swap3A_1087 = tpu.vector_load %arg6[%swap3A_1085, %swap3A_1086] {strides = array<i32>} : memref<128x128xf32, #tpu.memory_space<vmem>>, vector<1x16xf32>,
        %swap3A_1088 = vector.shape_cast %swap3A_1087 : vector<1x16xf32> to vector<16xf32>
        %swap3A_1089 = vector.shape_cast %mul3A_1084 : vector<16xf32> to vector<1x16xf32>
        tpu.vector_store %arg6[%swap3A_1085, %swap3A_1086], %swap3A_1089 {strides = array<i32>} : memref<128x128xf32, #tpu.memory_space<vmem>>, vector<1x16xf32>,
        %get3A_1090 = arith.index_cast %add3A_1059 : i32 to index
        %get3A_1091 = arith.constant 48 : index
        %get3A_1092 = tpu.vector_load %arg6[%get3A_1090, %get3A_1091] {strides = array<i32>} : memref<128x128xf32, #tpu.memory_space<vmem>>, vector<1x16xf32>,
        %get3A_1093 = vector.shape_cast %get3A_1092 : vector<1x16xf32> to vector<16xf32>
        %mul3A_1094 = arith.mulf %get3A_1093, %gather3A_1055 : vector<16xf32>
        %swap3A_1095 = arith.index_cast %add3A_1059 : i32 to index
        %swap3A_1096 = arith.constant 48 : index
        %swap3A_1097 = tpu.vector_load %arg6[%swap3A_1095, %swap3A_1096] {strides = array<i32>} : memref<128x128xf32, #tpu.memory_space<vmem>>, vector<1x16xf32>,
        %swap3A_1098 = vector.shape_cast %swap3A_1097 : vector<1x16xf32> to vector<16xf32>
        %swap3A_1099 = vector.shape_cast %mul3A_1094 : vector<16xf32> to vector<1x16xf32>
        tpu.vector_store %arg6[%swap3A_1095, %swap3A_1096], %swap3A_1099 {strides = array<i32>} : memref<128x128xf32, #tpu.memory_space<vmem>>, vector<1x16xf32>,
        %get3A_1100 = arith.index_cast %add3A_1059 : i32 to index
        %get3A_1101 = arith.constant 64 : index
        %get3A_1102 = tpu.vector_load %arg6[%get3A_1100, %get3A_1101] {strides = array<i32>} : memref<128x128xf32, #tpu.memory_space<vmem>>, vector<1x16xf32>,
        %get3A_1103 = vector.shape_cast %get3A_1102 : vector<1x16xf32> to vector<16xf32>
        %mul3A_1104 = arith.mulf %get3A_1103, %gather3A_1055 : vector<16xf32>
        %swap3A_1105 = arith.index_cast %add3A_1059 : i32 to index
        %swap3A_1106 = arith.constant 64 : index
        %swap3A_1107 = tpu.vector_load %arg6[%swap3A_1105, %swap3A_1106] {strides = array<i32>} : memref<128x128xf32, #tpu.memory_space<vmem>>, vector<1x16xf32>,
        %swap3A_1108 = vector.shape_cast %swap3A_1107 : vector<1x16xf32> to vector<16xf32>
        %swap3A_1109 = vector.shape_cast %mul3A_1104 : vector<16xf32> to vector<1x16xf32>
        tpu.vector_store %arg6[%swap3A_1105, %swap3A_1106], %swap3A_1109 {strides = array<i32>} : memref<128x128xf32, #tpu.memory_space<vmem>>, vector<1x16xf32>,
        %get3A_1110 = arith.index_cast %add3A_1059 : i32 to index
        %get3A_1111 = arith.constant 80 : index
        %get3A_1112 = tpu.vector_load %arg6[%get3A_1110, %get3A_1111] {strides = array<i32>} : memref<128x128xf32, #tpu.memory_space<vmem>>, vector<1x16xf32>,
        %get3A_1113 = vector.shape_cast %get3A_1112 : vector<1x16xf32> to vector<16xf32>
        %mul3A_1114 = arith.mulf %get3A_1113, %gather3A_1055 : vector<16xf32>
        %swap3A_1115 = arith.index_cast %add3A_1059 : i32 to index
        %swap3A_1116 = arith.constant 80 : index
        %swap3A_1117 = tpu.vector_load %arg6[%swap3A_1115, %swap3A_1116] {strides = array<i32>} : memref<128x128xf32, #tpu.memory_space<vmem>>, vector<1x16xf32>,
        %swap3A_1118 = vector.shape_cast %swap3A_1117 : vector<1x16xf32> to vector<16xf32>
        %swap3A_1119 = vector.shape_cast %mul3A_1114 : vector<16xf32> to vector<1x16xf32>
        tpu.vector_store %arg6[%swap3A_1115, %swap3A_1116], %swap3A_1119 {strides = array<i32>} : memref<128x128xf32, #tpu.memory_space<vmem>>, vector<1x16xf32>,
        %get3A_1120 = arith.index_cast %add3A_1059 : i32 to index
        %get3A_1121 = arith.constant 96 : index
        %get3A_1122 = tpu.vector_load %arg6[%get3A_1120, %get3A_1121] {strides = array<i32>} : memref<128x128xf32, #tpu.memory_space<vmem>>, vector<1x16xf32>,
        %get3A_1123 = vector.shape_cast %get3A_1122 : vector<1x16xf32> to vector<16xf32>
        %mul3A_1124 = arith.mulf %get3A_1123, %gather3A_1055 : vector<16xf32>
        %swap3A_1125 = arith.index_cast %add3A_1059 : i32 to index
        %swap3A_1126 = arith.constant 96 : index
        %swap3A_1127 = tpu.vector_load %arg6[%swap3A_1125, %swap3A_1126] {strides = array<i32>} : memref<128x128xf32, #tpu.memory_space<vmem>>, vector<1x16xf32>,
        %swap3A_1128 = vector.shape_cast %swap3A_1127 : vector<1x16xf32> to vector<16xf32>
        %swap3A_1129 = vector.shape_cast %mul3A_1124 : vector<16xf32> to vector<1x16xf32>
        tpu.vector_store %arg6[%swap3A_1125, %swap3A_1126], %swap3A_1129 {strides = array<i32>} : memref<128x128xf32, #tpu.memory_space<vmem>>, vector<1x16xf32>,
        %get3A_1130 = arith.index_cast %add3A_1059 : i32 to index
        %get3A_1131 = arith.constant 112 : index
        %get3A_1132 = tpu.vector_load %arg6[%get3A_1130, %get3A_1131] {strides = array<i32>} : memref<128x128xf32, #tpu.memory_space<vmem>>, vector<1x16xf32>,
        %get3A_1133 = vector.shape_cast %get3A_1132 : vector<1x16xf32> to vector<16xf32>
        %mul3A_1134 = arith.mulf %get3A_1133, %gather3A_1055 : vector<16xf32>
        %swap3A_1135 = arith.index_cast %add3A_1059 : i32 to index
        %swap3A_1136 = arith.constant 112 : index
        %swap3A_1137 = tpu.vector_load %arg6[%swap3A_1135, %swap3A_1136] {strides = array<i32>} : memref<128x128xf32, #tpu.memory_space<vmem>>, vector<1x16xf32>,
        %swap3A_1138 = vector.shape_cast %swap3A_1137 : vector<1x16xf32> to vector<16xf32>
        %swap3A_1139 = vector.shape_cast %mul3A_1134 : vector<16xf32> to vector<1x16xf32>
        tpu.vector_store %arg6[%swap3A_1135, %swap3A_1136], %swap3A_1139 {strides = array<i32>} : memref<128x128xf32, #tpu.memory_space<vmem>>, vector<1x16xf32>,
        %broadcast_in_dim3A_1140 = arith.constant 12 : i32
        %broadcast_in_dim3A_1141 = vector.broadcast %broadcast_in_dim3A_1140 : i32 to vector<16x1xi32>
        %gather3A_1142 = vector.shape_cast %broadcast_in_dim3A_1141 : vector<16x1xi32> to vector<16xi32>
        %gather3A_1143 = tpu.dynamic_gather %bitcast_convert_type3A[%gather3A_1142] in [0] : vector<16xf32>, vector<16xi32> -> vector<16xf32>
        %mul3A_1144 = arith.constant 16 : i32
        %mul3A_1145 = arith.muli %scan3A_79, %mul3A_1144 : i32
        %add3A_1146 = arith.constant 12 : i32
        %add3A_1147 = arith.addi %mul3A_1145, %add3A_1146 : i32
        %get3A_1148 = arith.index_cast %add3A_1147 : i32 to index
        %get3A_1149 = arith.constant 0 : index
        %get3A_1150 = tpu.vector_load %arg6[%get3A_1148, %get3A_1149] {strides = array<i32>} : memref<128x128xf32, #tpu.memory_space<vmem>>, vector<1x16xf32>,
        %get3A_1151 = vector.shape_cast %get3A_1150 : vector<1x16xf32> to vector<16xf32>
        %mul3A_1152 = arith.mulf %get3A_1151, %gather3A_1143 : vector<16xf32>
        %swap3A_1153 = arith.index_cast %add3A_1147 : i32 to index
        %swap3A_1154 = arith.constant 0 : index
        %swap3A_1155 = tpu.vector_load %arg6[%swap3A_1153, %swap3A_1154] {strides = array<i32>} : memref<128x128xf32, #tpu.memory_space<vmem>>, vector<1x16xf32>,
        %swap3A_1156 = vector.shape_cast %swap3A_1155 : vector<1x16xf32> to vector<16xf32>
        %swap3A_1157 = vector.shape_cast %mul3A_1152 : vector<16xf32> to vector<1x16xf32>
        tpu.vector_store %arg6[%swap3A_1153, %swap3A_1154], %swap3A_1157 {strides = array<i32>} : memref<128x128xf32, #tpu.memory_space<vmem>>, vector<1x16xf32>,
        %get3A_1158 = arith.index_cast %add3A_1147 : i32 to index
        %get3A_1159 = arith.constant 16 : index
        %get3A_1160 = tpu.vector_load %arg6[%get3A_1158, %get3A_1159] {strides = array<i32>} : memref<128x128xf32, #tpu.memory_space<vmem>>, vector<1x16xf32>,
        %get3A_1161 = vector.shape_cast %get3A_1160 : vector<1x16xf32> to vector<16xf32>
        %mul3A_1162 = arith.mulf %get3A_1161, %gather3A_1143 : vector<16xf32>
        %swap3A_1163 = arith.index_cast %add3A_1147 : i32 to index
        %swap3A_1164 = arith.constant 16 : index
        %swap3A_1165 = tpu.vector_load %arg6[%swap3A_1163, %swap3A_1164] {strides = array<i32>} : memref<128x128xf32, #tpu.memory_space<vmem>>, vector<1x16xf32>,
        %swap3A_1166 = vector.shape_cast %swap3A_1165 : vector<1x16xf32> to vector<16xf32>
        %swap3A_1167 = vector.shape_cast %mul3A_1162 : vector<16xf32> to vector<1x16xf32>
        tpu.vector_store %arg6[%swap3A_1163, %swap3A_1164], %swap3A_1167 {strides = array<i32>} : memref<128x128xf32, #tpu.memory_space<vmem>>, vector<1x16xf32>,
        %get3A_1168 = arith.index_cast %add3A_1147 : i32 to index
        %get3A_1169 = arith.constant 32 : index
        %get3A_1170 = tpu.vector_load %arg6[%get3A_1168, %get3A_1169] {strides = array<i32>} : memref<128x128xf32, #tpu.memory_space<vmem>>, vector<1x16xf32>,
        %get3A_1171 = vector.shape_cast %get3A_1170 : vector<1x16xf32> to vector<16xf32>
        %mul3A_1172 = arith.mulf %get3A_1171, %gather3A_1143 : vector<16xf32>
        %swap3A_1173 = arith.index_cast %add3A_1147 : i32 to index
        %swap3A_1174 = arith.constant 32 : index
        %swap3A_1175 = tpu.vector_load %arg6[%swap3A_1173, %swap3A_1174] {strides = array<i32>} : memref<128x128xf32, #tpu.memory_space<vmem>>, vector<1x16xf32>,
        %swap3A_1176 = vector.shape_cast %swap3A_1175 : vector<1x16xf32> to vector<16xf32>
        %swap3A_1177 = vector.shape_cast %mul3A_1172 : vector<16xf32> to vector<1x16xf32>
        tpu.vector_store %arg6[%swap3A_1173, %swap3A_1174], %swap3A_1177 {strides = array<i32>} : memref<128x128xf32, #tpu.memory_space<vmem>>, vector<1x16xf32>,
        %get3A_1178 = arith.index_cast %add3A_1147 : i32 to index
        %get3A_1179 = arith.constant 48 : index
        %get3A_1180 = tpu.vector_load %arg6[%get3A_1178, %get3A_1179] {strides = array<i32>} : memref<128x128xf32, #tpu.memory_space<vmem>>, vector<1x16xf32>,
        %get3A_1181 = vector.shape_cast %get3A_1180 : vector<1x16xf32> to vector<16xf32>
        %mul3A_1182 = arith.mulf %get3A_1181, %gather3A_1143 : vector<16xf32>
        %swap3A_1183 = arith.index_cast %add3A_1147 : i32 to index
        %swap3A_1184 = arith.constant 48 : index
        %swap3A_1185 = tpu.vector_load %arg6[%swap3A_1183, %swap3A_1184] {strides = array<i32>} : memref<128x128xf32, #tpu.memory_space<vmem>>, vector<1x16xf32>,
        %swap3A_1186 = vector.shape_cast %swap3A_1185 : vector<1x16xf32> to vector<16xf32>
        %swap3A_1187 = vector.shape_cast %mul3A_1182 : vector<16xf32> to vector<1x16xf32>
        tpu.vector_store %arg6[%swap3A_1183, %swap3A_1184], %swap3A_1187 {strides = array<i32>} : memref<128x128xf32, #tpu.memory_space<vmem>>, vector<1x16xf32>,
        %get3A_1188 = arith.index_cast %add3A_1147 : i32 to index
        %get3A_1189 = arith.constant 64 : index
        %get3A_1190 = tpu.vector_load %arg6[%get3A_1188, %get3A_1189] {strides = array<i32>} : memref<128x128xf32, #tpu.memory_space<vmem>>, vector<1x16xf32>,
        %get3A_1191 = vector.shape_cast %get3A_1190 : vector<1x16xf32> to vector<16xf32>
        %mul3A_1192 = arith.mulf %get3A_1191, %gather3A_1143 : vector<16xf32>
        %swap3A_1193 = arith.index_cast %add3A_1147 : i32 to index
        %swap3A_1194 = arith.constant 64 : index
        %swap3A_1195 = tpu.vector_load %arg6[%swap3A_1193, %swap3A_1194] {strides = array<i32>} : memref<128x128xf32, #tpu.memory_space<vmem>>, vector<1x16xf32>,
        %swap3A_1196 = vector.shape_cast %swap3A_1195 : vector<1x16xf32> to vector<16xf32>
        %swap3A_1197 = vector.shape_cast %mul3A_1192 : vector<16xf32> to vector<1x16xf32>
        tpu.vector_store %arg6[%swap3A_1193, %swap3A_1194], %swap3A_1197 {strides = array<i32>} : memref<128x128xf32, #tpu.memory_space<vmem>>, vector<1x16xf32>,
        %get3A_1198 = arith.index_cast %add3A_1147 : i32 to index
        %get3A_1199 = arith.constant 80 : index
        %get3A_1200 = tpu.vector_load %arg6[%get3A_1198, %get3A_1199] {strides = array<i32>} : memref<128x128xf32, #tpu.memory_space<vmem>>, vector<1x16xf32>,
        %get3A_1201 = vector.shape_cast %get3A_1200 : vector<1x16xf32> to vector<16xf32>
        %mul3A_1202 = arith.mulf %get3A_1201, %gather3A_1143 : vector<16xf32>
        %swap3A_1203 = arith.index_cast %add3A_1147 : i32 to index
        %swap3A_1204 = arith.constant 80 : index
        %swap3A_1205 = tpu.vector_load %arg6[%swap3A_1203, %swap3A_1204] {strides = array<i32>} : memref<128x128xf32, #tpu.memory_space<vmem>>, vector<1x16xf32>,
        %swap3A_1206 = vector.shape_cast %swap3A_1205 : vector<1x16xf32> to vector<16xf32>
        %swap3A_1207 = vector.shape_cast %mul3A_1202 : vector<16xf32> to vector<1x16xf32>
        tpu.vector_store %arg6[%swap3A_1203, %swap3A_1204], %swap3A_1207 {strides = array<i32>} : memref<128x128xf32, #tpu.memory_space<vmem>>, vector<1x16xf32>,
        %get3A_1208 = arith.index_cast %add3A_1147 : i32 to index
        %get3A_1209 = arith.constant 96 : index
        %get3A_1210 = tpu.vector_load %arg6[%get3A_1208, %get3A_1209] {strides = array<i32>} : memref<128x128xf32, #tpu.memory_space<vmem>>, vector<1x16xf32>,
        %get3A_1211 = vector.shape_cast %get3A_1210 : vector<1x16xf32> to vector<16xf32>
        %mul3A_1212 = arith.mulf %get3A_1211, %gather3A_1143 : vector<16xf32>
        %swap3A_1213 = arith.index_cast %add3A_1147 : i32 to index
        %swap3A_1214 = arith.constant 96 : index
        %swap3A_1215 = tpu.vector_load %arg6[%swap3A_1213, %swap3A_1214] {strides = array<i32>} : memref<128x128xf32, #tpu.memory_space<vmem>>, vector<1x16xf32>,
        %swap3A_1216 = vector.shape_cast %swap3A_1215 : vector<1x16xf32> to vector<16xf32>
        %swap3A_1217 = vector.shape_cast %mul3A_1212 : vector<16xf32> to vector<1x16xf32>
        tpu.vector_store %arg6[%swap3A_1213, %swap3A_1214], %swap3A_1217 {strides = array<i32>} : memref<128x128xf32, #tpu.memory_space<vmem>>, vector<1x16xf32>,
        %get3A_1218 = arith.index_cast %add3A_1147 : i32 to index
        %get3A_1219 = arith.constant 112 : index
        %get3A_1220 = tpu.vector_load %arg6[%get3A_1218, %get3A_1219] {strides = array<i32>} : memref<128x128xf32, #tpu.memory_space<vmem>>, vector<1x16xf32>,
        %get3A_1221 = vector.shape_cast %get3A_1220 : vector<1x16xf32> to vector<16xf32>
        %mul3A_1222 = arith.mulf %get3A_1221, %gather3A_1143 : vector<16xf32>
        %swap3A_1223 = arith.index_cast %add3A_1147 : i32 to index
        %swap3A_1224 = arith.constant 112 : index
        %swap3A_1225 = tpu.vector_load %arg6[%swap3A_1223, %swap3A_1224] {strides = array<i32>} : memref<128x128xf32, #tpu.memory_space<vmem>>, vector<1x16xf32>,
        %swap3A_1226 = vector.shape_cast %swap3A_1225 : vector<1x16xf32> to vector<16xf32>
        %swap3A_1227 = vector.shape_cast %mul3A_1222 : vector<16xf32> to vector<1x16xf32>
        tpu.vector_store %arg6[%swap3A_1223, %swap3A_1224], %swap3A_1227 {strides = array<i32>} : memref<128x128xf32, #tpu.memory_space<vmem>>, vector<1x16xf32>,
        %broadcast_in_dim3A_1228 = arith.constant 13 : i32
        %broadcast_in_dim3A_1229 = vector.broadcast %broadcast_in_dim3A_1228 : i32 to vector<16x1xi32>
        %gather3A_1230 = vector.shape_cast %broadcast_in_dim3A_1229 : vector<16x1xi32> to vector<16xi32>
        %gather3A_1231 = tpu.dynamic_gather %bitcast_convert_type3A[%gather3A_1230] in [0] : vector<16xf32>, vector<16xi32> -> vector<16xf32>
        %mul3A_1232 = arith.constant 16 : i32
        %mul3A_1233 = arith.muli %scan3A_79, %mul3A_1232 : i32
        %add3A_1234 = arith.constant 13 : i32
        %add3A_1235 = arith.addi %mul3A_1233, %add3A_1234 : i32
        %get3A_1236 = arith.index_cast %add3A_1235 : i32 to index
        %get3A_1237 = arith.constant 0 : index
        %get3A_1238 = tpu.vector_load %arg6[%get3A_1236, %get3A_1237] {strides = array<i32>} : memref<128x128xf32, #tpu.memory_space<vmem>>, vector<1x16xf32>,
        %get3A_1239 = vector.shape_cast %get3A_1238 : vector<1x16xf32> to vector<16xf32>
        %mul3A_1240 = arith.mulf %get3A_1239, %gather3A_1231 : vector<16xf32>
        %swap3A_1241 = arith.index_cast %add3A_1235 : i32 to index
        %swap3A_1242 = arith.constant 0 : index
        %swap3A_1243 = tpu.vector_load %arg6[%swap3A_1241, %swap3A_1242] {strides = array<i32>} : memref<128x128xf32, #tpu.memory_space<vmem>>, vector<1x16xf32>,
        %swap3A_1244 = vector.shape_cast %swap3A_1243 : vector<1x16xf32> to vector<16xf32>
        %swap3A_1245 = vector.shape_cast %mul3A_1240 : vector<16xf32> to vector<1x16xf32>
        tpu.vector_store %arg6[%swap3A_1241, %swap3A_1242], %swap3A_1245 {strides = array<i32>} : memref<128x128xf32, #tpu.memory_space<vmem>>, vector<1x16xf32>,
        %get3A_1246 = arith.index_cast %add3A_1235 : i32 to index
        %get3A_1247 = arith.constant 16 : index
        %get3A_1248 = tpu.vector_load %arg6[%get3A_1246, %get3A_1247] {strides = array<i32>} : memref<128x128xf32, #tpu.memory_space<vmem>>, vector<1x16xf32>,
        %get3A_1249 = vector.shape_cast %get3A_1248 : vector<1x16xf32> to vector<16xf32>
        %mul3A_1250 = arith.mulf %get3A_1249, %gather3A_1231 : vector<16xf32>
        %swap3A_1251 = arith.index_cast %add3A_1235 : i32 to index
        %swap3A_1252 = arith.constant 16 : index
        %swap3A_1253 = tpu.vector_load %arg6[%swap3A_1251, %swap3A_1252] {strides = array<i32>} : memref<128x128xf32, #tpu.memory_space<vmem>>, vector<1x16xf32>,
        %swap3A_1254 = vector.shape_cast %swap3A_1253 : vector<1x16xf32> to vector<16xf32>
        %swap3A_1255 = vector.shape_cast %mul3A_1250 : vector<16xf32> to vector<1x16xf32>
        tpu.vector_store %arg6[%swap3A_1251, %swap3A_1252], %swap3A_1255 {strides = array<i32>} : memref<128x128xf32, #tpu.memory_space<vmem>>, vector<1x16xf32>,
        %get3A_1256 = arith.index_cast %add3A_1235 : i32 to index
        %get3A_1257 = arith.constant 32 : index
        %get3A_1258 = tpu.vector_load %arg6[%get3A_1256, %get3A_1257] {strides = array<i32>} : memref<128x128xf32, #tpu.memory_space<vmem>>, vector<1x16xf32>,
        %get3A_1259 = vector.shape_cast %get3A_1258 : vector<1x16xf32> to vector<16xf32>
        %mul3A_1260 = arith.mulf %get3A_1259, %gather3A_1231 : vector<16xf32>
        %swap3A_1261 = arith.index_cast %add3A_1235 : i32 to index
        %swap3A_1262 = arith.constant 32 : index
        %swap3A_1263 = tpu.vector_load %arg6[%swap3A_1261, %swap3A_1262] {strides = array<i32>} : memref<128x128xf32, #tpu.memory_space<vmem>>, vector<1x16xf32>,
        %swap3A_1264 = vector.shape_cast %swap3A_1263 : vector<1x16xf32> to vector<16xf32>
        %swap3A_1265 = vector.shape_cast %mul3A_1260 : vector<16xf32> to vector<1x16xf32>
        tpu.vector_store %arg6[%swap3A_1261, %swap3A_1262], %swap3A_1265 {strides = array<i32>} : memref<128x128xf32, #tpu.memory_space<vmem>>, vector<1x16xf32>,
        %get3A_1266 = arith.index_cast %add3A_1235 : i32 to index
        %get3A_1267 = arith.constant 48 : index
        %get3A_1268 = tpu.vector_load %arg6[%get3A_1266, %get3A_1267] {strides = array<i32>} : memref<128x128xf32, #tpu.memory_space<vmem>>, vector<1x16xf32>,
        %get3A_1269 = vector.shape_cast %get3A_1268 : vector<1x16xf32> to vector<16xf32>
        %mul3A_1270 = arith.mulf %get3A_1269, %gather3A_1231 : vector<16xf32>
        %swap3A_1271 = arith.index_cast %add3A_1235 : i32 to index
        %swap3A_1272 = arith.constant 48 : index
        %swap3A_1273 = tpu.vector_load %arg6[%swap3A_1271, %swap3A_1272] {strides = array<i32>} : memref<128x128xf32, #tpu.memory_space<vmem>>, vector<1x16xf32>,
        %swap3A_1274 = vector.shape_cast %swap3A_1273 : vector<1x16xf32> to vector<16xf32>
        %swap3A_1275 = vector.shape_cast %mul3A_1270 : vector<16xf32> to vector<1x16xf32>
        tpu.vector_store %arg6[%swap3A_1271, %swap3A_1272], %swap3A_1275 {strides = array<i32>} : memref<128x128xf32, #tpu.memory_space<vmem>>, vector<1x16xf32>,
        %get3A_1276 = arith.index_cast %add3A_1235 : i32 to index
        %get3A_1277 = arith.constant 64 : index
        %get3A_1278 = tpu.vector_load %arg6[%get3A_1276, %get3A_1277] {strides = array<i32>} : memref<128x128xf32, #tpu.memory_space<vmem>>, vector<1x16xf32>,
        %get3A_1279 = vector.shape_cast %get3A_1278 : vector<1x16xf32> to vector<16xf32>
        %mul3A_1280 = arith.mulf %get3A_1279, %gather3A_1231 : vector<16xf32>
        %swap3A_1281 = arith.index_cast %add3A_1235 : i32 to index
        %swap3A_1282 = arith.constant 64 : index
        %swap3A_1283 = tpu.vector_load %arg6[%swap3A_1281, %swap3A_1282] {strides = array<i32>} : memref<128x128xf32, #tpu.memory_space<vmem>>, vector<1x16xf32>,
        %swap3A_1284 = vector.shape_cast %swap3A_1283 : vector<1x16xf32> to vector<16xf32>
        %swap3A_1285 = vector.shape_cast %mul3A_1280 : vector<16xf32> to vector<1x16xf32>
        tpu.vector_store %arg6[%swap3A_1281, %swap3A_1282], %swap3A_1285 {strides = array<i32>} : memref<128x128xf32, #tpu.memory_space<vmem>>, vector<1x16xf32>,
        %get3A_1286 = arith.index_cast %add3A_1235 : i32 to index
        %get3A_1287 = arith.constant 80 : index
        %get3A_1288 = tpu.vector_load %arg6[%get3A_1286, %get3A_1287] {strides = array<i32>} : memref<128x128xf32, #tpu.memory_space<vmem>>, vector<1x16xf32>,
        %get3A_1289 = vector.shape_cast %get3A_1288 : vector<1x16xf32> to vector<16xf32>
        %mul3A_1290 = arith.mulf %get3A_1289, %gather3A_1231 : vector<16xf32>
        %swap3A_1291 = arith.index_cast %add3A_1235 : i32 to index
        %swap3A_1292 = arith.constant 80 : index
        %swap3A_1293 = tpu.vector_load %arg6[%swap3A_1291, %swap3A_1292] {strides = array<i32>} : memref<128x128xf32, #tpu.memory_space<vmem>>, vector<1x16xf32>,
        %swap3A_1294 = vector.shape_cast %swap3A_1293 : vector<1x16xf32> to vector<16xf32>
        %swap3A_1295 = vector.shape_cast %mul3A_1290 : vector<16xf32> to vector<1x16xf32>
        tpu.vector_store %arg6[%swap3A_1291, %swap3A_1292], %swap3A_1295 {strides = array<i32>} : memref<128x128xf32, #tpu.memory_space<vmem>>, vector<1x16xf32>,
        %get3A_1296 = arith.index_cast %add3A_1235 : i32 to index
        %get3A_1297 = arith.constant 96 : index
        %get3A_1298 = tpu.vector_load %arg6[%get3A_1296, %get3A_1297] {strides = array<i32>} : memref<128x128xf32, #tpu.memory_space<vmem>>, vector<1x16xf32>,
        %get3A_1299 = vector.shape_cast %get3A_1298 : vector<1x16xf32> to vector<16xf32>
        %mul3A_1300 = arith.mulf %get3A_1299, %gather3A_1231 : vector<16xf32>
        %swap3A_1301 = arith.index_cast %add3A_1235 : i32 to index
        %swap3A_1302 = arith.constant 96 : index
        %swap3A_1303 = tpu.vector_load %arg6[%swap3A_1301, %swap3A_1302] {strides = array<i32>} : memref<128x128xf32, #tpu.memory_space<vmem>>, vector<1x16xf32>,
        %swap3A_1304 = vector.shape_cast %swap3A_1303 : vector<1x16xf32> to vector<16xf32>
        %swap3A_1305 = vector.shape_cast %mul3A_1300 : vector<16xf32> to vector<1x16xf32>
        tpu.vector_store %arg6[%swap3A_1301, %swap3A_1302], %swap3A_1305 {strides = array<i32>} : memref<128x128xf32, #tpu.memory_space<vmem>>, vector<1x16xf32>,
        %get3A_1306 = arith.index_cast %add3A_1235 : i32 to index
        %get3A_1307 = arith.constant 112 : index
        %get3A_1308 = tpu.vector_load %arg6[%get3A_1306, %get3A_1307] {strides = array<i32>} : memref<128x128xf32, #tpu.memory_space<vmem>>, vector<1x16xf32>,
        %get3A_1309 = vector.shape_cast %get3A_1308 : vector<1x16xf32> to vector<16xf32>
        %mul3A_1310 = arith.mulf %get3A_1309, %gather3A_1231 : vector<16xf32>
        %swap3A_1311 = arith.index_cast %add3A_1235 : i32 to index
        %swap3A_1312 = arith.constant 112 : index
        %swap3A_1313 = tpu.vector_load %arg6[%swap3A_1311, %swap3A_1312] {strides = array<i32>} : memref<128x128xf32, #tpu.memory_space<vmem>>, vector<1x16xf32>,
        %swap3A_1314 = vector.shape_cast %swap3A_1313 : vector<1x16xf32> to vector<16xf32>
        %swap3A_1315 = vector.shape_cast %mul3A_1310 : vector<16xf32> to vector<1x16xf32>
        tpu.vector_store %arg6[%swap3A_1311, %swap3A_1312], %swap3A_1315 {strides = array<i32>} : memref<128x128xf32, #tpu.memory_space<vmem>>, vector<1x16xf32>,
        %broadcast_in_dim3A_1316 = arith.constant 14 : i32
        %broadcast_in_dim3A_1317 = vector.broadcast %broadcast_in_dim3A_1316 : i32 to vector<16x1xi32>
        %gather3A_1318 = vector.shape_cast %broadcast_in_dim3A_1317 : vector<16x1xi32> to vector<16xi32>
        %gather3A_1319 = tpu.dynamic_gather %bitcast_convert_type3A[%gather3A_1318] in [0] : vector<16xf32>, vector<16xi32> -> vector<16xf32>
        %mul3A_1320 = arith.constant 16 : i32
        %mul3A_1321 = arith.muli %scan3A_79, %mul3A_1320 : i32
        %add3A_1322 = arith.constant 14 : i32
        %add3A_1323 = arith.addi %mul3A_1321, %add3A_1322 : i32
        %get3A_1324 = arith.index_cast %add3A_1323 : i32 to index
        %get3A_1325 = arith.constant 0 : index
        %get3A_1326 = tpu.vector_load %arg6[%get3A_1324, %get3A_1325] {strides = array<i32>} : memref<128x128xf32, #tpu.memory_space<vmem>>, vector<1x16xf32>,
        %get3A_1327 = vector.shape_cast %get3A_1326 : vector<1x16xf32> to vector<16xf32>
        %mul3A_1328 = arith.mulf %get3A_1327, %gather3A_1319 : vector<16xf32>
        %swap3A_1329 = arith.index_cast %add3A_1323 : i32 to index
        %swap3A_1330 = arith.constant 0 : index
        %swap3A_1331 = tpu.vector_load %arg6[%swap3A_1329, %swap3A_1330] {strides = array<i32>} : memref<128x128xf32, #tpu.memory_space<vmem>>, vector<1x16xf32>,
        %swap3A_1332 = vector.shape_cast %swap3A_1331 : vector<1x16xf32> to vector<16xf32>
        %swap3A_1333 = vector.shape_cast %mul3A_1328 : vector<16xf32> to vector<1x16xf32>
        tpu.vector_store %arg6[%swap3A_1329, %swap3A_1330], %swap3A_1333 {strides = array<i32>} : memref<128x128xf32, #tpu.memory_space<vmem>>, vector<1x16xf32>,
        %get3A_1334 = arith.index_cast %add3A_1323 : i32 to index
        %get3A_1335 = arith.constant 16 : index
        %get3A_1336 = tpu.vector_load %arg6[%get3A_1334, %get3A_1335] {strides = array<i32>} : memref<128x128xf32, #tpu.memory_space<vmem>>, vector<1x16xf32>,
        %get3A_1337 = vector.shape_cast %get3A_1336 : vector<1x16xf32> to vector<16xf32>
        %mul3A_1338 = arith.mulf %get3A_1337, %gather3A_1319 : vector<16xf32>
        %swap3A_1339 = arith.index_cast %add3A_1323 : i32 to index
        %swap3A_1340 = arith.constant 16 : index
        %swap3A_1341 = tpu.vector_load %arg6[%swap3A_1339, %swap3A_1340] {strides = array<i32>} : memref<128x128xf32, #tpu.memory_space<vmem>>, vector<1x16xf32>,
        %swap3A_1342 = vector.shape_cast %swap3A_1341 : vector<1x16xf32> to vector<16xf32>
        %swap3A_1343 = vector.shape_cast %mul3A_1338 : vector<16xf32> to vector<1x16xf32>
        tpu.vector_store %arg6[%swap3A_1339, %swap3A_1340], %swap3A_1343 {strides = array<i32>} : memref<128x128xf32, #tpu.memory_space<vmem>>, vector<1x16xf32>,
        %get3A_1344 = arith.index_cast %add3A_1323 : i32 to index
        %get3A_1345 = arith.constant 32 : index
        %get3A_1346 = tpu.vector_load %arg6[%get3A_1344, %get3A_1345] {strides = array<i32>} : memref<128x128xf32, #tpu.memory_space<vmem>>, vector<1x16xf32>,
        %get3A_1347 = vector.shape_cast %get3A_1346 : vector<1x16xf32> to vector<16xf32>
        %mul3A_1348 = arith.mulf %get3A_1347, %gather3A_1319 : vector<16xf32>
        %swap3A_1349 = arith.index_cast %add3A_1323 : i32 to index
        %swap3A_1350 = arith.constant 32 : index
        %swap3A_1351 = tpu.vector_load %arg6[%swap3A_1349, %swap3A_1350] {strides = array<i32>} : memref<128x128xf32, #tpu.memory_space<vmem>>, vector<1x16xf32>,
        %swap3A_1352 = vector.shape_cast %swap3A_1351 : vector<1x16xf32> to vector<16xf32>
        %swap3A_1353 = vector.shape_cast %mul3A_1348 : vector<16xf32> to vector<1x16xf32>
        tpu.vector_store %arg6[%swap3A_1349, %swap3A_1350], %swap3A_1353 {strides = array<i32>} : memref<128x128xf32, #tpu.memory_space<vmem>>, vector<1x16xf32>,
        %get3A_1354 = arith.index_cast %add3A_1323 : i32 to index
        %get3A_1355 = arith.constant 48 : index
        %get3A_1356 = tpu.vector_load %arg6[%get3A_1354, %get3A_1355] {strides = array<i32>} : memref<128x128xf32, #tpu.memory_space<vmem>>, vector<1x16xf32>,
        %get3A_1357 = vector.shape_cast %get3A_1356 : vector<1x16xf32> to vector<16xf32>
        %mul3A_1358 = arith.mulf %get3A_1357, %gather3A_1319 : vector<16xf32>
        %swap3A_1359 = arith.index_cast %add3A_1323 : i32 to index
        %swap3A_1360 = arith.constant 48 : index
        %swap3A_1361 = tpu.vector_load %arg6[%swap3A_1359, %swap3A_1360] {strides = array<i32>} : memref<128x128xf32, #tpu.memory_space<vmem>>, vector<1x16xf32>,
        %swap3A_1362 = vector.shape_cast %swap3A_1361 : vector<1x16xf32> to vector<16xf32>
        %swap3A_1363 = vector.shape_cast %mul3A_1358 : vector<16xf32> to vector<1x16xf32>
        tpu.vector_store %arg6[%swap3A_1359, %swap3A_1360], %swap3A_1363 {strides = array<i32>} : memref<128x128xf32, #tpu.memory_space<vmem>>, vector<1x16xf32>,
        %get3A_1364 = arith.index_cast %add3A_1323 : i32 to index
        %get3A_1365 = arith.constant 64 : index
        %get3A_1366 = tpu.vector_load %arg6[%get3A_1364, %get3A_1365] {strides = array<i32>} : memref<128x128xf32, #tpu.memory_space<vmem>>, vector<1x16xf32>,
        %get3A_1367 = vector.shape_cast %get3A_1366 : vector<1x16xf32> to vector<16xf32>
        %mul3A_1368 = arith.mulf %get3A_1367, %gather3A_1319 : vector<16xf32>
        %swap3A_1369 = arith.index_cast %add3A_1323 : i32 to index
        %swap3A_1370 = arith.constant 64 : index
        %swap3A_1371 = tpu.vector_load %arg6[%swap3A_1369, %swap3A_1370] {strides = array<i32>} : memref<128x128xf32, #tpu.memory_space<vmem>>, vector<1x16xf32>,
        %swap3A_1372 = vector.shape_cast %swap3A_1371 : vector<1x16xf32> to vector<16xf32>
        %swap3A_1373 = vector.shape_cast %mul3A_1368 : vector<16xf32> to vector<1x16xf32>
        tpu.vector_store %arg6[%swap3A_1369, %swap3A_1370], %swap3A_1373 {strides = array<i32>} : memref<128x128xf32, #tpu.memory_space<vmem>>, vector<1x16xf32>,
        %get3A_1374 = arith.index_cast %add3A_1323 : i32 to index
        %get3A_1375 = arith.constant 80 : index
        %get3A_1376 = tpu.vector_load %arg6[%get3A_1374, %get3A_1375] {strides = array<i32>} : memref<128x128xf32, #tpu.memory_space<vmem>>, vector<1x16xf32>,
        %get3A_1377 = vector.shape_cast %get3A_1376 : vector<1x16xf32> to vector<16xf32>
        %mul3A_1378 = arith.mulf %get3A_1377, %gather3A_1319 : vector<16xf32>
        %swap3A_1379 = arith.index_cast %add3A_1323 : i32 to index
        %swap3A_1380 = arith.constant 80 : index
        %swap3A_1381 = tpu.vector_load %arg6[%swap3A_1379, %swap3A_1380] {strides = array<i32>} : memref<128x128xf32, #tpu.memory_space<vmem>>, vector<1x16xf32>,
        %swap3A_1382 = vector.shape_cast %swap3A_1381 : vector<1x16xf32> to vector<16xf32>
        %swap3A_1383 = vector.shape_cast %mul3A_1378 : vector<16xf32> to vector<1x16xf32>
        tpu.vector_store %arg6[%swap3A_1379, %swap3A_1380], %swap3A_1383 {strides = array<i32>} : memref<128x128xf32, #tpu.memory_space<vmem>>, vector<1x16xf32>,
        %get3A_1384 = arith.index_cast %add3A_1323 : i32 to index
        %get3A_1385 = arith.constant 96 : index
        %get3A_1386 = tpu.vector_load %arg6[%get3A_1384, %get3A_1385] {strides = array<i32>} : memref<128x128xf32, #tpu.memory_space<vmem>>, vector<1x16xf32>,
        %get3A_1387 = vector.shape_cast %get3A_1386 : vector<1x16xf32> to vector<16xf32>
        %mul3A_1388 = arith.mulf %get3A_1387, %gather3A_1319 : vector<16xf32>
        %swap3A_1389 = arith.index_cast %add3A_1323 : i32 to index
        %swap3A_1390 = arith.constant 96 : index
        %swap3A_1391 = tpu.vector_load %arg6[%swap3A_1389, %swap3A_1390] {strides = array<i32>} : memref<128x128xf32, #tpu.memory_space<vmem>>, vector<1x16xf32>,
        %swap3A_1392 = vector.shape_cast %swap3A_1391 : vector<1x16xf32> to vector<16xf32>
        %swap3A_1393 = vector.shape_cast %mul3A_1388 : vector<16xf32> to vector<1x16xf32>
        tpu.vector_store %arg6[%swap3A_1389, %swap3A_1390], %swap3A_1393 {strides = array<i32>} : memref<128x128xf32, #tpu.memory_space<vmem>>, vector<1x16xf32>,
        %get3A_1394 = arith.index_cast %add3A_1323 : i32 to index
        %get3A_1395 = arith.constant 112 : index
        %get3A_1396 = tpu.vector_load %arg6[%get3A_1394, %get3A_1395] {strides = array<i32>} : memref<128x128xf32, #tpu.memory_space<vmem>>, vector<1x16xf32>,
        %get3A_1397 = vector.shape_cast %get3A_1396 : vector<1x16xf32> to vector<16xf32>
        %mul3A_1398 = arith.mulf %get3A_1397, %gather3A_1319 : vector<16xf32>
        %swap3A_1399 = arith.index_cast %add3A_1323 : i32 to index
        %swap3A_1400 = arith.constant 112 : index
        %swap3A_1401 = tpu.vector_load %arg6[%swap3A_1399, %swap3A_1400] {strides = array<i32>} : memref<128x128xf32, #tpu.memory_space<vmem>>, vector<1x16xf32>,
        %swap3A_1402 = vector.shape_cast %swap3A_1401 : vector<1x16xf32> to vector<16xf32>
        %swap3A_1403 = vector.shape_cast %mul3A_1398 : vector<16xf32> to vector<1x16xf32>
        tpu.vector_store %arg6[%swap3A_1399, %swap3A_1400], %swap3A_1403 {strides = array<i32>} : memref<128x128xf32, #tpu.memory_space<vmem>>, vector<1x16xf32>,
        %broadcast_in_dim3A_1404 = arith.constant 15 : i32
        %broadcast_in_dim3A_1405 = vector.broadcast %broadcast_in_dim3A_1404 : i32 to vector<16x1xi32>
        %gather3A_1406 = vector.shape_cast %broadcast_in_dim3A_1405 : vector<16x1xi32> to vector<16xi32>
        %gather3A_1407 = tpu.dynamic_gather %bitcast_convert_type3A[%gather3A_1406] in [0] : vector<16xf32>, vector<16xi32> -> vector<16xf32>
        %mul3A_1408 = arith.constant 16 : i32
        %mul3A_1409 = arith.muli %scan3A_79, %mul3A_1408 : i32
        %add3A_1410 = arith.constant 15 : i32
        %add3A_1411 = arith.addi %mul3A_1409, %add3A_1410 : i32
        %get3A_1412 = arith.index_cast %add3A_1411 : i32 to index
        %get3A_1413 = arith.constant 0 : index
        %get3A_1414 = tpu.vector_load %arg6[%get3A_1412, %get3A_1413] {strides = array<i32>} : memref<128x128xf32, #tpu.memory_space<vmem>>, vector<1x16xf32>,
        %get3A_1415 = vector.shape_cast %get3A_1414 : vector<1x16xf32> to vector<16xf32>
        %mul3A_1416 = arith.mulf %get3A_1415, %gather3A_1407 : vector<16xf32>
        %swap3A_1417 = arith.index_cast %add3A_1411 : i32 to index
        %swap3A_1418 = arith.constant 0 : index
        %swap3A_1419 = tpu.vector_load %arg6[%swap3A_1417, %swap3A_1418] {strides = array<i32>} : memref<128x128xf32, #tpu.memory_space<vmem>>, vector<1x16xf32>,
        %swap3A_1420 = vector.shape_cast %swap3A_1419 : vector<1x16xf32> to vector<16xf32>
        %swap3A_1421 = vector.shape_cast %mul3A_1416 : vector<16xf32> to vector<1x16xf32>
        tpu.vector_store %arg6[%swap3A_1417, %swap3A_1418], %swap3A_1421 {strides = array<i32>} : memref<128x128xf32, #tpu.memory_space<vmem>>, vector<1x16xf32>,
        %get3A_1422 = arith.index_cast %add3A_1411 : i32 to index
        %get3A_1423 = arith.constant 16 : index
        %get3A_1424 = tpu.vector_load %arg6[%get3A_1422, %get3A_1423] {strides = array<i32>} : memref<128x128xf32, #tpu.memory_space<vmem>>, vector<1x16xf32>,
        %get3A_1425 = vector.shape_cast %get3A_1424 : vector<1x16xf32> to vector<16xf32>
        %mul3A_1426 = arith.mulf %get3A_1425, %gather3A_1407 : vector<16xf32>
        %swap3A_1427 = arith.index_cast %add3A_1411 : i32 to index
        %swap3A_1428 = arith.constant 16 : index
        %swap3A_1429 = tpu.vector_load %arg6[%swap3A_1427, %swap3A_1428] {strides = array<i32>} : memref<128x128xf32, #tpu.memory_space<vmem>>, vector<1x16xf32>,
        %swap3A_1430 = vector.shape_cast %swap3A_1429 : vector<1x16xf32> to vector<16xf32>
        %swap3A_1431 = vector.shape_cast %mul3A_1426 : vector<16xf32> to vector<1x16xf32>
        tpu.vector_store %arg6[%swap3A_1427, %swap3A_1428], %swap3A_1431 {strides = array<i32>} : memref<128x128xf32, #tpu.memory_space<vmem>>, vector<1x16xf32>,
        %get3A_1432 = arith.index_cast %add3A_1411 : i32 to index
        %get3A_1433 = arith.constant 32 : index
        %get3A_1434 = tpu.vector_load %arg6[%get3A_1432, %get3A_1433] {strides = array<i32>} : memref<128x128xf32, #tpu.memory_space<vmem>>, vector<1x16xf32>,
        %get3A_1435 = vector.shape_cast %get3A_1434 : vector<1x16xf32> to vector<16xf32>
        %mul3A_1436 = arith.mulf %get3A_1435, %gather3A_1407 : vector<16xf32>
        %swap3A_1437 = arith.index_cast %add3A_1411 : i32 to index
        %swap3A_1438 = arith.constant 32 : index
        %swap3A_1439 = tpu.vector_load %arg6[%swap3A_1437, %swap3A_1438] {strides = array<i32>} : memref<128x128xf32, #tpu.memory_space<vmem>>, vector<1x16xf32>,
        %swap3A_1440 = vector.shape_cast %swap3A_1439 : vector<1x16xf32> to vector<16xf32>
        %swap3A_1441 = vector.shape_cast %mul3A_1436 : vector<16xf32> to vector<1x16xf32>
        tpu.vector_store %arg6[%swap3A_1437, %swap3A_1438], %swap3A_1441 {strides = array<i32>} : memref<128x128xf32, #tpu.memory_space<vmem>>, vector<1x16xf32>,
        %get3A_1442 = arith.index_cast %add3A_1411 : i32 to index
        %get3A_1443 = arith.constant 48 : index
        %get3A_1444 = tpu.vector_load %arg6[%get3A_1442, %get3A_1443] {strides = array<i32>} : memref<128x128xf32, #tpu.memory_space<vmem>>, vector<1x16xf32>,
        %get3A_1445 = vector.shape_cast %get3A_1444 : vector<1x16xf32> to vector<16xf32>
        %mul3A_1446 = arith.mulf %get3A_1445, %gather3A_1407 : vector<16xf32>
        %swap3A_1447 = arith.index_cast %add3A_1411 : i32 to index
        %swap3A_1448 = arith.constant 48 : index
        %swap3A_1449 = tpu.vector_load %arg6[%swap3A_1447, %swap3A_1448] {strides = array<i32>} : memref<128x128xf32, #tpu.memory_space<vmem>>, vector<1x16xf32>,
        %swap3A_1450 = vector.shape_cast %swap3A_1449 : vector<1x16xf32> to vector<16xf32>
        %swap3A_1451 = vector.shape_cast %mul3A_1446 : vector<16xf32> to vector<1x16xf32>
        tpu.vector_store %arg6[%swap3A_1447, %swap3A_1448], %swap3A_1451 {strides = array<i32>} : memref<128x128xf32, #tpu.memory_space<vmem>>, vector<1x16xf32>,
        %get3A_1452 = arith.index_cast %add3A_1411 : i32 to index
        %get3A_1453 = arith.constant 64 : index
        %get3A_1454 = tpu.vector_load %arg6[%get3A_1452, %get3A_1453] {strides = array<i32>} : memref<128x128xf32, #tpu.memory_space<vmem>>, vector<1x16xf32>,
        %get3A_1455 = vector.shape_cast %get3A_1454 : vector<1x16xf32> to vector<16xf32>
        %mul3A_1456 = arith.mulf %get3A_1455, %gather3A_1407 : vector<16xf32>
        %swap3A_1457 = arith.index_cast %add3A_1411 : i32 to index
        %swap3A_1458 = arith.constant 64 : index
        %swap3A_1459 = tpu.vector_load %arg6[%swap3A_1457, %swap3A_1458] {strides = array<i32>} : memref<128x128xf32, #tpu.memory_space<vmem>>, vector<1x16xf32>,
        %swap3A_1460 = vector.shape_cast %swap3A_1459 : vector<1x16xf32> to vector<16xf32>
        %swap3A_1461 = vector.shape_cast %mul3A_1456 : vector<16xf32> to vector<1x16xf32>
        tpu.vector_store %arg6[%swap3A_1457, %swap3A_1458], %swap3A_1461 {strides = array<i32>} : memref<128x128xf32, #tpu.memory_space<vmem>>, vector<1x16xf32>,
        %get3A_1462 = arith.index_cast %add3A_1411 : i32 to index
        %get3A_1463 = arith.constant 80 : index
        %get3A_1464 = tpu.vector_load %arg6[%get3A_1462, %get3A_1463] {strides = array<i32>} : memref<128x128xf32, #tpu.memory_space<vmem>>, vector<1x16xf32>,
        %get3A_1465 = vector.shape_cast %get3A_1464 : vector<1x16xf32> to vector<16xf32>
        %mul3A_1466 = arith.mulf %get3A_1465, %gather3A_1407 : vector<16xf32>
        %swap3A_1467 = arith.index_cast %add3A_1411 : i32 to index
        %swap3A_1468 = arith.constant 80 : index
        %swap3A_1469 = tpu.vector_load %arg6[%swap3A_1467, %swap3A_1468] {strides = array<i32>} : memref<128x128xf32, #tpu.memory_space<vmem>>, vector<1x16xf32>,
        %swap3A_1470 = vector.shape_cast %swap3A_1469 : vector<1x16xf32> to vector<16xf32>
        %swap3A_1471 = vector.shape_cast %mul3A_1466 : vector<16xf32> to vector<1x16xf32>
        tpu.vector_store %arg6[%swap3A_1467, %swap3A_1468], %swap3A_1471 {strides = array<i32>} : memref<128x128xf32, #tpu.memory_space<vmem>>, vector<1x16xf32>,
        %get3A_1472 = arith.index_cast %add3A_1411 : i32 to index
        %get3A_1473 = arith.constant 96 : index
        %get3A_1474 = tpu.vector_load %arg6[%get3A_1472, %get3A_1473] {strides = array<i32>} : memref<128x128xf32, #tpu.memory_space<vmem>>, vector<1x16xf32>,
        %get3A_1475 = vector.shape_cast %get3A_1474 : vector<1x16xf32> to vector<16xf32>
        %mul3A_1476 = arith.mulf %get3A_1475, %gather3A_1407 : vector<16xf32>
        %swap3A_1477 = arith.index_cast %add3A_1411 : i32 to index
        %swap3A_1478 = arith.constant 96 : index
        %swap3A_1479 = tpu.vector_load %arg6[%swap3A_1477, %swap3A_1478] {strides = array<i32>} : memref<128x128xf32, #tpu.memory_space<vmem>>, vector<1x16xf32>,
        %swap3A_1480 = vector.shape_cast %swap3A_1479 : vector<1x16xf32> to vector<16xf32>
        %swap3A_1481 = vector.shape_cast %mul3A_1476 : vector<16xf32> to vector<1x16xf32>
        tpu.vector_store %arg6[%swap3A_1477, %swap3A_1478], %swap3A_1481 {strides = array<i32>} : memref<128x128xf32, #tpu.memory_space<vmem>>, vector<1x16xf32>,
        %get3A_1482 = arith.index_cast %add3A_1411 : i32 to index
        %get3A_1483 = arith.constant 112 : index
        %get3A_1484 = tpu.vector_load %arg6[%get3A_1482, %get3A_1483] {strides = array<i32>} : memref<128x128xf32, #tpu.memory_space<vmem>>, vector<1x16xf32>,
        %get3A_1485 = vector.shape_cast %get3A_1484 : vector<1x16xf32> to vector<16xf32>
        %mul3A_1486 = arith.mulf %get3A_1485, %gather3A_1407 : vector<16xf32>
        %swap3A_1487 = arith.index_cast %add3A_1411 : i32 to index
        %swap3A_1488 = arith.constant 112 : index
        %swap3A_1489 = tpu.vector_load %arg6[%swap3A_1487, %swap3A_1488] {strides = array<i32>} : memref<128x128xf32, #tpu.memory_space<vmem>>, vector<1x16xf32>,
        %swap3A_1490 = vector.shape_cast %swap3A_1489 : vector<1x16xf32> to vector<16xf32>
        %swap3A_1491 = vector.shape_cast %mul3A_1486 : vector<16xf32> to vector<1x16xf32>
        tpu.vector_store %arg6[%swap3A_1487, %swap3A_1488], %swap3A_1491 {strides = array<i32>} : memref<128x128xf32, #tpu.memory_space<vmem>>, vector<1x16xf32>,
      }
      %scan3A_66 = arith.constant 8 : i32
      %dma_start3A = arith.constant 1 : i32
      %dma_start3A_67 = arith.constant 0 : i32
      %dma_start3A_68 = tpu.memref_slice %arg5[%dma_start3A, %dma_start3A_67] : memref<3x128xi32, #tpu.memory_space<vmem>> -> memref<1x128xi32, #tpu.memory_space<vmem>>
      %dma_start3A_69 = tpu.memref_squeeze %dma_start3A_68 : memref<1x128xi32, #tpu.memory_space<vmem>> -> memref<128xi32, #tpu.memory_space<vmem>>
      %dma_start3A_70 = arith.constant 0 : i32
      %dma_start3A_71 = arith.constant 0 : i32
      %dma_start3A_72 = tpu.memref_slice %arg7[%dma_start3A_70, %dma_start3A_71] : memref<10000x128xf32, #tpu.memory_space<vmem_shared>> -> memref<10000x128xf32, #tpu.memory_space<vmem_shared>>
      tpu.enqueue_indirect_dma source(%arg6 : memref<128x128xf32, #tpu.memory_space<vmem>>) target(%dma_start3A_72 : memref<10000x128xf32, #tpu.memory_space<vmem_shared>>) offsets(%dma_start3A_69 : memref<128xi32, #tpu.memory_space<vmem>>) semaphore(%arg8 : memref<!tpu.dma_semaphore, #tpu.memory_space<semaphore_mem>>) {add = true}
      %dma_wait3A = arith.constant 1 : i32
      %dma_wait3A_73 = arith.constant 0 : i32
      %dma_wait3A_74 = tpu.memref_slice %arg5[%dma_wait3A, %dma_wait3A_73] : memref<3x128xi32, #tpu.memory_space<vmem>> -> memref<1x128xi32, #tpu.memory_space<vmem>>
      %dma_wait3A_75 = tpu.memref_squeeze %dma_wait3A_74 : memref<1x128xi32, #tpu.memory_space<vmem>> -> memref<128xi32, #tpu.memory_space<vmem>>
      %dma_wait3A_76 = arith.constant 0 : i32
      %dma_wait3A_77 = arith.constant 0 : i32
      %dma_wait3A_78 = tpu.memref_slice %arg7[%dma_wait3A_76, %dma_wait3A_77] : memref<10000x128xf32, #tpu.memory_space<vmem_shared>> -> memref<10000x128xf32, #tpu.memory_space<vmem_shared>>
      tpu.wait_indirect_dma semaphore(%arg8 : memref<!tpu.dma_semaphore, #tpu.memory_space<semaphore_mem>>) src(%arg6 : memref<128x128xf32, #tpu.memory_space<vmem>>) dst(%dma_wait3A_78 : memref<10000x128xf32, #tpu.memory_space<vmem_shared>>)
    }
    %barrier3A_43 = arith.constant 0 : index
    tpu.barrier barrier_id(%barrier3A_43)
    %while3A_44 = arith.constant 0 : i32
    %while3A_45 = arith.constant 0 : i32
    %while3A_46 = arith.subi %add3A_20, %while3A_45 : i32
    %while3A_47 = arith.addi %while3A_45, %while3A_46 : i32
    %while3A_48 = arith.constant 1 : i32
    %while3A_49 = arith.divsi %while3A_46, %while3A_48 : i32
    %while3A_50 = arith.muli %while3A_49, %while3A_48 : i32
    %while3A_51 = arith.addi %while3A_45, %while3A_50 : i32
    %while3A_52 = arith.constant 1 : i32
    scf.for %while3A_59 = %while3A_45 to %while3A_51 step %while3A_52  : i32 {
      %mul3A_60 = arith.constant 16 : i32
      %mul3A_61 = arith.muli %while3A_59, %mul3A_60 : i32
      %add3A_62 = arith.addi %arg1, %mul3A_61 : i32
      %mul3A_63 = arith.constant 128 : i32
      %mul3A_64 = arith.muli %add3A_62, %mul3A_63 : i32
      "tpu.region"() ({
        %run_scoped3A = tpu.sem_alloc : memref<!tpu.dma_semaphore, #tpu.memory_space<semaphore_mem>>
        %dma_start3A = arith.constant 0 : i32
        %dma_start3A_65 = tpu.memref_slice %arg7[%mul3A_64, %dma_start3A] : memref<10000x128xf32, #tpu.memory_space<vmem_shared>> -> memref<128x128xf32, #tpu.memory_space<vmem_shared>>
        %dma_start3A_66 = arith.constant 0 : i32
        %dma_start3A_67 = tpu.memref_slice %arg7[%mul3A_64, %dma_start3A_66] : memref<10000x128xf32, #tpu.memory_space<vmem_shared>> -> memref<128x128xf32, #tpu.memory_space<vmem_shared>>
        tpu.enqueue_dma source(%dma_start3A_67 : memref<128x128xf32, #tpu.memory_space<vmem_shared>>) target(%arg6 : memref<128x128xf32, #tpu.memory_space<vmem>>) target_semaphore(%run_scoped3A : memref<!tpu.dma_semaphore, #tpu.memory_space<semaphore_mem>>)
        %dma_wait3A = arith.constant 0 : i32
        %dma_wait3A_68 = tpu.memref_slice %arg7[%mul3A_64, %dma_wait3A] : memref<10000x128xf32, #tpu.memory_space<vmem_shared>> -> memref<128x128xf32, #tpu.memory_space<vmem_shared>>
        %dma_wait3A_69 = arith.constant 0 : i32
        %dma_wait3A_70 = tpu.memref_slice %arg7[%mul3A_64, %dma_wait3A_69] : memref<10000x128xf32, #tpu.memory_space<vmem_shared>> -> memref<128x128xf32, #tpu.memory_space<vmem_shared>>
        tpu.wait_dma2 semaphore(%run_scoped3A : memref<!tpu.dma_semaphore, #tpu.memory_space<semaphore_mem>>) src(%dma_wait3A_70 : memref<128x128xf32, #tpu.memory_space<vmem_shared>>) dst(%arg6 : memref<128x128xf32, #tpu.memory_space<vmem>>)
        tpu.yield
      }) : () -> ()
      "tpu.region"() ({
        %run_scoped3A = tpu.sem_alloc : memref<!tpu.dma_semaphore, #tpu.memory_space<semaphore_mem>>
        %dma_start3A = arith.constant 0 : i32
        %dma_start3A_65 = tpu.memref_slice %arg4[%arg0, %mul3A_64, %dma_start3A] : memref<2x10000x128xf32, #tpu.memory_space<hbm>> -> memref<1x128x128xf32, #tpu.memory_space<hbm>>
        %dma_start3A_66 = tpu.memref_squeeze %dma_start3A_65 : memref<1x128x128xf32, #tpu.memory_space<hbm>> -> memref<128x128xf32, #tpu.memory_space<hbm>>
        %dma_start3A_67 = arith.constant 0 : i32
        %dma_start3A_68 = tpu.memref_slice %arg4[%arg0, %mul3A_64, %dma_start3A_67] : memref<2x10000x128xf32, #tpu.memory_space<hbm>> -> memref<1x128x128xf32, #tpu.memory_space<hbm>>
        %dma_start3A_69 = tpu.memref_squeeze %dma_start3A_68 : memref<1x128x128xf32, #tpu.memory_space<hbm>> -> memref<128x128xf32, #tpu.memory_space<hbm>>
        tpu.enqueue_dma source(%arg6 : memref<128x128xf32, #tpu.memory_space<vmem>>) target(%dma_start3A_69 : memref<128x128xf32, #tpu.memory_space<hbm>>) target_semaphore(%run_scoped3A : memref<!tpu.dma_semaphore, #tpu.memory_space<semaphore_mem>>)
        %dma_wait3A = arith.constant 0 : i32
        %dma_wait3A_70 = tpu.memref_slice %arg4[%arg0, %mul3A_64, %dma_wait3A] : memref<2x10000x128xf32, #tpu.memory_space<hbm>> -> memref<1x128x128xf32, #tpu.memory_space<hbm>>
        %dma_wait3A_71 = tpu.memref_squeeze %dma_wait3A_70 : memref<1x128x128xf32, #tpu.memory_space<hbm>> -> memref<128x128xf32, #tpu.memory_space<hbm>>
        %dma_wait3A_72 = arith.constant 0 : i32
        %dma_wait3A_73 = tpu.memref_slice %arg4[%arg0, %mul3A_64, %dma_wait3A_72] : memref<2x10000x128xf32, #tpu.memory_space<hbm>> -> memref<1x128x128xf32, #tpu.memory_space<hbm>>
        %dma_wait3A_74 = tpu.memref_squeeze %dma_wait3A_73 : memref<1x128x128xf32, #tpu.memory_space<hbm>> -> memref<128x128xf32, #tpu.memory_space<hbm>>
        tpu.wait_dma2 semaphore(%run_scoped3A : memref<!tpu.dma_semaphore, #tpu.memory_space<semaphore_mem>>) src(%arg6 : memref<128x128xf32, #tpu.memory_space<vmem>>) dst(%dma_wait3A_74 : memref<128x128xf32, #tpu.memory_space<hbm>>)
        tpu.yield
      }) : () -> ()
    }
    %while3A_53 = arith.constant 1 : i32
    scf.for %while3A_59 = %while3A_51 to %while3A_47 step %while3A_53  : i32 {
      %mul3A_60 = arith.constant 16 : i32
      %mul3A_61 = arith.muli %while3A_59, %mul3A_60 : i32
      %add3A_62 = arith.addi %arg1, %mul3A_61 : i32
      %mul3A_63 = arith.constant 128 : i32
      %mul3A_64 = arith.muli %add3A_62, %mul3A_63 : i32
      "tpu.region"() ({
        %run_scoped3A = tpu.sem_alloc : memref<!tpu.dma_semaphore, #tpu.memory_space<semaphore_mem>>
        %dma_start3A = arith.constant 0 : i32
        %dma_start3A_65 = tpu.memref_slice %arg7[%mul3A_64, %dma_start3A] : memref<10000x128xf32, #tpu.memory_space<vmem_shared>> -> memref<128x128xf32, #tpu.memory_space<vmem_shared>>
        %dma_start3A_66 = arith.constant 0 : i32
        %dma_start3A_67 = tpu.memref_slice %arg7[%mul3A_64, %dma_start3A_66] : memref<10000x128xf32, #tpu.memory_space<vmem_shared>> -> memref<128x128xf32, #tpu.memory_space<vmem_shared>>
        tpu.enqueue_dma source(%dma_start3A_67 : memref<128x128xf32, #tpu.memory_space<vmem_shared>>) target(%arg6 : memref<128x128xf32, #tpu.memory_space<vmem>>) target_semaphore(%run_scoped3A : memref<!tpu.dma_semaphore, #tpu.memory_space<semaphore_mem>>)
        %dma_wait3A = arith.constant 0 : i32
        %dma_wait3A_68 = tpu.memref_slice %arg7[%mul3A_64, %dma_wait3A] : memref<10000x128xf32, #tpu.memory_space<vmem_shared>> -> memref<128x128xf32, #tpu.memory_space<vmem_shared>>
        %dma_wait3A_69 = arith.constant 0 : i32
        %dma_wait3A_70 = tpu.memref_slice %arg7[%mul3A_64, %dma_wait3A_69] : memref<10000x128xf32, #tpu.memory_space<vmem_shared>> -> memref<128x128xf32, #tpu.memory_space<vmem_shared>>
        tpu.wait_dma2 semaphore(%run_scoped3A : memref<!tpu.dma_semaphore, #tpu.memory_space<semaphore_mem>>) src(%dma_wait3A_70 : memref<128x128xf32, #tpu.memory_space<vmem_shared>>) dst(%arg6 : memref<128x128xf32, #tpu.memory_space<vmem>>)
        tpu.yield
      }) : () -> ()
      "tpu.region"() ({
        %run_scoped3A = tpu.sem_alloc : memref<!tpu.dma_semaphore, #tpu.memory_space<semaphore_mem>>
        %dma_start3A = arith.constant 0 : i32
        %dma_start3A_65 = tpu.memref_slice %arg4[%arg0, %mul3A_64, %dma_start3A] : memref<2x10000x128xf32, #tpu.memory_space<hbm>> -> memref<1x128x128xf32, #tpu.memory_space<hbm>>
        %dma_start3A_66 = tpu.memref_squeeze %dma_start3A_65 : memref<1x128x128xf32, #tpu.memory_space<hbm>> -> memref<128x128xf32, #tpu.memory_space<hbm>>
        %dma_start3A_67 = arith.constant 0 : i32
        %dma_start3A_68 = tpu.memref_slice %arg4[%arg0, %mul3A_64, %dma_start3A_67] : memref<2x10000x128xf32, #tpu.memory_space<hbm>> -> memref<1x128x128xf32, #tpu.memory_space<hbm>>
        %dma_start3A_69 = tpu.memref_squeeze %dma_start3A_68 : memref<1x128x128xf32, #tpu.memory_space<hbm>> -> memref<128x128xf32, #tpu.memory_space<hbm>>
        tpu.enqueue_dma source(%arg6 : memref<128x128xf32, #tpu.memory_space<vmem>>) target(%dma_start3A_69 : memref<128x128xf32, #tpu.memory_space<hbm>>) target_semaphore(%run_scoped3A : memref<!tpu.dma_semaphore, #tpu.memory_space<semaphore_mem>>)
        %dma_wait3A = arith.constant 0 : i32
        %dma_wait3A_70 = tpu.memref_slice %arg4[%arg0, %mul3A_64, %dma_wait3A] : memref<2x10000x128xf32, #tpu.memory_space<hbm>> -> memref<1x128x128xf32, #tpu.memory_space<hbm>>
        %dma_wait3A_71 = tpu.memref_squeeze %dma_wait3A_70 : memref<1x128x128xf32, #tpu.memory_space<hbm>> -> memref<128x128xf32, #tpu.memory_space<hbm>>
        %dma_wait3A_72 = arith.constant 0 : i32
        %dma_wait3A_73 = tpu.memref_slice %arg4[%arg0, %mul3A_64, %dma_wait3A_72] : memref<2x10000x128xf32, #tpu.memory_space<hbm>> -> memref<1x128x128xf32, #tpu.memory_space<hbm>>
        %dma_wait3A_74 = tpu.memref_squeeze %dma_wait3A_73 : memref<1x128x128xf32, #tpu.memory_space<hbm>> -> memref<128x128xf32, #tpu.memory_space<hbm>>
        tpu.wait_dma2 semaphore(%run_scoped3A : memref<!tpu.dma_semaphore, #tpu.memory_space<semaphore_mem>>) src(%arg6 : memref<128x128xf32, #tpu.memory_space<vmem>>) dst(%dma_wait3A_74 : memref<128x128xf32, #tpu.memory_space<hbm>>)
        tpu.yield
      }) : () -> ()
    }
    %eq3A_54 = arith.constant 0 : i32
    %eq3A_55 = arith.cmpi eq, %arg1, %eq3A_54 : i32
    %convert_element_type3A_56 = arith.extui %eq3A_55 : i1 to i32
    %cond3A_57 = arith.constant 0 : i32
    %cond3A_58 = arith.cmpi ne, %convert_element_type3A_56, %cond3A_57 : i32
    scf.if %cond3A_58 {
      "tpu.region"() ({
        %run_scoped3A = tpu.sem_alloc : memref<!tpu.dma_semaphore, #tpu.memory_space<semaphore_mem>>
        %dma_start3A = arith.constant 0 : i32
        %dma_start3A_59 = arith.constant 0 : i32
        %dma_start3A_60 = tpu.memref_slice %arg6[%dma_start3A, %dma_start3A_59] : memref<128x128xf32, #tpu.memory_space<vmem>> -> memref<16x128xf32, #tpu.memory_space<vmem>>
        %dma_start3A_61 = arith.constant 9984 : i32
        %dma_start3A_62 = arith.constant 0 : i32
        %dma_start3A_63 = tpu.memref_slice %arg7[%dma_start3A_61, %dma_start3A_62] : memref<10000x128xf32, #tpu.memory_space<vmem_shared>> -> memref<16x128xf32, #tpu.memory_space<vmem_shared>>
        %dma_start3A_64 = arith.constant 0 : i32
        %dma_start3A_65 = arith.constant 0 : i32
        %dma_start3A_66 = tpu.memref_slice %arg6[%dma_start3A_64, %dma_start3A_65] : memref<128x128xf32, #tpu.memory_space<vmem>> -> memref<16x128xf32, #tpu.memory_space<vmem>>
        %dma_start3A_67 = arith.constant 9984 : i32
        %dma_start3A_68 = arith.constant 0 : i32
        %dma_start3A_69 = tpu.memref_slice %arg7[%dma_start3A_67, %dma_start3A_68] : memref<10000x128xf32, #tpu.memory_space<vmem_shared>> -> memref<16x128xf32, #tpu.memory_space<vmem_shared>>
        tpu.enqueue_dma source(%dma_start3A_69 : memref<16x128xf32, #tpu.memory_space<vmem_shared>>) target(%dma_start3A_66 : memref<16x128xf32, #tpu.memory_space<vmem>>) target_semaphore(%run_scoped3A : memref<!tpu.dma_semaphore, #tpu.memory_space<semaphore_mem>>)
        %dma_wait3A = arith.constant 0 : i32
        %dma_wait3A_70 = arith.constant 0 : i32
        %dma_wait3A_71 = tpu.memref_slice %arg6[%dma_wait3A, %dma_wait3A_70] : memref<128x128xf32, #tpu.memory_space<vmem>> -> memref<16x128xf32, #tpu.memory_space<vmem>>
        %dma_wait3A_72 = arith.constant 9984 : i32
        %dma_wait3A_73 = arith.constant 0 : i32
        %dma_wait3A_74 = tpu.memref_slice %arg7[%dma_wait3A_72, %dma_wait3A_73] : memref<10000x128xf32, #tpu.memory_space<vmem_shared>> -> memref<16x128xf32, #tpu.memory_space<vmem_shared>>
        %dma_wait3A_75 = arith.constant 0 : i32
        %dma_wait3A_76 = arith.constant 0 : i32
        %dma_wait3A_77 = tpu.memref_slice %arg6[%dma_wait3A_75, %dma_wait3A_76] : memref<128x128xf32, #tpu.memory_space<vmem>> -> memref<16x128xf32, #tpu.memory_space<vmem>>
        %dma_wait3A_78 = arith.constant 9984 : i32
        %dma_wait3A_79 = arith.constant 0 : i32
        %dma_wait3A_80 = tpu.memref_slice %arg7[%dma_wait3A_78, %dma_wait3A_79] : memref<10000x128xf32, #tpu.memory_space<vmem_shared>> -> memref<16x128xf32, #tpu.memory_space<vmem_shared>>
        tpu.wait_dma2 semaphore(%run_scoped3A : memref<!tpu.dma_semaphore, #tpu.memory_space<semaphore_mem>>) src(%dma_wait3A_80 : memref<16x128xf32, #tpu.memory_space<vmem_shared>>) dst(%dma_wait3A_77 : memref<16x128xf32, #tpu.memory_space<vmem>>)
        tpu.yield
      }) : () -> ()
      "tpu.region"() ({
        %run_scoped3A = tpu.sem_alloc : memref<!tpu.dma_semaphore, #tpu.memory_space<semaphore_mem>>
        %dma_start3A = arith.constant 0 : i32
        %dma_start3A_59 = arith.constant 0 : i32
        %dma_start3A_60 = tpu.memref_slice %arg6[%dma_start3A, %dma_start3A_59] : memref<128x128xf32, #tpu.memory_space<vmem>> -> memref<16x128xf32, #tpu.memory_space<vmem>>
        %dma_start3A_61 = arith.constant 9984 : i32
        %dma_start3A_62 = arith.constant 0 : i32
        %dma_start3A_63 = tpu.memref_slice %arg4[%arg0, %dma_start3A_61, %dma_start3A_62] : memref<2x10000x128xf32, #tpu.memory_space<hbm>> -> memref<1x16x128xf32, #tpu.memory_space<hbm>>
        %dma_start3A_64 = tpu.memref_squeeze %dma_start3A_63 : memref<1x16x128xf32, #tpu.memory_space<hbm>> -> memref<16x128xf32, #tpu.memory_space<hbm>>
        %dma_start3A_65 = arith.constant 9984 : i32
        %dma_start3A_66 = arith.constant 0 : i32
        %dma_start3A_67 = tpu.memref_slice %arg4[%arg0, %dma_start3A_65, %dma_start3A_66] : memref<2x10000x128xf32, #tpu.memory_space<hbm>> -> memref<1x16x128xf32, #tpu.memory_space<hbm>>
        %dma_start3A_68 = tpu.memref_squeeze %dma_start3A_67 : memref<1x16x128xf32, #tpu.memory_space<hbm>> -> memref<16x128xf32, #tpu.memory_space<hbm>>
        %dma_start3A_69 = arith.constant 0 : i32
        %dma_start3A_70 = arith.constant 0 : i32
        %dma_start3A_71 = tpu.memref_slice %arg6[%dma_start3A_69, %dma_start3A_70] : memref<128x128xf32, #tpu.memory_space<vmem>> -> memref<16x128xf32, #tpu.memory_space<vmem>>
        tpu.enqueue_dma source(%dma_start3A_71 : memref<16x128xf32, #tpu.memory_space<vmem>>) target(%dma_start3A_68 : memref<16x128xf32, #tpu.memory_space<hbm>>) target_semaphore(%run_scoped3A : memref<!tpu.dma_semaphore, #tpu.memory_space<semaphore_mem>>)
        %dma_wait3A = arith.constant 0 : i32
        %dma_wait3A_72 = arith.constant 0 : i32
        %dma_wait3A_73 = tpu.memref_slice %arg6[%dma_wait3A, %dma_wait3A_72] : memref<128x128xf32, #tpu.memory_space<vmem>> -> memref<16x128xf32, #tpu.memory_space<vmem>>
        %dma_wait3A_74 = arith.constant 9984 : i32
        %dma_wait3A_75 = arith.constant 0 : i32
        %dma_wait3A_76 = tpu.memref_slice %arg4[%arg0, %dma_wait3A_74, %dma_wait3A_75] : memref<2x10000x128xf32, #tpu.memory_space<hbm>> -> memref<1x16x128xf32, #tpu.memory_space<hbm>>
        %dma_wait3A_77 = tpu.memref_squeeze %dma_wait3A_76 : memref<1x16x128xf32, #tpu.memory_space<hbm>> -> memref<16x128xf32, #tpu.memory_space<hbm>>
        %dma_wait3A_78 = arith.constant 9984 : i32
        %dma_wait3A_79 = arith.constant 0 : i32
        %dma_wait3A_80 = tpu.memref_slice %arg4[%arg0, %dma_wait3A_78, %dma_wait3A_79] : memref<2x10000x128xf32, #tpu.memory_space<hbm>> -> memref<1x16x128xf32, #tpu.memory_space<hbm>>
        %dma_wait3A_81 = tpu.memref_squeeze %dma_wait3A_80 : memref<1x16x128xf32, #tpu.memory_space<hbm>> -> memref<16x128xf32, #tpu.memory_space<hbm>>
        %dma_wait3A_82 = arith.constant 0 : i32
        %dma_wait3A_83 = arith.constant 0 : i32
        %dma_wait3A_84 = tpu.memref_slice %arg6[%dma_wait3A_82, %dma_wait3A_83] : memref<128x128xf32, #tpu.memory_space<vmem>> -> memref<16x128xf32, #tpu.memory_space<vmem>>
        tpu.wait_dma2 semaphore(%run_scoped3A : memref<!tpu.dma_semaphore, #tpu.memory_space<semaphore_mem>>) src(%dma_wait3A_84 : memref<16x128xf32, #tpu.memory_space<vmem>>) dst(%dma_wait3A_81 : memref<16x128xf32, #tpu.memory_space<hbm>>)
        tpu.yield
      }) : () -> ()
    } else {
    }
    return
  }
}

module attributes {stable_mosaic.version = 14 : i64} {
  func.func @_mm_body(%arg0: i32, %arg1: memref<1000x128xf32, #tpu.memory_space<vmem>>, %arg2: memref<128x128xf32, #tpu.memory_space<vmem>>, %arg3: memref<1x128xf32, #tpu.memory_space<vmem>>, %arg4: memref<1000x128xf32, #tpu.memory_space<vmem>>) attributes {dimension_semantics = [#tpu.dimension_semantics<arbitrary>], iteration_bounds = array<i64: 10>, scalar_prefetch = 0 : i64, scratch_operands = 0 : i64, tpu.core_type = #tpu.core_type<tc>, window_params = [{transform_indices = @transform_0, window_bounds = array<i64: 1000, 128>}, {pipeline_mode = #tpu.pipeline_mode<synchronous>, transform_indices = @transform_1, window_bounds = array<i64: 128, 128>}, {pipeline_mode = #tpu.pipeline_mode<synchronous>, transform_indices = @transform_2, window_bounds = array<i64: 1, 128>}, {transform_indices = @transform_3, window_bounds = array<i64: 1000, 128>}]} {
    %get3A = arith.constant 0 : index
    %get3A_0 = arith.constant 0 : index
    %get3A_1 = vector.load %arg1[%get3A, %get3A_0] : memref<1000x128xf32, #tpu.memory_space<vmem>>, vector<1000x128xf32>
    %get3A_2 = arith.constant 0 : index
    %get3A_3 = arith.constant 0 : index
    %get3A_4 = vector.load %arg2[%get3A_2, %get3A_3] : memref<128x128xf32, #tpu.memory_space<vmem>>, vector<128x128xf32>
    %dot_general3A = arith.constant dense<0.000000e+00> : vector<1000x128xf32>
    %dot_general3A_5 = tpu.matmul %get3A_1, %get3A_4, %dot_general3A {dimension_numbers = #tpu.dot_dimension_numbers<[1], [0], [0], [1], [0, 0, 1, 1], [], []>, transpose_lhs_hint = false} : vector<1000x128xf32>, vector<128x128xf32>, vector<1000x128xf32> -> vector<1000x128xf32>
    %get3A_6 = arith.constant 0 : index
    %get3A_7 = arith.constant 0 : index
    %get3A_8 = vector.load %arg3[%get3A_6, %get3A_7] : memref<1x128xf32, #tpu.memory_space<vmem>>, vector<1x128xf32>
    %add3A = vector.broadcast %get3A_8 : vector<1x128xf32> to vector<1000x128xf32>
    %add3A_9 = arith.addf %dot_general3A_5, %add3A : vector<1000x128xf32>
    %swap3A = arith.constant 0 : index
    %swap3A_10 = arith.constant 0 : index
    %swap3A_11 = vector.load %arg4[%swap3A, %swap3A_10] : memref<1000x128xf32, #tpu.memory_space<vmem>>, vector<1000x128xf32>
    tpu.vector_store %arg4[%swap3A, %swap3A_10], %add3A_9 {strides = array<i32>} : memref<1000x128xf32, #tpu.memory_space<vmem>>, vector<1000x128xf32>,
    return
  }
  func.func @transform_0(%arg0: i32) -> (i32, i32) {
    %c0_i32 = arith.constant 0 : i32
    %c0_i32_0 = arith.constant 0 : i32
    return %arg0, %c0_i32 : i32, i32
  }
  func.func @transform_1(%arg0: i32) -> (i32, i32) {
    %c0_i32 = arith.constant 0 : i32
    %c0_i32_0 = arith.constant 0 : i32
    %c0_i32_1 = arith.constant 0 : i32
    return %c0_i32, %c0_i32_0 : i32, i32
  }
  func.func @transform_2(%arg0: i32) -> (i32, i32) {
    %c0_i32 = arith.constant 0 : i32
    %c0_i32_0 = arith.constant 0 : i32
    %c0_i32_1 = arith.constant 0 : i32
    return %c0_i32, %c0_i32_0 : i32, i32
  }
  func.func @transform_3(%arg0: i32) -> (i32, i32) {
    %c0_i32 = arith.constant 0 : i32
    %c0_i32_0 = arith.constant 0 : i32
    return %arg0, %c0_i32 : i32, i32
  }
}

module attributes {stable_mosaic.version = 14 : i64} {
  func.func @_add_body(%arg0: i32, %arg1: memref<2x1000x128xf32, #tpu.memory_space<vmem>>, %arg2: memref<1000x128xf32, #tpu.memory_space<vmem>>) attributes {dimension_semantics = [#tpu.dimension_semantics<arbitrary>], iteration_bounds = array<i64: 10>, scalar_prefetch = 0 : i64, scratch_operands = 0 : i64, tpu.core_type = #tpu.core_type<tc>, window_params = [{transform_indices = @transform_0, window_bounds = array<i64: 2, 1000, 128>}, {transform_indices = @transform_1, window_bounds = array<i64: 1000, 128>}]} {
    %get3A = arith.constant 0 : index
    %get3A_0 = arith.constant 0 : index
    %get3A_1 = arith.constant 0 : index
    %get3A_2 = vector.load %arg1[%get3A, %get3A_0, %get3A_1] : memref<2x1000x128xf32, #tpu.memory_space<vmem>>, vector<1x1000x128xf32>
    %get3A_3 = vector.shape_cast %get3A_2 : vector<1x1000x128xf32> to vector<1000x128xf32>
    %get3A_4 = arith.constant 1 : index
    %get3A_5 = arith.constant 0 : index
    %get3A_6 = arith.constant 0 : index
    %get3A_7 = vector.load %arg1[%get3A_4, %get3A_5, %get3A_6] : memref<2x1000x128xf32, #tpu.memory_space<vmem>>, vector<1x1000x128xf32>
    %get3A_8 = vector.shape_cast %get3A_7 : vector<1x1000x128xf32> to vector<1000x128xf32>
    %add3A = arith.addf %get3A_3, %get3A_8 : vector<1000x128xf32>
    %swap3A = arith.constant 0 : index
    %swap3A_9 = arith.constant 0 : index
    %swap3A_10 = vector.load %arg2[%swap3A, %swap3A_9] : memref<1000x128xf32, #tpu.memory_space<vmem>>, vector<1000x128xf32>
    tpu.vector_store %arg2[%swap3A, %swap3A_9], %add3A {strides = array<i32>} : memref<1000x128xf32, #tpu.memory_space<vmem>>, vector<1000x128xf32>,
    return
  }
  func.func @transform_0(%arg0: i32) -> (i32, i32, i32) {
    %c0_i32 = arith.constant 0 : i32
    %c0_i32_0 = arith.constant 0 : i32
    %c0_i32_1 = arith.constant 0 : i32
    return %c0_i32, %arg0, %c0_i32_0 : i32, i32, i32
  }
  func.func @transform_1(%arg0: i32) -> (i32, i32) {
    %c0_i32 = arith.constant 0 : i32
    %c0_i32_0 = arith.constant 0 : i32
    return %arg0, %c0_i32 : i32, i32
  }
}

</mosaic_0001>

<sc_bundles>
// kernel: kernel.5.cloned.1.call-start
scs
__scs_entry_jumppad:
0x0: {  	(pc) =	sbr.rel $0x88, $3  }
0x1: {  	(tag) =	ssettag $0x0;
	lr =	simm.s32 $0x1  }
0x2: {  	[smem:$0x3F9C] =	sst lr;
	_ =	strace $0xD0000000  }
0x3: {  	_ = 	snop  }
0x4: {  	_ = 	snop  }
0x5: {  	_ = 	snop  }
0x6: {  	_ = 	snop  }
0x7: {  	_ = 	snop  }
__scs_overlays_trampoline_lowered:
0x8: {  	[smem:$0x3FAB] =	sst s0  }
0x9: {  	[smem:$0x3FAC] =	sst s1  }
0xa: {  	[smem:$0x3FAD] =	sst s2  }
0xb: {  	[smem:$0x3FAE] =	sst s3  }
0xc: {  	[smem:$0x3FAF] =	sst s4  }
0xd: {  	[smem:$0x3FB0] =	sst s5  }
0xe: {  	[smem:$0x3FB1] =	sst s6  }
0xf: {  	[smem:$0x3FB2] =	sst s7  }
0x10: {  	[smem:$0x3FB3] =	sst s8  }
0x11: {  	[smem:$0x3FB4] =	sst s9;
	s0 =	simm.s32 @!p0 $0x0  }
0x12: {  	s1 =	sld [smem:$0x3F9A];
	s0 =	simm.s32 @p0 $0x1  }
0x13: {  	[smem:$0x3FB5] =	sst s0;
	s0 =	simm.s32 @!p1 $0x0  }
0x14: {  	s2 =	sld [smem:$0x3F99];
	s0 =	simm.s32 @p1 $0x1  }
0x15: {  	[smem:$0x3FB6] =	sst s0;
	s0 =	simm.s32 @!p2 $0x0  }
0x16: {  	s3 =	sld [smem:$0x3FDB];
	s0 =	simm.s32 @p2 $0x1  }
0x17: {  	s4 =	simm.s32 $0x1BF5;
	[smem:$0x3FB8] =	sst s0  }
0x18: {  	s0 =	sld [smem:$0x3F9B];
	_ =	swait.ge [sflag:s4], $0x0  }
0x19: {  	s7 =	sld [smem:$0x3F9C]  }
0x1a: {  	s8 =	sadd.s32 $0xFFFFE003, lr  }
0x1b: {  	s9 =	sadd.s32 $0xFFFFFEF7, lr;
	s5 =	simm.s32 $0xFFFFFFFF;
	p2 =	slt.u32 s8, $0xFFFFF086  }
0x1c: {  	p1 =	slt.u32 s9, $0xF7A;
	s5 =	simm.s32 @!p2 $0x0  }
0x1d: {  	s5 =	simm.s32 @p1 $0x1;
	p0 =	seq.s32 s7, s2  }
0x1e: {  	s7 =	smul.u32 @!p0 $0xF7A, s2;
	p2 =	seq.s32 @!p0 s5, $0x0  }
0x1f: {  	s9 =	smul.u32 $0xF7A, s1;
	s8 =	simm.s32 @!p0 $0x1BF5;
	p2 =	por !p2, p0  }
0x20: {  	[sflag:s8] =	ssyncset.s32 @!p0 $0xFFFFF086;
	s6 =	sadd.s32 @!p0 s3, s7;
	s7 =	simm.s32 @!p0 $0x108  }
0x21: {  	s3 =	sadd.s32 s3, s9;
	s6 =	sadd.s32 @!p0 $0x88, s6;
	s7 =	simm.s32 @p2 $0x1082  }
0x22: {  	[simem:s7], [sflag:s8] =	dma.local @!p0 [hbm:s6], $0xF7A  }
0x23: {  	s9 =	sor.u32 $0xD0000000, s2;
	s6 =	simm.s32 $0x108;
	_ =	swait.ge @!p0 [sflag:s8], $0x0  }
0x24: {  	s3 =	sadd.s32 $0x88, s3;
	s6 =	simm.s32 @!p1 $0x1082;
	[sflag:s4] =	ssyncset.s32 $0xFFFFF086  }
0x25: {  	[simem:s6], [sflag:s4] =	dma.local [hbm:s3], $0xF7A  }
0x26: {  	[smem:$0x3F9C] =	sst s1;
	(tag) =	ssettag s2;
	_ =	strace s9  }
0x27: {  	s1 =	sld [smem:$0x3FAC]  }
0x28: {  	s2 =	sld [smem:$0x3FAD]  }
0x29: {  	s4 =	sld [smem:$0x3FAF]  }
0x2a: {  	p0 =	seq.s32 s5, $0x0;
	s5 =	sld [smem:$0x3FB0]  }
0x2b: {  	s6 =	sld [smem:$0x3FB1]  }
0x2c: {  	s7 =	sld [smem:$0x3FB2]  }
0x2d: {  	s3 =	simm.s32 $0x108;
	s8 =	sld [smem:$0x3FB3]  }
0x2e: {  	s3 =	simm.s32 @!p0 $0x1082;
	s9 =	sld [smem:$0x3FB4]  }
0x2f: {  	lr =	sadd.s32 s0, s3;
	s0 =	sld [smem:$0x3FAB]  }
0x30: {  	s3 =	sld [smem:$0x3FAE]  }
0x31: {  	[smem:$0x3FB7] =	sst s10  }
0x32: {  	s10 =	sld [smem:$0x3FB5];
	_ =	sdelay $0x3  }
0x33: {  	p0 =	seq.s32 s10, $0x1;
	s10 =	sld [smem:$0x3FB7];
	_ =	sdelay $0x3  }
0x34: {  	[smem:$0x3FB7] =	sst s10  }
0x35: {  	s10 =	sld [smem:$0x3FB6];
	_ =	sdelay $0x3  }
0x36: {  	p1 =	seq.s32 s10, $0x1;
	s10 =	sld [smem:$0x3FB7];
	_ =	sdelay $0x3  }
0x37: {  	[smem:$0x3FB7] =	sst s10  }
0x38: {  	s10 =	sld [smem:$0x3FB8]  }
0x39: {  	_ = 	snop;
	(pc) =	sbr.ind lr, $3  }
0x3a: {  	_ = 	snop  }
0x3b: {  	_ = 	snop  }
0x3c: {  	p2 =	seq.s32 s10, $0x1;
	s10 =	sld [smem:$0x3FB7]  }
0x3d: {  	_ =	shalt  }
0x3e: {  	_ =	shalt  }
0x3f: {  	_ =	shalt  }
0x40: {  	_ =	shalt  }
0x41: {  	_ =	shalt  }
0x42: {  	_ =	shalt  }
0x43: {  	_ =	shalt  }
0x44: {  	_ =	shalt  }
0x45: {  	_ =	shalt  }
0x46: {  	_ =	shalt  }
0x47: {  	_ =	shalt  }
0x48: {  	_ =	shalt  }
0x49: {  	_ =	shalt  }
0x4a: {  	_ =	shalt  }
0x4b: {  	_ =	shalt  }
0x4c: {  	_ =	shalt  }
0x4d: {  	_ =	shalt  }
0x4e: {  	_ =	shalt  }
0x4f: {  	_ =	shalt  }
0x50: {  	_ =	shalt  }
0x51: {  	_ =	shalt  }
0x52: {  	_ =	shalt  }
0x53: {  	_ =	shalt  }
0x54: {  	_ =	shalt  }
0x55: {  	_ =	shalt  }
0x56: {  	_ =	shalt  }
0x57: {  	_ =	shalt  }
0x58: {  	_ =	shalt  }
0x59: {  	_ =	shalt  }
0x5a: {  	_ =	shalt  }
0x5b: {  	_ =	shalt  }
0x5c: {  	_ =	shalt  }
0x5d: {  	_ =	shalt  }
0x5e: {  	_ =	shalt  }
0x5f: {  	_ =	shalt  }
0x60: {  	_ =	shalt  }
0x61: {  	_ =	shalt  }
0x62: {  	_ =	shalt  }
0x63: {  	_ =	shalt  }
0x64: {  	_ =	shalt  }
0x65: {  	_ =	shalt  }
0x66: {  	_ =	shalt  }
0x67: {  	_ =	shalt  }
0x68: {  	_ =	shalt  }
0x69: {  	_ =	shalt  }
0x6a: {  	_ =	shalt  }
0x6b: {  	_ =	shalt  }
0x6c: {  	_ =	shalt  }
0x6d: {  	_ =	shalt  }
0x6e: {  	_ =	shalt  }
0x6f: {  	_ =	shalt  }
0x70: {  	_ =	shalt  }
0x71: {  	_ =	shalt  }
0x72: {  	_ =	shalt  }
0x73: {  	_ =	shalt  }
0x74: {  	_ =	shalt  }
0x75: {  	_ =	shalt  }
0x76: {  	_ =	shalt  }
0x77: {  	_ =	shalt  }
0x78: {  	_ =	shalt  }
0x79: {  	_ =	shalt  }
0x7a: {  	_ =	shalt  }
0x7b: {  	_ =	shalt  }
0x7c: {  	_ =	shalt  }
0x7d: {  	_ =	shalt  }
0x7e: {  	_ =	shalt  }
0x7f: {  	_ =	shalt  }
0x80: {  	_ =	shalt  }
0x81: {  	_ =	shalt  }
0x82: {  	_ =	shalt  }
0x83: {  	_ =	shalt  }
0x84: {  	_ =	shalt  }
0x85: {  	_ =	shalt  }
0x86: {  	_ =	shalt  }
0x87: {  	_ =	shalt  }
.Lfunc_end0:
.L_simem_size_0:
called_computation_lowered:
.L_overlay_start_0:
0x88: {  	s2 =	sld [smem:$0x3FD9]  }
0x89: {  	s3 =	sld [smem:$0x3FFE];
	_ =	sdelay $0x1  }
0x8a: {  	s1 =	srdreg.scid  }
0x8b: {  	s0 =	sand.u32 $0x1, s1  }
0x8c: {  	s17 =	sshll.u32 s0, $0xA;
	s2 =	sadd.s32 s3, s2  }
0x8d: {  	s2 =	sadd.s32 s2, s17  }
0x8e: {  	[smem:$0x3FC3] =	sst s2  }
0x8f: {  	_ = 	snop  }
0x90: {  	s2 =	sld [smem:$0x3FD0];
	(tm) =	ssettm $0x1  }
0x91: {  	s18 =	sld [smem:$0x3FFB];
	_ =	sdelay $0x3  }
0x92: {  	_ =	strace s18  }
0x93: {  	s3 =	sld [smem:$0x3FFC];
	_ =	sdelay $0x3  }
0x94: {  	_ =	strace s3  }
0x95: {  	s3 =	sld [smem:$0x3FFD];
	_ =	sdelay $0x3  }
0x96: {  	_ =	strace s3  }
0x97: {  	_ =	strace $0x8FFFFFFF  }
0x98: {  	s19 =	sld [smem:$0x3FDB];
	_ =	sdelay $0x1  }
0x99: {  	s4 =	simm.s32 $_scs_section_size  }
0x9a: {  	s5 =	simm.s32 $_size__tile_overlayer_lowered;
	s6 =	simm.s32 $_tile_overlayer_lowered  }
0x9b: {  	s22 =	simm.s32 $0x1BFF;
	s21 =	sshll.u32 s6, $0x1;
	s3 =	sadd.s32 s4, s19  }
0x9c: {  	s7 =	simm.s32 $0x0;
	s20 =	sshll.u32 s5, $0x1;
	s5 =	sadd.s32 s21, s3  }
0x9d: {  	[timem:s7], [sflag:s22] =	dma.local [hbm:s5], s20  }
0x9e: {  	_ =	swait.ge [sflag:s22], s20  }
0x9f: {  	s4 =	ssub.s32 $0x0, s20;
	[sflag:s22] =	ssyncset.done $0x0  }
0xa0: {  	[sflag:s22] =	ssyncadd.s32 s4;
	_ =	sdelay $0x1  }
0xa1: {  	s23 =	simm.s32 $0x1B8B  }
0xa2: {  	_ =	swait.ge [sflag:s23], $0x1  }
0xa3: {  	[sflag:s23] =	ssyncset.done $0x0  }
0xa4: {  	s25 =	simm.s32 $0x1B8E;
	s24 =	sld [smem:$0x3FFE];
	[sflag:s23] =	ssyncadd.s32 $0xFFFFFFFF  }
0xa5: {  	s26 =	simm.s32 $execute0_lowered;
	[smem:$0x3FD2] =	sst s25  }
0xa6: {  	s5 =	sshll.u32 s26, $0x1;
	_ =	strace $0x80000046;
	[dreg:$0x1] =	wrdreg $0xFFFFFFFF  }
0xa7: {  	s28 =	simm.s32 $_size_execute0_lowered;
	s3 =	sadd.s32 s3, s5;
	[dreg:$0x0] =	wrdreg $0x0  }
0xa8: {  	s5 =	sshll.u32 s28, $0x1;
	[dreg:$0x2] =	wrdreg s3  }
0xa9: {  	[dreg:$0x3] =	wrdreg s5  }
0xaa: {  	[dreg:$0x4] =	wrdreg $0xC0  }
0xab: {  	_ =	task [dreg:s7], $0x5FFFF  }
0xac: {  	[dreg:$0x1] =	wrdreg $0xFFFFFFFF  }
0xad: {  	[dreg:$0x0] =	wrdreg $0x60  }
0xae: {  	[dreg:$0x2] =	wrdreg s2  }
0xaf: {  	[dreg:$0x3] =	wrdreg s24  }
0xb0: {  	[dreg:$0x4] =	wrdreg $0x41800  }
0xb1: {  	[dreg:$0x5] =	wrdreg $0x9  }
0xb2: {  	_ =	task.clear_ibuf [dreg:s7], $0x6FFFF;
	_ =	strace $0x90000046  }
0xb3: {  	s29 =	simm.s32 $0x9;
	_ =	strace $0x80000048  }
0xb4: {  	_ =	swait.ge [sflag:s29], $0x1  }
0xb5: {  	[sflag:s29] =	ssyncadd.s32 $0xFFFFFFFF  }
0xb6: {  	_ =	strace $0x90000048  }
0xb7: {  	_ =	sfence  }
0xb8: {  	s30 =	sld [smem:$0x0];
	_ =	sdelay $0x2  }
0xb9: {  	s31 =	sshll.u32 s1, $0xD;
	s1 =	sshrl.u32 s1, $0x2  }
0xba: {  	s3 =	sand.u32 $0x4000, s31;
	s1 =	sadd.s32 s1, s30  }
0xbb: {  	s0 =	sor.u32 s3, s0;
	s1 =	sshll.u32 s1, $0x11  }
0xbc: {  	s0 =	sor.u32 s1, s0  }
0xbd: {  	s0 =	sadd.s32 $0x8F2B, s0  }
0xbe: {  	[sflag:s0] =	ssyncadd.remote.s32 $0x1  }
0xbf: {  	_ =	sfence.sel $0xFFFF  }
0xc0: {  	[dreg:$0x0] =	wrdreg $0xFFFFFFFF;
	(pc) =	sbr.abs _section_cstart, $3  }
0xc1: {  	[dreg:$0x1] =	wrdreg $0xFFFFFFFF  }
0xc2: {  	_ =	task.clear_ibuf [dreg:s7], $0x2FFFF;
	_ =	strace $0x9FFFFFFF  }
0xc3: {  	(tm) =	ssettm $0x7FFFFFFF  }
tec
execute0_lowered:
.L_overlay_start_1:
0x0: {  	(tag) =	ssettag $0x1  }
0x1: {  	s1 =	rddreg [dreg:$0x0]  }
0x2: {  	s5 =	rddreg [dreg:$0x1]  }
0x3: {  	s2 =	rddreg [dreg:$0x2]  }
0x4: {  	s0 =	rddreg [dreg:$0x3];
	s3 =	simm.s32 $0x0;
	s6 =	srdreg.scid  }
0x5: {  	s15 =	stileid.u32;
	s16 =	simm.s32 $0x1;
	s17 =	simm.s32 $0x0  }
0x6: {  	[smem:$0x7FF] =	sst s3;
	s4 =	sadd.s32 $0xC00, s5;
	s29 =	smul.u32 $0x3D, s15  }
0x7: {  	s8 =	sand.u32 $0x1, s6;
	s12 =	sadd.s32 $0x1E600, s5;
	s7 =	smul.u32 $0x61, s15  }
0x8: {  	s6 =	simm.s32 $0x61;
	s30 =	sshll.u32 s15, $0xE;
	_ =	strace $0x80000047  }
0x9: {  	s9 =	ssub.s32 $0x2, s8;
	p0 =	seq.s32 s8, $0x0;
	s11 =	smul.u32 $0x138800, s8  }
0xa: {  	s8 =	sadd.s32 s30, s2;
	s5 =	sadd.s32 $0x610, s29;
	s10 =	sshrl.u32 s9, $0x1  }
0xb: {  	v0 =	vimm.f32 $0.0e+00;
	v1 =	vimm.s32 $0x0;
	s6 =	simm.s32 @!p0 $0x3D;
	s5 =	smov.u32 @p0 s7;
	p0 =	slt.u32 s15, $0xE  }
0xc: {  	v2 =	vimm.s32 $0x1;
	v3 =	vimm.s32 $0x2;
	v4 =	vimm.s32 $0x3;
	s7 =	simm.s32 $0x5;
	s13 =	ssub.s32 s9, s10;
	s31 =	sshrl.u32 s11, $0x3  }
0xd: {  	v5 =	vimm.s32 $0x4;
	v6 =	vimm.s32 $0x5;
	v7 =	vimm.s32 $0x6;
	s11 =	sadd.s32 s30, s11;
	s9 =	sadd.s32 $0x138000, s2;
	s7 =	simm.s32 @!p0 $0x4  }
0xe: {  	v8 =	vimm.s32 $0x7;
	v9 =	vimm.s32 $0x8;
	v10 =	vimm.s32 $0x9;
	s10 =	sadd.s32 s12, s31;
	s14 =	sshrl.u32 s11, $0x3;
	s11 =	smax.u32 s13, $0x1  }
0xf: {  	v11 =	vimm.s32 $0xA;
	v12 =	vimm.s32 $0xB;
	v13 =	vimm.s32 $0xC;
	s13 =	simm.s32 $0x180;
	p0 =	sne.s32 s15, $0x0;
	s15 =	simm.s32 $0x80  }
0x10: {  	v14 =	vimm.s32 $0xD;
	v15 =	vimm.s32 $0xE;
	v16 =	vimm.s32 $0xF;
	s10 =	sadd.s32 $0x27000, s10;
	s12 =	sadd.s32 s14, s12;
	s14 =	simm.s32 $0x2  }
.LBB2_1:
0x11: {  	s18 =	simm.s32 $0x0;
	s19 =	simm.s32 $0x200  }
.LBB2_2:
0x12: {  	p1 =	sne.s32 s19, $0xFE00;
	[tilespmem:s18+$0x1F0] =	vst v0  }
0x13: {  	[tilespmem:s18+$0x180] =	vst v0  }
0x14: {  	[tilespmem:s18+$0x190] =	vst v0  }
.Ltmp0:
0x15: {  	[tilespmem:s18+$0x1A0] =	vst v0;
	(pc) =	sbr.rel @p1 .LBB2_2-.Ltmp0, $4  }
0x16: {  	[tilespmem:s18+$0x1B0] =	vst v0  }
0x17: {  	[tilespmem:s18+$0x1C0] =	vst v0  }
0x18: {  	[tilespmem:s18+$0x1D0] =	vst v0  }
0x19: {  	[tilespmem:s18+$0x1E0] =	vst v0;
	s18 =	sshra.s32 s19, $0x2;
	s19 =	sadd.s32 $0x200, s19  }
0x1a: {  	[tilespmem:s18+$0x1F0] =	vst v0  }
0x1b: {  	[tilespmem:s18+$0x180] =	vst v0  }
0x1c: {  	[tilespmem:s18+$0x190] =	vst v0  }
0x1d: {  	[tilespmem:s18+$0x1A0] =	vst v0  }
0x1e: {  	[tilespmem:s18+$0x1B0] =	vst v0  }
0x1f: {  	[tilespmem:s18+$0x1C0] =	vst v0;
	p1 =	sne.s32 s7, $0x1  }
.Ltmp1:
0x20: {  	[tilespmem:s18+$0x1D0] =	vst v0;
	(pc) =	sbr.rel @!p1 .LBB2_5-.Ltmp1, $4  }
0x21: {  	[tilespmem:s18+$0x1E0] =	vst v0  }
0x22: {  	[spmem:s8] =	stream.linear.scatter [tilespmem:s13], [sflag:$0x2], $0x4000, $0x38;
	[tilespmem:$0x17A00] =	vst v63  }
0x23: {  	_ =	swait.ge [sflag:s14], $0x4000  }
0x24: {  	s18 =	sadd.s32 $0xFFFFFFFF, s7;
	s19 =	smov.u32 s8;
	[sflag:s14] =	ssyncset.done $0x0  }
.LBB2_4:
0x25: {  	p2 =	sne.s32 s18, $0x1;
	[sflag:s14] =	ssyncadd.s32 $0xFFFFC000;
	s19 =	sadd.s32 $0x40000, s19  }
.Ltmp2:
0x26: {  	s18 =	sadd.s32 $0xFFFFFFFF, s18;
	(pc) =	sbr.rel @p2 .LBB2_4-.Ltmp2, $4  }
0x27: {  	_ = 	snop  }
0x28: {  	[spmem:s19] =	stream.linear.scatter [tilespmem:s13], [sflag:$0x2], $0x4000, $0x38;
	[tilespmem:$0x17A00] =	vst v63  }
0x29: {  	_ =	swait.ge [sflag:s14], $0x4000  }
0x2a: {  	[sflag:s14] =	ssyncset.done $0x0  }
.LBB2_5:
0x2b: {  	[sflag:s14] =	ssyncadd.s32 $0xFFFFC000;
	s18 =	simm.s32 @!p0 $0x180  }
0x2c: {  	[spmem:s9] =	stream.linear.scatter @!p0 [tilespmem:s18], [sflag:$0x2], $0x800, $0x38;
	[tilespmem:$0x17A00] =	vst v63  }
0x2d: {  	s18 =	simm.s32 @!p0 $0x2  }
0x2e: {  	_ =	swait.ge @!p0 [sflag:s18], $0x800  }
0x2f: {  	[sflag:s18] =	ssyncset.done @!p0 $0x0  }
0x30: {  	[sflag:s18] =	ssyncadd.s32 @!p0 $0xFFFFF800  }
0x31: {  	s19 =	simm.s32 $0x0;
	s18 =	simm.s32 $0x0;
	[bflag:$0x0] =	sbarrier.arrive $0xFFFF  }
.LBB2_6:
0x32: {  	s20 =	sadd.s32 s5, s19  }
0x33: {  	s20 =	smul.u32 $0x30, s20;
	_ =	sdelay $0x1  }
0x34: {  	s20 =	sadd.s32 s4, s20  }
0x35: {  	[tilespmem:s18], [sflag:$0x2] =	stream.linear.gather [hbm4b:s20+s18], $0x180, $0x38;
	[tilespmem:$0x17A00] =	vst v63  }
0x36: {  	_ =	swait.ge [sflag:s14], $0x180  }
0x37: {  	[sflag:s14] =	ssyncset.done $0x0  }
0x38: {  	[sflag:s14] =	ssyncadd.s32 $0xFFFFFE80  }
0x39: {  	[tilespmem:s13], [sflag:$0x2] =	stream.indirect.gather [hbm4b:s1+s15], $0x80, s18, s15, $0xb8;
	[tilespmem:$0x17A00] =	vst v63  }
0x3a: {  	_ =	swait.ge [sflag:s14], $0x4000  }
0x3b: {  	[sflag:s14] =	ssyncset.done $0x0  }
0x3c: {  	s20 =	simm.s32 $0x0;
	[sflag:s14] =	ssyncadd.s32 $0xFFFFC000  }
.LBB2_7:
0x3d: {  	s21 =	sshll.u32 s20, $0x4  }
0x3e: {  	s21 =	sand.u32 $0x3FFFFFF0, s21  }
0x3f: {  	s31 =	sshll.u32 s20, $0xB;
	v17 =	vld [tilespmem:s21+$0x100]  }
0x40: {  	s21 =	sand.u32 $0x3FFFF800, s31  }
0x41: {  	v18 =	vld [tilespmem:s21+$0x180]  }
0x42: {  	v19 =	vld [tilespmem:s21+$0x190]  }
0x43: {  	v20 =	vld [tilespmem:s21+$0x1A0]  }
0x44: {  	v22 =	vld [tilespmem:s21+$0x1B0];
	v21 =	vperm.xlane v17, v1  }
0x45: {  	v23 =	vld [tilespmem:s21+$0x1C0]  }
0x46: {  	v24 =	vld [tilespmem:s21+$0x1D0];
	v18 =	vmul.f32 v18, v21  }
0x47: {  	v25 =	vld [tilespmem:s21+$0x1E0];
	v19 =	vmul.f32 v19, v21  }
0x48: {  	v38 =	vld [tilespmem:s21+$0x1F0];
	[tilespmem:s21+$0x180] =	vst v18;
	v18 =	vmul.f32 v20, v21  }
0x49: {  	v39 =	vld [tilespmem:s21+$0x200];
	[tilespmem:s21+$0x190] =	vst v19;
	v19 =	vmul.f32 v22, v21  }
0x4a: {  	v40 =	vld [tilespmem:s21+$0x210];
	[tilespmem:s21+$0x1A0] =	vst v18;
	v18 =	vmul.f32 v23, v21  }
0x4b: {  	v41 =	vld [tilespmem:s21+$0x220];
	[tilespmem:s21+$0x1B0] =	vst v19;
	v19 =	vmul.f32 v24, v21  }
0x4c: {  	v26 =	vld [tilespmem:s21+$0x230];
	v42 =	vperm.xlane v17, v2;
	[tilespmem:s21+$0x1C0] =	vst v18;
	v18 =	vmul.f32 v25, v21  }
0x4d: {  	v43 =	vld [tilespmem:s21+$0x240];
	[tilespmem:s21+$0x1D0] =	vst v19;
	v19 =	vmul.f32 v38, v21  }
0x4e: {  	v44 =	vld [tilespmem:s21+$0x250];
	[tilespmem:s21+$0x1E0] =	vst v18;
	v18 =	vmul.f32 v39, v42  }
0x4f: {  	v45 =	vld [tilespmem:s21+$0x260];
	[tilespmem:s21+$0x1F0] =	vst v19;
	v19 =	vmul.f32 v40, v42  }
0x50: {  	v46 =	vld [tilespmem:s21+$0x270];
	[tilespmem:s21+$0x200] =	vst v18;
	v18 =	vmul.f32 v41, v42  }
0x51: {  	v47 =	vld [tilespmem:s21+$0x280];
	[tilespmem:s21+$0x210] =	vst v19;
	v19 =	vmul.f32 v26, v42  }
0x52: {  	v48 =	vld [tilespmem:s21+$0x290];
	[tilespmem:s21+$0x220] =	vst v18;
	v18 =	vmul.f32 v43, v42  }
0x53: {  	v49 =	vld [tilespmem:s21+$0x2A0];
	[tilespmem:s21+$0x230] =	vst v19;
	v19 =	vmul.f32 v44, v42  }
0x54: {  	v51 =	vld [tilespmem:s21+$0x2B0];
	v50 =	vperm.xlane v17, v3;
	[tilespmem:s21+$0x240] =	vst v18;
	v18 =	vmul.f32 v45, v42  }
0x55: {  	v52 =	vld [tilespmem:s21+$0x2C0];
	[tilespmem:s21+$0x250] =	vst v19;
	v19 =	vmul.f32 v46, v42  }
0x56: {  	v53 =	vld [tilespmem:s21+$0x2D0];
	[tilespmem:s21+$0x260] =	vst v18;
	v18 =	vmul.f32 v47, v50  }
0x57: {  	v54 =	vld [tilespmem:s21+$0x2E0];
	[tilespmem:s21+$0x270] =	vst v19;
	v19 =	vmul.f32 v48, v50  }
0x58: {  	v55 =	vld [tilespmem:s21+$0x2F0];
	[tilespmem:s21+$0x280] =	vst v18;
	v18 =	vmul.f32 v49, v50  }
0x59: {  	v56 =	vld [tilespmem:s21+$0x300];
	[tilespmem:s21+$0x290] =	vst v19;
	v19 =	vmul.f32 v51, v50  }
0x5a: {  	v57 =	vld [tilespmem:s21+$0x310];
	[tilespmem:s21+$0x2A0] =	vst v18;
	v18 =	vmul.f32 v52, v50  }
0x5b: {  	v58 =	vld [tilespmem:s21+$0x320];
	[tilespmem:s21+$0x2B0] =	vst v19;
	v19 =	vmul.f32 v53, v50  }
0x5c: {  	v60 =	vld [tilespmem:s21+$0x330];
	v59 =	vperm.xlane v17, v4;
	[tilespmem:s21+$0x2C0] =	vst v18;
	v18 =	vmul.f32 v54, v50  }
0x5d: {  	v61 =	vld [tilespmem:s21+$0x340];
	[tilespmem:s21+$0x2D0] =	vst v19;
	v19 =	vmul.f32 v55, v50  }
0x5e: {  	v62 =	vld [tilespmem:s21+$0x350];
	[tilespmem:s21+$0x2E0] =	vst v18;
	v18 =	vmul.f32 v56, v59  }
0x5f: {  	v63 =	vld [tilespmem:s21+$0x360];
	[tilespmem:s21+$0x2F0] =	vst v19;
	v19 =	vmul.f32 v57, v59  }
0x60: {  	v28 =	vld [tilespmem:s21+$0x370];
	[tilespmem:s21+$0x300] =	vst v18;
	v18 =	vmul.f32 v58, v59  }
0x61: {  	v29 =	vld [tilespmem:s21+$0x380];
	[tilespmem:s21+$0x310] =	vst v19;
	v19 =	vmul.f32 v60, v59  }
0x62: {  	v30 =	vld [tilespmem:s21+$0x390];
	[tilespmem:s21+$0x320] =	vst v18;
	v18 =	vmul.f32 v61, v59  }
0x63: {  	v31 =	vld [tilespmem:s21+$0x3A0];
	[tilespmem:s21+$0x330] =	vst v19;
	v19 =	vmul.f32 v62, v59  }
0x64: {  	v33 =	vld [tilespmem:s21+$0x3B0];
	v32 =	vperm.xlane v17, v5;
	[tilespmem:s21+$0x340] =	vst v18;
	v18 =	vmul.f32 v63, v59  }
0x65: {  	v34 =	vld [tilespmem:s21+$0x3C0];
	[tilespmem:s21+$0x350] =	vst v19;
	v19 =	vmul.f32 v28, v59  }
0x66: {  	v35 =	vld [tilespmem:s21+$0x3D0];
	[tilespmem:s21+$0x360] =	vst v18;
	v18 =	vmul.f32 v29, v32  }
0x67: {  	v36 =	vld [tilespmem:s21+$0x3E0];
	[tilespmem:s21+$0x370] =	vst v19;
	v19 =	vmul.f32 v30, v32  }
0x68: {  	v37 =	vld [tilespmem:s21+$0x3F0];
	[tilespmem:s21+$0x380] =	vst v18;
	v18 =	vmul.f32 v31, v32  }
0x69: {  	v38 =	vld [tilespmem:s21+$0x400];
	[tilespmem:s21+$0x390] =	vst v19;
	v19 =	vmul.f32 v33, v32  }
0x6a: {  	v39 =	vld [tilespmem:s21+$0x410];
	[tilespmem:s21+$0x3A0] =	vst v18;
	v18 =	vmul.f32 v34, v32  }
0x6b: {  	v40 =	vld [tilespmem:s21+$0x420];
	[tilespmem:s21+$0x3B0] =	vst v19;
	v19 =	vmul.f32 v35, v32  }
0x6c: {  	v41 =	vperm.xlane v17, v6;
	v42 =	vld [tilespmem:s21+$0x430];
	[tilespmem:s21+$0x3C0] =	vst v18;
	v18 =	vmul.f32 v36, v32  }
0x6d: {  	v43 =	vld [tilespmem:s21+$0x440];
	[tilespmem:s21+$0x3D0] =	vst v19;
	v19 =	vmul.f32 v37, v32  }
0x6e: {  	v44 =	vld [tilespmem:s21+$0x450];
	[tilespmem:s21+$0x3E0] =	vst v18;
	v18 =	vmul.f32 v38, v41  }
0x6f: {  	v45 =	vld [tilespmem:s21+$0x460];
	[tilespmem:s21+$0x3F0] =	vst v19;
	v19 =	vmul.f32 v39, v41  }
0x70: {  	v46 =	vld [tilespmem:s21+$0x470];
	[tilespmem:s21+$0x400] =	vst v18;
	v18 =	vmul.f32 v40, v41  }
0x71: {  	v47 =	vld [tilespmem:s21+$0x480];
	[tilespmem:s21+$0x410] =	vst v19;
	v19 =	vmul.f32 v42, v41  }
0x72: {  	v48 =	vld [tilespmem:s21+$0x490];
	[tilespmem:s21+$0x420] =	vst v18;
	v18 =	vmul.f32 v43, v41  }
0x73: {  	v49 =	vld [tilespmem:s21+$0x4A0];
	[tilespmem:s21+$0x430] =	vst v19;
	v19 =	vmul.f32 v44, v41  }
0x74: {  	v51 =	vld [tilespmem:s21+$0x4B0];
	v50 =	vperm.xlane v17, v7;
	[tilespmem:s21+$0x440] =	vst v18;
	v18 =	vmul.f32 v45, v41  }
0x75: {  	v52 =	vld [tilespmem:s21+$0x4C0];
	[tilespmem:s21+$0x450] =	vst v19;
	v19 =	vmul.f32 v46, v41  }
0x76: {  	v53 =	vld [tilespmem:s21+$0x4D0];
	[tilespmem:s21+$0x460] =	vst v18;
	v18 =	vmul.f32 v47, v50  }
0x77: {  	v54 =	vld [tilespmem:s21+$0x4E0];
	[tilespmem:s21+$0x470] =	vst v19;
	v19 =	vmul.f32 v48, v50  }
0x78: {  	v55 =	vld [tilespmem:s21+$0x4F0];
	[tilespmem:s21+$0x480] =	vst v18;
	v18 =	vmul.f32 v49, v50  }
0x79: {  	v56 =	vld [tilespmem:s21+$0x500];
	[tilespmem:s21+$0x490] =	vst v19;
	v19 =	vmul.f32 v51, v50  }
0x7a: {  	v57 =	vld [tilespmem:s21+$0x510];
	[tilespmem:s21+$0x4A0] =	vst v18;
	v18 =	vmul.f32 v52, v50  }
0x7b: {  	v58 =	vld [tilespmem:s21+$0x520];
	[tilespmem:s21+$0x4B0] =	vst v19;
	v19 =	vmul.f32 v53, v50  }
0x7c: {  	v60 =	vld [tilespmem:s21+$0x530];
	v59 =	vperm.xlane v17, v8;
	[tilespmem:s21+$0x4C0] =	vst v18;
	v18 =	vmul.f32 v54, v50  }
0x7d: {  	v61 =	vld [tilespmem:s21+$0x540];
	[tilespmem:s21+$0x4D0] =	vst v19;
	v19 =	vmul.f32 v55, v50  }
0x7e: {  	v62 =	vld [tilespmem:s21+$0x550];
	[tilespmem:s21+$0x4E0] =	vst v18;
	v18 =	vmul.f32 v56, v59  }
0x7f: {  	v63 =	vld [tilespmem:s21+$0x560];
	[tilespmem:s21+$0x4F0] =	vst v19;
	v19 =	vmul.f32 v57, v59  }
0x80: {  	v28 =	vld [tilespmem:s21+$0x570];
	[tilespmem:s21+$0x500] =	vst v18;
	v18 =	vmul.f32 v58, v59  }
0x81: {  	v29 =	vld [tilespmem:s21+$0x580];
	[tilespmem:s21+$0x510] =	vst v19;
	v19 =	vmul.f32 v60, v59  }
0x82: {  	v30 =	vld [tilespmem:s21+$0x590];
	[tilespmem:s21+$0x520] =	vst v18;
	v18 =	vmul.f32 v61, v59  }
0x83: {  	v31 =	vld [tilespmem:s21+$0x5A0];
	[tilespmem:s21+$0x530] =	vst v19;
	v19 =	vmul.f32 v62, v59  }
0x84: {  	v33 =	vld [tilespmem:s21+$0x5B0];
	v32 =	vperm.xlane v17, v9;
	[tilespmem:s21+$0x540] =	vst v18;
	v18 =	vmul.f32 v63, v59  }
0x85: {  	v34 =	vld [tilespmem:s21+$0x5C0];
	[tilespmem:s21+$0x550] =	vst v19;
	v19 =	vmul.f32 v28, v59  }
0x86: {  	v35 =	vld [tilespmem:s21+$0x5D0];
	[tilespmem:s21+$0x560] =	vst v18;
	v18 =	vmul.f32 v29, v32  }
0x87: {  	v36 =	vld [tilespmem:s21+$0x5E0];
	[tilespmem:s21+$0x570] =	vst v19;
	v19 =	vmul.f32 v30, v32  }
0x88: {  	v37 =	vld [tilespmem:s21+$0x5F0];
	[tilespmem:s21+$0x580] =	vst v18;
	v18 =	vmul.f32 v31, v32  }
0x89: {  	v38 =	vld [tilespmem:s21+$0x600];
	[tilespmem:s21+$0x590] =	vst v19;
	v19 =	vmul.f32 v33, v32  }
0x8a: {  	v39 =	vld [tilespmem:s21+$0x610];
	[tilespmem:s21+$0x5A0] =	vst v18;
	v18 =	vmul.f32 v34, v32  }
0x8b: {  	v40 =	vld [tilespmem:s21+$0x620];
	[tilespmem:s21+$0x5B0] =	vst v19;
	v19 =	vmul.f32 v35, v32  }
0x8c: {  	v42 =	vld [tilespmem:s21+$0x630];
	v41 =	vperm.xlane v17, v10;
	[tilespmem:s21+$0x5C0] =	vst v18;
	v18 =	vmul.f32 v36, v32  }
0x8d: {  	v43 =	vld [tilespmem:s21+$0x640];
	[tilespmem:s21+$0x5D0] =	vst v19;
	v19 =	vmul.f32 v37, v32  }
0x8e: {  	v44 =	vld [tilespmem:s21+$0x650];
	[tilespmem:s21+$0x5E0] =	vst v18;
	v18 =	vmul.f32 v38, v41  }
0x8f: {  	v45 =	vld [tilespmem:s21+$0x660];
	[tilespmem:s21+$0x5F0] =	vst v19;
	v19 =	vmul.f32 v39, v41  }
0x90: {  	v46 =	vld [tilespmem:s21+$0x670];
	[tilespmem:s21+$0x600] =	vst v18;
	v18 =	vmul.f32 v40, v41  }
0x91: {  	v47 =	vld [tilespmem:s21+$0x680];
	[tilespmem:s21+$0x610] =	vst v19;
	v19 =	vmul.f32 v42, v41  }
0x92: {  	v48 =	vld [tilespmem:s21+$0x690];
	[tilespmem:s21+$0x620] =	vst v18;
	v18 =	vmul.f32 v43, v41  }
0x93: {  	v49 =	vld [tilespmem:s21+$0x6A0];
	[tilespmem:s21+$0x630] =	vst v19;
	v19 =	vmul.f32 v44, v41  }
0x94: {  	v51 =	vld [tilespmem:s21+$0x6B0];
	v50 =	vperm.xlane v17, v11;
	[tilespmem:s21+$0x640] =	vst v18;
	v18 =	vmul.f32 v45, v41  }
0x95: {  	v52 =	vld [tilespmem:s21+$0x6C0];
	[tilespmem:s21+$0x650] =	vst v19;
	v19 =	vmul.f32 v46, v41  }
0x96: {  	v53 =	vld [tilespmem:s21+$0x6D0];
	[tilespmem:s21+$0x660] =	vst v18;
	v18 =	vmul.f32 v47, v50  }
0x97: {  	v54 =	vld [tilespmem:s21+$0x6E0];
	[tilespmem:s21+$0x670] =	vst v19;
	v19 =	vmul.f32 v48, v50  }
0x98: {  	v55 =	vld [tilespmem:s21+$0x6F0];
	[tilespmem:s21+$0x680] =	vst v18;
	v18 =	vmul.f32 v49, v50  }
0x99: {  	v56 =	vld [tilespmem:s21+$0x700];
	[tilespmem:s21+$0x690] =	vst v19;
	v19 =	vmul.f32 v51, v50  }
0x9a: {  	v57 =	vld [tilespmem:s21+$0x710];
	[tilespmem:s21+$0x6A0] =	vst v18;
	v18 =	vmul.f32 v52, v50  }
0x9b: {  	v58 =	vld [tilespmem:s21+$0x720];
	[tilespmem:s21+$0x6B0] =	vst v19;
	v19 =	vmul.f32 v53, v50  }
0x9c: {  	v60 =	vld [tilespmem:s21+$0x730];
	v59 =	vperm.xlane v17, v12;
	[tilespmem:s21+$0x6C0] =	vst v18;
	v18 =	vmul.f32 v54, v50  }
0x9d: {  	v61 =	vld [tilespmem:s21+$0x740];
	[tilespmem:s21+$0x6D0] =	vst v19;
	v19 =	vmul.f32 v55, v50  }
0x9e: {  	v62 =	vld [tilespmem:s21+$0x750];
	[tilespmem:s21+$0x6E0] =	vst v18;
	v18 =	vmul.f32 v56, v59  }
0x9f: {  	v63 =	vld [tilespmem:s21+$0x760];
	[tilespmem:s21+$0x6F0] =	vst v19;
	v19 =	vmul.f32 v57, v59  }
0xa0: {  	v28 =	vld [tilespmem:s21+$0x770];
	[tilespmem:s21+$0x700] =	vst v18;
	v18 =	vmul.f32 v58, v59  }
0xa1: {  	v29 =	vld [tilespmem:s21+$0x780];
	[tilespmem:s21+$0x710] =	vst v19;
	v19 =	vmul.f32 v60, v59  }
0xa2: {  	v30 =	vld [tilespmem:s21+$0x790];
	[tilespmem:s21+$0x720] =	vst v18;
	v18 =	vmul.f32 v61, v59  }
0xa3: {  	v31 =	vld [tilespmem:s21+$0x7A0];
	[tilespmem:s21+$0x730] =	vst v19;
	v19 =	vmul.f32 v62, v59  }
0xa4: {  	v33 =	vld [tilespmem:s21+$0x7B0];
	v32 =	vperm.xlane v17, v13;
	[tilespmem:s21+$0x740] =	vst v18;
	v18 =	vmul.f32 v63, v59  }
0xa5: {  	v34 =	vld [tilespmem:s21+$0x7C0];
	[tilespmem:s21+$0x750] =	vst v19;
	v19 =	vmul.f32 v28, v59  }
0xa6: {  	v35 =	vld [tilespmem:s21+$0x7D0];
	[tilespmem:s21+$0x760] =	vst v18;
	v18 =	vmul.f32 v29, v32  }
0xa7: {  	v36 =	vld [tilespmem:s21+$0x7E0];
	[tilespmem:s21+$0x770] =	vst v19;
	v19 =	vmul.f32 v30, v32  }
0xa8: {  	v37 =	vld [tilespmem:s21+$0x7F0];
	[tilespmem:s21+$0x780] =	vst v18;
	v18 =	vmul.f32 v31, v32  }
0xa9: {  	v38 =	vld [tilespmem:s21+$0x800];
	[tilespmem:s21+$0x790] =	vst v19;
	v19 =	vmul.f32 v33, v32  }
0xaa: {  	v39 =	vld [tilespmem:s21+$0x810];
	[tilespmem:s21+$0x7A0] =	vst v18;
	v18 =	vmul.f32 v34, v32  }
0xab: {  	v40 =	vld [tilespmem:s21+$0x820];
	[tilespmem:s21+$0x7B0] =	vst v19;
	v19 =	vmul.f32 v35, v32  }
0xac: {  	v42 =	vld [tilespmem:s21+$0x830];
	v41 =	vperm.xlane v17, v14;
	[tilespmem:s21+$0x7C0] =	vst v18;
	v18 =	vmul.f32 v36, v32  }
0xad: {  	v43 =	vld [tilespmem:s21+$0x840];
	[tilespmem:s21+$0x7D0] =	vst v19;
	v19 =	vmul.f32 v37, v32  }
0xae: {  	v44 =	vld [tilespmem:s21+$0x850];
	[tilespmem:s21+$0x7E0] =	vst v18;
	v18 =	vmul.f32 v38, v41  }
0xaf: {  	v45 =	vld [tilespmem:s21+$0x860];
	[tilespmem:s21+$0x7F0] =	vst v19;
	v19 =	vmul.f32 v39, v41  }
0xb0: {  	v46 =	vld [tilespmem:s21+$0x870];
	[tilespmem:s21+$0x800] =	vst v18;
	v18 =	vmul.f32 v40, v41  }
0xb1: {  	v47 =	vld [tilespmem:s21+$0x880];
	[tilespmem:s21+$0x810] =	vst v19;
	v19 =	vmul.f32 v42, v41  }
0xb2: {  	v48 =	vld [tilespmem:s21+$0x890];
	[tilespmem:s21+$0x820] =	vst v18;
	v18 =	vmul.f32 v43, v41  }
0xb3: {  	v49 =	vld [tilespmem:s21+$0x8A0];
	[tilespmem:s21+$0x830] =	vst v19;
	v19 =	vmul.f32 v44, v41  }
0xb4: {  	v51 =	vld [tilespmem:s21+$0x8B0];
	v50 =	vperm.xlane v17, v15;
	[tilespmem:s21+$0x840] =	vst v18;
	v18 =	vmul.f32 v45, v41  }
0xb5: {  	v52 =	vld [tilespmem:s21+$0x8C0];
	[tilespmem:s21+$0x850] =	vst v19;
	v19 =	vmul.f32 v46, v41  }
0xb6: {  	v53 =	vld [tilespmem:s21+$0x8D0];
	[tilespmem:s21+$0x860] =	vst v18;
	v18 =	vmul.f32 v47, v50  }
0xb7: {  	v54 =	vld [tilespmem:s21+$0x8E0];
	[tilespmem:s21+$0x870] =	vst v19;
	v19 =	vmul.f32 v48, v50  }
0xb8: {  	v55 =	vld [tilespmem:s21+$0x8F0];
	[tilespmem:s21+$0x880] =	vst v18;
	v18 =	vmul.f32 v49, v50  }
0xb9: {  	v56 =	vld [tilespmem:s21+$0x900];
	[tilespmem:s21+$0x890] =	vst v19;
	v19 =	vmul.f32 v51, v50  }
0xba: {  	v57 =	vld [tilespmem:s21+$0x910];
	[tilespmem:s21+$0x8A0] =	vst v18;
	v18 =	vmul.f32 v52, v50  }
0xbb: {  	v58 =	vld [tilespmem:s21+$0x920];
	[tilespmem:s21+$0x8B0] =	vst v19;
	v19 =	vmul.f32 v53, v50  }
0xbc: {  	v17 =	vperm.xlane v17, v16;
	v59 =	vld [tilespmem:s21+$0x930];
	[tilespmem:s21+$0x8C0] =	vst v18;
	v18 =	vmul.f32 v54, v50  }
0xbd: {  	v60 =	vld [tilespmem:s21+$0x940];
	[tilespmem:s21+$0x8D0] =	vst v19;
	v19 =	vmul.f32 v55, v50  }
0xbe: {  	v61 =	vld [tilespmem:s21+$0x950];
	[tilespmem:s21+$0x8E0] =	vst v18;
	v18 =	vmul.f32 v56, v17  }
0xbf: {  	v62 =	vld [tilespmem:s21+$0x960];
	[tilespmem:s21+$0x8F0] =	vst v19;
	v19 =	vmul.f32 v57, v17  }
0xc0: {  	v63 =	vld [tilespmem:s21+$0x970];
	[tilespmem:s21+$0x900] =	vst v18;
	v18 =	vmul.f32 v58, v17  }
0xc1: {  	[tilespmem:s21+$0x910] =	vst v19;
	v19 =	vmul.f32 v59, v17  }
0xc2: {  	p2 =	sne.s32 s20, $0x7;
	[tilespmem:s21+$0x920] =	vst v18;
	v18 =	vmul.f32 v60, v17  }
.Ltmp3:
0xc3: {  	[tilespmem:s21+$0x930] =	vst v19;
	v19 =	vmul.f32 v61, v17;
	(pc) =	sbr.rel @p2 .LBB2_7-.Ltmp3, $4  }
0xc4: {  	[tilespmem:s21+$0x940] =	vst v18;
	v18 =	vmul.f32 v62, v17  }
0xc5: {  	[tilespmem:s21+$0x950] =	vst v19;
	v17 =	vmul.f32 v63, v17  }
0xc6: {  	[tilespmem:s21+$0x960] =	vst v18  }
0xc7: {  	s20 =	sadd.s32 $0x1, s20;
	[tilespmem:s21+$0x970] =	vst v17  }
0xc8: {  	s19 =	sadd.s32 $0x1, s19  }
0xc9: {  	p2 =	sne.s32 s19, s6  }
.Ltmp4:
0xca: {  	_ = 	snop;
	(pc) =	sbr.rel @p2 .LBB2_6-.Ltmp4, $4  }
0xcb: {  	[spmem:s2] =	stream.indirect.scatter.add.f32 [tilespmem:s13], [sflag:$0x1], $0x80, s15, s15, $0xb8;
	[tilespmem:$0x17A00] =	vst v63  }
0xcc: {  	_ =	swait.ge [sflag:s16], $0x4000  }
0xcd: {  	[sflag:s16] =	ssyncset.done $0x0  }
0xce: {  	[sflag:s16] =	ssyncadd.s32 $0xFFFFC000  }
0xcf: {  	[bflag:$0x0] =	sbarrier.arrive $0xFFFF  }
0xd0: {  	[tilespmem:s13], [sflag:$0x2] =	stream.linear.gather [spmem:s8], $0x4000, $0x38;
	[tilespmem:$0x17A00] =	vst v63  }
0xd1: {  	_ =	swait.ge [sflag:s14], $0x4000  }
.Ltmp5:
0xd2: {  	[sflag:s14] =	ssyncset.done $0x0;
	(pc) =	sbr.rel @!p1 .LBB2_11-.Ltmp5, $4  }
0xd3: {  	[sflag:s14] =	ssyncadd.s32 $0xFFFFC000  }
0xd4: {  	[hbm4b:s12+s3] =	stream.linear.scatter [tilespmem:s13], [sflag:$0x2], $0x4000, $0x38;
	[tilespmem:$0x17A00] =	vst v63  }
0xd5: {  	s18 =	sadd.s32 $0xFFFFFFFF, s7;
	_ =	swait.ge [sflag:s14], $0x4000  }
0xd6: {  	s19 =	smov.u32 s8;
	s20 =	smov.u32 s12;
	[sflag:s14] =	ssyncset.done $0x0  }
.LBB2_10:
0xd7: {  	[sflag:s14] =	ssyncadd.s32 $0xFFFFC000;
	s19 =	sadd.s32 $0x40000, s19;
	s20 =	sadd.s32 $0x8000, s20  }
0xd8: {  	[tilespmem:s13], [sflag:$0x2] =	stream.linear.gather [spmem:s19], $0x4000, $0x38;
	[tilespmem:$0x17A00] =	vst v63  }
0xd9: {  	p1 =	sne.s32 s18, $0x1;
	s18 =	sadd.s32 $0xFFFFFFFF, s18;
	_ =	swait.ge [sflag:s14], $0x4000  }
.Ltmp6:
0xda: {  	[sflag:s14] =	ssyncset.done $0x0;
	(pc) =	sbr.rel @p1 .LBB2_10-.Ltmp6, $4  }
0xdb: {  	[sflag:s14] =	ssyncadd.s32 $0xFFFFC000  }
0xdc: {  	[hbm4b:s20+s3] =	stream.linear.scatter [tilespmem:s13], [sflag:$0x2], $0x4000, $0x38;
	[tilespmem:$0x17A00] =	vst v63  }
0xdd: {  	_ =	swait.ge [sflag:s14], $0x4000  }
0xde: {  	[sflag:s14] =	ssyncset.done $0x0  }
.LBB2_11:
0xdf: {  	[sflag:s14] =	ssyncadd.s32 $0xFFFFC000;
	s18 =	simm.s32 @!p0 $0x180;
	s19 =	simm.s32 @!p0 $0x2  }
0xe0: {  	[tilespmem:s18], [sflag:$0x2] =	stream.linear.gather @!p0 [spmem:s9], $0x800, $0x38;
	[tilespmem:$0x17A00] =	vst v63  }
0xe1: {  	s17 =	sadd.s32 $0x1, s17;
	_ =	swait.ge @!p0 [sflag:s19], $0x800  }
0xe2: {  	p1 =	sne.s32 s17, s11;
	[sflag:s19] =	ssyncset.done @!p0 $0x0  }
.Ltmp7:
0xe3: {  	s20 =	simm.s32 @!p0 $0x0;
	[sflag:s19] =	ssyncadd.s32 @!p0 $0xFFFFF800;
	(pc) =	sbr.rel @p1 .LBB2_1-.Ltmp7, $4  }
0xe4: {  	[hbm4b:s10+s20] =	stream.linear.scatter @!p0 [tilespmem:s18], [sflag:$0x2], $0x800, $0x38;
	[tilespmem:$0x17A00] =	vst v63  }
0xe5: {  	_ =	swait.ge @!p0 [sflag:s19], $0x800  }
0xe6: {  	[sflag:s19] =	ssyncset.done @!p0 $0x0  }
0xe7: {  	[sflag:s19] =	ssyncadd.s32 @!p0 $0xFFFFF800  }
0xe8: {  	_ =	sfence.sel $0x180000  }
0xe9: {  	[bflag:$0x0] =	sbarrier.arrive $0xFFFF  }
0xea: {  	_ =	strace $0x90000047  }
0xeb: {  	s0 =	sadd.s32 @!p0 $0x100000, s0;
	[bflag:$0x2] =	sbarrier.arrive $0xFFFF  }
0xec: {  	[sflag:s0] =	ssyncadd.tile.s32 @!p0 $0x1;
	_ =	shalt  }
.Lfunc_end2:
_tile_overlayer_lowered:
.L_overlay_start_2:
0xed: {  	(tag) =	ssettag $0x2  }
0xee: {  	s0 =	rddreg [dreg:$0x0];
	s2 =	stileid.u32  }
0xef: {  	s1 =	rddreg [dreg:$0x1];
	p0 =	sne.s32 s2, $0x0  }
0xf0: {  	s3 =	rddreg [dreg:$0x2];
	[bflag:$0x3] =	sbarrier.arrive $0xFFFF;
	s2 =	simm.s32 @!p0 $0x1C02  }
0xf1: {  	[timem:s3], [sflag:s2] =	dma.local @!p0 [hbm:s0], s1  }
0xf2: {  	s0 =	simm.s32 @!p0 $0x2  }
0xf3: {  	_ =	swait.ge @!p0 [sflag:s0], s1  }
0xf4: {  	s1 =	ssub.s32 @!p0 $0x0, s1;
	[sflag:s0] =	ssyncset.done @!p0 $0x0  }
0xf5: {  	[sflag:s0] =	ssyncadd.s32 @!p0 s1  }
0xf6: {  	[bflag:$0x3] =	sbarrier.arrive $0xFFFF  }
0xf7: {  	_ =	shalt  }

</sc_bundles>
